<compile_context>
chip_gen: v7x
topology: tpu7x:2x2x1
jax: 0.10.2.dev20260603
libtpu: 0.0.44.dev20260713+nightly
codegen_flags: <defaults>
</compile_context>

<pallas_src>
import functools

import jax
import jax.numpy as jnp
from jax import lax
from jax.experimental import pallas as pl
from jax.experimental.pallas import tpu as pltpu
from jax.experimental.pallas import tpu_sc as plsc

N = 10000
E = 320000
D_IN = 128
H = 64
OUT = 10
G = 64

CH = 128
NTILES = 32
EPT = E // NTILES
NC_T = 80
NBUF = 8
SPLIT = 76
N_PAD = 10240
ROWS_PER_TILE = N_PAD // 16


def _elu(v):
    return jnp.where(v > 0, v, jnp.exp(jnp.minimum(v, 0.0)) - 1.0)


def _sc_segsum(y, src2, dst2, zrows):
    mesh = plsc.VectorSubcoreMesh(core_axis_name="c", subcore_axis_name="s")

    @functools.partial(
        pl.kernel,
        out_type=jax.ShapeDtypeStruct((2, N_PAD, H), jnp.bfloat16),
        mesh=mesh,
        scratch_types=[
            pltpu.VMEM((NC_T, CH), jnp.int32),
            pltpu.VMEM((NC_T, CH), jnp.int32),
            pltpu.VMEM_SHARED((N_PAD, H), jnp.bfloat16),
            pltpu.VMEM_SHARED((N_PAD, H), jnp.bfloat16),
        ] + [pltpu.VMEM((CH, H), jnp.bfloat16) for _ in range(NBUF)]
        + [pltpu.SemaphoreType.DMA for _ in range(2 * NBUF)],
        compiler_params=pltpu.CompilerParams(use_tc_tiling_on_sc=False),
    )
    def k(y_hbm, src_hbm, dst_hbm, z_hbm, out_hbm, src_all, dst_all, acc_sh,
          ytab_sh, *rest):
        rows = rest[:NBUF]
        gsem = rest[NBUF:2 * NBUF]
        ssem = rest[2 * NBUF:]
        cid = lax.axis_index("c")
        sid = lax.axis_index("s")
        wid = sid * 2 + cid
        row0 = sid * ROWS_PER_TILE
        pltpu.async_copy(src_hbm.at[wid], src_all, gsem[0])
        pltpu.async_copy(dst_hbm.at[wid], dst_all, gsem[1])
        pltpu.async_copy(z_hbm, acc_sh.at[pl.ds(row0, ROWS_PER_TILE)],
                         gsem[2])
        pltpu.async_copy(y_hbm.at[pl.ds(row0, ROWS_PER_TILE)],
                         ytab_sh.at[pl.ds(row0, ROWS_PER_TILE)], gsem[3])
        pltpu.make_async_copy(src_hbm.at[wid], src_all, gsem[0]).wait()
        pltpu.make_async_copy(dst_hbm.at[wid], dst_all, gsem[1]).wait()
        pltpu.make_async_copy(z_hbm, acc_sh.at[pl.ds(row0, ROWS_PER_TILE)],
                              gsem[2]).wait()
        pltpu.make_async_copy(y_hbm.at[pl.ds(row0, ROWS_PER_TILE)],
                              ytab_sh.at[pl.ds(row0, ROWS_PER_TILE)],
                              gsem[3]).wait()
        plsc.subcore_barrier()

        @pl.loop(0, NC_T // NBUF)
        def _(k_):
            base = k_ * NBUF
            for b in range(NBUF):
                j = base + b

                @pl.when(k_ > 0)
                def _():
                    pltpu.make_async_copy(
                        rows[b], acc_sh.at[dst_all.at[j - NBUF]],
                        ssem[b]).wait()

                @pl.when(j < SPLIT)
                def _():
                    pltpu.async_copy(y_hbm.at[src_all.at[j]], rows[b],
                                     gsem[b])

                @pl.when(j >= SPLIT)
                def _():
                    pltpu.async_copy(ytab_sh.at[src_all.at[j]], rows[b],
                                     gsem[b])
            for b in range(NBUF):
                j = base + b
                pltpu.make_async_copy(
                    ytab_sh.at[src_all.at[j]], rows[b], gsem[b]).wait()
                pltpu.async_copy(rows[b], acc_sh.at[dst_all.at[j]], ssem[b],
                                 add=True)

        for b in range(NBUF):
            pltpu.make_async_copy(
                rows[b], acc_sh.at[dst_all.at[NC_T - NBUF + b]],
                ssem[b]).wait()
        plsc.subcore_barrier()
        pltpu.sync_copy(acc_sh.at[pl.ds(row0, ROWS_PER_TILE)],
                        out_hbm.at[cid, pl.ds(row0, ROWS_PER_TILE)])

    return k(y, src2, dst2, zrows)


def _tc(body, out_shape, *args):
    return pl.pallas_call(body, out_shape=out_shape)(*args)


def _f32(shape):
    return jax.ShapeDtypeStruct(shape, jnp.float32)


def _dual(shape):
    return [jax.ShapeDtypeStruct(shape, jnp.float32),
            jax.ShapeDtypeStruct((N_PAD, shape[1]), jnp.bfloat16)]


def _proj_body(x_ref, w_ref, o_ref, ob_ref):
    y = jnp.dot(x_ref[...], w_ref[...], preferred_element_type=jnp.float32)
    o_ref[...] = y
    ob_ref[:N] = y.astype(jnp.bfloat16)
    ob_ref[N:] = jnp.zeros((N_PAD - N, H), jnp.bfloat16)


def _pre_body(y_ref, p_ref, b1_ref, g_ref, bb_ref, w2_ref, b2_ref, o_ref,
              ob_ref):
    h = (y_ref[...] + p_ref[0, :N].astype(jnp.float32)
         + p_ref[1, :N].astype(jnp.float32) + b1_ref[...])
    mu = jnp.mean(h, axis=0, keepdims=True)
    var = jnp.mean((h - mu) * (h - mu), axis=0, keepdims=True)
    h = (h - mu) * lax.rsqrt(var + 1e-5) * g_ref[...] + bb_ref[...]
    h = _elu(h)
    h = jnp.dot(h, w2_ref[...], preferred_element_type=jnp.float32) + b2_ref[...]
    h = _elu(h)
    o_ref[...] = h
    ob_ref[:N] = h.astype(jnp.bfloat16)
    ob_ref[N:] = jnp.zeros((N_PAD - N, H), jnp.bfloat16)


def _mid_body(h_ref, p_ref, w1_ref, b1_ref, w2_ref, b2_ref, o_ref, ob_ref):
    h = (h_ref[...] + p_ref[0, :N].astype(jnp.float32)
         + p_ref[1, :N].astype(jnp.float32))
    h = _elu(jnp.dot(h, w1_ref[...], preferred_element_type=jnp.float32)
             + b1_ref[...])
    h = jnp.dot(h, w2_ref[...], preferred_element_type=jnp.float32) + b2_ref[...]
    h = _elu(h)
    o_ref[...] = h
    ob_ref[:N] = h.astype(jnp.bfloat16)
    ob_ref[N:] = jnp.zeros((N_PAD - N, H), jnp.bfloat16)


def _post_body(h_ref, p_ref, batch_ref, w1_ref, b1_ref, w2_ref, b2_ref,
               fw1_ref, fb1_ref, fw2_ref, fb2_ref, fw3_ref, fb3_ref, o_ref):
    h = (h_ref[...] + p_ref[0, :N].astype(jnp.float32)
         + p_ref[1, :N].astype(jnp.float32))
    h = _elu(jnp.dot(h, w1_ref[...], preferred_element_type=jnp.float32)
             + b1_ref[...])
    h = jnp.dot(h, w2_ref[...], preferred_element_type=jnp.float32) + b2_ref[...]
    h = _elu(h)
    gids = lax.broadcasted_iota(jnp.int32, (G, N), 0)
    mask = (gids == batch_ref[...]).astype(jnp.float32)
    sums = jnp.dot(mask, h, preferred_element_type=jnp.float32)
    cnt = jnp.sum(mask, axis=1, keepdims=True)
    pooled = sums / jnp.maximum(cnt, 1.0)
    z = _elu(jnp.dot(pooled, fw1_ref[...], preferred_element_type=jnp.float32)
             + fb1_ref[...])
    z = _elu(jnp.dot(z, fw2_ref[...], preferred_element_type=jnp.float32)
             + fb2_ref[...])
    o_ref[...] = jnp.dot(z, fw3_ref[...],
                         preferred_element_type=jnp.float32) + fb3_ref[...]


def kernel(x, edge_index, batch, pre_W1, pre_b1, bn_g, bn_b, pre_W2, pre_b2,
           mid_W1, mid_b1, mid_W2, mid_b2, post_W1, post_b1, post_W2, post_b2,
           f_W1, f_b1, f_W2, f_b2, f_W3, f_b3):
    pad = NC_T * CH - EPT
    src2 = jnp.pad(edge_index[0].reshape(NTILES, EPT),
                   ((0, 0), (0, pad))).reshape(NTILES, NC_T, CH)
    dst2 = jnp.pad(edge_index[1].reshape(NTILES, EPT),
                   ((0, 0), (0, pad)),
                   constant_values=N).reshape(NTILES, NC_T, CH)
    zrows = jnp.zeros((ROWS_PER_TILE, H), jnp.bfloat16)
    batch_row = batch.reshape(1, N)
    r1 = lambda v: v.reshape(1, -1)

    y, yb = _tc(_proj_body, _dual((N, H)), x, pre_W1)
    p = _sc_segsum(yb, src2, dst2, zrows)
    h1, h1b = _tc(_pre_body, _dual((N, H)), y, p, r1(pre_b1), r1(bn_g),
                  r1(bn_b), pre_W2, r1(pre_b2))
    q = _sc_segsum(h1b, src2, dst2, zrows)
    h2, h2b = _tc(_mid_body, _dual((N, H)), h1, q, mid_W1, r1(mid_b1),
                  mid_W2, r1(mid_b2))
    r = _sc_segsum(h2b, src2, dst2, zrows)
    out = _tc(_post_body, _f32((G, OUT)), h2, r, batch_row,
              post_W1, r1(post_b1), post_W2, r1(post_b2),
              f_W1, r1(f_b1), f_W2, r1(f_b2), f_W3, r1(f_b3))
    return out

# --- scband reference (transcript-rebuilt; emitter-appended) ---
"""Pipeline reference for scband-gin-dual-pool-net-46866683134691 (READ-ONLY COPY).

The authoritative reference and input builder live on the scoring server;
editing this copy changes nothing except your own understanding.
"""

import jax, jax.numpy as jnp
import numpy as np

N = 10000
E = 320000
D_IN = 128
H = 64
OUT = 10
G = 64

def setup_inputs(seed: int = 0):
    key = jax.random.key(seed)
    ks = jax.random.split(key, 24)
    def w(k, i, o):
        return jax.random.normal(k, (i, o), dtype=jnp.float32) / np.sqrt(i)
    inp = {}
    inp['x'] = jax.random.normal(ks[0], (N, D_IN), dtype=jnp.float32)
    inp['edge_index'] = jax.random.randint(ks[1], (2, E), 0, N, dtype=jnp.int32)
    inp['batch'] = jnp.sort(jax.random.randint(ks[2], (N,), 0, G, dtype=jnp.int32))
    inp['pre_W1'] = w(ks[3], D_IN, H); inp['pre_b1'] = jnp.zeros((H,), jnp.float32)
    inp['bn_g'] = jnp.ones((H,), jnp.float32); inp['bn_b'] = jnp.zeros((H,), jnp.float32)
    inp['pre_W2'] = w(ks[4], H, H); inp['pre_b2'] = jnp.zeros((H,), jnp.float32)
    inp['mid_W1'] = w(ks[5], H, H); inp['mid_b1'] = jnp.zeros((H,), jnp.float32)
    inp['mid_W2'] = w(ks[6], H, H); inp['mid_b2'] = jnp.zeros((H,), jnp.float32)
    inp['post_W1'] = w(ks[7], H, H); inp['post_b1'] = jnp.zeros((H,), jnp.float32)
    inp['post_W2'] = w(ks[8], H, H); inp['post_b2'] = jnp.zeros((H,), jnp.float32)
    inp['f_W1'] = w(ks[9], H, H); inp['f_b1'] = jnp.zeros((H,), jnp.float32)
    inp['f_W2'] = w(ks[10], H, H // 2); inp['f_b2'] = jnp.zeros((H // 2,), jnp.float32)
    inp['f_W3'] = w(ks[11], H // 2, OUT); inp['f_b3'] = jnp.zeros((OUT,), jnp.float32)
    return inp

def reference(x, edge_index, batch, pre_W1, pre_b1, bn_g, bn_b, pre_W2, pre_b2, mid_W1, mid_b1, mid_W2, mid_b2, post_W1, post_b1, post_W2, post_b2, f_W1, f_b1, f_W2, f_b2, f_W3, f_b3):
    src = edge_index[0]
    dst = edge_index[1]
    # pre GIN layer: nn((1+eps)*x + sum_agg), eps=0; MLP [D_IN,H,H] with batch_norm on hidden layer
    agg = jax.ops.segment_sum(x[src], dst, num_segments=N)
    h = x + agg
    h = h @ pre_W1 + pre_b1
    mu = jnp.mean(h, axis=0)
    var = jnp.var(h, axis=0)
    h = (h - mu) / jnp.sqrt(var + 1e-5) * bn_g + bn_b
    h = jax.nn.elu(h)
    h = h @ pre_W2 + pre_b2
    h = jax.nn.elu(h)
    # mid GIN layer (norm=None)
    agg = jax.ops.segment_sum(h[src], dst, num_segments=N)
    h = h + agg
    h = jax.nn.elu(h @ mid_W1 + mid_b1) @ mid_W2 + mid_b2
    h = jax.nn.elu(h)
    # post GIN layer (norm=None)
    agg = jax.ops.segment_sum(h[src], dst, num_segments=N)
    h = h + agg
    h = jax.nn.elu(h @ post_W1 + post_b1) @ post_W2 + post_b2
    h = jax.nn.elu(h)
    # global mean pool per graph
    sums = jax.ops.segment_sum(h, batch, num_segments=G)
    cnt = jax.ops.segment_sum(jnp.ones((N, 1), h.dtype), batch, num_segments=G)
    pooled = sums / jnp.maximum(cnt, 1.0)
    # readout MLP [H, H, H//2, OUT] (dropout skipped: eval mode)
    z = jax.nn.elu(pooled @ f_W1 + f_b1)
    z = jax.nn.elu(z @ f_W2 + f_b2)
    return z @ f_W3 + f_b3

if __name__ == "__main__":
    import jax
    _d = setup_inputs()
    print(jax.jit(kernel)(*tuple(_d.values())))

</pallas_src>

<mosaic_0001>
#map = affine_map<(d0, d1) -> (0, 0)>
#map1 = affine_map<(d0, d1) -> (0, 0, 0)>
module attributes {stable_mosaic.version = 14 : i64} {
  func.func @k(%arg0: i32, %arg1: i32, %arg2: memref<10240x64xbf16, #tpu.memory_space<hbm>>, %arg3: memref<32x80x128xi32, #tpu.memory_space<hbm>>, %arg4: memref<32x80x128xi32, #tpu.memory_space<hbm>>, %arg5: memref<640x64xbf16, #tpu.memory_space<hbm>>, %arg6: memref<2x10240x64xbf16, #tpu.memory_space<hbm>>, %arg7: memref<80x128xi32, #tpu.memory_space<vmem>>, %arg8: memref<80x128xi32, #tpu.memory_space<vmem>>, %arg9: memref<10240x64xbf16, #tpu.memory_space<vmem_shared>>, %arg10: memref<10240x64xbf16, #tpu.memory_space<vmem_shared>>, %arg11: memref<128x64xbf16, #tpu.memory_space<vmem>>, %arg12: memref<128x64xbf16, #tpu.memory_space<vmem>>, %arg13: memref<128x64xbf16, #tpu.memory_space<vmem>>, %arg14: memref<128x64xbf16, #tpu.memory_space<vmem>>, %arg15: memref<128x64xbf16, #tpu.memory_space<vmem>>, %arg16: memref<128x64xbf16, #tpu.memory_space<vmem>>, %arg17: memref<128x64xbf16, #tpu.memory_space<vmem>>, %arg18: memref<128x64xbf16, #tpu.memory_space<vmem>>, %arg19: memref<!tpu.dma_semaphore, #tpu.memory_space<semaphore_mem>>, %arg20: memref<!tpu.dma_semaphore, #tpu.memory_space<semaphore_mem>>, %arg21: memref<!tpu.dma_semaphore, #tpu.memory_space<semaphore_mem>>, %arg22: memref<!tpu.dma_semaphore, #tpu.memory_space<semaphore_mem>>, %arg23: memref<!tpu.dma_semaphore, #tpu.memory_space<semaphore_mem>>, %arg24: memref<!tpu.dma_semaphore, #tpu.memory_space<semaphore_mem>>, %arg25: memref<!tpu.dma_semaphore, #tpu.memory_space<semaphore_mem>>, %arg26: memref<!tpu.dma_semaphore, #tpu.memory_space<semaphore_mem>>, %arg27: memref<!tpu.dma_semaphore, #tpu.memory_space<semaphore_mem>>, %arg28: memref<!tpu.dma_semaphore, #tpu.memory_space<semaphore_mem>>, %arg29: memref<!tpu.dma_semaphore, #tpu.memory_space<semaphore_mem>>, %arg30: memref<!tpu.dma_semaphore, #tpu.memory_space<semaphore_mem>>, %arg31: memref<!tpu.dma_semaphore, #tpu.memory_space<semaphore_mem>>, %arg32: memref<!tpu.dma_semaphore, #tpu.memory_space<semaphore_mem>>, %arg33: memref<!tpu.dma_semaphore, #tpu.memory_space<semaphore_mem>>, %arg34: memref<!tpu.dma_semaphore, #tpu.memory_space<semaphore_mem>>) attributes {dimension_semantics = [#tpu.dimension_semantics<core_parallel>, #tpu.dimension_semantics<subcore_parallel>], iteration_bounds = array<i64: 2, 16>, scalar_prefetch = 0 : i64, scratch_operands = 28 : i64, tpu.core_type = #tpu.core_type<sc_vector_subcore>, window_params = [{transform_indices = #map}, {transform_indices = #map1}, {transform_indices = #map1}, {transform_indices = #map}, {transform_indices = #map1}]} {
    %mul3A = arith.constant 2 : i32
    %mul3A_0 = arith.muli %arg1, %mul3A : i32
    %add3A = arith.addi %mul3A_0, %arg0 : i32
    %mul3A_1 = arith.constant 640 : i32
    %mul3A_2 = arith.muli %arg1, %mul3A_1 : i32
    %dma_start3A = arith.constant 0 : i32
    %dma_start3A_3 = arith.constant 0 : i32
    %dma_start3A_4 = tpu.memref_slice %arg3[%add3A, %dma_start3A, %dma_start3A_3] : memref<32x80x128xi32, #tpu.memory_space<hbm>> -> memref<1x80x128xi32, #tpu.memory_space<hbm>>
    %dma_start3A_5 = tpu.memref_squeeze %dma_start3A_4 : memref<1x80x128xi32, #tpu.memory_space<hbm>> -> memref<80x128xi32, #tpu.memory_space<hbm>>
    %dma_start3A_6 = arith.constant 0 : i32
    %dma_start3A_7 = arith.constant 0 : i32
    %dma_start3A_8 = tpu.memref_slice %arg3[%add3A, %dma_start3A_6, %dma_start3A_7] : memref<32x80x128xi32, #tpu.memory_space<hbm>> -> memref<1x80x128xi32, #tpu.memory_space<hbm>>
    %dma_start3A_9 = tpu.memref_squeeze %dma_start3A_8 : memref<1x80x128xi32, #tpu.memory_space<hbm>> -> memref<80x128xi32, #tpu.memory_space<hbm>>
    tpu.enqueue_dma source(%dma_start3A_9 : memref<80x128xi32, #tpu.memory_space<hbm>>) target(%arg7 : memref<80x128xi32, #tpu.memory_space<vmem>>) target_semaphore(%arg19 : memref<!tpu.dma_semaphore, #tpu.memory_space<semaphore_mem>>)
    %dma_start3A_10 = arith.constant 0 : i32
    %dma_start3A_11 = arith.constant 0 : i32
    %dma_start3A_12 = tpu.memref_slice %arg4[%add3A, %dma_start3A_10, %dma_start3A_11] : memref<32x80x128xi32, #tpu.memory_space<hbm>> -> memref<1x80x128xi32, #tpu.memory_space<hbm>>
    %dma_start3A_13 = tpu.memref_squeeze %dma_start3A_12 : memref<1x80x128xi32, #tpu.memory_space<hbm>> -> memref<80x128xi32, #tpu.memory_space<hbm>>
    %dma_start3A_14 = arith.constant 0 : i32
    %dma_start3A_15 = arith.constant 0 : i32
    %dma_start3A_16 = tpu.memref_slice %arg4[%add3A, %dma_start3A_14, %dma_start3A_15] : memref<32x80x128xi32, #tpu.memory_space<hbm>> -> memref<1x80x128xi32, #tpu.memory_space<hbm>>
    %dma_start3A_17 = tpu.memref_squeeze %dma_start3A_16 : memref<1x80x128xi32, #tpu.memory_space<hbm>> -> memref<80x128xi32, #tpu.memory_space<hbm>>
    tpu.enqueue_dma source(%dma_start3A_17 : memref<80x128xi32, #tpu.memory_space<hbm>>) target(%arg8 : memref<80x128xi32, #tpu.memory_space<vmem>>) target_semaphore(%arg20 : memref<!tpu.dma_semaphore, #tpu.memory_space<semaphore_mem>>)
    %dma_start3A_18 = arith.constant 0 : i32
    %dma_start3A_19 = tpu.memref_slice %arg9[%mul3A_2, %dma_start3A_18] : memref<10240x64xbf16, #tpu.memory_space<vmem_shared>> -> memref<640x64xbf16, #tpu.memory_space<vmem_shared>>
    tpu.enqueue_dma source(%arg5 : memref<640x64xbf16, #tpu.memory_space<hbm>>) target(%dma_start3A_19 : memref<640x64xbf16, #tpu.memory_space<vmem_shared>>) target_semaphore(%arg21 : memref<!tpu.dma_semaphore, #tpu.memory_space<semaphore_mem>>)
    %dma_start3A_20 = arith.constant 0 : i32
    %dma_start3A_21 = tpu.memref_slice %arg10[%mul3A_2, %dma_start3A_20] : memref<10240x64xbf16, #tpu.memory_space<vmem_shared>> -> memref<640x64xbf16, #tpu.memory_space<vmem_shared>>
    %dma_start3A_22 = arith.constant 0 : i32
    %dma_start3A_23 = tpu.memref_slice %arg2[%mul3A_2, %dma_start3A_22] : memref<10240x64xbf16, #tpu.memory_space<hbm>> -> memref<640x64xbf16, #tpu.memory_space<hbm>>
    tpu.enqueue_dma source(%dma_start3A_23 : memref<640x64xbf16, #tpu.memory_space<hbm>>) target(%dma_start3A_21 : memref<640x64xbf16, #tpu.memory_space<vmem_shared>>) target_semaphore(%arg22 : memref<!tpu.dma_semaphore, #tpu.memory_space<semaphore_mem>>)
    %dma_wait3A = arith.constant 0 : i32
    %dma_wait3A_24 = arith.constant 0 : i32
    %dma_wait3A_25 = tpu.memref_slice %arg3[%add3A, %dma_wait3A, %dma_wait3A_24] : memref<32x80x128xi32, #tpu.memory_space<hbm>> -> memref<1x80x128xi32, #tpu.memory_space<hbm>>
    %dma_wait3A_26 = tpu.memref_squeeze %dma_wait3A_25 : memref<1x80x128xi32, #tpu.memory_space<hbm>> -> memref<80x128xi32, #tpu.memory_space<hbm>>
    %dma_wait3A_27 = arith.constant 0 : i32
    %dma_wait3A_28 = arith.constant 0 : i32
    %dma_wait3A_29 = tpu.memref_slice %arg3[%add3A, %dma_wait3A_27, %dma_wait3A_28] : memref<32x80x128xi32, #tpu.memory_space<hbm>> -> memref<1x80x128xi32, #tpu.memory_space<hbm>>
    %dma_wait3A_30 = tpu.memref_squeeze %dma_wait3A_29 : memref<1x80x128xi32, #tpu.memory_space<hbm>> -> memref<80x128xi32, #tpu.memory_space<hbm>>
    tpu.wait_dma2 semaphore(%arg19 : memref<!tpu.dma_semaphore, #tpu.memory_space<semaphore_mem>>) src(%dma_wait3A_30 : memref<80x128xi32, #tpu.memory_space<hbm>>) dst(%arg7 : memref<80x128xi32, #tpu.memory_space<vmem>>)
    %dma_wait3A_31 = arith.constant 0 : i32
    %dma_wait3A_32 = arith.constant 0 : i32
    %dma_wait3A_33 = tpu.memref_slice %arg4[%add3A, %dma_wait3A_31, %dma_wait3A_32] : memref<32x80x128xi32, #tpu.memory_space<hbm>> -> memref<1x80x128xi32, #tpu.memory_space<hbm>>
    %dma_wait3A_34 = tpu.memref_squeeze %dma_wait3A_33 : memref<1x80x128xi32, #tpu.memory_space<hbm>> -> memref<80x128xi32, #tpu.memory_space<hbm>>
    %dma_wait3A_35 = arith.constant 0 : i32
    %dma_wait3A_36 = arith.constant 0 : i32
    %dma_wait3A_37 = tpu.memref_slice %arg4[%add3A, %dma_wait3A_35, %dma_wait3A_36] : memref<32x80x128xi32, #tpu.memory_space<hbm>> -> memref<1x80x128xi32, #tpu.memory_space<hbm>>
    %dma_wait3A_38 = tpu.memref_squeeze %dma_wait3A_37 : memref<1x80x128xi32, #tpu.memory_space<hbm>> -> memref<80x128xi32, #tpu.memory_space<hbm>>
    tpu.wait_dma2 semaphore(%arg20 : memref<!tpu.dma_semaphore, #tpu.memory_space<semaphore_mem>>) src(%dma_wait3A_38 : memref<80x128xi32, #tpu.memory_space<hbm>>) dst(%arg8 : memref<80x128xi32, #tpu.memory_space<vmem>>)
    %dma_wait3A_39 = arith.constant 0 : i32
    %dma_wait3A_40 = tpu.memref_slice %arg9[%mul3A_2, %dma_wait3A_39] : memref<10240x64xbf16, #tpu.memory_space<vmem_shared>> -> memref<640x64xbf16, #tpu.memory_space<vmem_shared>>
    tpu.wait_dma2 semaphore(%arg21 : memref<!tpu.dma_semaphore, #tpu.memory_space<semaphore_mem>>) src(%arg5 : memref<640x64xbf16, #tpu.memory_space<hbm>>) dst(%dma_wait3A_40 : memref<640x64xbf16, #tpu.memory_space<vmem_shared>>)
    %dma_wait3A_41 = arith.constant 0 : i32
    %dma_wait3A_42 = tpu.memref_slice %arg10[%mul3A_2, %dma_wait3A_41] : memref<10240x64xbf16, #tpu.memory_space<vmem_shared>> -> memref<640x64xbf16, #tpu.memory_space<vmem_shared>>
    %dma_wait3A_43 = arith.constant 0 : i32
    %dma_wait3A_44 = tpu.memref_slice %arg2[%mul3A_2, %dma_wait3A_43] : memref<10240x64xbf16, #tpu.memory_space<hbm>> -> memref<640x64xbf16, #tpu.memory_space<hbm>>
    tpu.wait_dma2 semaphore(%arg22 : memref<!tpu.dma_semaphore, #tpu.memory_space<semaphore_mem>>) src(%dma_wait3A_44 : memref<640x64xbf16, #tpu.memory_space<hbm>>) dst(%dma_wait3A_42 : memref<640x64xbf16, #tpu.memory_space<vmem_shared>>)
    %barrier3A = arith.constant 0 : index
    tpu.barrier barrier_id(%barrier3A)
    %scan3A = arith.constant 0 : i32
    %scan3A_45 = arith.constant 10 : i32
    %scan3A_46 = arith.addi %scan3A, %scan3A_45 : i32
    %scan3A_47 = arith.constant 1 : i32
    scf.for %scan3A_106 = %scan3A to %scan3A_46 step %scan3A_47  : i32 {
      %mul3A_107 = arith.constant 1 : i32
      %mul3A_108 = arith.muli %scan3A_106, %mul3A_107 : i32
      %add3A_109 = arith.constant 0 : i32
      %add3A_110 = arith.addi %add3A_109, %mul3A_108 : i32
      %mul3A_111 = arith.constant 8 : i32
      %mul3A_112 = arith.muli %add3A_110, %mul3A_111 : i32
      %add3A_113 = arith.constant 0 : i32
      %add3A_114 = arith.addi %mul3A_112, %add3A_113 : i32
      %gt3A = arith.constant 0 : i32
      %gt3A_115 = arith.cmpi sgt, %add3A_110, %gt3A : i32
      %convert_element_type3A = arith.extui %gt3A_115 : i1 to i32
      %cond3A = arith.constant 0 : i32
      %cond3A_116 = arith.cmpi ne, %convert_element_type3A, %cond3A : i32
      scf.if %cond3A_116 {
        %sub3A = arith.constant 8 : i32
        %sub3A_356 = arith.subi %add3A_114, %sub3A : i32
        %dma_wait3A_357 = arith.constant 0 : i32
        %dma_wait3A_358 = tpu.memref_slice %arg8[%sub3A_356, %dma_wait3A_357] : memref<80x128xi32, #tpu.memory_space<vmem>> -> memref<1x128xi32, #tpu.memory_space<vmem>>
        %dma_wait3A_359 = tpu.memref_squeeze %dma_wait3A_358 : memref<1x128xi32, #tpu.memory_space<vmem>> -> memref<128xi32, #tpu.memory_space<vmem>>
        %dma_wait3A_360 = arith.constant 0 : i32
        %dma_wait3A_361 = arith.constant 0 : i32
        %dma_wait3A_362 = tpu.memref_slice %arg9[%dma_wait3A_360, %dma_wait3A_361] : memref<10240x64xbf16, #tpu.memory_space<vmem_shared>> -> memref<10240x64xbf16, #tpu.memory_space<vmem_shared>>
        tpu.wait_indirect_dma semaphore(%arg27 : memref<!tpu.dma_semaphore, #tpu.memory_space<semaphore_mem>>) src(%arg11 : memref<128x64xbf16, #tpu.memory_space<vmem>>) dst(%dma_wait3A_362 : memref<10240x64xbf16, #tpu.memory_space<vmem_shared>>)
      } else {
      }
      %lt3A = arith.constant 76 : i32
      %lt3A_117 = arith.cmpi slt, %add3A_114, %lt3A : i32
      %convert_element_type3A_118 = arith.extui %lt3A_117 : i1 to i32
      %cond3A_119 = arith.constant 0 : i32
      %cond3A_120 = arith.cmpi ne, %convert_element_type3A_118, %cond3A_119 : i32
      scf.if %cond3A_120 {
        %dma_start3A_356 = arith.constant 0 : i32
        %dma_start3A_357 = tpu.memref_slice %arg7[%add3A_114, %dma_start3A_356] : memref<80x128xi32, #tpu.memory_space<vmem>> -> memref<1x128xi32, #tpu.memory_space<vmem>>
        %dma_start3A_358 = tpu.memref_squeeze %dma_start3A_357 : memref<1x128xi32, #tpu.memory_space<vmem>> -> memref<128xi32, #tpu.memory_space<vmem>>
        %dma_start3A_359 = arith.constant 0 : i32
        %dma_start3A_360 = arith.constant 0 : i32
        %dma_start3A_361 = tpu.memref_slice %arg2[%dma_start3A_359, %dma_start3A_360] : memref<10240x64xbf16, #tpu.memory_space<hbm>> -> memref<10240x64xbf16, #tpu.memory_space<hbm>>
        tpu.enqueue_indirect_dma source(%dma_start3A_361 : memref<10240x64xbf16, #tpu.memory_space<hbm>>) target(%arg11 : memref<128x64xbf16, #tpu.memory_space<vmem>>) offsets(%dma_start3A_358 : memref<128xi32, #tpu.memory_space<vmem>>) semaphore(%arg19 : memref<!tpu.dma_semaphore, #tpu.memory_space<semaphore_mem>>)
      } else {
      }
      %ge3A = arith.constant 76 : i32
      %ge3A_121 = arith.cmpi sge, %add3A_114, %ge3A : i32
      %convert_element_type3A_122 = arith.extui %ge3A_121 : i1 to i32
      %cond3A_123 = arith.constant 0 : i32
      %cond3A_124 = arith.cmpi ne, %convert_element_type3A_122, %cond3A_123 : i32
      scf.if %cond3A_124 {
        %dma_start3A_356 = arith.constant 0 : i32
        %dma_start3A_357 = tpu.memref_slice %arg7[%add3A_114, %dma_start3A_356] : memref<80x128xi32, #tpu.memory_space<vmem>> -> memref<1x128xi32, #tpu.memory_space<vmem>>
        %dma_start3A_358 = tpu.memref_squeeze %dma_start3A_357 : memref<1x128xi32, #tpu.memory_space<vmem>> -> memref<128xi32, #tpu.memory_space<vmem>>
        %dma_start3A_359 = arith.constant 0 : i32
        %dma_start3A_360 = arith.constant 0 : i32
        %dma_start3A_361 = tpu.memref_slice %arg10[%dma_start3A_359, %dma_start3A_360] : memref<10240x64xbf16, #tpu.memory_space<vmem_shared>> -> memref<10240x64xbf16, #tpu.memory_space<vmem_shared>>
        tpu.enqueue_indirect_dma source(%dma_start3A_361 : memref<10240x64xbf16, #tpu.memory_space<vmem_shared>>) target(%arg11 : memref<128x64xbf16, #tpu.memory_space<vmem>>) offsets(%dma_start3A_358 : memref<128xi32, #tpu.memory_space<vmem>>) semaphore(%arg19 : memref<!tpu.dma_semaphore, #tpu.memory_space<semaphore_mem>>)
      } else {
      }
      %add3A_125 = arith.constant 1 : i32
      %add3A_126 = arith.addi %mul3A_112, %add3A_125 : i32
      %gt3A_127 = arith.constant 0 : i32
      %gt3A_128 = arith.cmpi sgt, %add3A_110, %gt3A_127 : i32
      %convert_element_type3A_129 = arith.extui %gt3A_128 : i1 to i32
      %cond3A_130 = arith.constant 0 : i32
      %cond3A_131 = arith.cmpi ne, %convert_element_type3A_129, %cond3A_130 : i32
      scf.if %cond3A_131 {
        %sub3A = arith.constant 8 : i32
        %sub3A_356 = arith.subi %add3A_126, %sub3A : i32
        %dma_wait3A_357 = arith.constant 0 : i32
        %dma_wait3A_358 = tpu.memref_slice %arg8[%sub3A_356, %dma_wait3A_357] : memref<80x128xi32, #tpu.memory_space<vmem>> -> memref<1x128xi32, #tpu.memory_space<vmem>>
        %dma_wait3A_359 = tpu.memref_squeeze %dma_wait3A_358 : memref<1x128xi32, #tpu.memory_space<vmem>> -> memref<128xi32, #tpu.memory_space<vmem>>
        %dma_wait3A_360 = arith.constant 0 : i32
        %dma_wait3A_361 = arith.constant 0 : i32
        %dma_wait3A_362 = tpu.memref_slice %arg9[%dma_wait3A_360, %dma_wait3A_361] : memref<10240x64xbf16, #tpu.memory_space<vmem_shared>> -> memref<10240x64xbf16, #tpu.memory_space<vmem_shared>>
        tpu.wait_indirect_dma semaphore(%arg28 : memref<!tpu.dma_semaphore, #tpu.memory_space<semaphore_mem>>) src(%arg12 : memref<128x64xbf16, #tpu.memory_space<vmem>>) dst(%dma_wait3A_362 : memref<10240x64xbf16, #tpu.memory_space<vmem_shared>>)
      } else {
      }
      %lt3A_132 = arith.constant 76 : i32
      %lt3A_133 = arith.cmpi slt, %add3A_126, %lt3A_132 : i32
      %convert_element_type3A_134 = arith.extui %lt3A_133 : i1 to i32
      %cond3A_135 = arith.constant 0 : i32
      %cond3A_136 = arith.cmpi ne, %convert_element_type3A_134, %cond3A_135 : i32
      scf.if %cond3A_136 {
        %dma_start3A_356 = arith.constant 0 : i32
        %dma_start3A_357 = tpu.memref_slice %arg7[%add3A_126, %dma_start3A_356] : memref<80x128xi32, #tpu.memory_space<vmem>> -> memref<1x128xi32, #tpu.memory_space<vmem>>
        %dma_start3A_358 = tpu.memref_squeeze %dma_start3A_357 : memref<1x128xi32, #tpu.memory_space<vmem>> -> memref<128xi32, #tpu.memory_space<vmem>>
        %dma_start3A_359 = arith.constant 0 : i32
        %dma_start3A_360 = arith.constant 0 : i32
        %dma_start3A_361 = tpu.memref_slice %arg2[%dma_start3A_359, %dma_start3A_360] : memref<10240x64xbf16, #tpu.memory_space<hbm>> -> memref<10240x64xbf16, #tpu.memory_space<hbm>>
        tpu.enqueue_indirect_dma source(%dma_start3A_361 : memref<10240x64xbf16, #tpu.memory_space<hbm>>) target(%arg12 : memref<128x64xbf16, #tpu.memory_space<vmem>>) offsets(%dma_start3A_358 : memref<128xi32, #tpu.memory_space<vmem>>) semaphore(%arg20 : memref<!tpu.dma_semaphore, #tpu.memory_space<semaphore_mem>>)
      } else {
      }
      %ge3A_137 = arith.constant 76 : i32
      %ge3A_138 = arith.cmpi sge, %add3A_126, %ge3A_137 : i32
      %convert_element_type3A_139 = arith.extui %ge3A_138 : i1 to i32
      %cond3A_140 = arith.constant 0 : i32
      %cond3A_141 = arith.cmpi ne, %convert_element_type3A_139, %cond3A_140 : i32
      scf.if %cond3A_141 {
        %dma_start3A_356 = arith.constant 0 : i32
        %dma_start3A_357 = tpu.memref_slice %arg7[%add3A_126, %dma_start3A_356] : memref<80x128xi32, #tpu.memory_space<vmem>> -> memref<1x128xi32, #tpu.memory_space<vmem>>
        %dma_start3A_358 = tpu.memref_squeeze %dma_start3A_357 : memref<1x128xi32, #tpu.memory_space<vmem>> -> memref<128xi32, #tpu.memory_space<vmem>>
        %dma_start3A_359 = arith.constant 0 : i32
        %dma_start3A_360 = arith.constant 0 : i32
        %dma_start3A_361 = tpu.memref_slice %arg10[%dma_start3A_359, %dma_start3A_360] : memref<10240x64xbf16, #tpu.memory_space<vmem_shared>> -> memref<10240x64xbf16, #tpu.memory_space<vmem_shared>>
        tpu.enqueue_indirect_dma source(%dma_start3A_361 : memref<10240x64xbf16, #tpu.memory_space<vmem_shared>>) target(%arg12 : memref<128x64xbf16, #tpu.memory_space<vmem>>) offsets(%dma_start3A_358 : memref<128xi32, #tpu.memory_space<vmem>>) semaphore(%arg20 : memref<!tpu.dma_semaphore, #tpu.memory_space<semaphore_mem>>)
      } else {
      }
      %add3A_142 = arith.constant 2 : i32
      %add3A_143 = arith.addi %mul3A_112, %add3A_142 : i32
      %gt3A_144 = arith.constant 0 : i32
      %gt3A_145 = arith.cmpi sgt, %add3A_110, %gt3A_144 : i32
      %convert_element_type3A_146 = arith.extui %gt3A_145 : i1 to i32
      %cond3A_147 = arith.constant 0 : i32
      %cond3A_148 = arith.cmpi ne, %convert_element_type3A_146, %cond3A_147 : i32
      scf.if %cond3A_148 {
        %sub3A = arith.constant 8 : i32
        %sub3A_356 = arith.subi %add3A_143, %sub3A : i32
        %dma_wait3A_357 = arith.constant 0 : i32
        %dma_wait3A_358 = tpu.memref_slice %arg8[%sub3A_356, %dma_wait3A_357] : memref<80x128xi32, #tpu.memory_space<vmem>> -> memref<1x128xi32, #tpu.memory_space<vmem>>
        %dma_wait3A_359 = tpu.memref_squeeze %dma_wait3A_358 : memref<1x128xi32, #tpu.memory_space<vmem>> -> memref<128xi32, #tpu.memory_space<vmem>>
        %dma_wait3A_360 = arith.constant 0 : i32
        %dma_wait3A_361 = arith.constant 0 : i32
        %dma_wait3A_362 = tpu.memref_slice %arg9[%dma_wait3A_360, %dma_wait3A_361] : memref<10240x64xbf16, #tpu.memory_space<vmem_shared>> -> memref<10240x64xbf16, #tpu.memory_space<vmem_shared>>
        tpu.wait_indirect_dma semaphore(%arg29 : memref<!tpu.dma_semaphore, #tpu.memory_space<semaphore_mem>>) src(%arg13 : memref<128x64xbf16, #tpu.memory_space<vmem>>) dst(%dma_wait3A_362 : memref<10240x64xbf16, #tpu.memory_space<vmem_shared>>)
      } else {
      }
      %lt3A_149 = arith.constant 76 : i32
      %lt3A_150 = arith.cmpi slt, %add3A_143, %lt3A_149 : i32
      %convert_element_type3A_151 = arith.extui %lt3A_150 : i1 to i32
      %cond3A_152 = arith.constant 0 : i32
      %cond3A_153 = arith.cmpi ne, %convert_element_type3A_151, %cond3A_152 : i32
      scf.if %cond3A_153 {
        %dma_start3A_356 = arith.constant 0 : i32
        %dma_start3A_357 = tpu.memref_slice %arg7[%add3A_143, %dma_start3A_356] : memref<80x128xi32, #tpu.memory_space<vmem>> -> memref<1x128xi32, #tpu.memory_space<vmem>>
        %dma_start3A_358 = tpu.memref_squeeze %dma_start3A_357 : memref<1x128xi32, #tpu.memory_space<vmem>> -> memref<128xi32, #tpu.memory_space<vmem>>
        %dma_start3A_359 = arith.constant 0 : i32
        %dma_start3A_360 = arith.constant 0 : i32
        %dma_start3A_361 = tpu.memref_slice %arg2[%dma_start3A_359, %dma_start3A_360] : memref<10240x64xbf16, #tpu.memory_space<hbm>> -> memref<10240x64xbf16, #tpu.memory_space<hbm>>
        tpu.enqueue_indirect_dma source(%dma_start3A_361 : memref<10240x64xbf16, #tpu.memory_space<hbm>>) target(%arg13 : memref<128x64xbf16, #tpu.memory_space<vmem>>) offsets(%dma_start3A_358 : memref<128xi32, #tpu.memory_space<vmem>>) semaphore(%arg21 : memref<!tpu.dma_semaphore, #tpu.memory_space<semaphore_mem>>)
      } else {
      }
      %ge3A_154 = arith.constant 76 : i32
      %ge3A_155 = arith.cmpi sge, %add3A_143, %ge3A_154 : i32
      %convert_element_type3A_156 = arith.extui %ge3A_155 : i1 to i32
      %cond3A_157 = arith.constant 0 : i32
      %cond3A_158 = arith.cmpi ne, %convert_element_type3A_156, %cond3A_157 : i32
      scf.if %cond3A_158 {
        %dma_start3A_356 = arith.constant 0 : i32
        %dma_start3A_357 = tpu.memref_slice %arg7[%add3A_143, %dma_start3A_356] : memref<80x128xi32, #tpu.memory_space<vmem>> -> memref<1x128xi32, #tpu.memory_space<vmem>>
        %dma_start3A_358 = tpu.memref_squeeze %dma_start3A_357 : memref<1x128xi32, #tpu.memory_space<vmem>> -> memref<128xi32, #tpu.memory_space<vmem>>
        %dma_start3A_359 = arith.constant 0 : i32
        %dma_start3A_360 = arith.constant 0 : i32
        %dma_start3A_361 = tpu.memref_slice %arg10[%dma_start3A_359, %dma_start3A_360] : memref<10240x64xbf16, #tpu.memory_space<vmem_shared>> -> memref<10240x64xbf16, #tpu.memory_space<vmem_shared>>
        tpu.enqueue_indirect_dma source(%dma_start3A_361 : memref<10240x64xbf16, #tpu.memory_space<vmem_shared>>) target(%arg13 : memref<128x64xbf16, #tpu.memory_space<vmem>>) offsets(%dma_start3A_358 : memref<128xi32, #tpu.memory_space<vmem>>) semaphore(%arg21 : memref<!tpu.dma_semaphore, #tpu.memory_space<semaphore_mem>>)
      } else {
      }
      %add3A_159 = arith.constant 3 : i32
      %add3A_160 = arith.addi %mul3A_112, %add3A_159 : i32
      %gt3A_161 = arith.constant 0 : i32
      %gt3A_162 = arith.cmpi sgt, %add3A_110, %gt3A_161 : i32
      %convert_element_type3A_163 = arith.extui %gt3A_162 : i1 to i32
      %cond3A_164 = arith.constant 0 : i32
      %cond3A_165 = arith.cmpi ne, %convert_element_type3A_163, %cond3A_164 : i32
      scf.if %cond3A_165 {
        %sub3A = arith.constant 8 : i32
        %sub3A_356 = arith.subi %add3A_160, %sub3A : i32
        %dma_wait3A_357 = arith.constant 0 : i32
        %dma_wait3A_358 = tpu.memref_slice %arg8[%sub3A_356, %dma_wait3A_357] : memref<80x128xi32, #tpu.memory_space<vmem>> -> memref<1x128xi32, #tpu.memory_space<vmem>>
        %dma_wait3A_359 = tpu.memref_squeeze %dma_wait3A_358 : memref<1x128xi32, #tpu.memory_space<vmem>> -> memref<128xi32, #tpu.memory_space<vmem>>
        %dma_wait3A_360 = arith.constant 0 : i32
        %dma_wait3A_361 = arith.constant 0 : i32
        %dma_wait3A_362 = tpu.memref_slice %arg9[%dma_wait3A_360, %dma_wait3A_361] : memref<10240x64xbf16, #tpu.memory_space<vmem_shared>> -> memref<10240x64xbf16, #tpu.memory_space<vmem_shared>>
        tpu.wait_indirect_dma semaphore(%arg30 : memref<!tpu.dma_semaphore, #tpu.memory_space<semaphore_mem>>) src(%arg14 : memref<128x64xbf16, #tpu.memory_space<vmem>>) dst(%dma_wait3A_362 : memref<10240x64xbf16, #tpu.memory_space<vmem_shared>>)
      } else {
      }
      %lt3A_166 = arith.constant 76 : i32
      %lt3A_167 = arith.cmpi slt, %add3A_160, %lt3A_166 : i32
      %convert_element_type3A_168 = arith.extui %lt3A_167 : i1 to i32
      %cond3A_169 = arith.constant 0 : i32
      %cond3A_170 = arith.cmpi ne, %convert_element_type3A_168, %cond3A_169 : i32
      scf.if %cond3A_170 {
        %dma_start3A_356 = arith.constant 0 : i32
        %dma_start3A_357 = tpu.memref_slice %arg7[%add3A_160, %dma_start3A_356] : memref<80x128xi32, #tpu.memory_space<vmem>> -> memref<1x128xi32, #tpu.memory_space<vmem>>
        %dma_start3A_358 = tpu.memref_squeeze %dma_start3A_357 : memref<1x128xi32, #tpu.memory_space<vmem>> -> memref<128xi32, #tpu.memory_space<vmem>>
        %dma_start3A_359 = arith.constant 0 : i32
        %dma_start3A_360 = arith.constant 0 : i32
        %dma_start3A_361 = tpu.memref_slice %arg2[%dma_start3A_359, %dma_start3A_360] : memref<10240x64xbf16, #tpu.memory_space<hbm>> -> memref<10240x64xbf16, #tpu.memory_space<hbm>>
        tpu.enqueue_indirect_dma source(%dma_start3A_361 : memref<10240x64xbf16, #tpu.memory_space<hbm>>) target(%arg14 : memref<128x64xbf16, #tpu.memory_space<vmem>>) offsets(%dma_start3A_358 : memref<128xi32, #tpu.memory_space<vmem>>) semaphore(%arg22 : memref<!tpu.dma_semaphore, #tpu.memory_space<semaphore_mem>>)
      } else {
      }
      %ge3A_171 = arith.constant 76 : i32
      %ge3A_172 = arith.cmpi sge, %add3A_160, %ge3A_171 : i32
      %convert_element_type3A_173 = arith.extui %ge3A_172 : i1 to i32
      %cond3A_174 = arith.constant 0 : i32
      %cond3A_175 = arith.cmpi ne, %convert_element_type3A_173, %cond3A_174 : i32
      scf.if %cond3A_175 {
        %dma_start3A_356 = arith.constant 0 : i32
        %dma_start3A_357 = tpu.memref_slice %arg7[%add3A_160, %dma_start3A_356] : memref<80x128xi32, #tpu.memory_space<vmem>> -> memref<1x128xi32, #tpu.memory_space<vmem>>
        %dma_start3A_358 = tpu.memref_squeeze %dma_start3A_357 : memref<1x128xi32, #tpu.memory_space<vmem>> -> memref<128xi32, #tpu.memory_space<vmem>>
        %dma_start3A_359 = arith.constant 0 : i32
        %dma_start3A_360 = arith.constant 0 : i32
        %dma_start3A_361 = tpu.memref_slice %arg10[%dma_start3A_359, %dma_start3A_360] : memref<10240x64xbf16, #tpu.memory_space<vmem_shared>> -> memref<10240x64xbf16, #tpu.memory_space<vmem_shared>>
        tpu.enqueue_indirect_dma source(%dma_start3A_361 : memref<10240x64xbf16, #tpu.memory_space<vmem_shared>>) target(%arg14 : memref<128x64xbf16, #tpu.memory_space<vmem>>) offsets(%dma_start3A_358 : memref<128xi32, #tpu.memory_space<vmem>>) semaphore(%arg22 : memref<!tpu.dma_semaphore, #tpu.memory_space<semaphore_mem>>)
      } else {
      }
      %add3A_176 = arith.constant 4 : i32
      %add3A_177 = arith.addi %mul3A_112, %add3A_176 : i32
      %gt3A_178 = arith.constant 0 : i32
      %gt3A_179 = arith.cmpi sgt, %add3A_110, %gt3A_178 : i32
      %convert_element_type3A_180 = arith.extui %gt3A_179 : i1 to i32
      %cond3A_181 = arith.constant 0 : i32
      %cond3A_182 = arith.cmpi ne, %convert_element_type3A_180, %cond3A_181 : i32
      scf.if %cond3A_182 {
        %sub3A = arith.constant 8 : i32
        %sub3A_356 = arith.subi %add3A_177, %sub3A : i32
        %dma_wait3A_357 = arith.constant 0 : i32
        %dma_wait3A_358 = tpu.memref_slice %arg8[%sub3A_356, %dma_wait3A_357] : memref<80x128xi32, #tpu.memory_space<vmem>> -> memref<1x128xi32, #tpu.memory_space<vmem>>
        %dma_wait3A_359 = tpu.memref_squeeze %dma_wait3A_358 : memref<1x128xi32, #tpu.memory_space<vmem>> -> memref<128xi32, #tpu.memory_space<vmem>>
        %dma_wait3A_360 = arith.constant 0 : i32
        %dma_wait3A_361 = arith.constant 0 : i32
        %dma_wait3A_362 = tpu.memref_slice %arg9[%dma_wait3A_360, %dma_wait3A_361] : memref<10240x64xbf16, #tpu.memory_space<vmem_shared>> -> memref<10240x64xbf16, #tpu.memory_space<vmem_shared>>
        tpu.wait_indirect_dma semaphore(%arg31 : memref<!tpu.dma_semaphore, #tpu.memory_space<semaphore_mem>>) src(%arg15 : memref<128x64xbf16, #tpu.memory_space<vmem>>) dst(%dma_wait3A_362 : memref<10240x64xbf16, #tpu.memory_space<vmem_shared>>)
      } else {
      }
      %lt3A_183 = arith.constant 76 : i32
      %lt3A_184 = arith.cmpi slt, %add3A_177, %lt3A_183 : i32
      %convert_element_type3A_185 = arith.extui %lt3A_184 : i1 to i32
      %cond3A_186 = arith.constant 0 : i32
      %cond3A_187 = arith.cmpi ne, %convert_element_type3A_185, %cond3A_186 : i32
      scf.if %cond3A_187 {
        %dma_start3A_356 = arith.constant 0 : i32
        %dma_start3A_357 = tpu.memref_slice %arg7[%add3A_177, %dma_start3A_356] : memref<80x128xi32, #tpu.memory_space<vmem>> -> memref<1x128xi32, #tpu.memory_space<vmem>>
        %dma_start3A_358 = tpu.memref_squeeze %dma_start3A_357 : memref<1x128xi32, #tpu.memory_space<vmem>> -> memref<128xi32, #tpu.memory_space<vmem>>
        %dma_start3A_359 = arith.constant 0 : i32
        %dma_start3A_360 = arith.constant 0 : i32
        %dma_start3A_361 = tpu.memref_slice %arg2[%dma_start3A_359, %dma_start3A_360] : memref<10240x64xbf16, #tpu.memory_space<hbm>> -> memref<10240x64xbf16, #tpu.memory_space<hbm>>
        tpu.enqueue_indirect_dma source(%dma_start3A_361 : memref<10240x64xbf16, #tpu.memory_space<hbm>>) target(%arg15 : memref<128x64xbf16, #tpu.memory_space<vmem>>) offsets(%dma_start3A_358 : memref<128xi32, #tpu.memory_space<vmem>>) semaphore(%arg23 : memref<!tpu.dma_semaphore, #tpu.memory_space<semaphore_mem>>)
      } else {
      }
      %ge3A_188 = arith.constant 76 : i32
      %ge3A_189 = arith.cmpi sge, %add3A_177, %ge3A_188 : i32
      %convert_element_type3A_190 = arith.extui %ge3A_189 : i1 to i32
      %cond3A_191 = arith.constant 0 : i32
      %cond3A_192 = arith.cmpi ne, %convert_element_type3A_190, %cond3A_191 : i32
      scf.if %cond3A_192 {
        %dma_start3A_356 = arith.constant 0 : i32
        %dma_start3A_357 = tpu.memref_slice %arg7[%add3A_177, %dma_start3A_356] : memref<80x128xi32, #tpu.memory_space<vmem>> -> memref<1x128xi32, #tpu.memory_space<vmem>>
        %dma_start3A_358 = tpu.memref_squeeze %dma_start3A_357 : memref<1x128xi32, #tpu.memory_space<vmem>> -> memref<128xi32, #tpu.memory_space<vmem>>
        %dma_start3A_359 = arith.constant 0 : i32
        %dma_start3A_360 = arith.constant 0 : i32
        %dma_start3A_361 = tpu.memref_slice %arg10[%dma_start3A_359, %dma_start3A_360] : memref<10240x64xbf16, #tpu.memory_space<vmem_shared>> -> memref<10240x64xbf16, #tpu.memory_space<vmem_shared>>
        tpu.enqueue_indirect_dma source(%dma_start3A_361 : memref<10240x64xbf16, #tpu.memory_space<vmem_shared>>) target(%arg15 : memref<128x64xbf16, #tpu.memory_space<vmem>>) offsets(%dma_start3A_358 : memref<128xi32, #tpu.memory_space<vmem>>) semaphore(%arg23 : memref<!tpu.dma_semaphore, #tpu.memory_space<semaphore_mem>>)
      } else {
      }
      %add3A_193 = arith.constant 5 : i32
      %add3A_194 = arith.addi %mul3A_112, %add3A_193 : i32
      %gt3A_195 = arith.constant 0 : i32
      %gt3A_196 = arith.cmpi sgt, %add3A_110, %gt3A_195 : i32
      %convert_element_type3A_197 = arith.extui %gt3A_196 : i1 to i32
      %cond3A_198 = arith.constant 0 : i32
      %cond3A_199 = arith.cmpi ne, %convert_element_type3A_197, %cond3A_198 : i32
      scf.if %cond3A_199 {
        %sub3A = arith.constant 8 : i32
        %sub3A_356 = arith.subi %add3A_194, %sub3A : i32
        %dma_wait3A_357 = arith.constant 0 : i32
        %dma_wait3A_358 = tpu.memref_slice %arg8[%sub3A_356, %dma_wait3A_357] : memref<80x128xi32, #tpu.memory_space<vmem>> -> memref<1x128xi32, #tpu.memory_space<vmem>>
        %dma_wait3A_359 = tpu.memref_squeeze %dma_wait3A_358 : memref<1x128xi32, #tpu.memory_space<vmem>> -> memref<128xi32, #tpu.memory_space<vmem>>
        %dma_wait3A_360 = arith.constant 0 : i32
        %dma_wait3A_361 = arith.constant 0 : i32
        %dma_wait3A_362 = tpu.memref_slice %arg9[%dma_wait3A_360, %dma_wait3A_361] : memref<10240x64xbf16, #tpu.memory_space<vmem_shared>> -> memref<10240x64xbf16, #tpu.memory_space<vmem_shared>>
        tpu.wait_indirect_dma semaphore(%arg32 : memref<!tpu.dma_semaphore, #tpu.memory_space<semaphore_mem>>) src(%arg16 : memref<128x64xbf16, #tpu.memory_space<vmem>>) dst(%dma_wait3A_362 : memref<10240x64xbf16, #tpu.memory_space<vmem_shared>>)
      } else {
      }
      %lt3A_200 = arith.constant 76 : i32
      %lt3A_201 = arith.cmpi slt, %add3A_194, %lt3A_200 : i32
      %convert_element_type3A_202 = arith.extui %lt3A_201 : i1 to i32
      %cond3A_203 = arith.constant 0 : i32
      %cond3A_204 = arith.cmpi ne, %convert_element_type3A_202, %cond3A_203 : i32
      scf.if %cond3A_204 {
        %dma_start3A_356 = arith.constant 0 : i32
        %dma_start3A_357 = tpu.memref_slice %arg7[%add3A_194, %dma_start3A_356] : memref<80x128xi32, #tpu.memory_space<vmem>> -> memref<1x128xi32, #tpu.memory_space<vmem>>
        %dma_start3A_358 = tpu.memref_squeeze %dma_start3A_357 : memref<1x128xi32, #tpu.memory_space<vmem>> -> memref<128xi32, #tpu.memory_space<vmem>>
        %dma_start3A_359 = arith.constant 0 : i32
        %dma_start3A_360 = arith.constant 0 : i32
        %dma_start3A_361 = tpu.memref_slice %arg2[%dma_start3A_359, %dma_start3A_360] : memref<10240x64xbf16, #tpu.memory_space<hbm>> -> memref<10240x64xbf16, #tpu.memory_space<hbm>>
        tpu.enqueue_indirect_dma source(%dma_start3A_361 : memref<10240x64xbf16, #tpu.memory_space<hbm>>) target(%arg16 : memref<128x64xbf16, #tpu.memory_space<vmem>>) offsets(%dma_start3A_358 : memref<128xi32, #tpu.memory_space<vmem>>) semaphore(%arg24 : memref<!tpu.dma_semaphore, #tpu.memory_space<semaphore_mem>>)
      } else {
      }
      %ge3A_205 = arith.constant 76 : i32
      %ge3A_206 = arith.cmpi sge, %add3A_194, %ge3A_205 : i32
      %convert_element_type3A_207 = arith.extui %ge3A_206 : i1 to i32
      %cond3A_208 = arith.constant 0 : i32
      %cond3A_209 = arith.cmpi ne, %convert_element_type3A_207, %cond3A_208 : i32
      scf.if %cond3A_209 {
        %dma_start3A_356 = arith.constant 0 : i32
        %dma_start3A_357 = tpu.memref_slice %arg7[%add3A_194, %dma_start3A_356] : memref<80x128xi32, #tpu.memory_space<vmem>> -> memref<1x128xi32, #tpu.memory_space<vmem>>
        %dma_start3A_358 = tpu.memref_squeeze %dma_start3A_357 : memref<1x128xi32, #tpu.memory_space<vmem>> -> memref<128xi32, #tpu.memory_space<vmem>>
        %dma_start3A_359 = arith.constant 0 : i32
        %dma_start3A_360 = arith.constant 0 : i32
        %dma_start3A_361 = tpu.memref_slice %arg10[%dma_start3A_359, %dma_start3A_360] : memref<10240x64xbf16, #tpu.memory_space<vmem_shared>> -> memref<10240x64xbf16, #tpu.memory_space<vmem_shared>>
        tpu.enqueue_indirect_dma source(%dma_start3A_361 : memref<10240x64xbf16, #tpu.memory_space<vmem_shared>>) target(%arg16 : memref<128x64xbf16, #tpu.memory_space<vmem>>) offsets(%dma_start3A_358 : memref<128xi32, #tpu.memory_space<vmem>>) semaphore(%arg24 : memref<!tpu.dma_semaphore, #tpu.memory_space<semaphore_mem>>)
      } else {
      }
      %add3A_210 = arith.constant 6 : i32
      %add3A_211 = arith.addi %mul3A_112, %add3A_210 : i32
      %gt3A_212 = arith.constant 0 : i32
      %gt3A_213 = arith.cmpi sgt, %add3A_110, %gt3A_212 : i32
      %convert_element_type3A_214 = arith.extui %gt3A_213 : i1 to i32
      %cond3A_215 = arith.constant 0 : i32
      %cond3A_216 = arith.cmpi ne, %convert_element_type3A_214, %cond3A_215 : i32
      scf.if %cond3A_216 {
        %sub3A = arith.constant 8 : i32
        %sub3A_356 = arith.subi %add3A_211, %sub3A : i32
        %dma_wait3A_357 = arith.constant 0 : i32
        %dma_wait3A_358 = tpu.memref_slice %arg8[%sub3A_356, %dma_wait3A_357] : memref<80x128xi32, #tpu.memory_space<vmem>> -> memref<1x128xi32, #tpu.memory_space<vmem>>
        %dma_wait3A_359 = tpu.memref_squeeze %dma_wait3A_358 : memref<1x128xi32, #tpu.memory_space<vmem>> -> memref<128xi32, #tpu.memory_space<vmem>>
        %dma_wait3A_360 = arith.constant 0 : i32
        %dma_wait3A_361 = arith.constant 0 : i32
        %dma_wait3A_362 = tpu.memref_slice %arg9[%dma_wait3A_360, %dma_wait3A_361] : memref<10240x64xbf16, #tpu.memory_space<vmem_shared>> -> memref<10240x64xbf16, #tpu.memory_space<vmem_shared>>
        tpu.wait_indirect_dma semaphore(%arg33 : memref<!tpu.dma_semaphore, #tpu.memory_space<semaphore_mem>>) src(%arg17 : memref<128x64xbf16, #tpu.memory_space<vmem>>) dst(%dma_wait3A_362 : memref<10240x64xbf16, #tpu.memory_space<vmem_shared>>)
      } else {
      }
      %lt3A_217 = arith.constant 76 : i32
      %lt3A_218 = arith.cmpi slt, %add3A_211, %lt3A_217 : i32
      %convert_element_type3A_219 = arith.extui %lt3A_218 : i1 to i32
      %cond3A_220 = arith.constant 0 : i32
      %cond3A_221 = arith.cmpi ne, %convert_element_type3A_219, %cond3A_220 : i32
      scf.if %cond3A_221 {
        %dma_start3A_356 = arith.constant 0 : i32
        %dma_start3A_357 = tpu.memref_slice %arg7[%add3A_211, %dma_start3A_356] : memref<80x128xi32, #tpu.memory_space<vmem>> -> memref<1x128xi32, #tpu.memory_space<vmem>>
        %dma_start3A_358 = tpu.memref_squeeze %dma_start3A_357 : memref<1x128xi32, #tpu.memory_space<vmem>> -> memref<128xi32, #tpu.memory_space<vmem>>
        %dma_start3A_359 = arith.constant 0 : i32
        %dma_start3A_360 = arith.constant 0 : i32
        %dma_start3A_361 = tpu.memref_slice %arg2[%dma_start3A_359, %dma_start3A_360] : memref<10240x64xbf16, #tpu.memory_space<hbm>> -> memref<10240x64xbf16, #tpu.memory_space<hbm>>
        tpu.enqueue_indirect_dma source(%dma_start3A_361 : memref<10240x64xbf16, #tpu.memory_space<hbm>>) target(%arg17 : memref<128x64xbf16, #tpu.memory_space<vmem>>) offsets(%dma_start3A_358 : memref<128xi32, #tpu.memory_space<vmem>>) semaphore(%arg25 : memref<!tpu.dma_semaphore, #tpu.memory_space<semaphore_mem>>)
      } else {
      }
      %ge3A_222 = arith.constant 76 : i32
      %ge3A_223 = arith.cmpi sge, %add3A_211, %ge3A_222 : i32
      %convert_element_type3A_224 = arith.extui %ge3A_223 : i1 to i32
      %cond3A_225 = arith.constant 0 : i32
      %cond3A_226 = arith.cmpi ne, %convert_element_type3A_224, %cond3A_225 : i32
      scf.if %cond3A_226 {
        %dma_start3A_356 = arith.constant 0 : i32
        %dma_start3A_357 = tpu.memref_slice %arg7[%add3A_211, %dma_start3A_356] : memref<80x128xi32, #tpu.memory_space<vmem>> -> memref<1x128xi32, #tpu.memory_space<vmem>>
        %dma_start3A_358 = tpu.memref_squeeze %dma_start3A_357 : memref<1x128xi32, #tpu.memory_space<vmem>> -> memref<128xi32, #tpu.memory_space<vmem>>
        %dma_start3A_359 = arith.constant 0 : i32
        %dma_start3A_360 = arith.constant 0 : i32
        %dma_start3A_361 = tpu.memref_slice %arg10[%dma_start3A_359, %dma_start3A_360] : memref<10240x64xbf16, #tpu.memory_space<vmem_shared>> -> memref<10240x64xbf16, #tpu.memory_space<vmem_shared>>
        tpu.enqueue_indirect_dma source(%dma_start3A_361 : memref<10240x64xbf16, #tpu.memory_space<vmem_shared>>) target(%arg17 : memref<128x64xbf16, #tpu.memory_space<vmem>>) offsets(%dma_start3A_358 : memref<128xi32, #tpu.memory_space<vmem>>) semaphore(%arg25 : memref<!tpu.dma_semaphore, #tpu.memory_space<semaphore_mem>>)
      } else {
      }
      %add3A_227 = arith.constant 7 : i32
      %add3A_228 = arith.addi %mul3A_112, %add3A_227 : i32
      %gt3A_229 = arith.constant 0 : i32
      %gt3A_230 = arith.cmpi sgt, %add3A_110, %gt3A_229 : i32
      %convert_element_type3A_231 = arith.extui %gt3A_230 : i1 to i32
      %cond3A_232 = arith.constant 0 : i32
      %cond3A_233 = arith.cmpi ne, %convert_element_type3A_231, %cond3A_232 : i32
      scf.if %cond3A_233 {
        %sub3A = arith.constant 8 : i32
        %sub3A_356 = arith.subi %add3A_228, %sub3A : i32
        %dma_wait3A_357 = arith.constant 0 : i32
        %dma_wait3A_358 = tpu.memref_slice %arg8[%sub3A_356, %dma_wait3A_357] : memref<80x128xi32, #tpu.memory_space<vmem>> -> memref<1x128xi32, #tpu.memory_space<vmem>>
        %dma_wait3A_359 = tpu.memref_squeeze %dma_wait3A_358 : memref<1x128xi32, #tpu.memory_space<vmem>> -> memref<128xi32, #tpu.memory_space<vmem>>
        %dma_wait3A_360 = arith.constant 0 : i32
        %dma_wait3A_361 = arith.constant 0 : i32
        %dma_wait3A_362 = tpu.memref_slice %arg9[%dma_wait3A_360, %dma_wait3A_361] : memref<10240x64xbf16, #tpu.memory_space<vmem_shared>> -> memref<10240x64xbf16, #tpu.memory_space<vmem_shared>>
        tpu.wait_indirect_dma semaphore(%arg34 : memref<!tpu.dma_semaphore, #tpu.memory_space<semaphore_mem>>) src(%arg18 : memref<128x64xbf16, #tpu.memory_space<vmem>>) dst(%dma_wait3A_362 : memref<10240x64xbf16, #tpu.memory_space<vmem_shared>>)
      } else {
      }
      %lt3A_234 = arith.constant 76 : i32
      %lt3A_235 = arith.cmpi slt, %add3A_228, %lt3A_234 : i32
      %convert_element_type3A_236 = arith.extui %lt3A_235 : i1 to i32
      %cond3A_237 = arith.constant 0 : i32
      %cond3A_238 = arith.cmpi ne, %convert_element_type3A_236, %cond3A_237 : i32
      scf.if %cond3A_238 {
        %dma_start3A_356 = arith.constant 0 : i32
        %dma_start3A_357 = tpu.memref_slice %arg7[%add3A_228, %dma_start3A_356] : memref<80x128xi32, #tpu.memory_space<vmem>> -> memref<1x128xi32, #tpu.memory_space<vmem>>
        %dma_start3A_358 = tpu.memref_squeeze %dma_start3A_357 : memref<1x128xi32, #tpu.memory_space<vmem>> -> memref<128xi32, #tpu.memory_space<vmem>>
        %dma_start3A_359 = arith.constant 0 : i32
        %dma_start3A_360 = arith.constant 0 : i32
        %dma_start3A_361 = tpu.memref_slice %arg2[%dma_start3A_359, %dma_start3A_360] : memref<10240x64xbf16, #tpu.memory_space<hbm>> -> memref<10240x64xbf16, #tpu.memory_space<hbm>>
        tpu.enqueue_indirect_dma source(%dma_start3A_361 : memref<10240x64xbf16, #tpu.memory_space<hbm>>) target(%arg18 : memref<128x64xbf16, #tpu.memory_space<vmem>>) offsets(%dma_start3A_358 : memref<128xi32, #tpu.memory_space<vmem>>) semaphore(%arg26 : memref<!tpu.dma_semaphore, #tpu.memory_space<semaphore_mem>>)
      } else {
      }
      %ge3A_239 = arith.constant 76 : i32
      %ge3A_240 = arith.cmpi sge, %add3A_228, %ge3A_239 : i32
      %convert_element_type3A_241 = arith.extui %ge3A_240 : i1 to i32
      %cond3A_242 = arith.constant 0 : i32
      %cond3A_243 = arith.cmpi ne, %convert_element_type3A_241, %cond3A_242 : i32
      scf.if %cond3A_243 {
        %dma_start3A_356 = arith.constant 0 : i32
        %dma_start3A_357 = tpu.memref_slice %arg7[%add3A_228, %dma_start3A_356] : memref<80x128xi32, #tpu.memory_space<vmem>> -> memref<1x128xi32, #tpu.memory_space<vmem>>
        %dma_start3A_358 = tpu.memref_squeeze %dma_start3A_357 : memref<1x128xi32, #tpu.memory_space<vmem>> -> memref<128xi32, #tpu.memory_space<vmem>>
        %dma_start3A_359 = arith.constant 0 : i32
        %dma_start3A_360 = arith.constant 0 : i32
        %dma_start3A_361 = tpu.memref_slice %arg10[%dma_start3A_359, %dma_start3A_360] : memref<10240x64xbf16, #tpu.memory_space<vmem_shared>> -> memref<10240x64xbf16, #tpu.memory_space<vmem_shared>>
        tpu.enqueue_indirect_dma source(%dma_start3A_361 : memref<10240x64xbf16, #tpu.memory_space<vmem_shared>>) target(%arg18 : memref<128x64xbf16, #tpu.memory_space<vmem>>) offsets(%dma_start3A_358 : memref<128xi32, #tpu.memory_space<vmem>>) semaphore(%arg26 : memref<!tpu.dma_semaphore, #tpu.memory_space<semaphore_mem>>)
      } else {
      }
      %add3A_244 = arith.constant 0 : i32
      %add3A_245 = arith.addi %mul3A_112, %add3A_244 : i32
      %dma_wait3A_246 = arith.constant 0 : i32
      %dma_wait3A_247 = tpu.memref_slice %arg7[%add3A_245, %dma_wait3A_246] : memref<80x128xi32, #tpu.memory_space<vmem>> -> memref<1x128xi32, #tpu.memory_space<vmem>>
      %dma_wait3A_248 = tpu.memref_squeeze %dma_wait3A_247 : memref<1x128xi32, #tpu.memory_space<vmem>> -> memref<128xi32, #tpu.memory_space<vmem>>
      %dma_wait3A_249 = arith.constant 0 : i32
      %dma_wait3A_250 = arith.constant 0 : i32
      %dma_wait3A_251 = tpu.memref_slice %arg10[%dma_wait3A_249, %dma_wait3A_250] : memref<10240x64xbf16, #tpu.memory_space<vmem_shared>> -> memref<10240x64xbf16, #tpu.memory_space<vmem_shared>>
      tpu.wait_indirect_dma semaphore(%arg19 : memref<!tpu.dma_semaphore, #tpu.memory_space<semaphore_mem>>) src(%dma_wait3A_251 : memref<10240x64xbf16, #tpu.memory_space<vmem_shared>>) dst(%arg11 : memref<128x64xbf16, #tpu.memory_space<vmem>>)
      %dma_start3A_252 = arith.constant 0 : i32
      %dma_start3A_253 = tpu.memref_slice %arg8[%add3A_245, %dma_start3A_252] : memref<80x128xi32, #tpu.memory_space<vmem>> -> memref<1x128xi32, #tpu.memory_space<vmem>>
      %dma_start3A_254 = tpu.memref_squeeze %dma_start3A_253 : memref<1x128xi32, #tpu.memory_space<vmem>> -> memref<128xi32, #tpu.memory_space<vmem>>
      %dma_start3A_255 = arith.constant 0 : i32
      %dma_start3A_256 = arith.constant 0 : i32
      %dma_start3A_257 = tpu.memref_slice %arg9[%dma_start3A_255, %dma_start3A_256] : memref<10240x64xbf16, #tpu.memory_space<vmem_shared>> -> memref<10240x64xbf16, #tpu.memory_space<vmem_shared>>
      tpu.enqueue_indirect_dma source(%arg11 : memref<128x64xbf16, #tpu.memory_space<vmem>>) target(%dma_start3A_257 : memref<10240x64xbf16, #tpu.memory_space<vmem_shared>>) offsets(%dma_start3A_254 : memref<128xi32, #tpu.memory_space<vmem>>) semaphore(%arg27 : memref<!tpu.dma_semaphore, #tpu.memory_space<semaphore_mem>>) {add = true}
      %add3A_258 = arith.constant 1 : i32
      %add3A_259 = arith.addi %mul3A_112, %add3A_258 : i32
      %dma_wait3A_260 = arith.constant 0 : i32
      %dma_wait3A_261 = tpu.memref_slice %arg7[%add3A_259, %dma_wait3A_260] : memref<80x128xi32, #tpu.memory_space<vmem>> -> memref<1x128xi32, #tpu.memory_space<vmem>>
      %dma_wait3A_262 = tpu.memref_squeeze %dma_wait3A_261 : memref<1x128xi32, #tpu.memory_space<vmem>> -> memref<128xi32, #tpu.memory_space<vmem>>
      %dma_wait3A_263 = arith.constant 0 : i32
      %dma_wait3A_264 = arith.constant 0 : i32
      %dma_wait3A_265 = tpu.memref_slice %arg10[%dma_wait3A_263, %dma_wait3A_264] : memref<10240x64xbf16, #tpu.memory_space<vmem_shared>> -> memref<10240x64xbf16, #tpu.memory_space<vmem_shared>>
      tpu.wait_indirect_dma semaphore(%arg20 : memref<!tpu.dma_semaphore, #tpu.memory_space<semaphore_mem>>) src(%dma_wait3A_265 : memref<10240x64xbf16, #tpu.memory_space<vmem_shared>>) dst(%arg12 : memref<128x64xbf16, #tpu.memory_space<vmem>>)
      %dma_start3A_266 = arith.constant 0 : i32
      %dma_start3A_267 = tpu.memref_slice %arg8[%add3A_259, %dma_start3A_266] : memref<80x128xi32, #tpu.memory_space<vmem>> -> memref<1x128xi32, #tpu.memory_space<vmem>>
      %dma_start3A_268 = tpu.memref_squeeze %dma_start3A_267 : memref<1x128xi32, #tpu.memory_space<vmem>> -> memref<128xi32, #tpu.memory_space<vmem>>
      %dma_start3A_269 = arith.constant 0 : i32
      %dma_start3A_270 = arith.constant 0 : i32
      %dma_start3A_271 = tpu.memref_slice %arg9[%dma_start3A_269, %dma_start3A_270] : memref<10240x64xbf16, #tpu.memory_space<vmem_shared>> -> memref<10240x64xbf16, #tpu.memory_space<vmem_shared>>
      tpu.enqueue_indirect_dma source(%arg12 : memref<128x64xbf16, #tpu.memory_space<vmem>>) target(%dma_start3A_271 : memref<10240x64xbf16, #tpu.memory_space<vmem_shared>>) offsets(%dma_start3A_268 : memref<128xi32, #tpu.memory_space<vmem>>) semaphore(%arg28 : memref<!tpu.dma_semaphore, #tpu.memory_space<semaphore_mem>>) {add = true}
      %add3A_272 = arith.constant 2 : i32
      %add3A_273 = arith.addi %mul3A_112, %add3A_272 : i32
      %dma_wait3A_274 = arith.constant 0 : i32
      %dma_wait3A_275 = tpu.memref_slice %arg7[%add3A_273, %dma_wait3A_274] : memref<80x128xi32, #tpu.memory_space<vmem>> -> memref<1x128xi32, #tpu.memory_space<vmem>>
      %dma_wait3A_276 = tpu.memref_squeeze %dma_wait3A_275 : memref<1x128xi32, #tpu.memory_space<vmem>> -> memref<128xi32, #tpu.memory_space<vmem>>
      %dma_wait3A_277 = arith.constant 0 : i32
      %dma_wait3A_278 = arith.constant 0 : i32
      %dma_wait3A_279 = tpu.memref_slice %arg10[%dma_wait3A_277, %dma_wait3A_278] : memref<10240x64xbf16, #tpu.memory_space<vmem_shared>> -> memref<10240x64xbf16, #tpu.memory_space<vmem_shared>>
      tpu.wait_indirect_dma semaphore(%arg21 : memref<!tpu.dma_semaphore, #tpu.memory_space<semaphore_mem>>) src(%dma_wait3A_279 : memref<10240x64xbf16, #tpu.memory_space<vmem_shared>>) dst(%arg13 : memref<128x64xbf16, #tpu.memory_space<vmem>>)
      %dma_start3A_280 = arith.constant 0 : i32
      %dma_start3A_281 = tpu.memref_slice %arg8[%add3A_273, %dma_start3A_280] : memref<80x128xi32, #tpu.memory_space<vmem>> -> memref<1x128xi32, #tpu.memory_space<vmem>>
      %dma_start3A_282 = tpu.memref_squeeze %dma_start3A_281 : memref<1x128xi32, #tpu.memory_space<vmem>> -> memref<128xi32, #tpu.memory_space<vmem>>
      %dma_start3A_283 = arith.constant 0 : i32
      %dma_start3A_284 = arith.constant 0 : i32
      %dma_start3A_285 = tpu.memref_slice %arg9[%dma_start3A_283, %dma_start3A_284] : memref<10240x64xbf16, #tpu.memory_space<vmem_shared>> -> memref<10240x64xbf16, #tpu.memory_space<vmem_shared>>
      tpu.enqueue_indirect_dma source(%arg13 : memref<128x64xbf16, #tpu.memory_space<vmem>>) target(%dma_start3A_285 : memref<10240x64xbf16, #tpu.memory_space<vmem_shared>>) offsets(%dma_start3A_282 : memref<128xi32, #tpu.memory_space<vmem>>) semaphore(%arg29 : memref<!tpu.dma_semaphore, #tpu.memory_space<semaphore_mem>>) {add = true}
      %add3A_286 = arith.constant 3 : i32
      %add3A_287 = arith.addi %mul3A_112, %add3A_286 : i32
      %dma_wait3A_288 = arith.constant 0 : i32
      %dma_wait3A_289 = tpu.memref_slice %arg7[%add3A_287, %dma_wait3A_288] : memref<80x128xi32, #tpu.memory_space<vmem>> -> memref<1x128xi32, #tpu.memory_space<vmem>>
      %dma_wait3A_290 = tpu.memref_squeeze %dma_wait3A_289 : memref<1x128xi32, #tpu.memory_space<vmem>> -> memref<128xi32, #tpu.memory_space<vmem>>
      %dma_wait3A_291 = arith.constant 0 : i32
      %dma_wait3A_292 = arith.constant 0 : i32
      %dma_wait3A_293 = tpu.memref_slice %arg10[%dma_wait3A_291, %dma_wait3A_292] : memref<10240x64xbf16, #tpu.memory_space<vmem_shared>> -> memref<10240x64xbf16, #tpu.memory_space<vmem_shared>>
      tpu.wait_indirect_dma semaphore(%arg22 : memref<!tpu.dma_semaphore, #tpu.memory_space<semaphore_mem>>) src(%dma_wait3A_293 : memref<10240x64xbf16, #tpu.memory_space<vmem_shared>>) dst(%arg14 : memref<128x64xbf16, #tpu.memory_space<vmem>>)
      %dma_start3A_294 = arith.constant 0 : i32
      %dma_start3A_295 = tpu.memref_slice %arg8[%add3A_287, %dma_start3A_294] : memref<80x128xi32, #tpu.memory_space<vmem>> -> memref<1x128xi32, #tpu.memory_space<vmem>>
      %dma_start3A_296 = tpu.memref_squeeze %dma_start3A_295 : memref<1x128xi32, #tpu.memory_space<vmem>> -> memref<128xi32, #tpu.memory_space<vmem>>
      %dma_start3A_297 = arith.constant 0 : i32
      %dma_start3A_298 = arith.constant 0 : i32
      %dma_start3A_299 = tpu.memref_slice %arg9[%dma_start3A_297, %dma_start3A_298] : memref<10240x64xbf16, #tpu.memory_space<vmem_shared>> -> memref<10240x64xbf16, #tpu.memory_space<vmem_shared>>
      tpu.enqueue_indirect_dma source(%arg14 : memref<128x64xbf16, #tpu.memory_space<vmem>>) target(%dma_start3A_299 : memref<10240x64xbf16, #tpu.memory_space<vmem_shared>>) offsets(%dma_start3A_296 : memref<128xi32, #tpu.memory_space<vmem>>) semaphore(%arg30 : memref<!tpu.dma_semaphore, #tpu.memory_space<semaphore_mem>>) {add = true}
      %add3A_300 = arith.constant 4 : i32
      %add3A_301 = arith.addi %mul3A_112, %add3A_300 : i32
      %dma_wait3A_302 = arith.constant 0 : i32
      %dma_wait3A_303 = tpu.memref_slice %arg7[%add3A_301, %dma_wait3A_302] : memref<80x128xi32, #tpu.memory_space<vmem>> -> memref<1x128xi32, #tpu.memory_space<vmem>>
      %dma_wait3A_304 = tpu.memref_squeeze %dma_wait3A_303 : memref<1x128xi32, #tpu.memory_space<vmem>> -> memref<128xi32, #tpu.memory_space<vmem>>
      %dma_wait3A_305 = arith.constant 0 : i32
      %dma_wait3A_306 = arith.constant 0 : i32
      %dma_wait3A_307 = tpu.memref_slice %arg10[%dma_wait3A_305, %dma_wait3A_306] : memref<10240x64xbf16, #tpu.memory_space<vmem_shared>> -> memref<10240x64xbf16, #tpu.memory_space<vmem_shared>>
      tpu.wait_indirect_dma semaphore(%arg23 : memref<!tpu.dma_semaphore, #tpu.memory_space<semaphore_mem>>) src(%dma_wait3A_307 : memref<10240x64xbf16, #tpu.memory_space<vmem_shared>>) dst(%arg15 : memref<128x64xbf16, #tpu.memory_space<vmem>>)
      %dma_start3A_308 = arith.constant 0 : i32
      %dma_start3A_309 = tpu.memref_slice %arg8[%add3A_301, %dma_start3A_308] : memref<80x128xi32, #tpu.memory_space<vmem>> -> memref<1x128xi32, #tpu.memory_space<vmem>>
      %dma_start3A_310 = tpu.memref_squeeze %dma_start3A_309 : memref<1x128xi32, #tpu.memory_space<vmem>> -> memref<128xi32, #tpu.memory_space<vmem>>
      %dma_start3A_311 = arith.constant 0 : i32
      %dma_start3A_312 = arith.constant 0 : i32
      %dma_start3A_313 = tpu.memref_slice %arg9[%dma_start3A_311, %dma_start3A_312] : memref<10240x64xbf16, #tpu.memory_space<vmem_shared>> -> memref<10240x64xbf16, #tpu.memory_space<vmem_shared>>
      tpu.enqueue_indirect_dma source(%arg15 : memref<128x64xbf16, #tpu.memory_space<vmem>>) target(%dma_start3A_313 : memref<10240x64xbf16, #tpu.memory_space<vmem_shared>>) offsets(%dma_start3A_310 : memref<128xi32, #tpu.memory_space<vmem>>) semaphore(%arg31 : memref<!tpu.dma_semaphore, #tpu.memory_space<semaphore_mem>>) {add = true}
      %add3A_314 = arith.constant 5 : i32
      %add3A_315 = arith.addi %mul3A_112, %add3A_314 : i32
      %dma_wait3A_316 = arith.constant 0 : i32
      %dma_wait3A_317 = tpu.memref_slice %arg7[%add3A_315, %dma_wait3A_316] : memref<80x128xi32, #tpu.memory_space<vmem>> -> memref<1x128xi32, #tpu.memory_space<vmem>>
      %dma_wait3A_318 = tpu.memref_squeeze %dma_wait3A_317 : memref<1x128xi32, #tpu.memory_space<vmem>> -> memref<128xi32, #tpu.memory_space<vmem>>
      %dma_wait3A_319 = arith.constant 0 : i32
      %dma_wait3A_320 = arith.constant 0 : i32
      %dma_wait3A_321 = tpu.memref_slice %arg10[%dma_wait3A_319, %dma_wait3A_320] : memref<10240x64xbf16, #tpu.memory_space<vmem_shared>> -> memref<10240x64xbf16, #tpu.memory_space<vmem_shared>>
      tpu.wait_indirect_dma semaphore(%arg24 : memref<!tpu.dma_semaphore, #tpu.memory_space<semaphore_mem>>) src(%dma_wait3A_321 : memref<10240x64xbf16, #tpu.memory_space<vmem_shared>>) dst(%arg16 : memref<128x64xbf16, #tpu.memory_space<vmem>>)
      %dma_start3A_322 = arith.constant 0 : i32
      %dma_start3A_323 = tpu.memref_slice %arg8[%add3A_315, %dma_start3A_322] : memref<80x128xi32, #tpu.memory_space<vmem>> -> memref<1x128xi32, #tpu.memory_space<vmem>>
      %dma_start3A_324 = tpu.memref_squeeze %dma_start3A_323 : memref<1x128xi32, #tpu.memory_space<vmem>> -> memref<128xi32, #tpu.memory_space<vmem>>
      %dma_start3A_325 = arith.constant 0 : i32
      %dma_start3A_326 = arith.constant 0 : i32
      %dma_start3A_327 = tpu.memref_slice %arg9[%dma_start3A_325, %dma_start3A_326] : memref<10240x64xbf16, #tpu.memory_space<vmem_shared>> -> memref<10240x64xbf16, #tpu.memory_space<vmem_shared>>
      tpu.enqueue_indirect_dma source(%arg16 : memref<128x64xbf16, #tpu.memory_space<vmem>>) target(%dma_start3A_327 : memref<10240x64xbf16, #tpu.memory_space<vmem_shared>>) offsets(%dma_start3A_324 : memref<128xi32, #tpu.memory_space<vmem>>) semaphore(%arg32 : memref<!tpu.dma_semaphore, #tpu.memory_space<semaphore_mem>>) {add = true}
      %add3A_328 = arith.constant 6 : i32
      %add3A_329 = arith.addi %mul3A_112, %add3A_328 : i32
      %dma_wait3A_330 = arith.constant 0 : i32
      %dma_wait3A_331 = tpu.memref_slice %arg7[%add3A_329, %dma_wait3A_330] : memref<80x128xi32, #tpu.memory_space<vmem>> -> memref<1x128xi32, #tpu.memory_space<vmem>>
      %dma_wait3A_332 = tpu.memref_squeeze %dma_wait3A_331 : memref<1x128xi32, #tpu.memory_space<vmem>> -> memref<128xi32, #tpu.memory_space<vmem>>
      %dma_wait3A_333 = arith.constant 0 : i32
      %dma_wait3A_334 = arith.constant 0 : i32
      %dma_wait3A_335 = tpu.memref_slice %arg10[%dma_wait3A_333, %dma_wait3A_334] : memref<10240x64xbf16, #tpu.memory_space<vmem_shared>> -> memref<10240x64xbf16, #tpu.memory_space<vmem_shared>>
      tpu.wait_indirect_dma semaphore(%arg25 : memref<!tpu.dma_semaphore, #tpu.memory_space<semaphore_mem>>) src(%dma_wait3A_335 : memref<10240x64xbf16, #tpu.memory_space<vmem_shared>>) dst(%arg17 : memref<128x64xbf16, #tpu.memory_space<vmem>>)
      %dma_start3A_336 = arith.constant 0 : i32
      %dma_start3A_337 = tpu.memref_slice %arg8[%add3A_329, %dma_start3A_336] : memref<80x128xi32, #tpu.memory_space<vmem>> -> memref<1x128xi32, #tpu.memory_space<vmem>>
      %dma_start3A_338 = tpu.memref_squeeze %dma_start3A_337 : memref<1x128xi32, #tpu.memory_space<vmem>> -> memref<128xi32, #tpu.memory_space<vmem>>
      %dma_start3A_339 = arith.constant 0 : i32
      %dma_start3A_340 = arith.constant 0 : i32
      %dma_start3A_341 = tpu.memref_slice %arg9[%dma_start3A_339, %dma_start3A_340] : memref<10240x64xbf16, #tpu.memory_space<vmem_shared>> -> memref<10240x64xbf16, #tpu.memory_space<vmem_shared>>
      tpu.enqueue_indirect_dma source(%arg17 : memref<128x64xbf16, #tpu.memory_space<vmem>>) target(%dma_start3A_341 : memref<10240x64xbf16, #tpu.memory_space<vmem_shared>>) offsets(%dma_start3A_338 : memref<128xi32, #tpu.memory_space<vmem>>) semaphore(%arg33 : memref<!tpu.dma_semaphore, #tpu.memory_space<semaphore_mem>>) {add = true}
      %add3A_342 = arith.constant 7 : i32
      %add3A_343 = arith.addi %mul3A_112, %add3A_342 : i32
      %dma_wait3A_344 = arith.constant 0 : i32
      %dma_wait3A_345 = tpu.memref_slice %arg7[%add3A_343, %dma_wait3A_344] : memref<80x128xi32, #tpu.memory_space<vmem>> -> memref<1x128xi32, #tpu.memory_space<vmem>>
      %dma_wait3A_346 = tpu.memref_squeeze %dma_wait3A_345 : memref<1x128xi32, #tpu.memory_space<vmem>> -> memref<128xi32, #tpu.memory_space<vmem>>
      %dma_wait3A_347 = arith.constant 0 : i32
      %dma_wait3A_348 = arith.constant 0 : i32
      %dma_wait3A_349 = tpu.memref_slice %arg10[%dma_wait3A_347, %dma_wait3A_348] : memref<10240x64xbf16, #tpu.memory_space<vmem_shared>> -> memref<10240x64xbf16, #tpu.memory_space<vmem_shared>>
      tpu.wait_indirect_dma semaphore(%arg26 : memref<!tpu.dma_semaphore, #tpu.memory_space<semaphore_mem>>) src(%dma_wait3A_349 : memref<10240x64xbf16, #tpu.memory_space<vmem_shared>>) dst(%arg18 : memref<128x64xbf16, #tpu.memory_space<vmem>>)
      %dma_start3A_350 = arith.constant 0 : i32
      %dma_start3A_351 = tpu.memref_slice %arg8[%add3A_343, %dma_start3A_350] : memref<80x128xi32, #tpu.memory_space<vmem>> -> memref<1x128xi32, #tpu.memory_space<vmem>>
      %dma_start3A_352 = tpu.memref_squeeze %dma_start3A_351 : memref<1x128xi32, #tpu.memory_space<vmem>> -> memref<128xi32, #tpu.memory_space<vmem>>
      %dma_start3A_353 = arith.constant 0 : i32
      %dma_start3A_354 = arith.constant 0 : i32
      %dma_start3A_355 = tpu.memref_slice %arg9[%dma_start3A_353, %dma_start3A_354] : memref<10240x64xbf16, #tpu.memory_space<vmem_shared>> -> memref<10240x64xbf16, #tpu.memory_space<vmem_shared>>
      tpu.enqueue_indirect_dma source(%arg18 : memref<128x64xbf16, #tpu.memory_space<vmem>>) target(%dma_start3A_355 : memref<10240x64xbf16, #tpu.memory_space<vmem_shared>>) offsets(%dma_start3A_352 : memref<128xi32, #tpu.memory_space<vmem>>) semaphore(%arg34 : memref<!tpu.dma_semaphore, #tpu.memory_space<semaphore_mem>>) {add = true}
    }
    %scan3A_48 = arith.constant 10 : i32
    %dma_wait3A_49 = arith.constant 72 : i32
    %dma_wait3A_50 = arith.constant 0 : i32
    %dma_wait3A_51 = tpu.memref_slice %arg8[%dma_wait3A_49, %dma_wait3A_50] : memref<80x128xi32, #tpu.memory_space<vmem>> -> memref<1x128xi32, #tpu.memory_space<vmem>>
    %dma_wait3A_52 = tpu.memref_squeeze %dma_wait3A_51 : memref<1x128xi32, #tpu.memory_space<vmem>> -> memref<128xi32, #tpu.memory_space<vmem>>
    %dma_wait3A_53 = arith.constant 0 : i32
    %dma_wait3A_54 = arith.constant 0 : i32
    %dma_wait3A_55 = tpu.memref_slice %arg9[%dma_wait3A_53, %dma_wait3A_54] : memref<10240x64xbf16, #tpu.memory_space<vmem_shared>> -> memref<10240x64xbf16, #tpu.memory_space<vmem_shared>>
    tpu.wait_indirect_dma semaphore(%arg27 : memref<!tpu.dma_semaphore, #tpu.memory_space<semaphore_mem>>) src(%arg11 : memref<128x64xbf16, #tpu.memory_space<vmem>>) dst(%dma_wait3A_55 : memref<10240x64xbf16, #tpu.memory_space<vmem_shared>>)
    %dma_wait3A_56 = arith.constant 73 : i32
    %dma_wait3A_57 = arith.constant 0 : i32
    %dma_wait3A_58 = tpu.memref_slice %arg8[%dma_wait3A_56, %dma_wait3A_57] : memref<80x128xi32, #tpu.memory_space<vmem>> -> memref<1x128xi32, #tpu.memory_space<vmem>>
    %dma_wait3A_59 = tpu.memref_squeeze %dma_wait3A_58 : memref<1x128xi32, #tpu.memory_space<vmem>> -> memref<128xi32, #tpu.memory_space<vmem>>
    %dma_wait3A_60 = arith.constant 0 : i32
    %dma_wait3A_61 = arith.constant 0 : i32
    %dma_wait3A_62 = tpu.memref_slice %arg9[%dma_wait3A_60, %dma_wait3A_61] : memref<10240x64xbf16, #tpu.memory_space<vmem_shared>> -> memref<10240x64xbf16, #tpu.memory_space<vmem_shared>>
    tpu.wait_indirect_dma semaphore(%arg28 : memref<!tpu.dma_semaphore, #tpu.memory_space<semaphore_mem>>) src(%arg12 : memref<128x64xbf16, #tpu.memory_space<vmem>>) dst(%dma_wait3A_62 : memref<10240x64xbf16, #tpu.memory_space<vmem_shared>>)
    %dma_wait3A_63 = arith.constant 74 : i32
    %dma_wait3A_64 = arith.constant 0 : i32
    %dma_wait3A_65 = tpu.memref_slice %arg8[%dma_wait3A_63, %dma_wait3A_64] : memref<80x128xi32, #tpu.memory_space<vmem>> -> memref<1x128xi32, #tpu.memory_space<vmem>>
    %dma_wait3A_66 = tpu.memref_squeeze %dma_wait3A_65 : memref<1x128xi32, #tpu.memory_space<vmem>> -> memref<128xi32, #tpu.memory_space<vmem>>
    %dma_wait3A_67 = arith.constant 0 : i32
    %dma_wait3A_68 = arith.constant 0 : i32
    %dma_wait3A_69 = tpu.memref_slice %arg9[%dma_wait3A_67, %dma_wait3A_68] : memref<10240x64xbf16, #tpu.memory_space<vmem_shared>> -> memref<10240x64xbf16, #tpu.memory_space<vmem_shared>>
    tpu.wait_indirect_dma semaphore(%arg29 : memref<!tpu.dma_semaphore, #tpu.memory_space<semaphore_mem>>) src(%arg13 : memref<128x64xbf16, #tpu.memory_space<vmem>>) dst(%dma_wait3A_69 : memref<10240x64xbf16, #tpu.memory_space<vmem_shared>>)
    %dma_wait3A_70 = arith.constant 75 : i32
    %dma_wait3A_71 = arith.constant 0 : i32
    %dma_wait3A_72 = tpu.memref_slice %arg8[%dma_wait3A_70, %dma_wait3A_71] : memref<80x128xi32, #tpu.memory_space<vmem>> -> memref<1x128xi32, #tpu.memory_space<vmem>>
    %dma_wait3A_73 = tpu.memref_squeeze %dma_wait3A_72 : memref<1x128xi32, #tpu.memory_space<vmem>> -> memref<128xi32, #tpu.memory_space<vmem>>
    %dma_wait3A_74 = arith.constant 0 : i32
    %dma_wait3A_75 = arith.constant 0 : i32
    %dma_wait3A_76 = tpu.memref_slice %arg9[%dma_wait3A_74, %dma_wait3A_75] : memref<10240x64xbf16, #tpu.memory_space<vmem_shared>> -> memref<10240x64xbf16, #tpu.memory_space<vmem_shared>>
    tpu.wait_indirect_dma semaphore(%arg30 : memref<!tpu.dma_semaphore, #tpu.memory_space<semaphore_mem>>) src(%arg14 : memref<128x64xbf16, #tpu.memory_space<vmem>>) dst(%dma_wait3A_76 : memref<10240x64xbf16, #tpu.memory_space<vmem_shared>>)
    %dma_wait3A_77 = arith.constant 76 : i32
    %dma_wait3A_78 = arith.constant 0 : i32
    %dma_wait3A_79 = tpu.memref_slice %arg8[%dma_wait3A_77, %dma_wait3A_78] : memref<80x128xi32, #tpu.memory_space<vmem>> -> memref<1x128xi32, #tpu.memory_space<vmem>>
    %dma_wait3A_80 = tpu.memref_squeeze %dma_wait3A_79 : memref<1x128xi32, #tpu.memory_space<vmem>> -> memref<128xi32, #tpu.memory_space<vmem>>
    %dma_wait3A_81 = arith.constant 0 : i32
    %dma_wait3A_82 = arith.constant 0 : i32
    %dma_wait3A_83 = tpu.memref_slice %arg9[%dma_wait3A_81, %dma_wait3A_82] : memref<10240x64xbf16, #tpu.memory_space<vmem_shared>> -> memref<10240x64xbf16, #tpu.memory_space<vmem_shared>>
    tpu.wait_indirect_dma semaphore(%arg31 : memref<!tpu.dma_semaphore, #tpu.memory_space<semaphore_mem>>) src(%arg15 : memref<128x64xbf16, #tpu.memory_space<vmem>>) dst(%dma_wait3A_83 : memref<10240x64xbf16, #tpu.memory_space<vmem_shared>>)
    %dma_wait3A_84 = arith.constant 77 : i32
    %dma_wait3A_85 = arith.constant 0 : i32
    %dma_wait3A_86 = tpu.memref_slice %arg8[%dma_wait3A_84, %dma_wait3A_85] : memref<80x128xi32, #tpu.memory_space<vmem>> -> memref<1x128xi32, #tpu.memory_space<vmem>>
    %dma_wait3A_87 = tpu.memref_squeeze %dma_wait3A_86 : memref<1x128xi32, #tpu.memory_space<vmem>> -> memref<128xi32, #tpu.memory_space<vmem>>
    %dma_wait3A_88 = arith.constant 0 : i32
    %dma_wait3A_89 = arith.constant 0 : i32
    %dma_wait3A_90 = tpu.memref_slice %arg9[%dma_wait3A_88, %dma_wait3A_89] : memref<10240x64xbf16, #tpu.memory_space<vmem_shared>> -> memref<10240x64xbf16, #tpu.memory_space<vmem_shared>>
    tpu.wait_indirect_dma semaphore(%arg32 : memref<!tpu.dma_semaphore, #tpu.memory_space<semaphore_mem>>) src(%arg16 : memref<128x64xbf16, #tpu.memory_space<vmem>>) dst(%dma_wait3A_90 : memref<10240x64xbf16, #tpu.memory_space<vmem_shared>>)
    %dma_wait3A_91 = arith.constant 78 : i32
    %dma_wait3A_92 = arith.constant 0 : i32
    %dma_wait3A_93 = tpu.memref_slice %arg8[%dma_wait3A_91, %dma_wait3A_92] : memref<80x128xi32, #tpu.memory_space<vmem>> -> memref<1x128xi32, #tpu.memory_space<vmem>>
    %dma_wait3A_94 = tpu.memref_squeeze %dma_wait3A_93 : memref<1x128xi32, #tpu.memory_space<vmem>> -> memref<128xi32, #tpu.memory_space<vmem>>
    %dma_wait3A_95 = arith.constant 0 : i32
    %dma_wait3A_96 = arith.constant 0 : i32
    %dma_wait3A_97 = tpu.memref_slice %arg9[%dma_wait3A_95, %dma_wait3A_96] : memref<10240x64xbf16, #tpu.memory_space<vmem_shared>> -> memref<10240x64xbf16, #tpu.memory_space<vmem_shared>>
    tpu.wait_indirect_dma semaphore(%arg33 : memref<!tpu.dma_semaphore, #tpu.memory_space<semaphore_mem>>) src(%arg17 : memref<128x64xbf16, #tpu.memory_space<vmem>>) dst(%dma_wait3A_97 : memref<10240x64xbf16, #tpu.memory_space<vmem_shared>>)
    %dma_wait3A_98 = arith.constant 79 : i32
    %dma_wait3A_99 = arith.constant 0 : i32
    %dma_wait3A_100 = tpu.memref_slice %arg8[%dma_wait3A_98, %dma_wait3A_99] : memref<80x128xi32, #tpu.memory_space<vmem>> -> memref<1x128xi32, #tpu.memory_space<vmem>>
    %dma_wait3A_101 = tpu.memref_squeeze %dma_wait3A_100 : memref<1x128xi32, #tpu.memory_space<vmem>> -> memref<128xi32, #tpu.memory_space<vmem>>
    %dma_wait3A_102 = arith.constant 0 : i32
    %dma_wait3A_103 = arith.constant 0 : i32
    %dma_wait3A_104 = tpu.memref_slice %arg9[%dma_wait3A_102, %dma_wait3A_103] : memref<10240x64xbf16, #tpu.memory_space<vmem_shared>> -> memref<10240x64xbf16, #tpu.memory_space<vmem_shared>>
    tpu.wait_indirect_dma semaphore(%arg34 : memref<!tpu.dma_semaphore, #tpu.memory_space<semaphore_mem>>) src(%arg18 : memref<128x64xbf16, #tpu.memory_space<vmem>>) dst(%dma_wait3A_104 : memref<10240x64xbf16, #tpu.memory_space<vmem_shared>>)
    %barrier3A_105 = arith.constant 0 : index
    tpu.barrier barrier_id(%barrier3A_105)
    "tpu.region"() ({
      %run_scoped3A = tpu.sem_alloc : memref<!tpu.dma_semaphore, #tpu.memory_space<semaphore_mem>>
      %dma_start3A_106 = arith.constant 0 : i32
      %dma_start3A_107 = tpu.memref_slice %arg6[%arg0, %mul3A_2, %dma_start3A_106] : memref<2x10240x64xbf16, #tpu.memory_space<hbm>> -> memref<1x640x64xbf16, #tpu.memory_space<hbm>>
      %dma_start3A_108 = tpu.memref_squeeze %dma_start3A_107 : memref<1x640x64xbf16, #tpu.memory_space<hbm>> -> memref<640x64xbf16, #tpu.memory_space<hbm>>
      %dma_start3A_109 = arith.constant 0 : i32
      %dma_start3A_110 = tpu.memref_slice %arg9[%mul3A_2, %dma_start3A_109] : memref<10240x64xbf16, #tpu.memory_space<vmem_shared>> -> memref<640x64xbf16, #tpu.memory_space<vmem_shared>>
      tpu.enqueue_dma source(%dma_start3A_110 : memref<640x64xbf16, #tpu.memory_space<vmem_shared>>) target(%dma_start3A_108 : memref<640x64xbf16, #tpu.memory_space<hbm>>) target_semaphore(%run_scoped3A : memref<!tpu.dma_semaphore, #tpu.memory_space<semaphore_mem>>)
      %dma_wait3A_111 = arith.constant 0 : i32
      %dma_wait3A_112 = tpu.memref_slice %arg6[%arg0, %mul3A_2, %dma_wait3A_111] : memref<2x10240x64xbf16, #tpu.memory_space<hbm>> -> memref<1x640x64xbf16, #tpu.memory_space<hbm>>
      %dma_wait3A_113 = tpu.memref_squeeze %dma_wait3A_112 : memref<1x640x64xbf16, #tpu.memory_space<hbm>> -> memref<640x64xbf16, #tpu.memory_space<hbm>>
      %dma_wait3A_114 = arith.constant 0 : i32
      %dma_wait3A_115 = tpu.memref_slice %arg9[%mul3A_2, %dma_wait3A_114] : memref<10240x64xbf16, #tpu.memory_space<vmem_shared>> -> memref<640x64xbf16, #tpu.memory_space<vmem_shared>>
      tpu.wait_dma2 semaphore(%run_scoped3A : memref<!tpu.dma_semaphore, #tpu.memory_space<semaphore_mem>>) src(%dma_wait3A_115 : memref<640x64xbf16, #tpu.memory_space<vmem_shared>>) dst(%dma_wait3A_113 : memref<640x64xbf16, #tpu.memory_space<hbm>>)
      tpu.yield
    }) : () -> ()
    return
  }
}

#map = affine_map<(d0, d1) -> (0, 0)>
#map1 = affine_map<(d0, d1) -> (0, 0, 0)>
module attributes {stable_mosaic.version = 14 : i64} {
  func.func @k(%arg0: i32, %arg1: i32, %arg2: memref<10240x64xbf16, #tpu.memory_space<hbm>>, %arg3: memref<32x80x128xi32, #tpu.memory_space<hbm>>, %arg4: memref<32x80x128xi32, #tpu.memory_space<hbm>>, %arg5: memref<640x64xbf16, #tpu.memory_space<hbm>>, %arg6: memref<2x10240x64xbf16, #tpu.memory_space<hbm>>, %arg7: memref<80x128xi32, #tpu.memory_space<vmem>>, %arg8: memref<80x128xi32, #tpu.memory_space<vmem>>, %arg9: memref<10240x64xbf16, #tpu.memory_space<vmem_shared>>, %arg10: memref<10240x64xbf16, #tpu.memory_space<vmem_shared>>, %arg11: memref<128x64xbf16, #tpu.memory_space<vmem>>, %arg12: memref<128x64xbf16, #tpu.memory_space<vmem>>, %arg13: memref<128x64xbf16, #tpu.memory_space<vmem>>, %arg14: memref<128x64xbf16, #tpu.memory_space<vmem>>, %arg15: memref<128x64xbf16, #tpu.memory_space<vmem>>, %arg16: memref<128x64xbf16, #tpu.memory_space<vmem>>, %arg17: memref<128x64xbf16, #tpu.memory_space<vmem>>, %arg18: memref<128x64xbf16, #tpu.memory_space<vmem>>, %arg19: memref<!tpu.dma_semaphore, #tpu.memory_space<semaphore_mem>>, %arg20: memref<!tpu.dma_semaphore, #tpu.memory_space<semaphore_mem>>, %arg21: memref<!tpu.dma_semaphore, #tpu.memory_space<semaphore_mem>>, %arg22: memref<!tpu.dma_semaphore, #tpu.memory_space<semaphore_mem>>, %arg23: memref<!tpu.dma_semaphore, #tpu.memory_space<semaphore_mem>>, %arg24: memref<!tpu.dma_semaphore, #tpu.memory_space<semaphore_mem>>, %arg25: memref<!tpu.dma_semaphore, #tpu.memory_space<semaphore_mem>>, %arg26: memref<!tpu.dma_semaphore, #tpu.memory_space<semaphore_mem>>, %arg27: memref<!tpu.dma_semaphore, #tpu.memory_space<semaphore_mem>>, %arg28: memref<!tpu.dma_semaphore, #tpu.memory_space<semaphore_mem>>, %arg29: memref<!tpu.dma_semaphore, #tpu.memory_space<semaphore_mem>>, %arg30: memref<!tpu.dma_semaphore, #tpu.memory_space<semaphore_mem>>, %arg31: memref<!tpu.dma_semaphore, #tpu.memory_space<semaphore_mem>>, %arg32: memref<!tpu.dma_semaphore, #tpu.memory_space<semaphore_mem>>, %arg33: memref<!tpu.dma_semaphore, #tpu.memory_space<semaphore_mem>>, %arg34: memref<!tpu.dma_semaphore, #tpu.memory_space<semaphore_mem>>) attributes {dimension_semantics = [#tpu.dimension_semantics<core_parallel>, #tpu.dimension_semantics<subcore_parallel>], iteration_bounds = array<i64: 2, 16>, scalar_prefetch = 0 : i64, scratch_operands = 28 : i64, tpu.core_type = #tpu.core_type<sc_vector_subcore>, window_params = [{transform_indices = #map}, {transform_indices = #map1}, {transform_indices = #map1}, {transform_indices = #map}, {transform_indices = #map1}]} {
    %mul3A = arith.constant 2 : i32
    %mul3A_0 = arith.muli %arg1, %mul3A : i32
    %add3A = arith.addi %mul3A_0, %arg0 : i32
    %mul3A_1 = arith.constant 640 : i32
    %mul3A_2 = arith.muli %arg1, %mul3A_1 : i32
    %dma_start3A = arith.constant 0 : i32
    %dma_start3A_3 = arith.constant 0 : i32
    %dma_start3A_4 = tpu.memref_slice %arg3[%add3A, %dma_start3A, %dma_start3A_3] : memref<32x80x128xi32, #tpu.memory_space<hbm>> -> memref<1x80x128xi32, #tpu.memory_space<hbm>>
    %dma_start3A_5 = tpu.memref_squeeze %dma_start3A_4 : memref<1x80x128xi32, #tpu.memory_space<hbm>> -> memref<80x128xi32, #tpu.memory_space<hbm>>
    %dma_start3A_6 = arith.constant 0 : i32
    %dma_start3A_7 = arith.constant 0 : i32
    %dma_start3A_8 = tpu.memref_slice %arg3[%add3A, %dma_start3A_6, %dma_start3A_7] : memref<32x80x128xi32, #tpu.memory_space<hbm>> -> memref<1x80x128xi32, #tpu.memory_space<hbm>>
    %dma_start3A_9 = tpu.memref_squeeze %dma_start3A_8 : memref<1x80x128xi32, #tpu.memory_space<hbm>> -> memref<80x128xi32, #tpu.memory_space<hbm>>
    tpu.enqueue_dma source(%dma_start3A_9 : memref<80x128xi32, #tpu.memory_space<hbm>>) target(%arg7 : memref<80x128xi32, #tpu.memory_space<vmem>>) target_semaphore(%arg19 : memref<!tpu.dma_semaphore, #tpu.memory_space<semaphore_mem>>)
    %dma_start3A_10 = arith.constant 0 : i32
    %dma_start3A_11 = arith.constant 0 : i32
    %dma_start3A_12 = tpu.memref_slice %arg4[%add3A, %dma_start3A_10, %dma_start3A_11] : memref<32x80x128xi32, #tpu.memory_space<hbm>> -> memref<1x80x128xi32, #tpu.memory_space<hbm>>
    %dma_start3A_13 = tpu.memref_squeeze %dma_start3A_12 : memref<1x80x128xi32, #tpu.memory_space<hbm>> -> memref<80x128xi32, #tpu.memory_space<hbm>>
    %dma_start3A_14 = arith.constant 0 : i32
    %dma_start3A_15 = arith.constant 0 : i32
    %dma_start3A_16 = tpu.memref_slice %arg4[%add3A, %dma_start3A_14, %dma_start3A_15] : memref<32x80x128xi32, #tpu.memory_space<hbm>> -> memref<1x80x128xi32, #tpu.memory_space<hbm>>
    %dma_start3A_17 = tpu.memref_squeeze %dma_start3A_16 : memref<1x80x128xi32, #tpu.memory_space<hbm>> -> memref<80x128xi32, #tpu.memory_space<hbm>>
    tpu.enqueue_dma source(%dma_start3A_17 : memref<80x128xi32, #tpu.memory_space<hbm>>) target(%arg8 : memref<80x128xi32, #tpu.memory_space<vmem>>) target_semaphore(%arg20 : memref<!tpu.dma_semaphore, #tpu.memory_space<semaphore_mem>>)
    %dma_start3A_18 = arith.constant 0 : i32
    %dma_start3A_19 = tpu.memref_slice %arg9[%mul3A_2, %dma_start3A_18] : memref<10240x64xbf16, #tpu.memory_space<vmem_shared>> -> memref<640x64xbf16, #tpu.memory_space<vmem_shared>>
    tpu.enqueue_dma source(%arg5 : memref<640x64xbf16, #tpu.memory_space<hbm>>) target(%dma_start3A_19 : memref<640x64xbf16, #tpu.memory_space<vmem_shared>>) target_semaphore(%arg21 : memref<!tpu.dma_semaphore, #tpu.memory_space<semaphore_mem>>)
    %dma_start3A_20 = arith.constant 0 : i32
    %dma_start3A_21 = tpu.memref_slice %arg10[%mul3A_2, %dma_start3A_20] : memref<10240x64xbf16, #tpu.memory_space<vmem_shared>> -> memref<640x64xbf16, #tpu.memory_space<vmem_shared>>
    %dma_start3A_22 = arith.constant 0 : i32
    %dma_start3A_23 = tpu.memref_slice %arg2[%mul3A_2, %dma_start3A_22] : memref<10240x64xbf16, #tpu.memory_space<hbm>> -> memref<640x64xbf16, #tpu.memory_space<hbm>>
    tpu.enqueue_dma source(%dma_start3A_23 : memref<640x64xbf16, #tpu.memory_space<hbm>>) target(%dma_start3A_21 : memref<640x64xbf16, #tpu.memory_space<vmem_shared>>) target_semaphore(%arg22 : memref<!tpu.dma_semaphore, #tpu.memory_space<semaphore_mem>>)
    %dma_wait3A = arith.constant 0 : i32
    %dma_wait3A_24 = arith.constant 0 : i32
    %dma_wait3A_25 = tpu.memref_slice %arg3[%add3A, %dma_wait3A, %dma_wait3A_24] : memref<32x80x128xi32, #tpu.memory_space<hbm>> -> memref<1x80x128xi32, #tpu.memory_space<hbm>>
    %dma_wait3A_26 = tpu.memref_squeeze %dma_wait3A_25 : memref<1x80x128xi32, #tpu.memory_space<hbm>> -> memref<80x128xi32, #tpu.memory_space<hbm>>
    %dma_wait3A_27 = arith.constant 0 : i32
    %dma_wait3A_28 = arith.constant 0 : i32
    %dma_wait3A_29 = tpu.memref_slice %arg3[%add3A, %dma_wait3A_27, %dma_wait3A_28] : memref<32x80x128xi32, #tpu.memory_space<hbm>> -> memref<1x80x128xi32, #tpu.memory_space<hbm>>
    %dma_wait3A_30 = tpu.memref_squeeze %dma_wait3A_29 : memref<1x80x128xi32, #tpu.memory_space<hbm>> -> memref<80x128xi32, #tpu.memory_space<hbm>>
    tpu.wait_dma2 semaphore(%arg19 : memref<!tpu.dma_semaphore, #tpu.memory_space<semaphore_mem>>) src(%dma_wait3A_30 : memref<80x128xi32, #tpu.memory_space<hbm>>) dst(%arg7 : memref<80x128xi32, #tpu.memory_space<vmem>>)
    %dma_wait3A_31 = arith.constant 0 : i32
    %dma_wait3A_32 = arith.constant 0 : i32
    %dma_wait3A_33 = tpu.memref_slice %arg4[%add3A, %dma_wait3A_31, %dma_wait3A_32] : memref<32x80x128xi32, #tpu.memory_space<hbm>> -> memref<1x80x128xi32, #tpu.memory_space<hbm>>
    %dma_wait3A_34 = tpu.memref_squeeze %dma_wait3A_33 : memref<1x80x128xi32, #tpu.memory_space<hbm>> -> memref<80x128xi32, #tpu.memory_space<hbm>>
    %dma_wait3A_35 = arith.constant 0 : i32
    %dma_wait3A_36 = arith.constant 0 : i32
    %dma_wait3A_37 = tpu.memref_slice %arg4[%add3A, %dma_wait3A_35, %dma_wait3A_36] : memref<32x80x128xi32, #tpu.memory_space<hbm>> -> memref<1x80x128xi32, #tpu.memory_space<hbm>>
    %dma_wait3A_38 = tpu.memref_squeeze %dma_wait3A_37 : memref<1x80x128xi32, #tpu.memory_space<hbm>> -> memref<80x128xi32, #tpu.memory_space<hbm>>
    tpu.wait_dma2 semaphore(%arg20 : memref<!tpu.dma_semaphore, #tpu.memory_space<semaphore_mem>>) src(%dma_wait3A_38 : memref<80x128xi32, #tpu.memory_space<hbm>>) dst(%arg8 : memref<80x128xi32, #tpu.memory_space<vmem>>)
    %dma_wait3A_39 = arith.constant 0 : i32
    %dma_wait3A_40 = tpu.memref_slice %arg9[%mul3A_2, %dma_wait3A_39] : memref<10240x64xbf16, #tpu.memory_space<vmem_shared>> -> memref<640x64xbf16, #tpu.memory_space<vmem_shared>>
    tpu.wait_dma2 semaphore(%arg21 : memref<!tpu.dma_semaphore, #tpu.memory_space<semaphore_mem>>) src(%arg5 : memref<640x64xbf16, #tpu.memory_space<hbm>>) dst(%dma_wait3A_40 : memref<640x64xbf16, #tpu.memory_space<vmem_shared>>)
    %dma_wait3A_41 = arith.constant 0 : i32
    %dma_wait3A_42 = tpu.memref_slice %arg10[%mul3A_2, %dma_wait3A_41] : memref<10240x64xbf16, #tpu.memory_space<vmem_shared>> -> memref<640x64xbf16, #tpu.memory_space<vmem_shared>>
    %dma_wait3A_43 = arith.constant 0 : i32
    %dma_wait3A_44 = tpu.memref_slice %arg2[%mul3A_2, %dma_wait3A_43] : memref<10240x64xbf16, #tpu.memory_space<hbm>> -> memref<640x64xbf16, #tpu.memory_space<hbm>>
    tpu.wait_dma2 semaphore(%arg22 : memref<!tpu.dma_semaphore, #tpu.memory_space<semaphore_mem>>) src(%dma_wait3A_44 : memref<640x64xbf16, #tpu.memory_space<hbm>>) dst(%dma_wait3A_42 : memref<640x64xbf16, #tpu.memory_space<vmem_shared>>)
    %barrier3A = arith.constant 0 : index
    tpu.barrier barrier_id(%barrier3A)
    %scan3A = arith.constant 0 : i32
    %scan3A_45 = arith.constant 10 : i32
    %scan3A_46 = arith.addi %scan3A, %scan3A_45 : i32
    %scan3A_47 = arith.constant 1 : i32
    scf.for %scan3A_106 = %scan3A to %scan3A_46 step %scan3A_47  : i32 {
      %mul3A_107 = arith.constant 1 : i32
      %mul3A_108 = arith.muli %scan3A_106, %mul3A_107 : i32
      %add3A_109 = arith.constant 0 : i32
      %add3A_110 = arith.addi %add3A_109, %mul3A_108 : i32
      %mul3A_111 = arith.constant 8 : i32
      %mul3A_112 = arith.muli %add3A_110, %mul3A_111 : i32
      %add3A_113 = arith.constant 0 : i32
      %add3A_114 = arith.addi %mul3A_112, %add3A_113 : i32
      %gt3A = arith.constant 0 : i32
      %gt3A_115 = arith.cmpi sgt, %add3A_110, %gt3A : i32
      %convert_element_type3A = arith.extui %gt3A_115 : i1 to i32
      %cond3A = arith.constant 0 : i32
      %cond3A_116 = arith.cmpi ne, %convert_element_type3A, %cond3A : i32
      scf.if %cond3A_116 {
        %sub3A = arith.constant 8 : i32
        %sub3A_356 = arith.subi %add3A_114, %sub3A : i32
        %dma_wait3A_357 = arith.constant 0 : i32
        %dma_wait3A_358 = tpu.memref_slice %arg8[%sub3A_356, %dma_wait3A_357] : memref<80x128xi32, #tpu.memory_space<vmem>> -> memref<1x128xi32, #tpu.memory_space<vmem>>
        %dma_wait3A_359 = tpu.memref_squeeze %dma_wait3A_358 : memref<1x128xi32, #tpu.memory_space<vmem>> -> memref<128xi32, #tpu.memory_space<vmem>>
        %dma_wait3A_360 = arith.constant 0 : i32
        %dma_wait3A_361 = arith.constant 0 : i32
        %dma_wait3A_362 = tpu.memref_slice %arg9[%dma_wait3A_360, %dma_wait3A_361] : memref<10240x64xbf16, #tpu.memory_space<vmem_shared>> -> memref<10240x64xbf16, #tpu.memory_space<vmem_shared>>
        tpu.wait_indirect_dma semaphore(%arg27 : memref<!tpu.dma_semaphore, #tpu.memory_space<semaphore_mem>>) src(%arg11 : memref<128x64xbf16, #tpu.memory_space<vmem>>) dst(%dma_wait3A_362 : memref<10240x64xbf16, #tpu.memory_space<vmem_shared>>)
      } else {
      }
      %lt3A = arith.constant 76 : i32
      %lt3A_117 = arith.cmpi slt, %add3A_114, %lt3A : i32
      %convert_element_type3A_118 = arith.extui %lt3A_117 : i1 to i32
      %cond3A_119 = arith.constant 0 : i32
      %cond3A_120 = arith.cmpi ne, %convert_element_type3A_118, %cond3A_119 : i32
      scf.if %cond3A_120 {
        %dma_start3A_356 = arith.constant 0 : i32
        %dma_start3A_357 = tpu.memref_slice %arg7[%add3A_114, %dma_start3A_356] : memref<80x128xi32, #tpu.memory_space<vmem>> -> memref<1x128xi32, #tpu.memory_space<vmem>>
        %dma_start3A_358 = tpu.memref_squeeze %dma_start3A_357 : memref<1x128xi32, #tpu.memory_space<vmem>> -> memref<128xi32, #tpu.memory_space<vmem>>
        %dma_start3A_359 = arith.constant 0 : i32
        %dma_start3A_360 = arith.constant 0 : i32
        %dma_start3A_361 = tpu.memref_slice %arg2[%dma_start3A_359, %dma_start3A_360] : memref<10240x64xbf16, #tpu.memory_space<hbm>> -> memref<10240x64xbf16, #tpu.memory_space<hbm>>
        tpu.enqueue_indirect_dma source(%dma_start3A_361 : memref<10240x64xbf16, #tpu.memory_space<hbm>>) target(%arg11 : memref<128x64xbf16, #tpu.memory_space<vmem>>) offsets(%dma_start3A_358 : memref<128xi32, #tpu.memory_space<vmem>>) semaphore(%arg19 : memref<!tpu.dma_semaphore, #tpu.memory_space<semaphore_mem>>)
      } else {
      }
      %ge3A = arith.constant 76 : i32
      %ge3A_121 = arith.cmpi sge, %add3A_114, %ge3A : i32
      %convert_element_type3A_122 = arith.extui %ge3A_121 : i1 to i32
      %cond3A_123 = arith.constant 0 : i32
      %cond3A_124 = arith.cmpi ne, %convert_element_type3A_122, %cond3A_123 : i32
      scf.if %cond3A_124 {
        %dma_start3A_356 = arith.constant 0 : i32
        %dma_start3A_357 = tpu.memref_slice %arg7[%add3A_114, %dma_start3A_356] : memref<80x128xi32, #tpu.memory_space<vmem>> -> memref<1x128xi32, #tpu.memory_space<vmem>>
        %dma_start3A_358 = tpu.memref_squeeze %dma_start3A_357 : memref<1x128xi32, #tpu.memory_space<vmem>> -> memref<128xi32, #tpu.memory_space<vmem>>
        %dma_start3A_359 = arith.constant 0 : i32
        %dma_start3A_360 = arith.constant 0 : i32
        %dma_start3A_361 = tpu.memref_slice %arg10[%dma_start3A_359, %dma_start3A_360] : memref<10240x64xbf16, #tpu.memory_space<vmem_shared>> -> memref<10240x64xbf16, #tpu.memory_space<vmem_shared>>
        tpu.enqueue_indirect_dma source(%dma_start3A_361 : memref<10240x64xbf16, #tpu.memory_space<vmem_shared>>) target(%arg11 : memref<128x64xbf16, #tpu.memory_space<vmem>>) offsets(%dma_start3A_358 : memref<128xi32, #tpu.memory_space<vmem>>) semaphore(%arg19 : memref<!tpu.dma_semaphore, #tpu.memory_space<semaphore_mem>>)
      } else {
      }
      %add3A_125 = arith.constant 1 : i32
      %add3A_126 = arith.addi %mul3A_112, %add3A_125 : i32
      %gt3A_127 = arith.constant 0 : i32
      %gt3A_128 = arith.cmpi sgt, %add3A_110, %gt3A_127 : i32
      %convert_element_type3A_129 = arith.extui %gt3A_128 : i1 to i32
      %cond3A_130 = arith.constant 0 : i32
      %cond3A_131 = arith.cmpi ne, %convert_element_type3A_129, %cond3A_130 : i32
      scf.if %cond3A_131 {
        %sub3A = arith.constant 8 : i32
        %sub3A_356 = arith.subi %add3A_126, %sub3A : i32
        %dma_wait3A_357 = arith.constant 0 : i32
        %dma_wait3A_358 = tpu.memref_slice %arg8[%sub3A_356, %dma_wait3A_357] : memref<80x128xi32, #tpu.memory_space<vmem>> -> memref<1x128xi32, #tpu.memory_space<vmem>>
        %dma_wait3A_359 = tpu.memref_squeeze %dma_wait3A_358 : memref<1x128xi32, #tpu.memory_space<vmem>> -> memref<128xi32, #tpu.memory_space<vmem>>
        %dma_wait3A_360 = arith.constant 0 : i32
        %dma_wait3A_361 = arith.constant 0 : i32
        %dma_wait3A_362 = tpu.memref_slice %arg9[%dma_wait3A_360, %dma_wait3A_361] : memref<10240x64xbf16, #tpu.memory_space<vmem_shared>> -> memref<10240x64xbf16, #tpu.memory_space<vmem_shared>>
        tpu.wait_indirect_dma semaphore(%arg28 : memref<!tpu.dma_semaphore, #tpu.memory_space<semaphore_mem>>) src(%arg12 : memref<128x64xbf16, #tpu.memory_space<vmem>>) dst(%dma_wait3A_362 : memref<10240x64xbf16, #tpu.memory_space<vmem_shared>>)
      } else {
      }
      %lt3A_132 = arith.constant 76 : i32
      %lt3A_133 = arith.cmpi slt, %add3A_126, %lt3A_132 : i32
      %convert_element_type3A_134 = arith.extui %lt3A_133 : i1 to i32
      %cond3A_135 = arith.constant 0 : i32
      %cond3A_136 = arith.cmpi ne, %convert_element_type3A_134, %cond3A_135 : i32
      scf.if %cond3A_136 {
        %dma_start3A_356 = arith.constant 0 : i32
        %dma_start3A_357 = tpu.memref_slice %arg7[%add3A_126, %dma_start3A_356] : memref<80x128xi32, #tpu.memory_space<vmem>> -> memref<1x128xi32, #tpu.memory_space<vmem>>
        %dma_start3A_358 = tpu.memref_squeeze %dma_start3A_357 : memref<1x128xi32, #tpu.memory_space<vmem>> -> memref<128xi32, #tpu.memory_space<vmem>>
        %dma_start3A_359 = arith.constant 0 : i32
        %dma_start3A_360 = arith.constant 0 : i32
        %dma_start3A_361 = tpu.memref_slice %arg2[%dma_start3A_359, %dma_start3A_360] : memref<10240x64xbf16, #tpu.memory_space<hbm>> -> memref<10240x64xbf16, #tpu.memory_space<hbm>>
        tpu.enqueue_indirect_dma source(%dma_start3A_361 : memref<10240x64xbf16, #tpu.memory_space<hbm>>) target(%arg12 : memref<128x64xbf16, #tpu.memory_space<vmem>>) offsets(%dma_start3A_358 : memref<128xi32, #tpu.memory_space<vmem>>) semaphore(%arg20 : memref<!tpu.dma_semaphore, #tpu.memory_space<semaphore_mem>>)
      } else {
      }
      %ge3A_137 = arith.constant 76 : i32
      %ge3A_138 = arith.cmpi sge, %add3A_126, %ge3A_137 : i32
      %convert_element_type3A_139 = arith.extui %ge3A_138 : i1 to i32
      %cond3A_140 = arith.constant 0 : i32
      %cond3A_141 = arith.cmpi ne, %convert_element_type3A_139, %cond3A_140 : i32
      scf.if %cond3A_141 {
        %dma_start3A_356 = arith.constant 0 : i32
        %dma_start3A_357 = tpu.memref_slice %arg7[%add3A_126, %dma_start3A_356] : memref<80x128xi32, #tpu.memory_space<vmem>> -> memref<1x128xi32, #tpu.memory_space<vmem>>
        %dma_start3A_358 = tpu.memref_squeeze %dma_start3A_357 : memref<1x128xi32, #tpu.memory_space<vmem>> -> memref<128xi32, #tpu.memory_space<vmem>>
        %dma_start3A_359 = arith.constant 0 : i32
        %dma_start3A_360 = arith.constant 0 : i32
        %dma_start3A_361 = tpu.memref_slice %arg10[%dma_start3A_359, %dma_start3A_360] : memref<10240x64xbf16, #tpu.memory_space<vmem_shared>> -> memref<10240x64xbf16, #tpu.memory_space<vmem_shared>>
        tpu.enqueue_indirect_dma source(%dma_start3A_361 : memref<10240x64xbf16, #tpu.memory_space<vmem_shared>>) target(%arg12 : memref<128x64xbf16, #tpu.memory_space<vmem>>) offsets(%dma_start3A_358 : memref<128xi32, #tpu.memory_space<vmem>>) semaphore(%arg20 : memref<!tpu.dma_semaphore, #tpu.memory_space<semaphore_mem>>)
      } else {
      }
      %add3A_142 = arith.constant 2 : i32
      %add3A_143 = arith.addi %mul3A_112, %add3A_142 : i32
      %gt3A_144 = arith.constant 0 : i32
      %gt3A_145 = arith.cmpi sgt, %add3A_110, %gt3A_144 : i32
      %convert_element_type3A_146 = arith.extui %gt3A_145 : i1 to i32
      %cond3A_147 = arith.constant 0 : i32
      %cond3A_148 = arith.cmpi ne, %convert_element_type3A_146, %cond3A_147 : i32
      scf.if %cond3A_148 {
        %sub3A = arith.constant 8 : i32
        %sub3A_356 = arith.subi %add3A_143, %sub3A : i32
        %dma_wait3A_357 = arith.constant 0 : i32
        %dma_wait3A_358 = tpu.memref_slice %arg8[%sub3A_356, %dma_wait3A_357] : memref<80x128xi32, #tpu.memory_space<vmem>> -> memref<1x128xi32, #tpu.memory_space<vmem>>
        %dma_wait3A_359 = tpu.memref_squeeze %dma_wait3A_358 : memref<1x128xi32, #tpu.memory_space<vmem>> -> memref<128xi32, #tpu.memory_space<vmem>>
        %dma_wait3A_360 = arith.constant 0 : i32
        %dma_wait3A_361 = arith.constant 0 : i32
        %dma_wait3A_362 = tpu.memref_slice %arg9[%dma_wait3A_360, %dma_wait3A_361] : memref<10240x64xbf16, #tpu.memory_space<vmem_shared>> -> memref<10240x64xbf16, #tpu.memory_space<vmem_shared>>
        tpu.wait_indirect_dma semaphore(%arg29 : memref<!tpu.dma_semaphore, #tpu.memory_space<semaphore_mem>>) src(%arg13 : memref<128x64xbf16, #tpu.memory_space<vmem>>) dst(%dma_wait3A_362 : memref<10240x64xbf16, #tpu.memory_space<vmem_shared>>)
      } else {
      }
      %lt3A_149 = arith.constant 76 : i32
      %lt3A_150 = arith.cmpi slt, %add3A_143, %lt3A_149 : i32
      %convert_element_type3A_151 = arith.extui %lt3A_150 : i1 to i32
      %cond3A_152 = arith.constant 0 : i32
      %cond3A_153 = arith.cmpi ne, %convert_element_type3A_151, %cond3A_152 : i32
      scf.if %cond3A_153 {
        %dma_start3A_356 = arith.constant 0 : i32
        %dma_start3A_357 = tpu.memref_slice %arg7[%add3A_143, %dma_start3A_356] : memref<80x128xi32, #tpu.memory_space<vmem>> -> memref<1x128xi32, #tpu.memory_space<vmem>>
        %dma_start3A_358 = tpu.memref_squeeze %dma_start3A_357 : memref<1x128xi32, #tpu.memory_space<vmem>> -> memref<128xi32, #tpu.memory_space<vmem>>
        %dma_start3A_359 = arith.constant 0 : i32
        %dma_start3A_360 = arith.constant 0 : i32
        %dma_start3A_361 = tpu.memref_slice %arg2[%dma_start3A_359, %dma_start3A_360] : memref<10240x64xbf16, #tpu.memory_space<hbm>> -> memref<10240x64xbf16, #tpu.memory_space<hbm>>
        tpu.enqueue_indirect_dma source(%dma_start3A_361 : memref<10240x64xbf16, #tpu.memory_space<hbm>>) target(%arg13 : memref<128x64xbf16, #tpu.memory_space<vmem>>) offsets(%dma_start3A_358 : memref<128xi32, #tpu.memory_space<vmem>>) semaphore(%arg21 : memref<!tpu.dma_semaphore, #tpu.memory_space<semaphore_mem>>)
      } else {
      }
      %ge3A_154 = arith.constant 76 : i32
      %ge3A_155 = arith.cmpi sge, %add3A_143, %ge3A_154 : i32
      %convert_element_type3A_156 = arith.extui %ge3A_155 : i1 to i32
      %cond3A_157 = arith.constant 0 : i32
      %cond3A_158 = arith.cmpi ne, %convert_element_type3A_156, %cond3A_157 : i32
      scf.if %cond3A_158 {
        %dma_start3A_356 = arith.constant 0 : i32
        %dma_start3A_357 = tpu.memref_slice %arg7[%add3A_143, %dma_start3A_356] : memref<80x128xi32, #tpu.memory_space<vmem>> -> memref<1x128xi32, #tpu.memory_space<vmem>>
        %dma_start3A_358 = tpu.memref_squeeze %dma_start3A_357 : memref<1x128xi32, #tpu.memory_space<vmem>> -> memref<128xi32, #tpu.memory_space<vmem>>
        %dma_start3A_359 = arith.constant 0 : i32
        %dma_start3A_360 = arith.constant 0 : i32
        %dma_start3A_361 = tpu.memref_slice %arg10[%dma_start3A_359, %dma_start3A_360] : memref<10240x64xbf16, #tpu.memory_space<vmem_shared>> -> memref<10240x64xbf16, #tpu.memory_space<vmem_shared>>
        tpu.enqueue_indirect_dma source(%dma_start3A_361 : memref<10240x64xbf16, #tpu.memory_space<vmem_shared>>) target(%arg13 : memref<128x64xbf16, #tpu.memory_space<vmem>>) offsets(%dma_start3A_358 : memref<128xi32, #tpu.memory_space<vmem>>) semaphore(%arg21 : memref<!tpu.dma_semaphore, #tpu.memory_space<semaphore_mem>>)
      } else {
      }
      %add3A_159 = arith.constant 3 : i32
      %add3A_160 = arith.addi %mul3A_112, %add3A_159 : i32
      %gt3A_161 = arith.constant 0 : i32
      %gt3A_162 = arith.cmpi sgt, %add3A_110, %gt3A_161 : i32
      %convert_element_type3A_163 = arith.extui %gt3A_162 : i1 to i32
      %cond3A_164 = arith.constant 0 : i32
      %cond3A_165 = arith.cmpi ne, %convert_element_type3A_163, %cond3A_164 : i32
      scf.if %cond3A_165 {
        %sub3A = arith.constant 8 : i32
        %sub3A_356 = arith.subi %add3A_160, %sub3A : i32
        %dma_wait3A_357 = arith.constant 0 : i32
        %dma_wait3A_358 = tpu.memref_slice %arg8[%sub3A_356, %dma_wait3A_357] : memref<80x128xi32, #tpu.memory_space<vmem>> -> memref<1x128xi32, #tpu.memory_space<vmem>>
        %dma_wait3A_359 = tpu.memref_squeeze %dma_wait3A_358 : memref<1x128xi32, #tpu.memory_space<vmem>> -> memref<128xi32, #tpu.memory_space<vmem>>
        %dma_wait3A_360 = arith.constant 0 : i32
        %dma_wait3A_361 = arith.constant 0 : i32
        %dma_wait3A_362 = tpu.memref_slice %arg9[%dma_wait3A_360, %dma_wait3A_361] : memref<10240x64xbf16, #tpu.memory_space<vmem_shared>> -> memref<10240x64xbf16, #tpu.memory_space<vmem_shared>>
        tpu.wait_indirect_dma semaphore(%arg30 : memref<!tpu.dma_semaphore, #tpu.memory_space<semaphore_mem>>) src(%arg14 : memref<128x64xbf16, #tpu.memory_space<vmem>>) dst(%dma_wait3A_362 : memref<10240x64xbf16, #tpu.memory_space<vmem_shared>>)
      } else {
      }
      %lt3A_166 = arith.constant 76 : i32
      %lt3A_167 = arith.cmpi slt, %add3A_160, %lt3A_166 : i32
      %convert_element_type3A_168 = arith.extui %lt3A_167 : i1 to i32
      %cond3A_169 = arith.constant 0 : i32
      %cond3A_170 = arith.cmpi ne, %convert_element_type3A_168, %cond3A_169 : i32
      scf.if %cond3A_170 {
        %dma_start3A_356 = arith.constant 0 : i32
        %dma_start3A_357 = tpu.memref_slice %arg7[%add3A_160, %dma_start3A_356] : memref<80x128xi32, #tpu.memory_space<vmem>> -> memref<1x128xi32, #tpu.memory_space<vmem>>
        %dma_start3A_358 = tpu.memref_squeeze %dma_start3A_357 : memref<1x128xi32, #tpu.memory_space<vmem>> -> memref<128xi32, #tpu.memory_space<vmem>>
        %dma_start3A_359 = arith.constant 0 : i32
        %dma_start3A_360 = arith.constant 0 : i32
        %dma_start3A_361 = tpu.memref_slice %arg2[%dma_start3A_359, %dma_start3A_360] : memref<10240x64xbf16, #tpu.memory_space<hbm>> -> memref<10240x64xbf16, #tpu.memory_space<hbm>>
        tpu.enqueue_indirect_dma source(%dma_start3A_361 : memref<10240x64xbf16, #tpu.memory_space<hbm>>) target(%arg14 : memref<128x64xbf16, #tpu.memory_space<vmem>>) offsets(%dma_start3A_358 : memref<128xi32, #tpu.memory_space<vmem>>) semaphore(%arg22 : memref<!tpu.dma_semaphore, #tpu.memory_space<semaphore_mem>>)
      } else {
      }
      %ge3A_171 = arith.constant 76 : i32
      %ge3A_172 = arith.cmpi sge, %add3A_160, %ge3A_171 : i32
      %convert_element_type3A_173 = arith.extui %ge3A_172 : i1 to i32
      %cond3A_174 = arith.constant 0 : i32
      %cond3A_175 = arith.cmpi ne, %convert_element_type3A_173, %cond3A_174 : i32
      scf.if %cond3A_175 {
        %dma_start3A_356 = arith.constant 0 : i32
        %dma_start3A_357 = tpu.memref_slice %arg7[%add3A_160, %dma_start3A_356] : memref<80x128xi32, #tpu.memory_space<vmem>> -> memref<1x128xi32, #tpu.memory_space<vmem>>
        %dma_start3A_358 = tpu.memref_squeeze %dma_start3A_357 : memref<1x128xi32, #tpu.memory_space<vmem>> -> memref<128xi32, #tpu.memory_space<vmem>>
        %dma_start3A_359 = arith.constant 0 : i32
        %dma_start3A_360 = arith.constant 0 : i32
        %dma_start3A_361 = tpu.memref_slice %arg10[%dma_start3A_359, %dma_start3A_360] : memref<10240x64xbf16, #tpu.memory_space<vmem_shared>> -> memref<10240x64xbf16, #tpu.memory_space<vmem_shared>>
        tpu.enqueue_indirect_dma source(%dma_start3A_361 : memref<10240x64xbf16, #tpu.memory_space<vmem_shared>>) target(%arg14 : memref<128x64xbf16, #tpu.memory_space<vmem>>) offsets(%dma_start3A_358 : memref<128xi32, #tpu.memory_space<vmem>>) semaphore(%arg22 : memref<!tpu.dma_semaphore, #tpu.memory_space<semaphore_mem>>)
      } else {
      }
      %add3A_176 = arith.constant 4 : i32
      %add3A_177 = arith.addi %mul3A_112, %add3A_176 : i32
      %gt3A_178 = arith.constant 0 : i32
      %gt3A_179 = arith.cmpi sgt, %add3A_110, %gt3A_178 : i32
      %convert_element_type3A_180 = arith.extui %gt3A_179 : i1 to i32
      %cond3A_181 = arith.constant 0 : i32
      %cond3A_182 = arith.cmpi ne, %convert_element_type3A_180, %cond3A_181 : i32
      scf.if %cond3A_182 {
        %sub3A = arith.constant 8 : i32
        %sub3A_356 = arith.subi %add3A_177, %sub3A : i32
        %dma_wait3A_357 = arith.constant 0 : i32
        %dma_wait3A_358 = tpu.memref_slice %arg8[%sub3A_356, %dma_wait3A_357] : memref<80x128xi32, #tpu.memory_space<vmem>> -> memref<1x128xi32, #tpu.memory_space<vmem>>
        %dma_wait3A_359 = tpu.memref_squeeze %dma_wait3A_358 : memref<1x128xi32, #tpu.memory_space<vmem>> -> memref<128xi32, #tpu.memory_space<vmem>>
        %dma_wait3A_360 = arith.constant 0 : i32
        %dma_wait3A_361 = arith.constant 0 : i32
        %dma_wait3A_362 = tpu.memref_slice %arg9[%dma_wait3A_360, %dma_wait3A_361] : memref<10240x64xbf16, #tpu.memory_space<vmem_shared>> -> memref<10240x64xbf16, #tpu.memory_space<vmem_shared>>
        tpu.wait_indirect_dma semaphore(%arg31 : memref<!tpu.dma_semaphore, #tpu.memory_space<semaphore_mem>>) src(%arg15 : memref<128x64xbf16, #tpu.memory_space<vmem>>) dst(%dma_wait3A_362 : memref<10240x64xbf16, #tpu.memory_space<vmem_shared>>)
      } else {
      }
      %lt3A_183 = arith.constant 76 : i32
      %lt3A_184 = arith.cmpi slt, %add3A_177, %lt3A_183 : i32
      %convert_element_type3A_185 = arith.extui %lt3A_184 : i1 to i32
      %cond3A_186 = arith.constant 0 : i32
      %cond3A_187 = arith.cmpi ne, %convert_element_type3A_185, %cond3A_186 : i32
      scf.if %cond3A_187 {
        %dma_start3A_356 = arith.constant 0 : i32
        %dma_start3A_357 = tpu.memref_slice %arg7[%add3A_177, %dma_start3A_356] : memref<80x128xi32, #tpu.memory_space<vmem>> -> memref<1x128xi32, #tpu.memory_space<vmem>>
        %dma_start3A_358 = tpu.memref_squeeze %dma_start3A_357 : memref<1x128xi32, #tpu.memory_space<vmem>> -> memref<128xi32, #tpu.memory_space<vmem>>
        %dma_start3A_359 = arith.constant 0 : i32
        %dma_start3A_360 = arith.constant 0 : i32
        %dma_start3A_361 = tpu.memref_slice %arg2[%dma_start3A_359, %dma_start3A_360] : memref<10240x64xbf16, #tpu.memory_space<hbm>> -> memref<10240x64xbf16, #tpu.memory_space<hbm>>
        tpu.enqueue_indirect_dma source(%dma_start3A_361 : memref<10240x64xbf16, #tpu.memory_space<hbm>>) target(%arg15 : memref<128x64xbf16, #tpu.memory_space<vmem>>) offsets(%dma_start3A_358 : memref<128xi32, #tpu.memory_space<vmem>>) semaphore(%arg23 : memref<!tpu.dma_semaphore, #tpu.memory_space<semaphore_mem>>)
      } else {
      }
      %ge3A_188 = arith.constant 76 : i32
      %ge3A_189 = arith.cmpi sge, %add3A_177, %ge3A_188 : i32
      %convert_element_type3A_190 = arith.extui %ge3A_189 : i1 to i32
      %cond3A_191 = arith.constant 0 : i32
      %cond3A_192 = arith.cmpi ne, %convert_element_type3A_190, %cond3A_191 : i32
      scf.if %cond3A_192 {
        %dma_start3A_356 = arith.constant 0 : i32
        %dma_start3A_357 = tpu.memref_slice %arg7[%add3A_177, %dma_start3A_356] : memref<80x128xi32, #tpu.memory_space<vmem>> -> memref<1x128xi32, #tpu.memory_space<vmem>>
        %dma_start3A_358 = tpu.memref_squeeze %dma_start3A_357 : memref<1x128xi32, #tpu.memory_space<vmem>> -> memref<128xi32, #tpu.memory_space<vmem>>
        %dma_start3A_359 = arith.constant 0 : i32
        %dma_start3A_360 = arith.constant 0 : i32
        %dma_start3A_361 = tpu.memref_slice %arg10[%dma_start3A_359, %dma_start3A_360] : memref<10240x64xbf16, #tpu.memory_space<vmem_shared>> -> memref<10240x64xbf16, #tpu.memory_space<vmem_shared>>
        tpu.enqueue_indirect_dma source(%dma_start3A_361 : memref<10240x64xbf16, #tpu.memory_space<vmem_shared>>) target(%arg15 : memref<128x64xbf16, #tpu.memory_space<vmem>>) offsets(%dma_start3A_358 : memref<128xi32, #tpu.memory_space<vmem>>) semaphore(%arg23 : memref<!tpu.dma_semaphore, #tpu.memory_space<semaphore_mem>>)
      } else {
      }
      %add3A_193 = arith.constant 5 : i32
      %add3A_194 = arith.addi %mul3A_112, %add3A_193 : i32
      %gt3A_195 = arith.constant 0 : i32
      %gt3A_196 = arith.cmpi sgt, %add3A_110, %gt3A_195 : i32
      %convert_element_type3A_197 = arith.extui %gt3A_196 : i1 to i32
      %cond3A_198 = arith.constant 0 : i32
      %cond3A_199 = arith.cmpi ne, %convert_element_type3A_197, %cond3A_198 : i32
      scf.if %cond3A_199 {
        %sub3A = arith.constant 8 : i32
        %sub3A_356 = arith.subi %add3A_194, %sub3A : i32
        %dma_wait3A_357 = arith.constant 0 : i32
        %dma_wait3A_358 = tpu.memref_slice %arg8[%sub3A_356, %dma_wait3A_357] : memref<80x128xi32, #tpu.memory_space<vmem>> -> memref<1x128xi32, #tpu.memory_space<vmem>>
        %dma_wait3A_359 = tpu.memref_squeeze %dma_wait3A_358 : memref<1x128xi32, #tpu.memory_space<vmem>> -> memref<128xi32, #tpu.memory_space<vmem>>
        %dma_wait3A_360 = arith.constant 0 : i32
        %dma_wait3A_361 = arith.constant 0 : i32
        %dma_wait3A_362 = tpu.memref_slice %arg9[%dma_wait3A_360, %dma_wait3A_361] : memref<10240x64xbf16, #tpu.memory_space<vmem_shared>> -> memref<10240x64xbf16, #tpu.memory_space<vmem_shared>>
        tpu.wait_indirect_dma semaphore(%arg32 : memref<!tpu.dma_semaphore, #tpu.memory_space<semaphore_mem>>) src(%arg16 : memref<128x64xbf16, #tpu.memory_space<vmem>>) dst(%dma_wait3A_362 : memref<10240x64xbf16, #tpu.memory_space<vmem_shared>>)
      } else {
      }
      %lt3A_200 = arith.constant 76 : i32
      %lt3A_201 = arith.cmpi slt, %add3A_194, %lt3A_200 : i32
      %convert_element_type3A_202 = arith.extui %lt3A_201 : i1 to i32
      %cond3A_203 = arith.constant 0 : i32
      %cond3A_204 = arith.cmpi ne, %convert_element_type3A_202, %cond3A_203 : i32
      scf.if %cond3A_204 {
        %dma_start3A_356 = arith.constant 0 : i32
        %dma_start3A_357 = tpu.memref_slice %arg7[%add3A_194, %dma_start3A_356] : memref<80x128xi32, #tpu.memory_space<vmem>> -> memref<1x128xi32, #tpu.memory_space<vmem>>
        %dma_start3A_358 = tpu.memref_squeeze %dma_start3A_357 : memref<1x128xi32, #tpu.memory_space<vmem>> -> memref<128xi32, #tpu.memory_space<vmem>>
        %dma_start3A_359 = arith.constant 0 : i32
        %dma_start3A_360 = arith.constant 0 : i32
        %dma_start3A_361 = tpu.memref_slice %arg2[%dma_start3A_359, %dma_start3A_360] : memref<10240x64xbf16, #tpu.memory_space<hbm>> -> memref<10240x64xbf16, #tpu.memory_space<hbm>>
        tpu.enqueue_indirect_dma source(%dma_start3A_361 : memref<10240x64xbf16, #tpu.memory_space<hbm>>) target(%arg16 : memref<128x64xbf16, #tpu.memory_space<vmem>>) offsets(%dma_start3A_358 : memref<128xi32, #tpu.memory_space<vmem>>) semaphore(%arg24 : memref<!tpu.dma_semaphore, #tpu.memory_space<semaphore_mem>>)
      } else {
      }
      %ge3A_205 = arith.constant 76 : i32
      %ge3A_206 = arith.cmpi sge, %add3A_194, %ge3A_205 : i32
      %convert_element_type3A_207 = arith.extui %ge3A_206 : i1 to i32
      %cond3A_208 = arith.constant 0 : i32
      %cond3A_209 = arith.cmpi ne, %convert_element_type3A_207, %cond3A_208 : i32
      scf.if %cond3A_209 {
        %dma_start3A_356 = arith.constant 0 : i32
        %dma_start3A_357 = tpu.memref_slice %arg7[%add3A_194, %dma_start3A_356] : memref<80x128xi32, #tpu.memory_space<vmem>> -> memref<1x128xi32, #tpu.memory_space<vmem>>
        %dma_start3A_358 = tpu.memref_squeeze %dma_start3A_357 : memref<1x128xi32, #tpu.memory_space<vmem>> -> memref<128xi32, #tpu.memory_space<vmem>>
        %dma_start3A_359 = arith.constant 0 : i32
        %dma_start3A_360 = arith.constant 0 : i32
        %dma_start3A_361 = tpu.memref_slice %arg10[%dma_start3A_359, %dma_start3A_360] : memref<10240x64xbf16, #tpu.memory_space<vmem_shared>> -> memref<10240x64xbf16, #tpu.memory_space<vmem_shared>>
        tpu.enqueue_indirect_dma source(%dma_start3A_361 : memref<10240x64xbf16, #tpu.memory_space<vmem_shared>>) target(%arg16 : memref<128x64xbf16, #tpu.memory_space<vmem>>) offsets(%dma_start3A_358 : memref<128xi32, #tpu.memory_space<vmem>>) semaphore(%arg24 : memref<!tpu.dma_semaphore, #tpu.memory_space<semaphore_mem>>)
      } else {
      }
      %add3A_210 = arith.constant 6 : i32
      %add3A_211 = arith.addi %mul3A_112, %add3A_210 : i32
      %gt3A_212 = arith.constant 0 : i32
      %gt3A_213 = arith.cmpi sgt, %add3A_110, %gt3A_212 : i32
      %convert_element_type3A_214 = arith.extui %gt3A_213 : i1 to i32
      %cond3A_215 = arith.constant 0 : i32
      %cond3A_216 = arith.cmpi ne, %convert_element_type3A_214, %cond3A_215 : i32
      scf.if %cond3A_216 {
        %sub3A = arith.constant 8 : i32
        %sub3A_356 = arith.subi %add3A_211, %sub3A : i32
        %dma_wait3A_357 = arith.constant 0 : i32
        %dma_wait3A_358 = tpu.memref_slice %arg8[%sub3A_356, %dma_wait3A_357] : memref<80x128xi32, #tpu.memory_space<vmem>> -> memref<1x128xi32, #tpu.memory_space<vmem>>
        %dma_wait3A_359 = tpu.memref_squeeze %dma_wait3A_358 : memref<1x128xi32, #tpu.memory_space<vmem>> -> memref<128xi32, #tpu.memory_space<vmem>>
        %dma_wait3A_360 = arith.constant 0 : i32
        %dma_wait3A_361 = arith.constant 0 : i32
        %dma_wait3A_362 = tpu.memref_slice %arg9[%dma_wait3A_360, %dma_wait3A_361] : memref<10240x64xbf16, #tpu.memory_space<vmem_shared>> -> memref<10240x64xbf16, #tpu.memory_space<vmem_shared>>
        tpu.wait_indirect_dma semaphore(%arg33 : memref<!tpu.dma_semaphore, #tpu.memory_space<semaphore_mem>>) src(%arg17 : memref<128x64xbf16, #tpu.memory_space<vmem>>) dst(%dma_wait3A_362 : memref<10240x64xbf16, #tpu.memory_space<vmem_shared>>)
      } else {
      }
      %lt3A_217 = arith.constant 76 : i32
      %lt3A_218 = arith.cmpi slt, %add3A_211, %lt3A_217 : i32
      %convert_element_type3A_219 = arith.extui %lt3A_218 : i1 to i32
      %cond3A_220 = arith.constant 0 : i32
      %cond3A_221 = arith.cmpi ne, %convert_element_type3A_219, %cond3A_220 : i32
      scf.if %cond3A_221 {
        %dma_start3A_356 = arith.constant 0 : i32
        %dma_start3A_357 = tpu.memref_slice %arg7[%add3A_211, %dma_start3A_356] : memref<80x128xi32, #tpu.memory_space<vmem>> -> memref<1x128xi32, #tpu.memory_space<vmem>>
        %dma_start3A_358 = tpu.memref_squeeze %dma_start3A_357 : memref<1x128xi32, #tpu.memory_space<vmem>> -> memref<128xi32, #tpu.memory_space<vmem>>
        %dma_start3A_359 = arith.constant 0 : i32
        %dma_start3A_360 = arith.constant 0 : i32
        %dma_start3A_361 = tpu.memref_slice %arg2[%dma_start3A_359, %dma_start3A_360] : memref<10240x64xbf16, #tpu.memory_space<hbm>> -> memref<10240x64xbf16, #tpu.memory_space<hbm>>
        tpu.enqueue_indirect_dma source(%dma_start3A_361 : memref<10240x64xbf16, #tpu.memory_space<hbm>>) target(%arg17 : memref<128x64xbf16, #tpu.memory_space<vmem>>) offsets(%dma_start3A_358 : memref<128xi32, #tpu.memory_space<vmem>>) semaphore(%arg25 : memref<!tpu.dma_semaphore, #tpu.memory_space<semaphore_mem>>)
      } else {
      }
      %ge3A_222 = arith.constant 76 : i32
      %ge3A_223 = arith.cmpi sge, %add3A_211, %ge3A_222 : i32
      %convert_element_type3A_224 = arith.extui %ge3A_223 : i1 to i32
      %cond3A_225 = arith.constant 0 : i32
      %cond3A_226 = arith.cmpi ne, %convert_element_type3A_224, %cond3A_225 : i32
      scf.if %cond3A_226 {
        %dma_start3A_356 = arith.constant 0 : i32
        %dma_start3A_357 = tpu.memref_slice %arg7[%add3A_211, %dma_start3A_356] : memref<80x128xi32, #tpu.memory_space<vmem>> -> memref<1x128xi32, #tpu.memory_space<vmem>>
        %dma_start3A_358 = tpu.memref_squeeze %dma_start3A_357 : memref<1x128xi32, #tpu.memory_space<vmem>> -> memref<128xi32, #tpu.memory_space<vmem>>
        %dma_start3A_359 = arith.constant 0 : i32
        %dma_start3A_360 = arith.constant 0 : i32
        %dma_start3A_361 = tpu.memref_slice %arg10[%dma_start3A_359, %dma_start3A_360] : memref<10240x64xbf16, #tpu.memory_space<vmem_shared>> -> memref<10240x64xbf16, #tpu.memory_space<vmem_shared>>
        tpu.enqueue_indirect_dma source(%dma_start3A_361 : memref<10240x64xbf16, #tpu.memory_space<vmem_shared>>) target(%arg17 : memref<128x64xbf16, #tpu.memory_space<vmem>>) offsets(%dma_start3A_358 : memref<128xi32, #tpu.memory_space<vmem>>) semaphore(%arg25 : memref<!tpu.dma_semaphore, #tpu.memory_space<semaphore_mem>>)
      } else {
      }
      %add3A_227 = arith.constant 7 : i32
      %add3A_228 = arith.addi %mul3A_112, %add3A_227 : i32
      %gt3A_229 = arith.constant 0 : i32
      %gt3A_230 = arith.cmpi sgt, %add3A_110, %gt3A_229 : i32
      %convert_element_type3A_231 = arith.extui %gt3A_230 : i1 to i32
      %cond3A_232 = arith.constant 0 : i32
      %cond3A_233 = arith.cmpi ne, %convert_element_type3A_231, %cond3A_232 : i32
      scf.if %cond3A_233 {
        %sub3A = arith.constant 8 : i32
        %sub3A_356 = arith.subi %add3A_228, %sub3A : i32
        %dma_wait3A_357 = arith.constant 0 : i32
        %dma_wait3A_358 = tpu.memref_slice %arg8[%sub3A_356, %dma_wait3A_357] : memref<80x128xi32, #tpu.memory_space<vmem>> -> memref<1x128xi32, #tpu.memory_space<vmem>>
        %dma_wait3A_359 = tpu.memref_squeeze %dma_wait3A_358 : memref<1x128xi32, #tpu.memory_space<vmem>> -> memref<128xi32, #tpu.memory_space<vmem>>
        %dma_wait3A_360 = arith.constant 0 : i32
        %dma_wait3A_361 = arith.constant 0 : i32
        %dma_wait3A_362 = tpu.memref_slice %arg9[%dma_wait3A_360, %dma_wait3A_361] : memref<10240x64xbf16, #tpu.memory_space<vmem_shared>> -> memref<10240x64xbf16, #tpu.memory_space<vmem_shared>>
        tpu.wait_indirect_dma semaphore(%arg34 : memref<!tpu.dma_semaphore, #tpu.memory_space<semaphore_mem>>) src(%arg18 : memref<128x64xbf16, #tpu.memory_space<vmem>>) dst(%dma_wait3A_362 : memref<10240x64xbf16, #tpu.memory_space<vmem_shared>>)
      } else {
      }
      %lt3A_234 = arith.constant 76 : i32
      %lt3A_235 = arith.cmpi slt, %add3A_228, %lt3A_234 : i32
      %convert_element_type3A_236 = arith.extui %lt3A_235 : i1 to i32
      %cond3A_237 = arith.constant 0 : i32
      %cond3A_238 = arith.cmpi ne, %convert_element_type3A_236, %cond3A_237 : i32
      scf.if %cond3A_238 {
        %dma_start3A_356 = arith.constant 0 : i32
        %dma_start3A_357 = tpu.memref_slice %arg7[%add3A_228, %dma_start3A_356] : memref<80x128xi32, #tpu.memory_space<vmem>> -> memref<1x128xi32, #tpu.memory_space<vmem>>
        %dma_start3A_358 = tpu.memref_squeeze %dma_start3A_357 : memref<1x128xi32, #tpu.memory_space<vmem>> -> memref<128xi32, #tpu.memory_space<vmem>>
        %dma_start3A_359 = arith.constant 0 : i32
        %dma_start3A_360 = arith.constant 0 : i32
        %dma_start3A_361 = tpu.memref_slice %arg2[%dma_start3A_359, %dma_start3A_360] : memref<10240x64xbf16, #tpu.memory_space<hbm>> -> memref<10240x64xbf16, #tpu.memory_space<hbm>>
        tpu.enqueue_indirect_dma source(%dma_start3A_361 : memref<10240x64xbf16, #tpu.memory_space<hbm>>) target(%arg18 : memref<128x64xbf16, #tpu.memory_space<vmem>>) offsets(%dma_start3A_358 : memref<128xi32, #tpu.memory_space<vmem>>) semaphore(%arg26 : memref<!tpu.dma_semaphore, #tpu.memory_space<semaphore_mem>>)
      } else {
      }
      %ge3A_239 = arith.constant 76 : i32
      %ge3A_240 = arith.cmpi sge, %add3A_228, %ge3A_239 : i32
      %convert_element_type3A_241 = arith.extui %ge3A_240 : i1 to i32
      %cond3A_242 = arith.constant 0 : i32
      %cond3A_243 = arith.cmpi ne, %convert_element_type3A_241, %cond3A_242 : i32
      scf.if %cond3A_243 {
        %dma_start3A_356 = arith.constant 0 : i32
        %dma_start3A_357 = tpu.memref_slice %arg7[%add3A_228, %dma_start3A_356] : memref<80x128xi32, #tpu.memory_space<vmem>> -> memref<1x128xi32, #tpu.memory_space<vmem>>
        %dma_start3A_358 = tpu.memref_squeeze %dma_start3A_357 : memref<1x128xi32, #tpu.memory_space<vmem>> -> memref<128xi32, #tpu.memory_space<vmem>>
        %dma_start3A_359 = arith.constant 0 : i32
        %dma_start3A_360 = arith.constant 0 : i32
        %dma_start3A_361 = tpu.memref_slice %arg10[%dma_start3A_359, %dma_start3A_360] : memref<10240x64xbf16, #tpu.memory_space<vmem_shared>> -> memref<10240x64xbf16, #tpu.memory_space<vmem_shared>>
        tpu.enqueue_indirect_dma source(%dma_start3A_361 : memref<10240x64xbf16, #tpu.memory_space<vmem_shared>>) target(%arg18 : memref<128x64xbf16, #tpu.memory_space<vmem>>) offsets(%dma_start3A_358 : memref<128xi32, #tpu.memory_space<vmem>>) semaphore(%arg26 : memref<!tpu.dma_semaphore, #tpu.memory_space<semaphore_mem>>)
      } else {
      }
      %add3A_244 = arith.constant 0 : i32
      %add3A_245 = arith.addi %mul3A_112, %add3A_244 : i32
      %dma_wait3A_246 = arith.constant 0 : i32
      %dma_wait3A_247 = tpu.memref_slice %arg7[%add3A_245, %dma_wait3A_246] : memref<80x128xi32, #tpu.memory_space<vmem>> -> memref<1x128xi32, #tpu.memory_space<vmem>>
      %dma_wait3A_248 = tpu.memref_squeeze %dma_wait3A_247 : memref<1x128xi32, #tpu.memory_space<vmem>> -> memref<128xi32, #tpu.memory_space<vmem>>
      %dma_wait3A_249 = arith.constant 0 : i32
      %dma_wait3A_250 = arith.constant 0 : i32
      %dma_wait3A_251 = tpu.memref_slice %arg10[%dma_wait3A_249, %dma_wait3A_250] : memref<10240x64xbf16, #tpu.memory_space<vmem_shared>> -> memref<10240x64xbf16, #tpu.memory_space<vmem_shared>>
      tpu.wait_indirect_dma semaphore(%arg19 : memref<!tpu.dma_semaphore, #tpu.memory_space<semaphore_mem>>) src(%dma_wait3A_251 : memref<10240x64xbf16, #tpu.memory_space<vmem_shared>>) dst(%arg11 : memref<128x64xbf16, #tpu.memory_space<vmem>>)
      %dma_start3A_252 = arith.constant 0 : i32
      %dma_start3A_253 = tpu.memref_slice %arg8[%add3A_245, %dma_start3A_252] : memref<80x128xi32, #tpu.memory_space<vmem>> -> memref<1x128xi32, #tpu.memory_space<vmem>>
      %dma_start3A_254 = tpu.memref_squeeze %dma_start3A_253 : memref<1x128xi32, #tpu.memory_space<vmem>> -> memref<128xi32, #tpu.memory_space<vmem>>
      %dma_start3A_255 = arith.constant 0 : i32
      %dma_start3A_256 = arith.constant 0 : i32
      %dma_start3A_257 = tpu.memref_slice %arg9[%dma_start3A_255, %dma_start3A_256] : memref<10240x64xbf16, #tpu.memory_space<vmem_shared>> -> memref<10240x64xbf16, #tpu.memory_space<vmem_shared>>
      tpu.enqueue_indirect_dma source(%arg11 : memref<128x64xbf16, #tpu.memory_space<vmem>>) target(%dma_start3A_257 : memref<10240x64xbf16, #tpu.memory_space<vmem_shared>>) offsets(%dma_start3A_254 : memref<128xi32, #tpu.memory_space<vmem>>) semaphore(%arg27 : memref<!tpu.dma_semaphore, #tpu.memory_space<semaphore_mem>>) {add = true}
      %add3A_258 = arith.constant 1 : i32
      %add3A_259 = arith.addi %mul3A_112, %add3A_258 : i32
      %dma_wait3A_260 = arith.constant 0 : i32
      %dma_wait3A_261 = tpu.memref_slice %arg7[%add3A_259, %dma_wait3A_260] : memref<80x128xi32, #tpu.memory_space<vmem>> -> memref<1x128xi32, #tpu.memory_space<vmem>>
      %dma_wait3A_262 = tpu.memref_squeeze %dma_wait3A_261 : memref<1x128xi32, #tpu.memory_space<vmem>> -> memref<128xi32, #tpu.memory_space<vmem>>
      %dma_wait3A_263 = arith.constant 0 : i32
      %dma_wait3A_264 = arith.constant 0 : i32
      %dma_wait3A_265 = tpu.memref_slice %arg10[%dma_wait3A_263, %dma_wait3A_264] : memref<10240x64xbf16, #tpu.memory_space<vmem_shared>> -> memref<10240x64xbf16, #tpu.memory_space<vmem_shared>>
      tpu.wait_indirect_dma semaphore(%arg20 : memref<!tpu.dma_semaphore, #tpu.memory_space<semaphore_mem>>) src(%dma_wait3A_265 : memref<10240x64xbf16, #tpu.memory_space<vmem_shared>>) dst(%arg12 : memref<128x64xbf16, #tpu.memory_space<vmem>>)
      %dma_start3A_266 = arith.constant 0 : i32
      %dma_start3A_267 = tpu.memref_slice %arg8[%add3A_259, %dma_start3A_266] : memref<80x128xi32, #tpu.memory_space<vmem>> -> memref<1x128xi32, #tpu.memory_space<vmem>>
      %dma_start3A_268 = tpu.memref_squeeze %dma_start3A_267 : memref<1x128xi32, #tpu.memory_space<vmem>> -> memref<128xi32, #tpu.memory_space<vmem>>
      %dma_start3A_269 = arith.constant 0 : i32
      %dma_start3A_270 = arith.constant 0 : i32
      %dma_start3A_271 = tpu.memref_slice %arg9[%dma_start3A_269, %dma_start3A_270] : memref<10240x64xbf16, #tpu.memory_space<vmem_shared>> -> memref<10240x64xbf16, #tpu.memory_space<vmem_shared>>
      tpu.enqueue_indirect_dma source(%arg12 : memref<128x64xbf16, #tpu.memory_space<vmem>>) target(%dma_start3A_271 : memref<10240x64xbf16, #tpu.memory_space<vmem_shared>>) offsets(%dma_start3A_268 : memref<128xi32, #tpu.memory_space<vmem>>) semaphore(%arg28 : memref<!tpu.dma_semaphore, #tpu.memory_space<semaphore_mem>>) {add = true}
      %add3A_272 = arith.constant 2 : i32
      %add3A_273 = arith.addi %mul3A_112, %add3A_272 : i32
      %dma_wait3A_274 = arith.constant 0 : i32
      %dma_wait3A_275 = tpu.memref_slice %arg7[%add3A_273, %dma_wait3A_274] : memref<80x128xi32, #tpu.memory_space<vmem>> -> memref<1x128xi32, #tpu.memory_space<vmem>>
      %dma_wait3A_276 = tpu.memref_squeeze %dma_wait3A_275 : memref<1x128xi32, #tpu.memory_space<vmem>> -> memref<128xi32, #tpu.memory_space<vmem>>
      %dma_wait3A_277 = arith.constant 0 : i32
      %dma_wait3A_278 = arith.constant 0 : i32
      %dma_wait3A_279 = tpu.memref_slice %arg10[%dma_wait3A_277, %dma_wait3A_278] : memref<10240x64xbf16, #tpu.memory_space<vmem_shared>> -> memref<10240x64xbf16, #tpu.memory_space<vmem_shared>>
      tpu.wait_indirect_dma semaphore(%arg21 : memref<!tpu.dma_semaphore, #tpu.memory_space<semaphore_mem>>) src(%dma_wait3A_279 : memref<10240x64xbf16, #tpu.memory_space<vmem_shared>>) dst(%arg13 : memref<128x64xbf16, #tpu.memory_space<vmem>>)
      %dma_start3A_280 = arith.constant 0 : i32
      %dma_start3A_281 = tpu.memref_slice %arg8[%add3A_273, %dma_start3A_280] : memref<80x128xi32, #tpu.memory_space<vmem>> -> memref<1x128xi32, #tpu.memory_space<vmem>>
      %dma_start3A_282 = tpu.memref_squeeze %dma_start3A_281 : memref<1x128xi32, #tpu.memory_space<vmem>> -> memref<128xi32, #tpu.memory_space<vmem>>
      %dma_start3A_283 = arith.constant 0 : i32
      %dma_start3A_284 = arith.constant 0 : i32
      %dma_start3A_285 = tpu.memref_slice %arg9[%dma_start3A_283, %dma_start3A_284] : memref<10240x64xbf16, #tpu.memory_space<vmem_shared>> -> memref<10240x64xbf16, #tpu.memory_space<vmem_shared>>
      tpu.enqueue_indirect_dma source(%arg13 : memref<128x64xbf16, #tpu.memory_space<vmem>>) target(%dma_start3A_285 : memref<10240x64xbf16, #tpu.memory_space<vmem_shared>>) offsets(%dma_start3A_282 : memref<128xi32, #tpu.memory_space<vmem>>) semaphore(%arg29 : memref<!tpu.dma_semaphore, #tpu.memory_space<semaphore_mem>>) {add = true}
      %add3A_286 = arith.constant 3 : i32
      %add3A_287 = arith.addi %mul3A_112, %add3A_286 : i32
      %dma_wait3A_288 = arith.constant 0 : i32
      %dma_wait3A_289 = tpu.memref_slice %arg7[%add3A_287, %dma_wait3A_288] : memref<80x128xi32, #tpu.memory_space<vmem>> -> memref<1x128xi32, #tpu.memory_space<vmem>>
      %dma_wait3A_290 = tpu.memref_squeeze %dma_wait3A_289 : memref<1x128xi32, #tpu.memory_space<vmem>> -> memref<128xi32, #tpu.memory_space<vmem>>
      %dma_wait3A_291 = arith.constant 0 : i32
      %dma_wait3A_292 = arith.constant 0 : i32
      %dma_wait3A_293 = tpu.memref_slice %arg10[%dma_wait3A_291, %dma_wait3A_292] : memref<10240x64xbf16, #tpu.memory_space<vmem_shared>> -> memref<10240x64xbf16, #tpu.memory_space<vmem_shared>>
      tpu.wait_indirect_dma semaphore(%arg22 : memref<!tpu.dma_semaphore, #tpu.memory_space<semaphore_mem>>) src(%dma_wait3A_293 : memref<10240x64xbf16, #tpu.memory_space<vmem_shared>>) dst(%arg14 : memref<128x64xbf16, #tpu.memory_space<vmem>>)
      %dma_start3A_294 = arith.constant 0 : i32
      %dma_start3A_295 = tpu.memref_slice %arg8[%add3A_287, %dma_start3A_294] : memref<80x128xi32, #tpu.memory_space<vmem>> -> memref<1x128xi32, #tpu.memory_space<vmem>>
      %dma_start3A_296 = tpu.memref_squeeze %dma_start3A_295 : memref<1x128xi32, #tpu.memory_space<vmem>> -> memref<128xi32, #tpu.memory_space<vmem>>
      %dma_start3A_297 = arith.constant 0 : i32
      %dma_start3A_298 = arith.constant 0 : i32
      %dma_start3A_299 = tpu.memref_slice %arg9[%dma_start3A_297, %dma_start3A_298] : memref<10240x64xbf16, #tpu.memory_space<vmem_shared>> -> memref<10240x64xbf16, #tpu.memory_space<vmem_shared>>
      tpu.enqueue_indirect_dma source(%arg14 : memref<128x64xbf16, #tpu.memory_space<vmem>>) target(%dma_start3A_299 : memref<10240x64xbf16, #tpu.memory_space<vmem_shared>>) offsets(%dma_start3A_296 : memref<128xi32, #tpu.memory_space<vmem>>) semaphore(%arg30 : memref<!tpu.dma_semaphore, #tpu.memory_space<semaphore_mem>>) {add = true}
      %add3A_300 = arith.constant 4 : i32
      %add3A_301 = arith.addi %mul3A_112, %add3A_300 : i32
      %dma_wait3A_302 = arith.constant 0 : i32
      %dma_wait3A_303 = tpu.memref_slice %arg7[%add3A_301, %dma_wait3A_302] : memref<80x128xi32, #tpu.memory_space<vmem>> -> memref<1x128xi32, #tpu.memory_space<vmem>>
      %dma_wait3A_304 = tpu.memref_squeeze %dma_wait3A_303 : memref<1x128xi32, #tpu.memory_space<vmem>> -> memref<128xi32, #tpu.memory_space<vmem>>
      %dma_wait3A_305 = arith.constant 0 : i32
      %dma_wait3A_306 = arith.constant 0 : i32
      %dma_wait3A_307 = tpu.memref_slice %arg10[%dma_wait3A_305, %dma_wait3A_306] : memref<10240x64xbf16, #tpu.memory_space<vmem_shared>> -> memref<10240x64xbf16, #tpu.memory_space<vmem_shared>>
      tpu.wait_indirect_dma semaphore(%arg23 : memref<!tpu.dma_semaphore, #tpu.memory_space<semaphore_mem>>) src(%dma_wait3A_307 : memref<10240x64xbf16, #tpu.memory_space<vmem_shared>>) dst(%arg15 : memref<128x64xbf16, #tpu.memory_space<vmem>>)
      %dma_start3A_308 = arith.constant 0 : i32
      %dma_start3A_309 = tpu.memref_slice %arg8[%add3A_301, %dma_start3A_308] : memref<80x128xi32, #tpu.memory_space<vmem>> -> memref<1x128xi32, #tpu.memory_space<vmem>>
      %dma_start3A_310 = tpu.memref_squeeze %dma_start3A_309 : memref<1x128xi32, #tpu.memory_space<vmem>> -> memref<128xi32, #tpu.memory_space<vmem>>
      %dma_start3A_311 = arith.constant 0 : i32
      %dma_start3A_312 = arith.constant 0 : i32
      %dma_start3A_313 = tpu.memref_slice %arg9[%dma_start3A_311, %dma_start3A_312] : memref<10240x64xbf16, #tpu.memory_space<vmem_shared>> -> memref<10240x64xbf16, #tpu.memory_space<vmem_shared>>
      tpu.enqueue_indirect_dma source(%arg15 : memref<128x64xbf16, #tpu.memory_space<vmem>>) target(%dma_start3A_313 : memref<10240x64xbf16, #tpu.memory_space<vmem_shared>>) offsets(%dma_start3A_310 : memref<128xi32, #tpu.memory_space<vmem>>) semaphore(%arg31 : memref<!tpu.dma_semaphore, #tpu.memory_space<semaphore_mem>>) {add = true}
      %add3A_314 = arith.constant 5 : i32
      %add3A_315 = arith.addi %mul3A_112, %add3A_314 : i32
      %dma_wait3A_316 = arith.constant 0 : i32
      %dma_wait3A_317 = tpu.memref_slice %arg7[%add3A_315, %dma_wait3A_316] : memref<80x128xi32, #tpu.memory_space<vmem>> -> memref<1x128xi32, #tpu.memory_space<vmem>>
      %dma_wait3A_318 = tpu.memref_squeeze %dma_wait3A_317 : memref<1x128xi32, #tpu.memory_space<vmem>> -> memref<128xi32, #tpu.memory_space<vmem>>
      %dma_wait3A_319 = arith.constant 0 : i32
      %dma_wait3A_320 = arith.constant 0 : i32
      %dma_wait3A_321 = tpu.memref_slice %arg10[%dma_wait3A_319, %dma_wait3A_320] : memref<10240x64xbf16, #tpu.memory_space<vmem_shared>> -> memref<10240x64xbf16, #tpu.memory_space<vmem_shared>>
      tpu.wait_indirect_dma semaphore(%arg24 : memref<!tpu.dma_semaphore, #tpu.memory_space<semaphore_mem>>) src(%dma_wait3A_321 : memref<10240x64xbf16, #tpu.memory_space<vmem_shared>>) dst(%arg16 : memref<128x64xbf16, #tpu.memory_space<vmem>>)
      %dma_start3A_322 = arith.constant 0 : i32
      %dma_start3A_323 = tpu.memref_slice %arg8[%add3A_315, %dma_start3A_322] : memref<80x128xi32, #tpu.memory_space<vmem>> -> memref<1x128xi32, #tpu.memory_space<vmem>>
      %dma_start3A_324 = tpu.memref_squeeze %dma_start3A_323 : memref<1x128xi32, #tpu.memory_space<vmem>> -> memref<128xi32, #tpu.memory_space<vmem>>
      %dma_start3A_325 = arith.constant 0 : i32
      %dma_start3A_326 = arith.constant 0 : i32
      %dma_start3A_327 = tpu.memref_slice %arg9[%dma_start3A_325, %dma_start3A_326] : memref<10240x64xbf16, #tpu.memory_space<vmem_shared>> -> memref<10240x64xbf16, #tpu.memory_space<vmem_shared>>
      tpu.enqueue_indirect_dma source(%arg16 : memref<128x64xbf16, #tpu.memory_space<vmem>>) target(%dma_start3A_327 : memref<10240x64xbf16, #tpu.memory_space<vmem_shared>>) offsets(%dma_start3A_324 : memref<128xi32, #tpu.memory_space<vmem>>) semaphore(%arg32 : memref<!tpu.dma_semaphore, #tpu.memory_space<semaphore_mem>>) {add = true}
      %add3A_328 = arith.constant 6 : i32
      %add3A_329 = arith.addi %mul3A_112, %add3A_328 : i32
      %dma_wait3A_330 = arith.constant 0 : i32
      %dma_wait3A_331 = tpu.memref_slice %arg7[%add3A_329, %dma_wait3A_330] : memref<80x128xi32, #tpu.memory_space<vmem>> -> memref<1x128xi32, #tpu.memory_space<vmem>>
      %dma_wait3A_332 = tpu.memref_squeeze %dma_wait3A_331 : memref<1x128xi32, #tpu.memory_space<vmem>> -> memref<128xi32, #tpu.memory_space<vmem>>
      %dma_wait3A_333 = arith.constant 0 : i32
      %dma_wait3A_334 = arith.constant 0 : i32
      %dma_wait3A_335 = tpu.memref_slice %arg10[%dma_wait3A_333, %dma_wait3A_334] : memref<10240x64xbf16, #tpu.memory_space<vmem_shared>> -> memref<10240x64xbf16, #tpu.memory_space<vmem_shared>>
      tpu.wait_indirect_dma semaphore(%arg25 : memref<!tpu.dma_semaphore, #tpu.memory_space<semaphore_mem>>) src(%dma_wait3A_335 : memref<10240x64xbf16, #tpu.memory_space<vmem_shared>>) dst(%arg17 : memref<128x64xbf16, #tpu.memory_space<vmem>>)
      %dma_start3A_336 = arith.constant 0 : i32
      %dma_start3A_337 = tpu.memref_slice %arg8[%add3A_329, %dma_start3A_336] : memref<80x128xi32, #tpu.memory_space<vmem>> -> memref<1x128xi32, #tpu.memory_space<vmem>>
      %dma_start3A_338 = tpu.memref_squeeze %dma_start3A_337 : memref<1x128xi32, #tpu.memory_space<vmem>> -> memref<128xi32, #tpu.memory_space<vmem>>
      %dma_start3A_339 = arith.constant 0 : i32
      %dma_start3A_340 = arith.constant 0 : i32
      %dma_start3A_341 = tpu.memref_slice %arg9[%dma_start3A_339, %dma_start3A_340] : memref<10240x64xbf16, #tpu.memory_space<vmem_shared>> -> memref<10240x64xbf16, #tpu.memory_space<vmem_shared>>
      tpu.enqueue_indirect_dma source(%arg17 : memref<128x64xbf16, #tpu.memory_space<vmem>>) target(%dma_start3A_341 : memref<10240x64xbf16, #tpu.memory_space<vmem_shared>>) offsets(%dma_start3A_338 : memref<128xi32, #tpu.memory_space<vmem>>) semaphore(%arg33 : memref<!tpu.dma_semaphore, #tpu.memory_space<semaphore_mem>>) {add = true}
      %add3A_342 = arith.constant 7 : i32
      %add3A_343 = arith.addi %mul3A_112, %add3A_342 : i32
      %dma_wait3A_344 = arith.constant 0 : i32
      %dma_wait3A_345 = tpu.memref_slice %arg7[%add3A_343, %dma_wait3A_344] : memref<80x128xi32, #tpu.memory_space<vmem>> -> memref<1x128xi32, #tpu.memory_space<vmem>>
      %dma_wait3A_346 = tpu.memref_squeeze %dma_wait3A_345 : memref<1x128xi32, #tpu.memory_space<vmem>> -> memref<128xi32, #tpu.memory_space<vmem>>
      %dma_wait3A_347 = arith.constant 0 : i32
      %dma_wait3A_348 = arith.constant 0 : i32
      %dma_wait3A_349 = tpu.memref_slice %arg10[%dma_wait3A_347, %dma_wait3A_348] : memref<10240x64xbf16, #tpu.memory_space<vmem_shared>> -> memref<10240x64xbf16, #tpu.memory_space<vmem_shared>>
      tpu.wait_indirect_dma semaphore(%arg26 : memref<!tpu.dma_semaphore, #tpu.memory_space<semaphore_mem>>) src(%dma_wait3A_349 : memref<10240x64xbf16, #tpu.memory_space<vmem_shared>>) dst(%arg18 : memref<128x64xbf16, #tpu.memory_space<vmem>>)
      %dma_start3A_350 = arith.constant 0 : i32
      %dma_start3A_351 = tpu.memref_slice %arg8[%add3A_343, %dma_start3A_350] : memref<80x128xi32, #tpu.memory_space<vmem>> -> memref<1x128xi32, #tpu.memory_space<vmem>>
      %dma_start3A_352 = tpu.memref_squeeze %dma_start3A_351 : memref<1x128xi32, #tpu.memory_space<vmem>> -> memref<128xi32, #tpu.memory_space<vmem>>
      %dma_start3A_353 = arith.constant 0 : i32
      %dma_start3A_354 = arith.constant 0 : i32
      %dma_start3A_355 = tpu.memref_slice %arg9[%dma_start3A_353, %dma_start3A_354] : memref<10240x64xbf16, #tpu.memory_space<vmem_shared>> -> memref<10240x64xbf16, #tpu.memory_space<vmem_shared>>
      tpu.enqueue_indirect_dma source(%arg18 : memref<128x64xbf16, #tpu.memory_space<vmem>>) target(%dma_start3A_355 : memref<10240x64xbf16, #tpu.memory_space<vmem_shared>>) offsets(%dma_start3A_352 : memref<128xi32, #tpu.memory_space<vmem>>) semaphore(%arg34 : memref<!tpu.dma_semaphore, #tpu.memory_space<semaphore_mem>>) {add = true}
    }
    %scan3A_48 = arith.constant 10 : i32
    %dma_wait3A_49 = arith.constant 72 : i32
    %dma_wait3A_50 = arith.constant 0 : i32
    %dma_wait3A_51 = tpu.memref_slice %arg8[%dma_wait3A_49, %dma_wait3A_50] : memref<80x128xi32, #tpu.memory_space<vmem>> -> memref<1x128xi32, #tpu.memory_space<vmem>>
    %dma_wait3A_52 = tpu.memref_squeeze %dma_wait3A_51 : memref<1x128xi32, #tpu.memory_space<vmem>> -> memref<128xi32, #tpu.memory_space<vmem>>
    %dma_wait3A_53 = arith.constant 0 : i32
    %dma_wait3A_54 = arith.constant 0 : i32
    %dma_wait3A_55 = tpu.memref_slice %arg9[%dma_wait3A_53, %dma_wait3A_54] : memref<10240x64xbf16, #tpu.memory_space<vmem_shared>> -> memref<10240x64xbf16, #tpu.memory_space<vmem_shared>>
    tpu.wait_indirect_dma semaphore(%arg27 : memref<!tpu.dma_semaphore, #tpu.memory_space<semaphore_mem>>) src(%arg11 : memref<128x64xbf16, #tpu.memory_space<vmem>>) dst(%dma_wait3A_55 : memref<10240x64xbf16, #tpu.memory_space<vmem_shared>>)
    %dma_wait3A_56 = arith.constant 73 : i32
    %dma_wait3A_57 = arith.constant 0 : i32
    %dma_wait3A_58 = tpu.memref_slice %arg8[%dma_wait3A_56, %dma_wait3A_57] : memref<80x128xi32, #tpu.memory_space<vmem>> -> memref<1x128xi32, #tpu.memory_space<vmem>>
    %dma_wait3A_59 = tpu.memref_squeeze %dma_wait3A_58 : memref<1x128xi32, #tpu.memory_space<vmem>> -> memref<128xi32, #tpu.memory_space<vmem>>
    %dma_wait3A_60 = arith.constant 0 : i32
    %dma_wait3A_61 = arith.constant 0 : i32
    %dma_wait3A_62 = tpu.memref_slice %arg9[%dma_wait3A_60, %dma_wait3A_61] : memref<10240x64xbf16, #tpu.memory_space<vmem_shared>> -> memref<10240x64xbf16, #tpu.memory_space<vmem_shared>>
    tpu.wait_indirect_dma semaphore(%arg28 : memref<!tpu.dma_semaphore, #tpu.memory_space<semaphore_mem>>) src(%arg12 : memref<128x64xbf16, #tpu.memory_space<vmem>>) dst(%dma_wait3A_62 : memref<10240x64xbf16, #tpu.memory_space<vmem_shared>>)
    %dma_wait3A_63 = arith.constant 74 : i32
    %dma_wait3A_64 = arith.constant 0 : i32
    %dma_wait3A_65 = tpu.memref_slice %arg8[%dma_wait3A_63, %dma_wait3A_64] : memref<80x128xi32, #tpu.memory_space<vmem>> -> memref<1x128xi32, #tpu.memory_space<vmem>>
    %dma_wait3A_66 = tpu.memref_squeeze %dma_wait3A_65 : memref<1x128xi32, #tpu.memory_space<vmem>> -> memref<128xi32, #tpu.memory_space<vmem>>
    %dma_wait3A_67 = arith.constant 0 : i32
    %dma_wait3A_68 = arith.constant 0 : i32
    %dma_wait3A_69 = tpu.memref_slice %arg9[%dma_wait3A_67, %dma_wait3A_68] : memref<10240x64xbf16, #tpu.memory_space<vmem_shared>> -> memref<10240x64xbf16, #tpu.memory_space<vmem_shared>>
    tpu.wait_indirect_dma semaphore(%arg29 : memref<!tpu.dma_semaphore, #tpu.memory_space<semaphore_mem>>) src(%arg13 : memref<128x64xbf16, #tpu.memory_space<vmem>>) dst(%dma_wait3A_69 : memref<10240x64xbf16, #tpu.memory_space<vmem_shared>>)
    %dma_wait3A_70 = arith.constant 75 : i32
    %dma_wait3A_71 = arith.constant 0 : i32
    %dma_wait3A_72 = tpu.memref_slice %arg8[%dma_wait3A_70, %dma_wait3A_71] : memref<80x128xi32, #tpu.memory_space<vmem>> -> memref<1x128xi32, #tpu.memory_space<vmem>>
    %dma_wait3A_73 = tpu.memref_squeeze %dma_wait3A_72 : memref<1x128xi32, #tpu.memory_space<vmem>> -> memref<128xi32, #tpu.memory_space<vmem>>
    %dma_wait3A_74 = arith.constant 0 : i32
    %dma_wait3A_75 = arith.constant 0 : i32
    %dma_wait3A_76 = tpu.memref_slice %arg9[%dma_wait3A_74, %dma_wait3A_75] : memref<10240x64xbf16, #tpu.memory_space<vmem_shared>> -> memref<10240x64xbf16, #tpu.memory_space<vmem_shared>>
    tpu.wait_indirect_dma semaphore(%arg30 : memref<!tpu.dma_semaphore, #tpu.memory_space<semaphore_mem>>) src(%arg14 : memref<128x64xbf16, #tpu.memory_space<vmem>>) dst(%dma_wait3A_76 : memref<10240x64xbf16, #tpu.memory_space<vmem_shared>>)
    %dma_wait3A_77 = arith.constant 76 : i32
    %dma_wait3A_78 = arith.constant 0 : i32
    %dma_wait3A_79 = tpu.memref_slice %arg8[%dma_wait3A_77, %dma_wait3A_78] : memref<80x128xi32, #tpu.memory_space<vmem>> -> memref<1x128xi32, #tpu.memory_space<vmem>>
    %dma_wait3A_80 = tpu.memref_squeeze %dma_wait3A_79 : memref<1x128xi32, #tpu.memory_space<vmem>> -> memref<128xi32, #tpu.memory_space<vmem>>
    %dma_wait3A_81 = arith.constant 0 : i32
    %dma_wait3A_82 = arith.constant 0 : i32
    %dma_wait3A_83 = tpu.memref_slice %arg9[%dma_wait3A_81, %dma_wait3A_82] : memref<10240x64xbf16, #tpu.memory_space<vmem_shared>> -> memref<10240x64xbf16, #tpu.memory_space<vmem_shared>>
    tpu.wait_indirect_dma semaphore(%arg31 : memref<!tpu.dma_semaphore, #tpu.memory_space<semaphore_mem>>) src(%arg15 : memref<128x64xbf16, #tpu.memory_space<vmem>>) dst(%dma_wait3A_83 : memref<10240x64xbf16, #tpu.memory_space<vmem_shared>>)
    %dma_wait3A_84 = arith.constant 77 : i32
    %dma_wait3A_85 = arith.constant 0 : i32
    %dma_wait3A_86 = tpu.memref_slice %arg8[%dma_wait3A_84, %dma_wait3A_85] : memref<80x128xi32, #tpu.memory_space<vmem>> -> memref<1x128xi32, #tpu.memory_space<vmem>>
    %dma_wait3A_87 = tpu.memref_squeeze %dma_wait3A_86 : memref<1x128xi32, #tpu.memory_space<vmem>> -> memref<128xi32, #tpu.memory_space<vmem>>
    %dma_wait3A_88 = arith.constant 0 : i32
    %dma_wait3A_89 = arith.constant 0 : i32
    %dma_wait3A_90 = tpu.memref_slice %arg9[%dma_wait3A_88, %dma_wait3A_89] : memref<10240x64xbf16, #tpu.memory_space<vmem_shared>> -> memref<10240x64xbf16, #tpu.memory_space<vmem_shared>>
    tpu.wait_indirect_dma semaphore(%arg32 : memref<!tpu.dma_semaphore, #tpu.memory_space<semaphore_mem>>) src(%arg16 : memref<128x64xbf16, #tpu.memory_space<vmem>>) dst(%dma_wait3A_90 : memref<10240x64xbf16, #tpu.memory_space<vmem_shared>>)
    %dma_wait3A_91 = arith.constant 78 : i32
    %dma_wait3A_92 = arith.constant 0 : i32
    %dma_wait3A_93 = tpu.memref_slice %arg8[%dma_wait3A_91, %dma_wait3A_92] : memref<80x128xi32, #tpu.memory_space<vmem>> -> memref<1x128xi32, #tpu.memory_space<vmem>>
    %dma_wait3A_94 = tpu.memref_squeeze %dma_wait3A_93 : memref<1x128xi32, #tpu.memory_space<vmem>> -> memref<128xi32, #tpu.memory_space<vmem>>
    %dma_wait3A_95 = arith.constant 0 : i32
    %dma_wait3A_96 = arith.constant 0 : i32
    %dma_wait3A_97 = tpu.memref_slice %arg9[%dma_wait3A_95, %dma_wait3A_96] : memref<10240x64xbf16, #tpu.memory_space<vmem_shared>> -> memref<10240x64xbf16, #tpu.memory_space<vmem_shared>>
    tpu.wait_indirect_dma semaphore(%arg33 : memref<!tpu.dma_semaphore, #tpu.memory_space<semaphore_mem>>) src(%arg17 : memref<128x64xbf16, #tpu.memory_space<vmem>>) dst(%dma_wait3A_97 : memref<10240x64xbf16, #tpu.memory_space<vmem_shared>>)
    %dma_wait3A_98 = arith.constant 79 : i32
    %dma_wait3A_99 = arith.constant 0 : i32
    %dma_wait3A_100 = tpu.memref_slice %arg8[%dma_wait3A_98, %dma_wait3A_99] : memref<80x128xi32, #tpu.memory_space<vmem>> -> memref<1x128xi32, #tpu.memory_space<vmem>>
    %dma_wait3A_101 = tpu.memref_squeeze %dma_wait3A_100 : memref<1x128xi32, #tpu.memory_space<vmem>> -> memref<128xi32, #tpu.memory_space<vmem>>
    %dma_wait3A_102 = arith.constant 0 : i32
    %dma_wait3A_103 = arith.constant 0 : i32
    %dma_wait3A_104 = tpu.memref_slice %arg9[%dma_wait3A_102, %dma_wait3A_103] : memref<10240x64xbf16, #tpu.memory_space<vmem_shared>> -> memref<10240x64xbf16, #tpu.memory_space<vmem_shared>>
    tpu.wait_indirect_dma semaphore(%arg34 : memref<!tpu.dma_semaphore, #tpu.memory_space<semaphore_mem>>) src(%arg18 : memref<128x64xbf16, #tpu.memory_space<vmem>>) dst(%dma_wait3A_104 : memref<10240x64xbf16, #tpu.memory_space<vmem_shared>>)
    %barrier3A_105 = arith.constant 0 : index
    tpu.barrier barrier_id(%barrier3A_105)
    "tpu.region"() ({
      %run_scoped3A = tpu.sem_alloc : memref<!tpu.dma_semaphore, #tpu.memory_space<semaphore_mem>>
      %dma_start3A_106 = arith.constant 0 : i32
      %dma_start3A_107 = tpu.memref_slice %arg6[%arg0, %mul3A_2, %dma_start3A_106] : memref<2x10240x64xbf16, #tpu.memory_space<hbm>> -> memref<1x640x64xbf16, #tpu.memory_space<hbm>>
      %dma_start3A_108 = tpu.memref_squeeze %dma_start3A_107 : memref<1x640x64xbf16, #tpu.memory_space<hbm>> -> memref<640x64xbf16, #tpu.memory_space<hbm>>
      %dma_start3A_109 = arith.constant 0 : i32
      %dma_start3A_110 = tpu.memref_slice %arg9[%mul3A_2, %dma_start3A_109] : memref<10240x64xbf16, #tpu.memory_space<vmem_shared>> -> memref<640x64xbf16, #tpu.memory_space<vmem_shared>>
      tpu.enqueue_dma source(%dma_start3A_110 : memref<640x64xbf16, #tpu.memory_space<vmem_shared>>) target(%dma_start3A_108 : memref<640x64xbf16, #tpu.memory_space<hbm>>) target_semaphore(%run_scoped3A : memref<!tpu.dma_semaphore, #tpu.memory_space<semaphore_mem>>)
      %dma_wait3A_111 = arith.constant 0 : i32
      %dma_wait3A_112 = tpu.memref_slice %arg6[%arg0, %mul3A_2, %dma_wait3A_111] : memref<2x10240x64xbf16, #tpu.memory_space<hbm>> -> memref<1x640x64xbf16, #tpu.memory_space<hbm>>
      %dma_wait3A_113 = tpu.memref_squeeze %dma_wait3A_112 : memref<1x640x64xbf16, #tpu.memory_space<hbm>> -> memref<640x64xbf16, #tpu.memory_space<hbm>>
      %dma_wait3A_114 = arith.constant 0 : i32
      %dma_wait3A_115 = tpu.memref_slice %arg9[%mul3A_2, %dma_wait3A_114] : memref<10240x64xbf16, #tpu.memory_space<vmem_shared>> -> memref<640x64xbf16, #tpu.memory_space<vmem_shared>>
      tpu.wait_dma2 semaphore(%run_scoped3A : memref<!tpu.dma_semaphore, #tpu.memory_space<semaphore_mem>>) src(%dma_wait3A_115 : memref<640x64xbf16, #tpu.memory_space<vmem_shared>>) dst(%dma_wait3A_113 : memref<640x64xbf16, #tpu.memory_space<hbm>>)
      tpu.yield
    }) : () -> ()
    return
  }
}

#map = affine_map<(d0, d1) -> (0, 0)>
#map1 = affine_map<(d0, d1) -> (0, 0, 0)>
module attributes {stable_mosaic.version = 14 : i64} {
  func.func @k(%arg0: i32, %arg1: i32, %arg2: memref<10240x64xbf16, #tpu.memory_space<hbm>>, %arg3: memref<32x80x128xi32, #tpu.memory_space<hbm>>, %arg4: memref<32x80x128xi32, #tpu.memory_space<hbm>>, %arg5: memref<640x64xbf16, #tpu.memory_space<hbm>>, %arg6: memref<2x10240x64xbf16, #tpu.memory_space<hbm>>, %arg7: memref<80x128xi32, #tpu.memory_space<vmem>>, %arg8: memref<80x128xi32, #tpu.memory_space<vmem>>, %arg9: memref<10240x64xbf16, #tpu.memory_space<vmem_shared>>, %arg10: memref<10240x64xbf16, #tpu.memory_space<vmem_shared>>, %arg11: memref<128x64xbf16, #tpu.memory_space<vmem>>, %arg12: memref<128x64xbf16, #tpu.memory_space<vmem>>, %arg13: memref<128x64xbf16, #tpu.memory_space<vmem>>, %arg14: memref<128x64xbf16, #tpu.memory_space<vmem>>, %arg15: memref<128x64xbf16, #tpu.memory_space<vmem>>, %arg16: memref<128x64xbf16, #tpu.memory_space<vmem>>, %arg17: memref<128x64xbf16, #tpu.memory_space<vmem>>, %arg18: memref<128x64xbf16, #tpu.memory_space<vmem>>, %arg19: memref<!tpu.dma_semaphore, #tpu.memory_space<semaphore_mem>>, %arg20: memref<!tpu.dma_semaphore, #tpu.memory_space<semaphore_mem>>, %arg21: memref<!tpu.dma_semaphore, #tpu.memory_space<semaphore_mem>>, %arg22: memref<!tpu.dma_semaphore, #tpu.memory_space<semaphore_mem>>, %arg23: memref<!tpu.dma_semaphore, #tpu.memory_space<semaphore_mem>>, %arg24: memref<!tpu.dma_semaphore, #tpu.memory_space<semaphore_mem>>, %arg25: memref<!tpu.dma_semaphore, #tpu.memory_space<semaphore_mem>>, %arg26: memref<!tpu.dma_semaphore, #tpu.memory_space<semaphore_mem>>, %arg27: memref<!tpu.dma_semaphore, #tpu.memory_space<semaphore_mem>>, %arg28: memref<!tpu.dma_semaphore, #tpu.memory_space<semaphore_mem>>, %arg29: memref<!tpu.dma_semaphore, #tpu.memory_space<semaphore_mem>>, %arg30: memref<!tpu.dma_semaphore, #tpu.memory_space<semaphore_mem>>, %arg31: memref<!tpu.dma_semaphore, #tpu.memory_space<semaphore_mem>>, %arg32: memref<!tpu.dma_semaphore, #tpu.memory_space<semaphore_mem>>, %arg33: memref<!tpu.dma_semaphore, #tpu.memory_space<semaphore_mem>>, %arg34: memref<!tpu.dma_semaphore, #tpu.memory_space<semaphore_mem>>) attributes {dimension_semantics = [#tpu.dimension_semantics<core_parallel>, #tpu.dimension_semantics<subcore_parallel>], iteration_bounds = array<i64: 2, 16>, scalar_prefetch = 0 : i64, scratch_operands = 28 : i64, tpu.core_type = #tpu.core_type<sc_vector_subcore>, window_params = [{transform_indices = #map}, {transform_indices = #map1}, {transform_indices = #map1}, {transform_indices = #map}, {transform_indices = #map1}]} {
    %mul3A = arith.constant 2 : i32
    %mul3A_0 = arith.muli %arg1, %mul3A : i32
    %add3A = arith.addi %mul3A_0, %arg0 : i32
    %mul3A_1 = arith.constant 640 : i32
    %mul3A_2 = arith.muli %arg1, %mul3A_1 : i32
    %dma_start3A = arith.constant 0 : i32
    %dma_start3A_3 = arith.constant 0 : i32
    %dma_start3A_4 = tpu.memref_slice %arg3[%add3A, %dma_start3A, %dma_start3A_3] : memref<32x80x128xi32, #tpu.memory_space<hbm>> -> memref<1x80x128xi32, #tpu.memory_space<hbm>>
    %dma_start3A_5 = tpu.memref_squeeze %dma_start3A_4 : memref<1x80x128xi32, #tpu.memory_space<hbm>> -> memref<80x128xi32, #tpu.memory_space<hbm>>
    %dma_start3A_6 = arith.constant 0 : i32
    %dma_start3A_7 = arith.constant 0 : i32
    %dma_start3A_8 = tpu.memref_slice %arg3[%add3A, %dma_start3A_6, %dma_start3A_7] : memref<32x80x128xi32, #tpu.memory_space<hbm>> -> memref<1x80x128xi32, #tpu.memory_space<hbm>>
    %dma_start3A_9 = tpu.memref_squeeze %dma_start3A_8 : memref<1x80x128xi32, #tpu.memory_space<hbm>> -> memref<80x128xi32, #tpu.memory_space<hbm>>
    tpu.enqueue_dma source(%dma_start3A_9 : memref<80x128xi32, #tpu.memory_space<hbm>>) target(%arg7 : memref<80x128xi32, #tpu.memory_space<vmem>>) target_semaphore(%arg19 : memref<!tpu.dma_semaphore, #tpu.memory_space<semaphore_mem>>)
    %dma_start3A_10 = arith.constant 0 : i32
    %dma_start3A_11 = arith.constant 0 : i32
    %dma_start3A_12 = tpu.memref_slice %arg4[%add3A, %dma_start3A_10, %dma_start3A_11] : memref<32x80x128xi32, #tpu.memory_space<hbm>> -> memref<1x80x128xi32, #tpu.memory_space<hbm>>
    %dma_start3A_13 = tpu.memref_squeeze %dma_start3A_12 : memref<1x80x128xi32, #tpu.memory_space<hbm>> -> memref<80x128xi32, #tpu.memory_space<hbm>>
    %dma_start3A_14 = arith.constant 0 : i32
    %dma_start3A_15 = arith.constant 0 : i32
    %dma_start3A_16 = tpu.memref_slice %arg4[%add3A, %dma_start3A_14, %dma_start3A_15] : memref<32x80x128xi32, #tpu.memory_space<hbm>> -> memref<1x80x128xi32, #tpu.memory_space<hbm>>
    %dma_start3A_17 = tpu.memref_squeeze %dma_start3A_16 : memref<1x80x128xi32, #tpu.memory_space<hbm>> -> memref<80x128xi32, #tpu.memory_space<hbm>>
    tpu.enqueue_dma source(%dma_start3A_17 : memref<80x128xi32, #tpu.memory_space<hbm>>) target(%arg8 : memref<80x128xi32, #tpu.memory_space<vmem>>) target_semaphore(%arg20 : memref<!tpu.dma_semaphore, #tpu.memory_space<semaphore_mem>>)
    %dma_start3A_18 = arith.constant 0 : i32
    %dma_start3A_19 = tpu.memref_slice %arg9[%mul3A_2, %dma_start3A_18] : memref<10240x64xbf16, #tpu.memory_space<vmem_shared>> -> memref<640x64xbf16, #tpu.memory_space<vmem_shared>>
    tpu.enqueue_dma source(%arg5 : memref<640x64xbf16, #tpu.memory_space<hbm>>) target(%dma_start3A_19 : memref<640x64xbf16, #tpu.memory_space<vmem_shared>>) target_semaphore(%arg21 : memref<!tpu.dma_semaphore, #tpu.memory_space<semaphore_mem>>)
    %dma_start3A_20 = arith.constant 0 : i32
    %dma_start3A_21 = tpu.memref_slice %arg10[%mul3A_2, %dma_start3A_20] : memref<10240x64xbf16, #tpu.memory_space<vmem_shared>> -> memref<640x64xbf16, #tpu.memory_space<vmem_shared>>
    %dma_start3A_22 = arith.constant 0 : i32
    %dma_start3A_23 = tpu.memref_slice %arg2[%mul3A_2, %dma_start3A_22] : memref<10240x64xbf16, #tpu.memory_space<hbm>> -> memref<640x64xbf16, #tpu.memory_space<hbm>>
    tpu.enqueue_dma source(%dma_start3A_23 : memref<640x64xbf16, #tpu.memory_space<hbm>>) target(%dma_start3A_21 : memref<640x64xbf16, #tpu.memory_space<vmem_shared>>) target_semaphore(%arg22 : memref<!tpu.dma_semaphore, #tpu.memory_space<semaphore_mem>>)
    %dma_wait3A = arith.constant 0 : i32
    %dma_wait3A_24 = arith.constant 0 : i32
    %dma_wait3A_25 = tpu.memref_slice %arg3[%add3A, %dma_wait3A, %dma_wait3A_24] : memref<32x80x128xi32, #tpu.memory_space<hbm>> -> memref<1x80x128xi32, #tpu.memory_space<hbm>>
    %dma_wait3A_26 = tpu.memref_squeeze %dma_wait3A_25 : memref<1x80x128xi32, #tpu.memory_space<hbm>> -> memref<80x128xi32, #tpu.memory_space<hbm>>
    %dma_wait3A_27 = arith.constant 0 : i32
    %dma_wait3A_28 = arith.constant 0 : i32
    %dma_wait3A_29 = tpu.memref_slice %arg3[%add3A, %dma_wait3A_27, %dma_wait3A_28] : memref<32x80x128xi32, #tpu.memory_space<hbm>> -> memref<1x80x128xi32, #tpu.memory_space<hbm>>
    %dma_wait3A_30 = tpu.memref_squeeze %dma_wait3A_29 : memref<1x80x128xi32, #tpu.memory_space<hbm>> -> memref<80x128xi32, #tpu.memory_space<hbm>>
    tpu.wait_dma2 semaphore(%arg19 : memref<!tpu.dma_semaphore, #tpu.memory_space<semaphore_mem>>) src(%dma_wait3A_30 : memref<80x128xi32, #tpu.memory_space<hbm>>) dst(%arg7 : memref<80x128xi32, #tpu.memory_space<vmem>>)
    %dma_wait3A_31 = arith.constant 0 : i32
    %dma_wait3A_32 = arith.constant 0 : i32
    %dma_wait3A_33 = tpu.memref_slice %arg4[%add3A, %dma_wait3A_31, %dma_wait3A_32] : memref<32x80x128xi32, #tpu.memory_space<hbm>> -> memref<1x80x128xi32, #tpu.memory_space<hbm>>
    %dma_wait3A_34 = tpu.memref_squeeze %dma_wait3A_33 : memref<1x80x128xi32, #tpu.memory_space<hbm>> -> memref<80x128xi32, #tpu.memory_space<hbm>>
    %dma_wait3A_35 = arith.constant 0 : i32
    %dma_wait3A_36 = arith.constant 0 : i32
    %dma_wait3A_37 = tpu.memref_slice %arg4[%add3A, %dma_wait3A_35, %dma_wait3A_36] : memref<32x80x128xi32, #tpu.memory_space<hbm>> -> memref<1x80x128xi32, #tpu.memory_space<hbm>>
    %dma_wait3A_38 = tpu.memref_squeeze %dma_wait3A_37 : memref<1x80x128xi32, #tpu.memory_space<hbm>> -> memref<80x128xi32, #tpu.memory_space<hbm>>
    tpu.wait_dma2 semaphore(%arg20 : memref<!tpu.dma_semaphore, #tpu.memory_space<semaphore_mem>>) src(%dma_wait3A_38 : memref<80x128xi32, #tpu.memory_space<hbm>>) dst(%arg8 : memref<80x128xi32, #tpu.memory_space<vmem>>)
    %dma_wait3A_39 = arith.constant 0 : i32
    %dma_wait3A_40 = tpu.memref_slice %arg9[%mul3A_2, %dma_wait3A_39] : memref<10240x64xbf16, #tpu.memory_space<vmem_shared>> -> memref<640x64xbf16, #tpu.memory_space<vmem_shared>>
    tpu.wait_dma2 semaphore(%arg21 : memref<!tpu.dma_semaphore, #tpu.memory_space<semaphore_mem>>) src(%arg5 : memref<640x64xbf16, #tpu.memory_space<hbm>>) dst(%dma_wait3A_40 : memref<640x64xbf16, #tpu.memory_space<vmem_shared>>)
    %dma_wait3A_41 = arith.constant 0 : i32
    %dma_wait3A_42 = tpu.memref_slice %arg10[%mul3A_2, %dma_wait3A_41] : memref<10240x64xbf16, #tpu.memory_space<vmem_shared>> -> memref<640x64xbf16, #tpu.memory_space<vmem_shared>>
    %dma_wait3A_43 = arith.constant 0 : i32
    %dma_wait3A_44 = tpu.memref_slice %arg2[%mul3A_2, %dma_wait3A_43] : memref<10240x64xbf16, #tpu.memory_space<hbm>> -> memref<640x64xbf16, #tpu.memory_space<hbm>>
    tpu.wait_dma2 semaphore(%arg22 : memref<!tpu.dma_semaphore, #tpu.memory_space<semaphore_mem>>) src(%dma_wait3A_44 : memref<640x64xbf16, #tpu.memory_space<hbm>>) dst(%dma_wait3A_42 : memref<640x64xbf16, #tpu.memory_space<vmem_shared>>)
    %barrier3A = arith.constant 0 : index
    tpu.barrier barrier_id(%barrier3A)
    %scan3A = arith.constant 0 : i32
    %scan3A_45 = arith.constant 10 : i32
    %scan3A_46 = arith.addi %scan3A, %scan3A_45 : i32
    %scan3A_47 = arith.constant 1 : i32
    scf.for %scan3A_106 = %scan3A to %scan3A_46 step %scan3A_47  : i32 {
      %mul3A_107 = arith.constant 1 : i32
      %mul3A_108 = arith.muli %scan3A_106, %mul3A_107 : i32
      %add3A_109 = arith.constant 0 : i32
      %add3A_110 = arith.addi %add3A_109, %mul3A_108 : i32
      %mul3A_111 = arith.constant 8 : i32
      %mul3A_112 = arith.muli %add3A_110, %mul3A_111 : i32
      %add3A_113 = arith.constant 0 : i32
      %add3A_114 = arith.addi %mul3A_112, %add3A_113 : i32
      %gt3A = arith.constant 0 : i32
      %gt3A_115 = arith.cmpi sgt, %add3A_110, %gt3A : i32
      %convert_element_type3A = arith.extui %gt3A_115 : i1 to i32
      %cond3A = arith.constant 0 : i32
      %cond3A_116 = arith.cmpi ne, %convert_element_type3A, %cond3A : i32
      scf.if %cond3A_116 {
        %sub3A = arith.constant 8 : i32
        %sub3A_356 = arith.subi %add3A_114, %sub3A : i32
        %dma_wait3A_357 = arith.constant 0 : i32
        %dma_wait3A_358 = tpu.memref_slice %arg8[%sub3A_356, %dma_wait3A_357] : memref<80x128xi32, #tpu.memory_space<vmem>> -> memref<1x128xi32, #tpu.memory_space<vmem>>
        %dma_wait3A_359 = tpu.memref_squeeze %dma_wait3A_358 : memref<1x128xi32, #tpu.memory_space<vmem>> -> memref<128xi32, #tpu.memory_space<vmem>>
        %dma_wait3A_360 = arith.constant 0 : i32
        %dma_wait3A_361 = arith.constant 0 : i32
        %dma_wait3A_362 = tpu.memref_slice %arg9[%dma_wait3A_360, %dma_wait3A_361] : memref<10240x64xbf16, #tpu.memory_space<vmem_shared>> -> memref<10240x64xbf16, #tpu.memory_space<vmem_shared>>
        tpu.wait_indirect_dma semaphore(%arg27 : memref<!tpu.dma_semaphore, #tpu.memory_space<semaphore_mem>>) src(%arg11 : memref<128x64xbf16, #tpu.memory_space<vmem>>) dst(%dma_wait3A_362 : memref<10240x64xbf16, #tpu.memory_space<vmem_shared>>)
      } else {
      }
      %lt3A = arith.constant 76 : i32
      %lt3A_117 = arith.cmpi slt, %add3A_114, %lt3A : i32
      %convert_element_type3A_118 = arith.extui %lt3A_117 : i1 to i32
      %cond3A_119 = arith.constant 0 : i32
      %cond3A_120 = arith.cmpi ne, %convert_element_type3A_118, %cond3A_119 : i32
      scf.if %cond3A_120 {
        %dma_start3A_356 = arith.constant 0 : i32
        %dma_start3A_357 = tpu.memref_slice %arg7[%add3A_114, %dma_start3A_356] : memref<80x128xi32, #tpu.memory_space<vmem>> -> memref<1x128xi32, #tpu.memory_space<vmem>>
        %dma_start3A_358 = tpu.memref_squeeze %dma_start3A_357 : memref<1x128xi32, #tpu.memory_space<vmem>> -> memref<128xi32, #tpu.memory_space<vmem>>
        %dma_start3A_359 = arith.constant 0 : i32
        %dma_start3A_360 = arith.constant 0 : i32
        %dma_start3A_361 = tpu.memref_slice %arg2[%dma_start3A_359, %dma_start3A_360] : memref<10240x64xbf16, #tpu.memory_space<hbm>> -> memref<10240x64xbf16, #tpu.memory_space<hbm>>
        tpu.enqueue_indirect_dma source(%dma_start3A_361 : memref<10240x64xbf16, #tpu.memory_space<hbm>>) target(%arg11 : memref<128x64xbf16, #tpu.memory_space<vmem>>) offsets(%dma_start3A_358 : memref<128xi32, #tpu.memory_space<vmem>>) semaphore(%arg19 : memref<!tpu.dma_semaphore, #tpu.memory_space<semaphore_mem>>)
      } else {
      }
      %ge3A = arith.constant 76 : i32
      %ge3A_121 = arith.cmpi sge, %add3A_114, %ge3A : i32
      %convert_element_type3A_122 = arith.extui %ge3A_121 : i1 to i32
      %cond3A_123 = arith.constant 0 : i32
      %cond3A_124 = arith.cmpi ne, %convert_element_type3A_122, %cond3A_123 : i32
      scf.if %cond3A_124 {
        %dma_start3A_356 = arith.constant 0 : i32
        %dma_start3A_357 = tpu.memref_slice %arg7[%add3A_114, %dma_start3A_356] : memref<80x128xi32, #tpu.memory_space<vmem>> -> memref<1x128xi32, #tpu.memory_space<vmem>>
        %dma_start3A_358 = tpu.memref_squeeze %dma_start3A_357 : memref<1x128xi32, #tpu.memory_space<vmem>> -> memref<128xi32, #tpu.memory_space<vmem>>
        %dma_start3A_359 = arith.constant 0 : i32
        %dma_start3A_360 = arith.constant 0 : i32
        %dma_start3A_361 = tpu.memref_slice %arg10[%dma_start3A_359, %dma_start3A_360] : memref<10240x64xbf16, #tpu.memory_space<vmem_shared>> -> memref<10240x64xbf16, #tpu.memory_space<vmem_shared>>
        tpu.enqueue_indirect_dma source(%dma_start3A_361 : memref<10240x64xbf16, #tpu.memory_space<vmem_shared>>) target(%arg11 : memref<128x64xbf16, #tpu.memory_space<vmem>>) offsets(%dma_start3A_358 : memref<128xi32, #tpu.memory_space<vmem>>) semaphore(%arg19 : memref<!tpu.dma_semaphore, #tpu.memory_space<semaphore_mem>>)
      } else {
      }
      %add3A_125 = arith.constant 1 : i32
      %add3A_126 = arith.addi %mul3A_112, %add3A_125 : i32
      %gt3A_127 = arith.constant 0 : i32
      %gt3A_128 = arith.cmpi sgt, %add3A_110, %gt3A_127 : i32
      %convert_element_type3A_129 = arith.extui %gt3A_128 : i1 to i32
      %cond3A_130 = arith.constant 0 : i32
      %cond3A_131 = arith.cmpi ne, %convert_element_type3A_129, %cond3A_130 : i32
      scf.if %cond3A_131 {
        %sub3A = arith.constant 8 : i32
        %sub3A_356 = arith.subi %add3A_126, %sub3A : i32
        %dma_wait3A_357 = arith.constant 0 : i32
        %dma_wait3A_358 = tpu.memref_slice %arg8[%sub3A_356, %dma_wait3A_357] : memref<80x128xi32, #tpu.memory_space<vmem>> -> memref<1x128xi32, #tpu.memory_space<vmem>>
        %dma_wait3A_359 = tpu.memref_squeeze %dma_wait3A_358 : memref<1x128xi32, #tpu.memory_space<vmem>> -> memref<128xi32, #tpu.memory_space<vmem>>
        %dma_wait3A_360 = arith.constant 0 : i32
        %dma_wait3A_361 = arith.constant 0 : i32
        %dma_wait3A_362 = tpu.memref_slice %arg9[%dma_wait3A_360, %dma_wait3A_361] : memref<10240x64xbf16, #tpu.memory_space<vmem_shared>> -> memref<10240x64xbf16, #tpu.memory_space<vmem_shared>>
        tpu.wait_indirect_dma semaphore(%arg28 : memref<!tpu.dma_semaphore, #tpu.memory_space<semaphore_mem>>) src(%arg12 : memref<128x64xbf16, #tpu.memory_space<vmem>>) dst(%dma_wait3A_362 : memref<10240x64xbf16, #tpu.memory_space<vmem_shared>>)
      } else {
      }
      %lt3A_132 = arith.constant 76 : i32
      %lt3A_133 = arith.cmpi slt, %add3A_126, %lt3A_132 : i32
      %convert_element_type3A_134 = arith.extui %lt3A_133 : i1 to i32
      %cond3A_135 = arith.constant 0 : i32
      %cond3A_136 = arith.cmpi ne, %convert_element_type3A_134, %cond3A_135 : i32
      scf.if %cond3A_136 {
        %dma_start3A_356 = arith.constant 0 : i32
        %dma_start3A_357 = tpu.memref_slice %arg7[%add3A_126, %dma_start3A_356] : memref<80x128xi32, #tpu.memory_space<vmem>> -> memref<1x128xi32, #tpu.memory_space<vmem>>
        %dma_start3A_358 = tpu.memref_squeeze %dma_start3A_357 : memref<1x128xi32, #tpu.memory_space<vmem>> -> memref<128xi32, #tpu.memory_space<vmem>>
        %dma_start3A_359 = arith.constant 0 : i32
        %dma_start3A_360 = arith.constant 0 : i32
        %dma_start3A_361 = tpu.memref_slice %arg2[%dma_start3A_359, %dma_start3A_360] : memref<10240x64xbf16, #tpu.memory_space<hbm>> -> memref<10240x64xbf16, #tpu.memory_space<hbm>>
        tpu.enqueue_indirect_dma source(%dma_start3A_361 : memref<10240x64xbf16, #tpu.memory_space<hbm>>) target(%arg12 : memref<128x64xbf16, #tpu.memory_space<vmem>>) offsets(%dma_start3A_358 : memref<128xi32, #tpu.memory_space<vmem>>) semaphore(%arg20 : memref<!tpu.dma_semaphore, #tpu.memory_space<semaphore_mem>>)
      } else {
      }
      %ge3A_137 = arith.constant 76 : i32
      %ge3A_138 = arith.cmpi sge, %add3A_126, %ge3A_137 : i32
      %convert_element_type3A_139 = arith.extui %ge3A_138 : i1 to i32
      %cond3A_140 = arith.constant 0 : i32
      %cond3A_141 = arith.cmpi ne, %convert_element_type3A_139, %cond3A_140 : i32
      scf.if %cond3A_141 {
        %dma_start3A_356 = arith.constant 0 : i32
        %dma_start3A_357 = tpu.memref_slice %arg7[%add3A_126, %dma_start3A_356] : memref<80x128xi32, #tpu.memory_space<vmem>> -> memref<1x128xi32, #tpu.memory_space<vmem>>
        %dma_start3A_358 = tpu.memref_squeeze %dma_start3A_357 : memref<1x128xi32, #tpu.memory_space<vmem>> -> memref<128xi32, #tpu.memory_space<vmem>>
        %dma_start3A_359 = arith.constant 0 : i32
        %dma_start3A_360 = arith.constant 0 : i32
        %dma_start3A_361 = tpu.memref_slice %arg10[%dma_start3A_359, %dma_start3A_360] : memref<10240x64xbf16, #tpu.memory_space<vmem_shared>> -> memref<10240x64xbf16, #tpu.memory_space<vmem_shared>>
        tpu.enqueue_indirect_dma source(%dma_start3A_361 : memref<10240x64xbf16, #tpu.memory_space<vmem_shared>>) target(%arg12 : memref<128x64xbf16, #tpu.memory_space<vmem>>) offsets(%dma_start3A_358 : memref<128xi32, #tpu.memory_space<vmem>>) semaphore(%arg20 : memref<!tpu.dma_semaphore, #tpu.memory_space<semaphore_mem>>)
      } else {
      }
      %add3A_142 = arith.constant 2 : i32
      %add3A_143 = arith.addi %mul3A_112, %add3A_142 : i32
      %gt3A_144 = arith.constant 0 : i32
      %gt3A_145 = arith.cmpi sgt, %add3A_110, %gt3A_144 : i32
      %convert_element_type3A_146 = arith.extui %gt3A_145 : i1 to i32
      %cond3A_147 = arith.constant 0 : i32
      %cond3A_148 = arith.cmpi ne, %convert_element_type3A_146, %cond3A_147 : i32
      scf.if %cond3A_148 {
        %sub3A = arith.constant 8 : i32
        %sub3A_356 = arith.subi %add3A_143, %sub3A : i32
        %dma_wait3A_357 = arith.constant 0 : i32
        %dma_wait3A_358 = tpu.memref_slice %arg8[%sub3A_356, %dma_wait3A_357] : memref<80x128xi32, #tpu.memory_space<vmem>> -> memref<1x128xi32, #tpu.memory_space<vmem>>
        %dma_wait3A_359 = tpu.memref_squeeze %dma_wait3A_358 : memref<1x128xi32, #tpu.memory_space<vmem>> -> memref<128xi32, #tpu.memory_space<vmem>>
        %dma_wait3A_360 = arith.constant 0 : i32
        %dma_wait3A_361 = arith.constant 0 : i32
        %dma_wait3A_362 = tpu.memref_slice %arg9[%dma_wait3A_360, %dma_wait3A_361] : memref<10240x64xbf16, #tpu.memory_space<vmem_shared>> -> memref<10240x64xbf16, #tpu.memory_space<vmem_shared>>
        tpu.wait_indirect_dma semaphore(%arg29 : memref<!tpu.dma_semaphore, #tpu.memory_space<semaphore_mem>>) src(%arg13 : memref<128x64xbf16, #tpu.memory_space<vmem>>) dst(%dma_wait3A_362 : memref<10240x64xbf16, #tpu.memory_space<vmem_shared>>)
      } else {
      }
      %lt3A_149 = arith.constant 76 : i32
      %lt3A_150 = arith.cmpi slt, %add3A_143, %lt3A_149 : i32
      %convert_element_type3A_151 = arith.extui %lt3A_150 : i1 to i32
      %cond3A_152 = arith.constant 0 : i32
      %cond3A_153 = arith.cmpi ne, %convert_element_type3A_151, %cond3A_152 : i32
      scf.if %cond3A_153 {
        %dma_start3A_356 = arith.constant 0 : i32
        %dma_start3A_357 = tpu.memref_slice %arg7[%add3A_143, %dma_start3A_356] : memref<80x128xi32, #tpu.memory_space<vmem>> -> memref<1x128xi32, #tpu.memory_space<vmem>>
        %dma_start3A_358 = tpu.memref_squeeze %dma_start3A_357 : memref<1x128xi32, #tpu.memory_space<vmem>> -> memref<128xi32, #tpu.memory_space<vmem>>
        %dma_start3A_359 = arith.constant 0 : i32
        %dma_start3A_360 = arith.constant 0 : i32
        %dma_start3A_361 = tpu.memref_slice %arg2[%dma_start3A_359, %dma_start3A_360] : memref<10240x64xbf16, #tpu.memory_space<hbm>> -> memref<10240x64xbf16, #tpu.memory_space<hbm>>
        tpu.enqueue_indirect_dma source(%dma_start3A_361 : memref<10240x64xbf16, #tpu.memory_space<hbm>>) target(%arg13 : memref<128x64xbf16, #tpu.memory_space<vmem>>) offsets(%dma_start3A_358 : memref<128xi32, #tpu.memory_space<vmem>>) semaphore(%arg21 : memref<!tpu.dma_semaphore, #tpu.memory_space<semaphore_mem>>)
      } else {
      }
      %ge3A_154 = arith.constant 76 : i32
      %ge3A_155 = arith.cmpi sge, %add3A_143, %ge3A_154 : i32
      %convert_element_type3A_156 = arith.extui %ge3A_155 : i1 to i32
      %cond3A_157 = arith.constant 0 : i32
      %cond3A_158 = arith.cmpi ne, %convert_element_type3A_156, %cond3A_157 : i32
      scf.if %cond3A_158 {
        %dma_start3A_356 = arith.constant 0 : i32
        %dma_start3A_357 = tpu.memref_slice %arg7[%add3A_143, %dma_start3A_356] : memref<80x128xi32, #tpu.memory_space<vmem>> -> memref<1x128xi32, #tpu.memory_space<vmem>>
        %dma_start3A_358 = tpu.memref_squeeze %dma_start3A_357 : memref<1x128xi32, #tpu.memory_space<vmem>> -> memref<128xi32, #tpu.memory_space<vmem>>
        %dma_start3A_359 = arith.constant 0 : i32
        %dma_start3A_360 = arith.constant 0 : i32
        %dma_start3A_361 = tpu.memref_slice %arg10[%dma_start3A_359, %dma_start3A_360] : memref<10240x64xbf16, #tpu.memory_space<vmem_shared>> -> memref<10240x64xbf16, #tpu.memory_space<vmem_shared>>
        tpu.enqueue_indirect_dma source(%dma_start3A_361 : memref<10240x64xbf16, #tpu.memory_space<vmem_shared>>) target(%arg13 : memref<128x64xbf16, #tpu.memory_space<vmem>>) offsets(%dma_start3A_358 : memref<128xi32, #tpu.memory_space<vmem>>) semaphore(%arg21 : memref<!tpu.dma_semaphore, #tpu.memory_space<semaphore_mem>>)
      } else {
      }
      %add3A_159 = arith.constant 3 : i32
      %add3A_160 = arith.addi %mul3A_112, %add3A_159 : i32
      %gt3A_161 = arith.constant 0 : i32
      %gt3A_162 = arith.cmpi sgt, %add3A_110, %gt3A_161 : i32
      %convert_element_type3A_163 = arith.extui %gt3A_162 : i1 to i32
      %cond3A_164 = arith.constant 0 : i32
      %cond3A_165 = arith.cmpi ne, %convert_element_type3A_163, %cond3A_164 : i32
      scf.if %cond3A_165 {
        %sub3A = arith.constant 8 : i32
        %sub3A_356 = arith.subi %add3A_160, %sub3A : i32
        %dma_wait3A_357 = arith.constant 0 : i32
        %dma_wait3A_358 = tpu.memref_slice %arg8[%sub3A_356, %dma_wait3A_357] : memref<80x128xi32, #tpu.memory_space<vmem>> -> memref<1x128xi32, #tpu.memory_space<vmem>>
        %dma_wait3A_359 = tpu.memref_squeeze %dma_wait3A_358 : memref<1x128xi32, #tpu.memory_space<vmem>> -> memref<128xi32, #tpu.memory_space<vmem>>
        %dma_wait3A_360 = arith.constant 0 : i32
        %dma_wait3A_361 = arith.constant 0 : i32
        %dma_wait3A_362 = tpu.memref_slice %arg9[%dma_wait3A_360, %dma_wait3A_361] : memref<10240x64xbf16, #tpu.memory_space<vmem_shared>> -> memref<10240x64xbf16, #tpu.memory_space<vmem_shared>>
        tpu.wait_indirect_dma semaphore(%arg30 : memref<!tpu.dma_semaphore, #tpu.memory_space<semaphore_mem>>) src(%arg14 : memref<128x64xbf16, #tpu.memory_space<vmem>>) dst(%dma_wait3A_362 : memref<10240x64xbf16, #tpu.memory_space<vmem_shared>>)
      } else {
      }
      %lt3A_166 = arith.constant 76 : i32
      %lt3A_167 = arith.cmpi slt, %add3A_160, %lt3A_166 : i32
      %convert_element_type3A_168 = arith.extui %lt3A_167 : i1 to i32
      %cond3A_169 = arith.constant 0 : i32
      %cond3A_170 = arith.cmpi ne, %convert_element_type3A_168, %cond3A_169 : i32
      scf.if %cond3A_170 {
        %dma_start3A_356 = arith.constant 0 : i32
        %dma_start3A_357 = tpu.memref_slice %arg7[%add3A_160, %dma_start3A_356] : memref<80x128xi32, #tpu.memory_space<vmem>> -> memref<1x128xi32, #tpu.memory_space<vmem>>
        %dma_start3A_358 = tpu.memref_squeeze %dma_start3A_357 : memref<1x128xi32, #tpu.memory_space<vmem>> -> memref<128xi32, #tpu.memory_space<vmem>>
        %dma_start3A_359 = arith.constant 0 : i32
        %dma_start3A_360 = arith.constant 0 : i32
        %dma_start3A_361 = tpu.memref_slice %arg2[%dma_start3A_359, %dma_start3A_360] : memref<10240x64xbf16, #tpu.memory_space<hbm>> -> memref<10240x64xbf16, #tpu.memory_space<hbm>>
        tpu.enqueue_indirect_dma source(%dma_start3A_361 : memref<10240x64xbf16, #tpu.memory_space<hbm>>) target(%arg14 : memref<128x64xbf16, #tpu.memory_space<vmem>>) offsets(%dma_start3A_358 : memref<128xi32, #tpu.memory_space<vmem>>) semaphore(%arg22 : memref<!tpu.dma_semaphore, #tpu.memory_space<semaphore_mem>>)
      } else {
      }
      %ge3A_171 = arith.constant 76 : i32
      %ge3A_172 = arith.cmpi sge, %add3A_160, %ge3A_171 : i32
      %convert_element_type3A_173 = arith.extui %ge3A_172 : i1 to i32
      %cond3A_174 = arith.constant 0 : i32
      %cond3A_175 = arith.cmpi ne, %convert_element_type3A_173, %cond3A_174 : i32
      scf.if %cond3A_175 {
        %dma_start3A_356 = arith.constant 0 : i32
        %dma_start3A_357 = tpu.memref_slice %arg7[%add3A_160, %dma_start3A_356] : memref<80x128xi32, #tpu.memory_space<vmem>> -> memref<1x128xi32, #tpu.memory_space<vmem>>
        %dma_start3A_358 = tpu.memref_squeeze %dma_start3A_357 : memref<1x128xi32, #tpu.memory_space<vmem>> -> memref<128xi32, #tpu.memory_space<vmem>>
        %dma_start3A_359 = arith.constant 0 : i32
        %dma_start3A_360 = arith.constant 0 : i32
        %dma_start3A_361 = tpu.memref_slice %arg10[%dma_start3A_359, %dma_start3A_360] : memref<10240x64xbf16, #tpu.memory_space<vmem_shared>> -> memref<10240x64xbf16, #tpu.memory_space<vmem_shared>>
        tpu.enqueue_indirect_dma source(%dma_start3A_361 : memref<10240x64xbf16, #tpu.memory_space<vmem_shared>>) target(%arg14 : memref<128x64xbf16, #tpu.memory_space<vmem>>) offsets(%dma_start3A_358 : memref<128xi32, #tpu.memory_space<vmem>>) semaphore(%arg22 : memref<!tpu.dma_semaphore, #tpu.memory_space<semaphore_mem>>)
      } else {
      }
      %add3A_176 = arith.constant 4 : i32
      %add3A_177 = arith.addi %mul3A_112, %add3A_176 : i32
      %gt3A_178 = arith.constant 0 : i32
      %gt3A_179 = arith.cmpi sgt, %add3A_110, %gt3A_178 : i32
      %convert_element_type3A_180 = arith.extui %gt3A_179 : i1 to i32
      %cond3A_181 = arith.constant 0 : i32
      %cond3A_182 = arith.cmpi ne, %convert_element_type3A_180, %cond3A_181 : i32
      scf.if %cond3A_182 {
        %sub3A = arith.constant 8 : i32
        %sub3A_356 = arith.subi %add3A_177, %sub3A : i32
        %dma_wait3A_357 = arith.constant 0 : i32
        %dma_wait3A_358 = tpu.memref_slice %arg8[%sub3A_356, %dma_wait3A_357] : memref<80x128xi32, #tpu.memory_space<vmem>> -> memref<1x128xi32, #tpu.memory_space<vmem>>
        %dma_wait3A_359 = tpu.memref_squeeze %dma_wait3A_358 : memref<1x128xi32, #tpu.memory_space<vmem>> -> memref<128xi32, #tpu.memory_space<vmem>>
        %dma_wait3A_360 = arith.constant 0 : i32
        %dma_wait3A_361 = arith.constant 0 : i32
        %dma_wait3A_362 = tpu.memref_slice %arg9[%dma_wait3A_360, %dma_wait3A_361] : memref<10240x64xbf16, #tpu.memory_space<vmem_shared>> -> memref<10240x64xbf16, #tpu.memory_space<vmem_shared>>
        tpu.wait_indirect_dma semaphore(%arg31 : memref<!tpu.dma_semaphore, #tpu.memory_space<semaphore_mem>>) src(%arg15 : memref<128x64xbf16, #tpu.memory_space<vmem>>) dst(%dma_wait3A_362 : memref<10240x64xbf16, #tpu.memory_space<vmem_shared>>)
      } else {
      }
      %lt3A_183 = arith.constant 76 : i32
      %lt3A_184 = arith.cmpi slt, %add3A_177, %lt3A_183 : i32
      %convert_element_type3A_185 = arith.extui %lt3A_184 : i1 to i32
      %cond3A_186 = arith.constant 0 : i32
      %cond3A_187 = arith.cmpi ne, %convert_element_type3A_185, %cond3A_186 : i32
      scf.if %cond3A_187 {
        %dma_start3A_356 = arith.constant 0 : i32
        %dma_start3A_357 = tpu.memref_slice %arg7[%add3A_177, %dma_start3A_356] : memref<80x128xi32, #tpu.memory_space<vmem>> -> memref<1x128xi32, #tpu.memory_space<vmem>>
        %dma_start3A_358 = tpu.memref_squeeze %dma_start3A_357 : memref<1x128xi32, #tpu.memory_space<vmem>> -> memref<128xi32, #tpu.memory_space<vmem>>
        %dma_start3A_359 = arith.constant 0 : i32
        %dma_start3A_360 = arith.constant 0 : i32
        %dma_start3A_361 = tpu.memref_slice %arg2[%dma_start3A_359, %dma_start3A_360] : memref<10240x64xbf16, #tpu.memory_space<hbm>> -> memref<10240x64xbf16, #tpu.memory_space<hbm>>
        tpu.enqueue_indirect_dma source(%dma_start3A_361 : memref<10240x64xbf16, #tpu.memory_space<hbm>>) target(%arg15 : memref<128x64xbf16, #tpu.memory_space<vmem>>) offsets(%dma_start3A_358 : memref<128xi32, #tpu.memory_space<vmem>>) semaphore(%arg23 : memref<!tpu.dma_semaphore, #tpu.memory_space<semaphore_mem>>)
      } else {
      }
      %ge3A_188 = arith.constant 76 : i32
      %ge3A_189 = arith.cmpi sge, %add3A_177, %ge3A_188 : i32
      %convert_element_type3A_190 = arith.extui %ge3A_189 : i1 to i32
      %cond3A_191 = arith.constant 0 : i32
      %cond3A_192 = arith.cmpi ne, %convert_element_type3A_190, %cond3A_191 : i32
      scf.if %cond3A_192 {
        %dma_start3A_356 = arith.constant 0 : i32
        %dma_start3A_357 = tpu.memref_slice %arg7[%add3A_177, %dma_start3A_356] : memref<80x128xi32, #tpu.memory_space<vmem>> -> memref<1x128xi32, #tpu.memory_space<vmem>>
        %dma_start3A_358 = tpu.memref_squeeze %dma_start3A_357 : memref<1x128xi32, #tpu.memory_space<vmem>> -> memref<128xi32, #tpu.memory_space<vmem>>
        %dma_start3A_359 = arith.constant 0 : i32
        %dma_start3A_360 = arith.constant 0 : i32
        %dma_start3A_361 = tpu.memref_slice %arg10[%dma_start3A_359, %dma_start3A_360] : memref<10240x64xbf16, #tpu.memory_space<vmem_shared>> -> memref<10240x64xbf16, #tpu.memory_space<vmem_shared>>
        tpu.enqueue_indirect_dma source(%dma_start3A_361 : memref<10240x64xbf16, #tpu.memory_space<vmem_shared>>) target(%arg15 : memref<128x64xbf16, #tpu.memory_space<vmem>>) offsets(%dma_start3A_358 : memref<128xi32, #tpu.memory_space<vmem>>) semaphore(%arg23 : memref<!tpu.dma_semaphore, #tpu.memory_space<semaphore_mem>>)
      } else {
      }
      %add3A_193 = arith.constant 5 : i32
      %add3A_194 = arith.addi %mul3A_112, %add3A_193 : i32
      %gt3A_195 = arith.constant 0 : i32
      %gt3A_196 = arith.cmpi sgt, %add3A_110, %gt3A_195 : i32
      %convert_element_type3A_197 = arith.extui %gt3A_196 : i1 to i32
      %cond3A_198 = arith.constant 0 : i32
      %cond3A_199 = arith.cmpi ne, %convert_element_type3A_197, %cond3A_198 : i32
      scf.if %cond3A_199 {
        %sub3A = arith.constant 8 : i32
        %sub3A_356 = arith.subi %add3A_194, %sub3A : i32
        %dma_wait3A_357 = arith.constant 0 : i32
        %dma_wait3A_358 = tpu.memref_slice %arg8[%sub3A_356, %dma_wait3A_357] : memref<80x128xi32, #tpu.memory_space<vmem>> -> memref<1x128xi32, #tpu.memory_space<vmem>>
        %dma_wait3A_359 = tpu.memref_squeeze %dma_wait3A_358 : memref<1x128xi32, #tpu.memory_space<vmem>> -> memref<128xi32, #tpu.memory_space<vmem>>
        %dma_wait3A_360 = arith.constant 0 : i32
        %dma_wait3A_361 = arith.constant 0 : i32
        %dma_wait3A_362 = tpu.memref_slice %arg9[%dma_wait3A_360, %dma_wait3A_361] : memref<10240x64xbf16, #tpu.memory_space<vmem_shared>> -> memref<10240x64xbf16, #tpu.memory_space<vmem_shared>>
        tpu.wait_indirect_dma semaphore(%arg32 : memref<!tpu.dma_semaphore, #tpu.memory_space<semaphore_mem>>) src(%arg16 : memref<128x64xbf16, #tpu.memory_space<vmem>>) dst(%dma_wait3A_362 : memref<10240x64xbf16, #tpu.memory_space<vmem_shared>>)
      } else {
      }
      %lt3A_200 = arith.constant 76 : i32
      %lt3A_201 = arith.cmpi slt, %add3A_194, %lt3A_200 : i32
      %convert_element_type3A_202 = arith.extui %lt3A_201 : i1 to i32
      %cond3A_203 = arith.constant 0 : i32
      %cond3A_204 = arith.cmpi ne, %convert_element_type3A_202, %cond3A_203 : i32
      scf.if %cond3A_204 {
        %dma_start3A_356 = arith.constant 0 : i32
        %dma_start3A_357 = tpu.memref_slice %arg7[%add3A_194, %dma_start3A_356] : memref<80x128xi32, #tpu.memory_space<vmem>> -> memref<1x128xi32, #tpu.memory_space<vmem>>
        %dma_start3A_358 = tpu.memref_squeeze %dma_start3A_357 : memref<1x128xi32, #tpu.memory_space<vmem>> -> memref<128xi32, #tpu.memory_space<vmem>>
        %dma_start3A_359 = arith.constant 0 : i32
        %dma_start3A_360 = arith.constant 0 : i32
        %dma_start3A_361 = tpu.memref_slice %arg2[%dma_start3A_359, %dma_start3A_360] : memref<10240x64xbf16, #tpu.memory_space<hbm>> -> memref<10240x64xbf16, #tpu.memory_space<hbm>>
        tpu.enqueue_indirect_dma source(%dma_start3A_361 : memref<10240x64xbf16, #tpu.memory_space<hbm>>) target(%arg16 : memref<128x64xbf16, #tpu.memory_space<vmem>>) offsets(%dma_start3A_358 : memref<128xi32, #tpu.memory_space<vmem>>) semaphore(%arg24 : memref<!tpu.dma_semaphore, #tpu.memory_space<semaphore_mem>>)
      } else {
      }
      %ge3A_205 = arith.constant 76 : i32
      %ge3A_206 = arith.cmpi sge, %add3A_194, %ge3A_205 : i32
      %convert_element_type3A_207 = arith.extui %ge3A_206 : i1 to i32
      %cond3A_208 = arith.constant 0 : i32
      %cond3A_209 = arith.cmpi ne, %convert_element_type3A_207, %cond3A_208 : i32
      scf.if %cond3A_209 {
        %dma_start3A_356 = arith.constant 0 : i32
        %dma_start3A_357 = tpu.memref_slice %arg7[%add3A_194, %dma_start3A_356] : memref<80x128xi32, #tpu.memory_space<vmem>> -> memref<1x128xi32, #tpu.memory_space<vmem>>
        %dma_start3A_358 = tpu.memref_squeeze %dma_start3A_357 : memref<1x128xi32, #tpu.memory_space<vmem>> -> memref<128xi32, #tpu.memory_space<vmem>>
        %dma_start3A_359 = arith.constant 0 : i32
        %dma_start3A_360 = arith.constant 0 : i32
        %dma_start3A_361 = tpu.memref_slice %arg10[%dma_start3A_359, %dma_start3A_360] : memref<10240x64xbf16, #tpu.memory_space<vmem_shared>> -> memref<10240x64xbf16, #tpu.memory_space<vmem_shared>>
        tpu.enqueue_indirect_dma source(%dma_start3A_361 : memref<10240x64xbf16, #tpu.memory_space<vmem_shared>>) target(%arg16 : memref<128x64xbf16, #tpu.memory_space<vmem>>) offsets(%dma_start3A_358 : memref<128xi32, #tpu.memory_space<vmem>>) semaphore(%arg24 : memref<!tpu.dma_semaphore, #tpu.memory_space<semaphore_mem>>)
      } else {
      }
      %add3A_210 = arith.constant 6 : i32
      %add3A_211 = arith.addi %mul3A_112, %add3A_210 : i32
      %gt3A_212 = arith.constant 0 : i32
      %gt3A_213 = arith.cmpi sgt, %add3A_110, %gt3A_212 : i32
      %convert_element_type3A_214 = arith.extui %gt3A_213 : i1 to i32
      %cond3A_215 = arith.constant 0 : i32
      %cond3A_216 = arith.cmpi ne, %convert_element_type3A_214, %cond3A_215 : i32
      scf.if %cond3A_216 {
        %sub3A = arith.constant 8 : i32
        %sub3A_356 = arith.subi %add3A_211, %sub3A : i32
        %dma_wait3A_357 = arith.constant 0 : i32
        %dma_wait3A_358 = tpu.memref_slice %arg8[%sub3A_356, %dma_wait3A_357] : memref<80x128xi32, #tpu.memory_space<vmem>> -> memref<1x128xi32, #tpu.memory_space<vmem>>
        %dma_wait3A_359 = tpu.memref_squeeze %dma_wait3A_358 : memref<1x128xi32, #tpu.memory_space<vmem>> -> memref<128xi32, #tpu.memory_space<vmem>>
        %dma_wait3A_360 = arith.constant 0 : i32
        %dma_wait3A_361 = arith.constant 0 : i32
        %dma_wait3A_362 = tpu.memref_slice %arg9[%dma_wait3A_360, %dma_wait3A_361] : memref<10240x64xbf16, #tpu.memory_space<vmem_shared>> -> memref<10240x64xbf16, #tpu.memory_space<vmem_shared>>
        tpu.wait_indirect_dma semaphore(%arg33 : memref<!tpu.dma_semaphore, #tpu.memory_space<semaphore_mem>>) src(%arg17 : memref<128x64xbf16, #tpu.memory_space<vmem>>) dst(%dma_wait3A_362 : memref<10240x64xbf16, #tpu.memory_space<vmem_shared>>)
      } else {
      }
      %lt3A_217 = arith.constant 76 : i32
      %lt3A_218 = arith.cmpi slt, %add3A_211, %lt3A_217 : i32
      %convert_element_type3A_219 = arith.extui %lt3A_218 : i1 to i32
      %cond3A_220 = arith.constant 0 : i32
      %cond3A_221 = arith.cmpi ne, %convert_element_type3A_219, %cond3A_220 : i32
      scf.if %cond3A_221 {
        %dma_start3A_356 = arith.constant 0 : i32
        %dma_start3A_357 = tpu.memref_slice %arg7[%add3A_211, %dma_start3A_356] : memref<80x128xi32, #tpu.memory_space<vmem>> -> memref<1x128xi32, #tpu.memory_space<vmem>>
        %dma_start3A_358 = tpu.memref_squeeze %dma_start3A_357 : memref<1x128xi32, #tpu.memory_space<vmem>> -> memref<128xi32, #tpu.memory_space<vmem>>
        %dma_start3A_359 = arith.constant 0 : i32
        %dma_start3A_360 = arith.constant 0 : i32
        %dma_start3A_361 = tpu.memref_slice %arg2[%dma_start3A_359, %dma_start3A_360] : memref<10240x64xbf16, #tpu.memory_space<hbm>> -> memref<10240x64xbf16, #tpu.memory_space<hbm>>
        tpu.enqueue_indirect_dma source(%dma_start3A_361 : memref<10240x64xbf16, #tpu.memory_space<hbm>>) target(%arg17 : memref<128x64xbf16, #tpu.memory_space<vmem>>) offsets(%dma_start3A_358 : memref<128xi32, #tpu.memory_space<vmem>>) semaphore(%arg25 : memref<!tpu.dma_semaphore, #tpu.memory_space<semaphore_mem>>)
      } else {
      }
      %ge3A_222 = arith.constant 76 : i32
      %ge3A_223 = arith.cmpi sge, %add3A_211, %ge3A_222 : i32
      %convert_element_type3A_224 = arith.extui %ge3A_223 : i1 to i32
      %cond3A_225 = arith.constant 0 : i32
      %cond3A_226 = arith.cmpi ne, %convert_element_type3A_224, %cond3A_225 : i32
      scf.if %cond3A_226 {
        %dma_start3A_356 = arith.constant 0 : i32
        %dma_start3A_357 = tpu.memref_slice %arg7[%add3A_211, %dma_start3A_356] : memref<80x128xi32, #tpu.memory_space<vmem>> -> memref<1x128xi32, #tpu.memory_space<vmem>>
        %dma_start3A_358 = tpu.memref_squeeze %dma_start3A_357 : memref<1x128xi32, #tpu.memory_space<vmem>> -> memref<128xi32, #tpu.memory_space<vmem>>
        %dma_start3A_359 = arith.constant 0 : i32
        %dma_start3A_360 = arith.constant 0 : i32
        %dma_start3A_361 = tpu.memref_slice %arg10[%dma_start3A_359, %dma_start3A_360] : memref<10240x64xbf16, #tpu.memory_space<vmem_shared>> -> memref<10240x64xbf16, #tpu.memory_space<vmem_shared>>
        tpu.enqueue_indirect_dma source(%dma_start3A_361 : memref<10240x64xbf16, #tpu.memory_space<vmem_shared>>) target(%arg17 : memref<128x64xbf16, #tpu.memory_space<vmem>>) offsets(%dma_start3A_358 : memref<128xi32, #tpu.memory_space<vmem>>) semaphore(%arg25 : memref<!tpu.dma_semaphore, #tpu.memory_space<semaphore_mem>>)
      } else {
      }
      %add3A_227 = arith.constant 7 : i32
      %add3A_228 = arith.addi %mul3A_112, %add3A_227 : i32
      %gt3A_229 = arith.constant 0 : i32
      %gt3A_230 = arith.cmpi sgt, %add3A_110, %gt3A_229 : i32
      %convert_element_type3A_231 = arith.extui %gt3A_230 : i1 to i32
      %cond3A_232 = arith.constant 0 : i32
      %cond3A_233 = arith.cmpi ne, %convert_element_type3A_231, %cond3A_232 : i32
      scf.if %cond3A_233 {
        %sub3A = arith.constant 8 : i32
        %sub3A_356 = arith.subi %add3A_228, %sub3A : i32
        %dma_wait3A_357 = arith.constant 0 : i32
        %dma_wait3A_358 = tpu.memref_slice %arg8[%sub3A_356, %dma_wait3A_357] : memref<80x128xi32, #tpu.memory_space<vmem>> -> memref<1x128xi32, #tpu.memory_space<vmem>>
        %dma_wait3A_359 = tpu.memref_squeeze %dma_wait3A_358 : memref<1x128xi32, #tpu.memory_space<vmem>> -> memref<128xi32, #tpu.memory_space<vmem>>
        %dma_wait3A_360 = arith.constant 0 : i32
        %dma_wait3A_361 = arith.constant 0 : i32
        %dma_wait3A_362 = tpu.memref_slice %arg9[%dma_wait3A_360, %dma_wait3A_361] : memref<10240x64xbf16, #tpu.memory_space<vmem_shared>> -> memref<10240x64xbf16, #tpu.memory_space<vmem_shared>>
        tpu.wait_indirect_dma semaphore(%arg34 : memref<!tpu.dma_semaphore, #tpu.memory_space<semaphore_mem>>) src(%arg18 : memref<128x64xbf16, #tpu.memory_space<vmem>>) dst(%dma_wait3A_362 : memref<10240x64xbf16, #tpu.memory_space<vmem_shared>>)
      } else {
      }
      %lt3A_234 = arith.constant 76 : i32
      %lt3A_235 = arith.cmpi slt, %add3A_228, %lt3A_234 : i32
      %convert_element_type3A_236 = arith.extui %lt3A_235 : i1 to i32
      %cond3A_237 = arith.constant 0 : i32
      %cond3A_238 = arith.cmpi ne, %convert_element_type3A_236, %cond3A_237 : i32
      scf.if %cond3A_238 {
        %dma_start3A_356 = arith.constant 0 : i32
        %dma_start3A_357 = tpu.memref_slice %arg7[%add3A_228, %dma_start3A_356] : memref<80x128xi32, #tpu.memory_space<vmem>> -> memref<1x128xi32, #tpu.memory_space<vmem>>
        %dma_start3A_358 = tpu.memref_squeeze %dma_start3A_357 : memref<1x128xi32, #tpu.memory_space<vmem>> -> memref<128xi32, #tpu.memory_space<vmem>>
        %dma_start3A_359 = arith.constant 0 : i32
        %dma_start3A_360 = arith.constant 0 : i32
        %dma_start3A_361 = tpu.memref_slice %arg2[%dma_start3A_359, %dma_start3A_360] : memref<10240x64xbf16, #tpu.memory_space<hbm>> -> memref<10240x64xbf16, #tpu.memory_space<hbm>>
        tpu.enqueue_indirect_dma source(%dma_start3A_361 : memref<10240x64xbf16, #tpu.memory_space<hbm>>) target(%arg18 : memref<128x64xbf16, #tpu.memory_space<vmem>>) offsets(%dma_start3A_358 : memref<128xi32, #tpu.memory_space<vmem>>) semaphore(%arg26 : memref<!tpu.dma_semaphore, #tpu.memory_space<semaphore_mem>>)
      } else {
      }
      %ge3A_239 = arith.constant 76 : i32
      %ge3A_240 = arith.cmpi sge, %add3A_228, %ge3A_239 : i32
      %convert_element_type3A_241 = arith.extui %ge3A_240 : i1 to i32
      %cond3A_242 = arith.constant 0 : i32
      %cond3A_243 = arith.cmpi ne, %convert_element_type3A_241, %cond3A_242 : i32
      scf.if %cond3A_243 {
        %dma_start3A_356 = arith.constant 0 : i32
        %dma_start3A_357 = tpu.memref_slice %arg7[%add3A_228, %dma_start3A_356] : memref<80x128xi32, #tpu.memory_space<vmem>> -> memref<1x128xi32, #tpu.memory_space<vmem>>
        %dma_start3A_358 = tpu.memref_squeeze %dma_start3A_357 : memref<1x128xi32, #tpu.memory_space<vmem>> -> memref<128xi32, #tpu.memory_space<vmem>>
        %dma_start3A_359 = arith.constant 0 : i32
        %dma_start3A_360 = arith.constant 0 : i32
        %dma_start3A_361 = tpu.memref_slice %arg10[%dma_start3A_359, %dma_start3A_360] : memref<10240x64xbf16, #tpu.memory_space<vmem_shared>> -> memref<10240x64xbf16, #tpu.memory_space<vmem_shared>>
        tpu.enqueue_indirect_dma source(%dma_start3A_361 : memref<10240x64xbf16, #tpu.memory_space<vmem_shared>>) target(%arg18 : memref<128x64xbf16, #tpu.memory_space<vmem>>) offsets(%dma_start3A_358 : memref<128xi32, #tpu.memory_space<vmem>>) semaphore(%arg26 : memref<!tpu.dma_semaphore, #tpu.memory_space<semaphore_mem>>)
      } else {
      }
      %add3A_244 = arith.constant 0 : i32
      %add3A_245 = arith.addi %mul3A_112, %add3A_244 : i32
      %dma_wait3A_246 = arith.constant 0 : i32
      %dma_wait3A_247 = tpu.memref_slice %arg7[%add3A_245, %dma_wait3A_246] : memref<80x128xi32, #tpu.memory_space<vmem>> -> memref<1x128xi32, #tpu.memory_space<vmem>>
      %dma_wait3A_248 = tpu.memref_squeeze %dma_wait3A_247 : memref<1x128xi32, #tpu.memory_space<vmem>> -> memref<128xi32, #tpu.memory_space<vmem>>
      %dma_wait3A_249 = arith.constant 0 : i32
      %dma_wait3A_250 = arith.constant 0 : i32
      %dma_wait3A_251 = tpu.memref_slice %arg10[%dma_wait3A_249, %dma_wait3A_250] : memref<10240x64xbf16, #tpu.memory_space<vmem_shared>> -> memref<10240x64xbf16, #tpu.memory_space<vmem_shared>>
      tpu.wait_indirect_dma semaphore(%arg19 : memref<!tpu.dma_semaphore, #tpu.memory_space<semaphore_mem>>) src(%dma_wait3A_251 : memref<10240x64xbf16, #tpu.memory_space<vmem_shared>>) dst(%arg11 : memref<128x64xbf16, #tpu.memory_space<vmem>>)
      %dma_start3A_252 = arith.constant 0 : i32
      %dma_start3A_253 = tpu.memref_slice %arg8[%add3A_245, %dma_start3A_252] : memref<80x128xi32, #tpu.memory_space<vmem>> -> memref<1x128xi32, #tpu.memory_space<vmem>>
      %dma_start3A_254 = tpu.memref_squeeze %dma_start3A_253 : memref<1x128xi32, #tpu.memory_space<vmem>> -> memref<128xi32, #tpu.memory_space<vmem>>
      %dma_start3A_255 = arith.constant 0 : i32
      %dma_start3A_256 = arith.constant 0 : i32
      %dma_start3A_257 = tpu.memref_slice %arg9[%dma_start3A_255, %dma_start3A_256] : memref<10240x64xbf16, #tpu.memory_space<vmem_shared>> -> memref<10240x64xbf16, #tpu.memory_space<vmem_shared>>
      tpu.enqueue_indirect_dma source(%arg11 : memref<128x64xbf16, #tpu.memory_space<vmem>>) target(%dma_start3A_257 : memref<10240x64xbf16, #tpu.memory_space<vmem_shared>>) offsets(%dma_start3A_254 : memref<128xi32, #tpu.memory_space<vmem>>) semaphore(%arg27 : memref<!tpu.dma_semaphore, #tpu.memory_space<semaphore_mem>>) {add = true}
      %add3A_258 = arith.constant 1 : i32
      %add3A_259 = arith.addi %mul3A_112, %add3A_258 : i32
      %dma_wait3A_260 = arith.constant 0 : i32
      %dma_wait3A_261 = tpu.memref_slice %arg7[%add3A_259, %dma_wait3A_260] : memref<80x128xi32, #tpu.memory_space<vmem>> -> memref<1x128xi32, #tpu.memory_space<vmem>>
      %dma_wait3A_262 = tpu.memref_squeeze %dma_wait3A_261 : memref<1x128xi32, #tpu.memory_space<vmem>> -> memref<128xi32, #tpu.memory_space<vmem>>
      %dma_wait3A_263 = arith.constant 0 : i32
      %dma_wait3A_264 = arith.constant 0 : i32
      %dma_wait3A_265 = tpu.memref_slice %arg10[%dma_wait3A_263, %dma_wait3A_264] : memref<10240x64xbf16, #tpu.memory_space<vmem_shared>> -> memref<10240x64xbf16, #tpu.memory_space<vmem_shared>>
      tpu.wait_indirect_dma semaphore(%arg20 : memref<!tpu.dma_semaphore, #tpu.memory_space<semaphore_mem>>) src(%dma_wait3A_265 : memref<10240x64xbf16, #tpu.memory_space<vmem_shared>>) dst(%arg12 : memref<128x64xbf16, #tpu.memory_space<vmem>>)
      %dma_start3A_266 = arith.constant 0 : i32
      %dma_start3A_267 = tpu.memref_slice %arg8[%add3A_259, %dma_start3A_266] : memref<80x128xi32, #tpu.memory_space<vmem>> -> memref<1x128xi32, #tpu.memory_space<vmem>>
      %dma_start3A_268 = tpu.memref_squeeze %dma_start3A_267 : memref<1x128xi32, #tpu.memory_space<vmem>> -> memref<128xi32, #tpu.memory_space<vmem>>
      %dma_start3A_269 = arith.constant 0 : i32
      %dma_start3A_270 = arith.constant 0 : i32
      %dma_start3A_271 = tpu.memref_slice %arg9[%dma_start3A_269, %dma_start3A_270] : memref<10240x64xbf16, #tpu.memory_space<vmem_shared>> -> memref<10240x64xbf16, #tpu.memory_space<vmem_shared>>
      tpu.enqueue_indirect_dma source(%arg12 : memref<128x64xbf16, #tpu.memory_space<vmem>>) target(%dma_start3A_271 : memref<10240x64xbf16, #tpu.memory_space<vmem_shared>>) offsets(%dma_start3A_268 : memref<128xi32, #tpu.memory_space<vmem>>) semaphore(%arg28 : memref<!tpu.dma_semaphore, #tpu.memory_space<semaphore_mem>>) {add = true}
      %add3A_272 = arith.constant 2 : i32
      %add3A_273 = arith.addi %mul3A_112, %add3A_272 : i32
      %dma_wait3A_274 = arith.constant 0 : i32
      %dma_wait3A_275 = tpu.memref_slice %arg7[%add3A_273, %dma_wait3A_274] : memref<80x128xi32, #tpu.memory_space<vmem>> -> memref<1x128xi32, #tpu.memory_space<vmem>>
      %dma_wait3A_276 = tpu.memref_squeeze %dma_wait3A_275 : memref<1x128xi32, #tpu.memory_space<vmem>> -> memref<128xi32, #tpu.memory_space<vmem>>
      %dma_wait3A_277 = arith.constant 0 : i32
      %dma_wait3A_278 = arith.constant 0 : i32
      %dma_wait3A_279 = tpu.memref_slice %arg10[%dma_wait3A_277, %dma_wait3A_278] : memref<10240x64xbf16, #tpu.memory_space<vmem_shared>> -> memref<10240x64xbf16, #tpu.memory_space<vmem_shared>>
      tpu.wait_indirect_dma semaphore(%arg21 : memref<!tpu.dma_semaphore, #tpu.memory_space<semaphore_mem>>) src(%dma_wait3A_279 : memref<10240x64xbf16, #tpu.memory_space<vmem_shared>>) dst(%arg13 : memref<128x64xbf16, #tpu.memory_space<vmem>>)
      %dma_start3A_280 = arith.constant 0 : i32
      %dma_start3A_281 = tpu.memref_slice %arg8[%add3A_273, %dma_start3A_280] : memref<80x128xi32, #tpu.memory_space<vmem>> -> memref<1x128xi32, #tpu.memory_space<vmem>>
      %dma_start3A_282 = tpu.memref_squeeze %dma_start3A_281 : memref<1x128xi32, #tpu.memory_space<vmem>> -> memref<128xi32, #tpu.memory_space<vmem>>
      %dma_start3A_283 = arith.constant 0 : i32
      %dma_start3A_284 = arith.constant 0 : i32
      %dma_start3A_285 = tpu.memref_slice %arg9[%dma_start3A_283, %dma_start3A_284] : memref<10240x64xbf16, #tpu.memory_space<vmem_shared>> -> memref<10240x64xbf16, #tpu.memory_space<vmem_shared>>
      tpu.enqueue_indirect_dma source(%arg13 : memref<128x64xbf16, #tpu.memory_space<vmem>>) target(%dma_start3A_285 : memref<10240x64xbf16, #tpu.memory_space<vmem_shared>>) offsets(%dma_start3A_282 : memref<128xi32, #tpu.memory_space<vmem>>) semaphore(%arg29 : memref<!tpu.dma_semaphore, #tpu.memory_space<semaphore_mem>>) {add = true}
      %add3A_286 = arith.constant 3 : i32
      %add3A_287 = arith.addi %mul3A_112, %add3A_286 : i32
      %dma_wait3A_288 = arith.constant 0 : i32
      %dma_wait3A_289 = tpu.memref_slice %arg7[%add3A_287, %dma_wait3A_288] : memref<80x128xi32, #tpu.memory_space<vmem>> -> memref<1x128xi32, #tpu.memory_space<vmem>>
      %dma_wait3A_290 = tpu.memref_squeeze %dma_wait3A_289 : memref<1x128xi32, #tpu.memory_space<vmem>> -> memref<128xi32, #tpu.memory_space<vmem>>
      %dma_wait3A_291 = arith.constant 0 : i32
      %dma_wait3A_292 = arith.constant 0 : i32
      %dma_wait3A_293 = tpu.memref_slice %arg10[%dma_wait3A_291, %dma_wait3A_292] : memref<10240x64xbf16, #tpu.memory_space<vmem_shared>> -> memref<10240x64xbf16, #tpu.memory_space<vmem_shared>>
      tpu.wait_indirect_dma semaphore(%arg22 : memref<!tpu.dma_semaphore, #tpu.memory_space<semaphore_mem>>) src(%dma_wait3A_293 : memref<10240x64xbf16, #tpu.memory_space<vmem_shared>>) dst(%arg14 : memref<128x64xbf16, #tpu.memory_space<vmem>>)
      %dma_start3A_294 = arith.constant 0 : i32
      %dma_start3A_295 = tpu.memref_slice %arg8[%add3A_287, %dma_start3A_294] : memref<80x128xi32, #tpu.memory_space<vmem>> -> memref<1x128xi32, #tpu.memory_space<vmem>>
      %dma_start3A_296 = tpu.memref_squeeze %dma_start3A_295 : memref<1x128xi32, #tpu.memory_space<vmem>> -> memref<128xi32, #tpu.memory_space<vmem>>
      %dma_start3A_297 = arith.constant 0 : i32
      %dma_start3A_298 = arith.constant 0 : i32
      %dma_start3A_299 = tpu.memref_slice %arg9[%dma_start3A_297, %dma_start3A_298] : memref<10240x64xbf16, #tpu.memory_space<vmem_shared>> -> memref<10240x64xbf16, #tpu.memory_space<vmem_shared>>
      tpu.enqueue_indirect_dma source(%arg14 : memref<128x64xbf16, #tpu.memory_space<vmem>>) target(%dma_start3A_299 : memref<10240x64xbf16, #tpu.memory_space<vmem_shared>>) offsets(%dma_start3A_296 : memref<128xi32, #tpu.memory_space<vmem>>) semaphore(%arg30 : memref<!tpu.dma_semaphore, #tpu.memory_space<semaphore_mem>>) {add = true}
      %add3A_300 = arith.constant 4 : i32
      %add3A_301 = arith.addi %mul3A_112, %add3A_300 : i32
      %dma_wait3A_302 = arith.constant 0 : i32
      %dma_wait3A_303 = tpu.memref_slice %arg7[%add3A_301, %dma_wait3A_302] : memref<80x128xi32, #tpu.memory_space<vmem>> -> memref<1x128xi32, #tpu.memory_space<vmem>>
      %dma_wait3A_304 = tpu.memref_squeeze %dma_wait3A_303 : memref<1x128xi32, #tpu.memory_space<vmem>> -> memref<128xi32, #tpu.memory_space<vmem>>
      %dma_wait3A_305 = arith.constant 0 : i32
      %dma_wait3A_306 = arith.constant 0 : i32
      %dma_wait3A_307 = tpu.memref_slice %arg10[%dma_wait3A_305, %dma_wait3A_306] : memref<10240x64xbf16, #tpu.memory_space<vmem_shared>> -> memref<10240x64xbf16, #tpu.memory_space<vmem_shared>>
      tpu.wait_indirect_dma semaphore(%arg23 : memref<!tpu.dma_semaphore, #tpu.memory_space<semaphore_mem>>) src(%dma_wait3A_307 : memref<10240x64xbf16, #tpu.memory_space<vmem_shared>>) dst(%arg15 : memref<128x64xbf16, #tpu.memory_space<vmem>>)
      %dma_start3A_308 = arith.constant 0 : i32
      %dma_start3A_309 = tpu.memref_slice %arg8[%add3A_301, %dma_start3A_308] : memref<80x128xi32, #tpu.memory_space<vmem>> -> memref<1x128xi32, #tpu.memory_space<vmem>>
      %dma_start3A_310 = tpu.memref_squeeze %dma_start3A_309 : memref<1x128xi32, #tpu.memory_space<vmem>> -> memref<128xi32, #tpu.memory_space<vmem>>
      %dma_start3A_311 = arith.constant 0 : i32
      %dma_start3A_312 = arith.constant 0 : i32
      %dma_start3A_313 = tpu.memref_slice %arg9[%dma_start3A_311, %dma_start3A_312] : memref<10240x64xbf16, #tpu.memory_space<vmem_shared>> -> memref<10240x64xbf16, #tpu.memory_space<vmem_shared>>
      tpu.enqueue_indirect_dma source(%arg15 : memref<128x64xbf16, #tpu.memory_space<vmem>>) target(%dma_start3A_313 : memref<10240x64xbf16, #tpu.memory_space<vmem_shared>>) offsets(%dma_start3A_310 : memref<128xi32, #tpu.memory_space<vmem>>) semaphore(%arg31 : memref<!tpu.dma_semaphore, #tpu.memory_space<semaphore_mem>>) {add = true}
      %add3A_314 = arith.constant 5 : i32
      %add3A_315 = arith.addi %mul3A_112, %add3A_314 : i32
      %dma_wait3A_316 = arith.constant 0 : i32
      %dma_wait3A_317 = tpu.memref_slice %arg7[%add3A_315, %dma_wait3A_316] : memref<80x128xi32, #tpu.memory_space<vmem>> -> memref<1x128xi32, #tpu.memory_space<vmem>>
      %dma_wait3A_318 = tpu.memref_squeeze %dma_wait3A_317 : memref<1x128xi32, #tpu.memory_space<vmem>> -> memref<128xi32, #tpu.memory_space<vmem>>
      %dma_wait3A_319 = arith.constant 0 : i32
      %dma_wait3A_320 = arith.constant 0 : i32
      %dma_wait3A_321 = tpu.memref_slice %arg10[%dma_wait3A_319, %dma_wait3A_320] : memref<10240x64xbf16, #tpu.memory_space<vmem_shared>> -> memref<10240x64xbf16, #tpu.memory_space<vmem_shared>>
      tpu.wait_indirect_dma semaphore(%arg24 : memref<!tpu.dma_semaphore, #tpu.memory_space<semaphore_mem>>) src(%dma_wait3A_321 : memref<10240x64xbf16, #tpu.memory_space<vmem_shared>>) dst(%arg16 : memref<128x64xbf16, #tpu.memory_space<vmem>>)
      %dma_start3A_322 = arith.constant 0 : i32
      %dma_start3A_323 = tpu.memref_slice %arg8[%add3A_315, %dma_start3A_322] : memref<80x128xi32, #tpu.memory_space<vmem>> -> memref<1x128xi32, #tpu.memory_space<vmem>>
      %dma_start3A_324 = tpu.memref_squeeze %dma_start3A_323 : memref<1x128xi32, #tpu.memory_space<vmem>> -> memref<128xi32, #tpu.memory_space<vmem>>
      %dma_start3A_325 = arith.constant 0 : i32
      %dma_start3A_326 = arith.constant 0 : i32
      %dma_start3A_327 = tpu.memref_slice %arg9[%dma_start3A_325, %dma_start3A_326] : memref<10240x64xbf16, #tpu.memory_space<vmem_shared>> -> memref<10240x64xbf16, #tpu.memory_space<vmem_shared>>
      tpu.enqueue_indirect_dma source(%arg16 : memref<128x64xbf16, #tpu.memory_space<vmem>>) target(%dma_start3A_327 : memref<10240x64xbf16, #tpu.memory_space<vmem_shared>>) offsets(%dma_start3A_324 : memref<128xi32, #tpu.memory_space<vmem>>) semaphore(%arg32 : memref<!tpu.dma_semaphore, #tpu.memory_space<semaphore_mem>>) {add = true}
      %add3A_328 = arith.constant 6 : i32
      %add3A_329 = arith.addi %mul3A_112, %add3A_328 : i32
      %dma_wait3A_330 = arith.constant 0 : i32
      %dma_wait3A_331 = tpu.memref_slice %arg7[%add3A_329, %dma_wait3A_330] : memref<80x128xi32, #tpu.memory_space<vmem>> -> memref<1x128xi32, #tpu.memory_space<vmem>>
      %dma_wait3A_332 = tpu.memref_squeeze %dma_wait3A_331 : memref<1x128xi32, #tpu.memory_space<vmem>> -> memref<128xi32, #tpu.memory_space<vmem>>
      %dma_wait3A_333 = arith.constant 0 : i32
      %dma_wait3A_334 = arith.constant 0 : i32
      %dma_wait3A_335 = tpu.memref_slice %arg10[%dma_wait3A_333, %dma_wait3A_334] : memref<10240x64xbf16, #tpu.memory_space<vmem_shared>> -> memref<10240x64xbf16, #tpu.memory_space<vmem_shared>>
      tpu.wait_indirect_dma semaphore(%arg25 : memref<!tpu.dma_semaphore, #tpu.memory_space<semaphore_mem>>) src(%dma_wait3A_335 : memref<10240x64xbf16, #tpu.memory_space<vmem_shared>>) dst(%arg17 : memref<128x64xbf16, #tpu.memory_space<vmem>>)
      %dma_start3A_336 = arith.constant 0 : i32
      %dma_start3A_337 = tpu.memref_slice %arg8[%add3A_329, %dma_start3A_336] : memref<80x128xi32, #tpu.memory_space<vmem>> -> memref<1x128xi32, #tpu.memory_space<vmem>>
      %dma_start3A_338 = tpu.memref_squeeze %dma_start3A_337 : memref<1x128xi32, #tpu.memory_space<vmem>> -> memref<128xi32, #tpu.memory_space<vmem>>
      %dma_start3A_339 = arith.constant 0 : i32
      %dma_start3A_340 = arith.constant 0 : i32
      %dma_start3A_341 = tpu.memref_slice %arg9[%dma_start3A_339, %dma_start3A_340] : memref<10240x64xbf16, #tpu.memory_space<vmem_shared>> -> memref<10240x64xbf16, #tpu.memory_space<vmem_shared>>
      tpu.enqueue_indirect_dma source(%arg17 : memref<128x64xbf16, #tpu.memory_space<vmem>>) target(%dma_start3A_341 : memref<10240x64xbf16, #tpu.memory_space<vmem_shared>>) offsets(%dma_start3A_338 : memref<128xi32, #tpu.memory_space<vmem>>) semaphore(%arg33 : memref<!tpu.dma_semaphore, #tpu.memory_space<semaphore_mem>>) {add = true}
      %add3A_342 = arith.constant 7 : i32
      %add3A_343 = arith.addi %mul3A_112, %add3A_342 : i32
      %dma_wait3A_344 = arith.constant 0 : i32
      %dma_wait3A_345 = tpu.memref_slice %arg7[%add3A_343, %dma_wait3A_344] : memref<80x128xi32, #tpu.memory_space<vmem>> -> memref<1x128xi32, #tpu.memory_space<vmem>>
      %dma_wait3A_346 = tpu.memref_squeeze %dma_wait3A_345 : memref<1x128xi32, #tpu.memory_space<vmem>> -> memref<128xi32, #tpu.memory_space<vmem>>
      %dma_wait3A_347 = arith.constant 0 : i32
      %dma_wait3A_348 = arith.constant 0 : i32
      %dma_wait3A_349 = tpu.memref_slice %arg10[%dma_wait3A_347, %dma_wait3A_348] : memref<10240x64xbf16, #tpu.memory_space<vmem_shared>> -> memref<10240x64xbf16, #tpu.memory_space<vmem_shared>>
      tpu.wait_indirect_dma semaphore(%arg26 : memref<!tpu.dma_semaphore, #tpu.memory_space<semaphore_mem>>) src(%dma_wait3A_349 : memref<10240x64xbf16, #tpu.memory_space<vmem_shared>>) dst(%arg18 : memref<128x64xbf16, #tpu.memory_space<vmem>>)
      %dma_start3A_350 = arith.constant 0 : i32
      %dma_start3A_351 = tpu.memref_slice %arg8[%add3A_343, %dma_start3A_350] : memref<80x128xi32, #tpu.memory_space<vmem>> -> memref<1x128xi32, #tpu.memory_space<vmem>>
      %dma_start3A_352 = tpu.memref_squeeze %dma_start3A_351 : memref<1x128xi32, #tpu.memory_space<vmem>> -> memref<128xi32, #tpu.memory_space<vmem>>
      %dma_start3A_353 = arith.constant 0 : i32
      %dma_start3A_354 = arith.constant 0 : i32
      %dma_start3A_355 = tpu.memref_slice %arg9[%dma_start3A_353, %dma_start3A_354] : memref<10240x64xbf16, #tpu.memory_space<vmem_shared>> -> memref<10240x64xbf16, #tpu.memory_space<vmem_shared>>
      tpu.enqueue_indirect_dma source(%arg18 : memref<128x64xbf16, #tpu.memory_space<vmem>>) target(%dma_start3A_355 : memref<10240x64xbf16, #tpu.memory_space<vmem_shared>>) offsets(%dma_start3A_352 : memref<128xi32, #tpu.memory_space<vmem>>) semaphore(%arg34 : memref<!tpu.dma_semaphore, #tpu.memory_space<semaphore_mem>>) {add = true}
    }
    %scan3A_48 = arith.constant 10 : i32
    %dma_wait3A_49 = arith.constant 72 : i32
    %dma_wait3A_50 = arith.constant 0 : i32
    %dma_wait3A_51 = tpu.memref_slice %arg8[%dma_wait3A_49, %dma_wait3A_50] : memref<80x128xi32, #tpu.memory_space<vmem>> -> memref<1x128xi32, #tpu.memory_space<vmem>>
    %dma_wait3A_52 = tpu.memref_squeeze %dma_wait3A_51 : memref<1x128xi32, #tpu.memory_space<vmem>> -> memref<128xi32, #tpu.memory_space<vmem>>
    %dma_wait3A_53 = arith.constant 0 : i32
    %dma_wait3A_54 = arith.constant 0 : i32
    %dma_wait3A_55 = tpu.memref_slice %arg9[%dma_wait3A_53, %dma_wait3A_54] : memref<10240x64xbf16, #tpu.memory_space<vmem_shared>> -> memref<10240x64xbf16, #tpu.memory_space<vmem_shared>>
    tpu.wait_indirect_dma semaphore(%arg27 : memref<!tpu.dma_semaphore, #tpu.memory_space<semaphore_mem>>) src(%arg11 : memref<128x64xbf16, #tpu.memory_space<vmem>>) dst(%dma_wait3A_55 : memref<10240x64xbf16, #tpu.memory_space<vmem_shared>>)
    %dma_wait3A_56 = arith.constant 73 : i32
    %dma_wait3A_57 = arith.constant 0 : i32
    %dma_wait3A_58 = tpu.memref_slice %arg8[%dma_wait3A_56, %dma_wait3A_57] : memref<80x128xi32, #tpu.memory_space<vmem>> -> memref<1x128xi32, #tpu.memory_space<vmem>>
    %dma_wait3A_59 = tpu.memref_squeeze %dma_wait3A_58 : memref<1x128xi32, #tpu.memory_space<vmem>> -> memref<128xi32, #tpu.memory_space<vmem>>
    %dma_wait3A_60 = arith.constant 0 : i32
    %dma_wait3A_61 = arith.constant 0 : i32
    %dma_wait3A_62 = tpu.memref_slice %arg9[%dma_wait3A_60, %dma_wait3A_61] : memref<10240x64xbf16, #tpu.memory_space<vmem_shared>> -> memref<10240x64xbf16, #tpu.memory_space<vmem_shared>>
    tpu.wait_indirect_dma semaphore(%arg28 : memref<!tpu.dma_semaphore, #tpu.memory_space<semaphore_mem>>) src(%arg12 : memref<128x64xbf16, #tpu.memory_space<vmem>>) dst(%dma_wait3A_62 : memref<10240x64xbf16, #tpu.memory_space<vmem_shared>>)
    %dma_wait3A_63 = arith.constant 74 : i32
    %dma_wait3A_64 = arith.constant 0 : i32
    %dma_wait3A_65 = tpu.memref_slice %arg8[%dma_wait3A_63, %dma_wait3A_64] : memref<80x128xi32, #tpu.memory_space<vmem>> -> memref<1x128xi32, #tpu.memory_space<vmem>>
    %dma_wait3A_66 = tpu.memref_squeeze %dma_wait3A_65 : memref<1x128xi32, #tpu.memory_space<vmem>> -> memref<128xi32, #tpu.memory_space<vmem>>
    %dma_wait3A_67 = arith.constant 0 : i32
    %dma_wait3A_68 = arith.constant 0 : i32
    %dma_wait3A_69 = tpu.memref_slice %arg9[%dma_wait3A_67, %dma_wait3A_68] : memref<10240x64xbf16, #tpu.memory_space<vmem_shared>> -> memref<10240x64xbf16, #tpu.memory_space<vmem_shared>>
    tpu.wait_indirect_dma semaphore(%arg29 : memref<!tpu.dma_semaphore, #tpu.memory_space<semaphore_mem>>) src(%arg13 : memref<128x64xbf16, #tpu.memory_space<vmem>>) dst(%dma_wait3A_69 : memref<10240x64xbf16, #tpu.memory_space<vmem_shared>>)
    %dma_wait3A_70 = arith.constant 75 : i32
    %dma_wait3A_71 = arith.constant 0 : i32
    %dma_wait3A_72 = tpu.memref_slice %arg8[%dma_wait3A_70, %dma_wait3A_71] : memref<80x128xi32, #tpu.memory_space<vmem>> -> memref<1x128xi32, #tpu.memory_space<vmem>>
    %dma_wait3A_73 = tpu.memref_squeeze %dma_wait3A_72 : memref<1x128xi32, #tpu.memory_space<vmem>> -> memref<128xi32, #tpu.memory_space<vmem>>
    %dma_wait3A_74 = arith.constant 0 : i32
    %dma_wait3A_75 = arith.constant 0 : i32
    %dma_wait3A_76 = tpu.memref_slice %arg9[%dma_wait3A_74, %dma_wait3A_75] : memref<10240x64xbf16, #tpu.memory_space<vmem_shared>> -> memref<10240x64xbf16, #tpu.memory_space<vmem_shared>>
    tpu.wait_indirect_dma semaphore(%arg30 : memref<!tpu.dma_semaphore, #tpu.memory_space<semaphore_mem>>) src(%arg14 : memref<128x64xbf16, #tpu.memory_space<vmem>>) dst(%dma_wait3A_76 : memref<10240x64xbf16, #tpu.memory_space<vmem_shared>>)
    %dma_wait3A_77 = arith.constant 76 : i32
    %dma_wait3A_78 = arith.constant 0 : i32
    %dma_wait3A_79 = tpu.memref_slice %arg8[%dma_wait3A_77, %dma_wait3A_78] : memref<80x128xi32, #tpu.memory_space<vmem>> -> memref<1x128xi32, #tpu.memory_space<vmem>>
    %dma_wait3A_80 = tpu.memref_squeeze %dma_wait3A_79 : memref<1x128xi32, #tpu.memory_space<vmem>> -> memref<128xi32, #tpu.memory_space<vmem>>
    %dma_wait3A_81 = arith.constant 0 : i32
    %dma_wait3A_82 = arith.constant 0 : i32
    %dma_wait3A_83 = tpu.memref_slice %arg9[%dma_wait3A_81, %dma_wait3A_82] : memref<10240x64xbf16, #tpu.memory_space<vmem_shared>> -> memref<10240x64xbf16, #tpu.memory_space<vmem_shared>>
    tpu.wait_indirect_dma semaphore(%arg31 : memref<!tpu.dma_semaphore, #tpu.memory_space<semaphore_mem>>) src(%arg15 : memref<128x64xbf16, #tpu.memory_space<vmem>>) dst(%dma_wait3A_83 : memref<10240x64xbf16, #tpu.memory_space<vmem_shared>>)
    %dma_wait3A_84 = arith.constant 77 : i32
    %dma_wait3A_85 = arith.constant 0 : i32
    %dma_wait3A_86 = tpu.memref_slice %arg8[%dma_wait3A_84, %dma_wait3A_85] : memref<80x128xi32, #tpu.memory_space<vmem>> -> memref<1x128xi32, #tpu.memory_space<vmem>>
    %dma_wait3A_87 = tpu.memref_squeeze %dma_wait3A_86 : memref<1x128xi32, #tpu.memory_space<vmem>> -> memref<128xi32, #tpu.memory_space<vmem>>
    %dma_wait3A_88 = arith.constant 0 : i32
    %dma_wait3A_89 = arith.constant 0 : i32
    %dma_wait3A_90 = tpu.memref_slice %arg9[%dma_wait3A_88, %dma_wait3A_89] : memref<10240x64xbf16, #tpu.memory_space<vmem_shared>> -> memref<10240x64xbf16, #tpu.memory_space<vmem_shared>>
    tpu.wait_indirect_dma semaphore(%arg32 : memref<!tpu.dma_semaphore, #tpu.memory_space<semaphore_mem>>) src(%arg16 : memref<128x64xbf16, #tpu.memory_space<vmem>>) dst(%dma_wait3A_90 : memref<10240x64xbf16, #tpu.memory_space<vmem_shared>>)
    %dma_wait3A_91 = arith.constant 78 : i32
    %dma_wait3A_92 = arith.constant 0 : i32
    %dma_wait3A_93 = tpu.memref_slice %arg8[%dma_wait3A_91, %dma_wait3A_92] : memref<80x128xi32, #tpu.memory_space<vmem>> -> memref<1x128xi32, #tpu.memory_space<vmem>>
    %dma_wait3A_94 = tpu.memref_squeeze %dma_wait3A_93 : memref<1x128xi32, #tpu.memory_space<vmem>> -> memref<128xi32, #tpu.memory_space<vmem>>
    %dma_wait3A_95 = arith.constant 0 : i32
    %dma_wait3A_96 = arith.constant 0 : i32
    %dma_wait3A_97 = tpu.memref_slice %arg9[%dma_wait3A_95, %dma_wait3A_96] : memref<10240x64xbf16, #tpu.memory_space<vmem_shared>> -> memref<10240x64xbf16, #tpu.memory_space<vmem_shared>>
    tpu.wait_indirect_dma semaphore(%arg33 : memref<!tpu.dma_semaphore, #tpu.memory_space<semaphore_mem>>) src(%arg17 : memref<128x64xbf16, #tpu.memory_space<vmem>>) dst(%dma_wait3A_97 : memref<10240x64xbf16, #tpu.memory_space<vmem_shared>>)
    %dma_wait3A_98 = arith.constant 79 : i32
    %dma_wait3A_99 = arith.constant 0 : i32
    %dma_wait3A_100 = tpu.memref_slice %arg8[%dma_wait3A_98, %dma_wait3A_99] : memref<80x128xi32, #tpu.memory_space<vmem>> -> memref<1x128xi32, #tpu.memory_space<vmem>>
    %dma_wait3A_101 = tpu.memref_squeeze %dma_wait3A_100 : memref<1x128xi32, #tpu.memory_space<vmem>> -> memref<128xi32, #tpu.memory_space<vmem>>
    %dma_wait3A_102 = arith.constant 0 : i32
    %dma_wait3A_103 = arith.constant 0 : i32
    %dma_wait3A_104 = tpu.memref_slice %arg9[%dma_wait3A_102, %dma_wait3A_103] : memref<10240x64xbf16, #tpu.memory_space<vmem_shared>> -> memref<10240x64xbf16, #tpu.memory_space<vmem_shared>>
    tpu.wait_indirect_dma semaphore(%arg34 : memref<!tpu.dma_semaphore, #tpu.memory_space<semaphore_mem>>) src(%arg18 : memref<128x64xbf16, #tpu.memory_space<vmem>>) dst(%dma_wait3A_104 : memref<10240x64xbf16, #tpu.memory_space<vmem_shared>>)
    %barrier3A_105 = arith.constant 0 : index
    tpu.barrier barrier_id(%barrier3A_105)
    "tpu.region"() ({
      %run_scoped3A = tpu.sem_alloc : memref<!tpu.dma_semaphore, #tpu.memory_space<semaphore_mem>>
      %dma_start3A_106 = arith.constant 0 : i32
      %dma_start3A_107 = tpu.memref_slice %arg6[%arg0, %mul3A_2, %dma_start3A_106] : memref<2x10240x64xbf16, #tpu.memory_space<hbm>> -> memref<1x640x64xbf16, #tpu.memory_space<hbm>>
      %dma_start3A_108 = tpu.memref_squeeze %dma_start3A_107 : memref<1x640x64xbf16, #tpu.memory_space<hbm>> -> memref<640x64xbf16, #tpu.memory_space<hbm>>
      %dma_start3A_109 = arith.constant 0 : i32
      %dma_start3A_110 = tpu.memref_slice %arg9[%mul3A_2, %dma_start3A_109] : memref<10240x64xbf16, #tpu.memory_space<vmem_shared>> -> memref<640x64xbf16, #tpu.memory_space<vmem_shared>>
      tpu.enqueue_dma source(%dma_start3A_110 : memref<640x64xbf16, #tpu.memory_space<vmem_shared>>) target(%dma_start3A_108 : memref<640x64xbf16, #tpu.memory_space<hbm>>) target_semaphore(%run_scoped3A : memref<!tpu.dma_semaphore, #tpu.memory_space<semaphore_mem>>)
      %dma_wait3A_111 = arith.constant 0 : i32
      %dma_wait3A_112 = tpu.memref_slice %arg6[%arg0, %mul3A_2, %dma_wait3A_111] : memref<2x10240x64xbf16, #tpu.memory_space<hbm>> -> memref<1x640x64xbf16, #tpu.memory_space<hbm>>
      %dma_wait3A_113 = tpu.memref_squeeze %dma_wait3A_112 : memref<1x640x64xbf16, #tpu.memory_space<hbm>> -> memref<640x64xbf16, #tpu.memory_space<hbm>>
      %dma_wait3A_114 = arith.constant 0 : i32
      %dma_wait3A_115 = tpu.memref_slice %arg9[%mul3A_2, %dma_wait3A_114] : memref<10240x64xbf16, #tpu.memory_space<vmem_shared>> -> memref<640x64xbf16, #tpu.memory_space<vmem_shared>>
      tpu.wait_dma2 semaphore(%run_scoped3A : memref<!tpu.dma_semaphore, #tpu.memory_space<semaphore_mem>>) src(%dma_wait3A_115 : memref<640x64xbf16, #tpu.memory_space<vmem_shared>>) dst(%dma_wait3A_113 : memref<640x64xbf16, #tpu.memory_space<hbm>>)
      tpu.yield
    }) : () -> ()
    return
  }
}

module attributes {stable_mosaic.version = 14 : i64} {
  func.func @_proj_body(%arg0: memref<10000x128xf32, #tpu.memory_space<vmem>>, %arg1: memref<128x64xf32, #tpu.memory_space<vmem>>, %arg2: memref<10000x64xf32, #tpu.memory_space<vmem>>, %arg3: memref<10240x64xbf16, #tpu.memory_space<vmem>>) attributes {dimension_semantics = [], scalar_prefetch = 0 : i64, scratch_operands = 0 : i64, tpu.core_type = #tpu.core_type<tc>} {
    %get3A = arith.constant 0 : index
    %get3A_0 = arith.constant 0 : index
    %get3A_1 = vector.load %arg0[%get3A, %get3A_0] : memref<10000x128xf32, #tpu.memory_space<vmem>>, vector<10000x128xf32>
    %get3A_2 = arith.constant 0 : index
    %get3A_3 = arith.constant 0 : index
    %get3A_4 = vector.load %arg1[%get3A_2, %get3A_3] : memref<128x64xf32, #tpu.memory_space<vmem>>, vector<128x64xf32>
    %dot_general3A = arith.constant dense<0.000000e+00> : vector<10000x64xf32>
    %dot_general3A_5 = tpu.matmul %get3A_1, %get3A_4, %dot_general3A {dimension_numbers = #tpu.dot_dimension_numbers<[1], [0], [0], [1], [0, 0, 1, 1], [], []>, transpose_lhs_hint = false} : vector<10000x128xf32>, vector<128x64xf32>, vector<10000x64xf32> -> vector<10000x64xf32>
    %swap3A = arith.constant 0 : index
    %swap3A_6 = arith.constant 0 : index
    %swap3A_7 = vector.load %arg2[%swap3A, %swap3A_6] : memref<10000x64xf32, #tpu.memory_space<vmem>>, vector<10000x64xf32>
    tpu.vector_store %arg2[%swap3A, %swap3A_6], %dot_general3A_5 {strides = array<i32>} : memref<10000x64xf32, #tpu.memory_space<vmem>>, vector<10000x64xf32>,
    %convert_element_type3A = arith.truncf %dot_general3A_5 : vector<10000x64xf32> to vector<10000x64xbf16>
    %swap3A_8 = arith.constant 0 : index
    %swap3A_9 = arith.constant 0 : index
    %swap3A_10 = vector.load %arg3[%swap3A_8, %swap3A_9] : memref<10240x64xbf16, #tpu.memory_space<vmem>>, vector<10000x64xbf16>
    tpu.vector_store %arg3[%swap3A_8, %swap3A_9], %convert_element_type3A {strides = array<i32>} : memref<10240x64xbf16, #tpu.memory_space<vmem>>, vector<10000x64xbf16>,
    %broadcast_in_dim3A = arith.constant 0.000000e+00 : bf16
    %broadcast_in_dim3A_11 = vector.broadcast %broadcast_in_dim3A : bf16 to vector<240x64xbf16>
    %swap3A_12 = arith.constant 10000 : index
    %swap3A_13 = arith.constant 0 : index
    %swap3A_14 = vector.load %arg3[%swap3A_12, %swap3A_13] : memref<10240x64xbf16, #tpu.memory_space<vmem>>, vector<240x64xbf16>
    tpu.vector_store %arg3[%swap3A_12, %swap3A_13], %broadcast_in_dim3A_11 {strides = array<i32>} : memref<10240x64xbf16, #tpu.memory_space<vmem>>, vector<240x64xbf16>,
    return
  }
}

module attributes {stable_mosaic.version = 14 : i64} {
  func.func @_pre_body(%arg0: memref<10000x64xf32, #tpu.memory_space<vmem>>, %arg1: memref<2x10240x64xbf16, #tpu.memory_space<vmem>>, %arg2: memref<1x64xf32, #tpu.memory_space<vmem>>, %arg3: memref<1x64xf32, #tpu.memory_space<vmem>>, %arg4: memref<1x64xf32, #tpu.memory_space<vmem>>, %arg5: memref<64x64xf32, #tpu.memory_space<vmem>>, %arg6: memref<1x64xf32, #tpu.memory_space<vmem>>, %arg7: memref<10000x64xf32, #tpu.memory_space<vmem>>, %arg8: memref<10240x64xbf16, #tpu.memory_space<vmem>>) attributes {dimension_semantics = [], scalar_prefetch = 0 : i64, scratch_operands = 0 : i64, tpu.core_type = #tpu.core_type<tc>} {
    %get3A = arith.constant 0 : index
    %get3A_0 = arith.constant 0 : index
    %get3A_1 = vector.load %arg0[%get3A, %get3A_0] : memref<10000x64xf32, #tpu.memory_space<vmem>>, vector<10000x64xf32>
    %get3A_2 = arith.constant 0 : index
    %get3A_3 = arith.constant 0 : index
    %get3A_4 = arith.constant 0 : index
    %get3A_5 = vector.load %arg1[%get3A_2, %get3A_3, %get3A_4] : memref<2x10240x64xbf16, #tpu.memory_space<vmem>>, vector<1x10000x64xbf16>
    %get3A_6 = vector.shape_cast %get3A_5 : vector<1x10000x64xbf16> to vector<10000x64xbf16>
    %convert_element_type3A = arith.extf %get3A_6 : vector<10000x64xbf16> to vector<10000x64xf32>
    %add3A = arith.addf %get3A_1, %convert_element_type3A : vector<10000x64xf32>
    %get3A_7 = arith.constant 1 : index
    %get3A_8 = arith.constant 0 : index
    %get3A_9 = arith.constant 0 : index
    %get3A_10 = vector.load %arg1[%get3A_7, %get3A_8, %get3A_9] : memref<2x10240x64xbf16, #tpu.memory_space<vmem>>, vector<1x10000x64xbf16>
    %get3A_11 = vector.shape_cast %get3A_10 : vector<1x10000x64xbf16> to vector<10000x64xbf16>
    %convert_element_type3A_12 = arith.extf %get3A_11 : vector<10000x64xbf16> to vector<10000x64xf32>
    %add3A_13 = arith.addf %add3A, %convert_element_type3A_12 : vector<10000x64xf32>
    %get3A_14 = arith.constant 0 : index
    %get3A_15 = arith.constant 0 : index
    %get3A_16 = vector.load %arg2[%get3A_14, %get3A_15] : memref<1x64xf32, #tpu.memory_space<vmem>>, vector<1x64xf32>
    %add3A_17 = vector.broadcast %get3A_16 : vector<1x64xf32> to vector<10000x64xf32>
    %add3A_18 = arith.addf %add3A_13, %add3A_17 : vector<10000x64xf32>
    %reduce_sum3A = arith.constant dense<0.000000e+00> : vector<64xf32>
    %reduce_sum3A_19 = vector.multi_reduction <add>, %add3A_18, %reduce_sum3A [0] : vector<10000x64xf32> to vector<64xf32>
    %broadcast_in_dim3A = vector.shape_cast %reduce_sum3A_19 : vector<64xf32> to vector<1x64xf32>
    %div3A = arith.constant 1.000000e+04 : f32
    %div3A_20 = vector.broadcast %div3A : f32 to vector<1x64xf32>
    %div3A_21 = arith.divf %broadcast_in_dim3A, %div3A_20 : vector<1x64xf32>
    %sub3A = vector.broadcast %div3A_21 : vector<1x64xf32> to vector<10000x64xf32>
    %sub3A_22 = arith.subf %add3A_18, %sub3A : vector<10000x64xf32>
    %sub3A_23 = vector.broadcast %div3A_21 : vector<1x64xf32> to vector<10000x64xf32>
    %sub3A_24 = arith.subf %add3A_18, %sub3A_23 : vector<10000x64xf32>
    %mul3A = arith.mulf %sub3A_22, %sub3A_24 : vector<10000x64xf32>
    %reduce_sum3A_25 = arith.constant dense<0.000000e+00> : vector<64xf32>
    %reduce_sum3A_26 = vector.multi_reduction <add>, %mul3A, %reduce_sum3A_25 [0] : vector<10000x64xf32> to vector<64xf32>
    %broadcast_in_dim3A_27 = vector.shape_cast %reduce_sum3A_26 : vector<64xf32> to vector<1x64xf32>
    %div3A_28 = arith.constant 1.000000e+04 : f32
    %div3A_29 = vector.broadcast %div3A_28 : f32 to vector<1x64xf32>
    %div3A_30 = arith.divf %broadcast_in_dim3A_27, %div3A_29 : vector<1x64xf32>
    %sub3A_31 = vector.broadcast %div3A_21 : vector<1x64xf32> to vector<10000x64xf32>
    %sub3A_32 = arith.subf %add3A_18, %sub3A_31 : vector<10000x64xf32>
    %add3A_33 = arith.constant 9.99999974E-6 : f32
    %add3A_34 = vector.broadcast %add3A_33 : f32 to vector<1x64xf32>
    %add3A_35 = arith.addf %div3A_30, %add3A_34 : vector<1x64xf32>
    %rsqrt3A = math.rsqrt %add3A_35 : vector<1x64xf32>
    %mul3A_36 = vector.broadcast %rsqrt3A : vector<1x64xf32> to vector<10000x64xf32>
    %mul3A_37 = arith.mulf %sub3A_32, %mul3A_36 : vector<10000x64xf32>
    %get3A_38 = arith.constant 0 : index
    %get3A_39 = arith.constant 0 : index
    %get3A_40 = vector.load %arg3[%get3A_38, %get3A_39] : memref<1x64xf32, #tpu.memory_space<vmem>>, vector<1x64xf32>
    %mul3A_41 = vector.broadcast %get3A_40 : vector<1x64xf32> to vector<10000x64xf32>
    %mul3A_42 = arith.mulf %mul3A_37, %mul3A_41 : vector<10000x64xf32>
    %get3A_43 = arith.constant 0 : index
    %get3A_44 = arith.constant 0 : index
    %get3A_45 = vector.load %arg4[%get3A_43, %get3A_44] : memref<1x64xf32, #tpu.memory_space<vmem>>, vector<1x64xf32>
    %add3A_46 = vector.broadcast %get3A_45 : vector<1x64xf32> to vector<10000x64xf32>
    %add3A_47 = arith.addf %mul3A_42, %add3A_46 : vector<10000x64xf32>
    %gt3A = arith.constant 0.000000e+00 : f32
    %gt3A_48 = vector.broadcast %gt3A : f32 to vector<10000x64xf32>
    %gt3A_49 = arith.cmpf ogt, %add3A_47, %gt3A_48 : vector<10000x64xf32>
    %min3A = arith.constant 0.000000e+00 : f32
    %min3A_50 = vector.broadcast %min3A : f32 to vector<10000x64xf32>
    %min3A_51 = arith.minimumf %add3A_47, %min3A_50 : vector<10000x64xf32>
    %exp3A = math.exp %min3A_51 : vector<10000x64xf32>
    %sub3A_52 = arith.constant 1.000000e+00 : f32
    %sub3A_53 = vector.broadcast %sub3A_52 : f32 to vector<10000x64xf32>
    %sub3A_54 = arith.subf %exp3A, %sub3A_53 : vector<10000x64xf32>
    %select_n3A = arith.select %gt3A_49, %add3A_47, %sub3A_54 : vector<10000x64xi1>, vector<10000x64xf32>
    %get3A_55 = arith.constant 0 : index
    %get3A_56 = arith.constant 0 : index
    %get3A_57 = vector.load %arg5[%get3A_55, %get3A_56] : memref<64x64xf32, #tpu.memory_space<vmem>>, vector<64x64xf32>
    %dot_general3A = arith.constant dense<0.000000e+00> : vector<10000x64xf32>
    %dot_general3A_58 = tpu.matmul %select_n3A, %get3A_57, %dot_general3A {dimension_numbers = #tpu.dot_dimension_numbers<[1], [0], [0], [1], [0, 0, 1, 1], [], []>, transpose_lhs_hint = false} : vector<10000x64xf32>, vector<64x64xf32>, vector<10000x64xf32> -> vector<10000x64xf32>
    %get3A_59 = arith.constant 0 : index
    %get3A_60 = arith.constant 0 : index
    %get3A_61 = vector.load %arg6[%get3A_59, %get3A_60] : memref<1x64xf32, #tpu.memory_space<vmem>>, vector<1x64xf32>
    %add3A_62 = vector.broadcast %get3A_61 : vector<1x64xf32> to vector<10000x64xf32>
    %add3A_63 = arith.addf %dot_general3A_58, %add3A_62 : vector<10000x64xf32>
    %gt3A_64 = arith.constant 0.000000e+00 : f32
    %gt3A_65 = vector.broadcast %gt3A_64 : f32 to vector<10000x64xf32>
    %gt3A_66 = arith.cmpf ogt, %add3A_63, %gt3A_65 : vector<10000x64xf32>
    %min3A_67 = arith.constant 0.000000e+00 : f32
    %min3A_68 = vector.broadcast %min3A_67 : f32 to vector<10000x64xf32>
    %min3A_69 = arith.minimumf %add3A_63, %min3A_68 : vector<10000x64xf32>
    %exp3A_70 = math.exp %min3A_69 : vector<10000x64xf32>
    %sub3A_71 = arith.constant 1.000000e+00 : f32
    %sub3A_72 = vector.broadcast %sub3A_71 : f32 to vector<10000x64xf32>
    %sub3A_73 = arith.subf %exp3A_70, %sub3A_72 : vector<10000x64xf32>
    %select_n3A_74 = arith.select %gt3A_66, %add3A_63, %sub3A_73 : vector<10000x64xi1>, vector<10000x64xf32>
    %swap3A = arith.constant 0 : index
    %swap3A_75 = arith.constant 0 : index
    %swap3A_76 = vector.load %arg7[%swap3A, %swap3A_75] : memref<10000x64xf32, #tpu.memory_space<vmem>>, vector<10000x64xf32>
    tpu.vector_store %arg7[%swap3A, %swap3A_75], %select_n3A_74 {strides = array<i32>} : memref<10000x64xf32, #tpu.memory_space<vmem>>, vector<10000x64xf32>,
    %convert_element_type3A_77 = arith.truncf %select_n3A_74 : vector<10000x64xf32> to vector<10000x64xbf16>
    %swap3A_78 = arith.constant 0 : index
    %swap3A_79 = arith.constant 0 : index
    %swap3A_80 = vector.load %arg8[%swap3A_78, %swap3A_79] : memref<10240x64xbf16, #tpu.memory_space<vmem>>, vector<10000x64xbf16>
    tpu.vector_store %arg8[%swap3A_78, %swap3A_79], %convert_element_type3A_77 {strides = array<i32>} : memref<10240x64xbf16, #tpu.memory_space<vmem>>, vector<10000x64xbf16>,
    %broadcast_in_dim3A_81 = arith.constant 0.000000e+00 : bf16
    %broadcast_in_dim3A_82 = vector.broadcast %broadcast_in_dim3A_81 : bf16 to vector<240x64xbf16>
    %swap3A_83 = arith.constant 10000 : index
    %swap3A_84 = arith.constant 0 : index
    %swap3A_85 = vector.load %arg8[%swap3A_83, %swap3A_84] : memref<10240x64xbf16, #tpu.memory_space<vmem>>, vector<240x64xbf16>
    tpu.vector_store %arg8[%swap3A_83, %swap3A_84], %broadcast_in_dim3A_82 {strides = array<i32>} : memref<10240x64xbf16, #tpu.memory_space<vmem>>, vector<240x64xbf16>,
    return
  }
}

module attributes {stable_mosaic.version = 14 : i64} {
  func.func @_mid_body(%arg0: memref<10000x64xf32, #tpu.memory_space<vmem>>, %arg1: memref<2x10240x64xbf16, #tpu.memory_space<vmem>>, %arg2: memref<64x64xf32, #tpu.memory_space<vmem>>, %arg3: memref<1x64xf32, #tpu.memory_space<vmem>>, %arg4: memref<64x64xf32, #tpu.memory_space<vmem>>, %arg5: memref<1x64xf32, #tpu.memory_space<vmem>>, %arg6: memref<10000x64xf32, #tpu.memory_space<vmem>>, %arg7: memref<10240x64xbf16, #tpu.memory_space<vmem>>) attributes {dimension_semantics = [], scalar_prefetch = 0 : i64, scratch_operands = 0 : i64, tpu.core_type = #tpu.core_type<tc>} {
    %get3A = arith.constant 0 : index
    %get3A_0 = arith.constant 0 : index
    %get3A_1 = vector.load %arg0[%get3A, %get3A_0] : memref<10000x64xf32, #tpu.memory_space<vmem>>, vector<10000x64xf32>
    %get3A_2 = arith.constant 0 : index
    %get3A_3 = arith.constant 0 : index
    %get3A_4 = arith.constant 0 : index
    %get3A_5 = vector.load %arg1[%get3A_2, %get3A_3, %get3A_4] : memref<2x10240x64xbf16, #tpu.memory_space<vmem>>, vector<1x10000x64xbf16>
    %get3A_6 = vector.shape_cast %get3A_5 : vector<1x10000x64xbf16> to vector<10000x64xbf16>
    %convert_element_type3A = arith.extf %get3A_6 : vector<10000x64xbf16> to vector<10000x64xf32>
    %add3A = arith.addf %get3A_1, %convert_element_type3A : vector<10000x64xf32>
    %get3A_7 = arith.constant 1 : index
    %get3A_8 = arith.constant 0 : index
    %get3A_9 = arith.constant 0 : index
    %get3A_10 = vector.load %arg1[%get3A_7, %get3A_8, %get3A_9] : memref<2x10240x64xbf16, #tpu.memory_space<vmem>>, vector<1x10000x64xbf16>
    %get3A_11 = vector.shape_cast %get3A_10 : vector<1x10000x64xbf16> to vector<10000x64xbf16>
    %convert_element_type3A_12 = arith.extf %get3A_11 : vector<10000x64xbf16> to vector<10000x64xf32>
    %add3A_13 = arith.addf %add3A, %convert_element_type3A_12 : vector<10000x64xf32>
    %get3A_14 = arith.constant 0 : index
    %get3A_15 = arith.constant 0 : index
    %get3A_16 = vector.load %arg2[%get3A_14, %get3A_15] : memref<64x64xf32, #tpu.memory_space<vmem>>, vector<64x64xf32>
    %dot_general3A = arith.constant dense<0.000000e+00> : vector<10000x64xf32>
    %dot_general3A_17 = tpu.matmul %add3A_13, %get3A_16, %dot_general3A {dimension_numbers = #tpu.dot_dimension_numbers<[1], [0], [0], [1], [0, 0, 1, 1], [], []>, transpose_lhs_hint = false} : vector<10000x64xf32>, vector<64x64xf32>, vector<10000x64xf32> -> vector<10000x64xf32>
    %get3A_18 = arith.constant 0 : index
    %get3A_19 = arith.constant 0 : index
    %get3A_20 = vector.load %arg3[%get3A_18, %get3A_19] : memref<1x64xf32, #tpu.memory_space<vmem>>, vector<1x64xf32>
    %add3A_21 = vector.broadcast %get3A_20 : vector<1x64xf32> to vector<10000x64xf32>
    %add3A_22 = arith.addf %dot_general3A_17, %add3A_21 : vector<10000x64xf32>
    %gt3A = arith.constant 0.000000e+00 : f32
    %gt3A_23 = vector.broadcast %gt3A : f32 to vector<10000x64xf32>
    %gt3A_24 = arith.cmpf ogt, %add3A_22, %gt3A_23 : vector<10000x64xf32>
    %min3A = arith.constant 0.000000e+00 : f32
    %min3A_25 = vector.broadcast %min3A : f32 to vector<10000x64xf32>
    %min3A_26 = arith.minimumf %add3A_22, %min3A_25 : vector<10000x64xf32>
    %exp3A = math.exp %min3A_26 : vector<10000x64xf32>
    %sub3A = arith.constant 1.000000e+00 : f32
    %sub3A_27 = vector.broadcast %sub3A : f32 to vector<10000x64xf32>
    %sub3A_28 = arith.subf %exp3A, %sub3A_27 : vector<10000x64xf32>
    %select_n3A = arith.select %gt3A_24, %add3A_22, %sub3A_28 : vector<10000x64xi1>, vector<10000x64xf32>
    %get3A_29 = arith.constant 0 : index
    %get3A_30 = arith.constant 0 : index
    %get3A_31 = vector.load %arg4[%get3A_29, %get3A_30] : memref<64x64xf32, #tpu.memory_space<vmem>>, vector<64x64xf32>
    %dot_general3A_32 = arith.constant dense<0.000000e+00> : vector<10000x64xf32>
    %dot_general3A_33 = tpu.matmul %select_n3A, %get3A_31, %dot_general3A_32 {dimension_numbers = #tpu.dot_dimension_numbers<[1], [0], [0], [1], [0, 0, 1, 1], [], []>, transpose_lhs_hint = false} : vector<10000x64xf32>, vector<64x64xf32>, vector<10000x64xf32> -> vector<10000x64xf32>
    %get3A_34 = arith.constant 0 : index
    %get3A_35 = arith.constant 0 : index
    %get3A_36 = vector.load %arg5[%get3A_34, %get3A_35] : memref<1x64xf32, #tpu.memory_space<vmem>>, vector<1x64xf32>
    %add3A_37 = vector.broadcast %get3A_36 : vector<1x64xf32> to vector<10000x64xf32>
    %add3A_38 = arith.addf %dot_general3A_33, %add3A_37 : vector<10000x64xf32>
    %gt3A_39 = arith.constant 0.000000e+00 : f32
    %gt3A_40 = vector.broadcast %gt3A_39 : f32 to vector<10000x64xf32>
    %gt3A_41 = arith.cmpf ogt, %add3A_38, %gt3A_40 : vector<10000x64xf32>
    %min3A_42 = arith.constant 0.000000e+00 : f32
    %min3A_43 = vector.broadcast %min3A_42 : f32 to vector<10000x64xf32>
    %min3A_44 = arith.minimumf %add3A_38, %min3A_43 : vector<10000x64xf32>
    %exp3A_45 = math.exp %min3A_44 : vector<10000x64xf32>
    %sub3A_46 = arith.constant 1.000000e+00 : f32
    %sub3A_47 = vector.broadcast %sub3A_46 : f32 to vector<10000x64xf32>
    %sub3A_48 = arith.subf %exp3A_45, %sub3A_47 : vector<10000x64xf32>
    %select_n3A_49 = arith.select %gt3A_41, %add3A_38, %sub3A_48 : vector<10000x64xi1>, vector<10000x64xf32>
    %swap3A = arith.constant 0 : index
    %swap3A_50 = arith.constant 0 : index
    %swap3A_51 = vector.load %arg6[%swap3A, %swap3A_50] : memref<10000x64xf32, #tpu.memory_space<vmem>>, vector<10000x64xf32>
    tpu.vector_store %arg6[%swap3A, %swap3A_50], %select_n3A_49 {strides = array<i32>} : memref<10000x64xf32, #tpu.memory_space<vmem>>, vector<10000x64xf32>,
    %convert_element_type3A_52 = arith.truncf %select_n3A_49 : vector<10000x64xf32> to vector<10000x64xbf16>
    %swap3A_53 = arith.constant 0 : index
    %swap3A_54 = arith.constant 0 : index
    %swap3A_55 = vector.load %arg7[%swap3A_53, %swap3A_54] : memref<10240x64xbf16, #tpu.memory_space<vmem>>, vector<10000x64xbf16>
    tpu.vector_store %arg7[%swap3A_53, %swap3A_54], %convert_element_type3A_52 {strides = array<i32>} : memref<10240x64xbf16, #tpu.memory_space<vmem>>, vector<10000x64xbf16>,
    %broadcast_in_dim3A = arith.constant 0.000000e+00 : bf16
    %broadcast_in_dim3A_56 = vector.broadcast %broadcast_in_dim3A : bf16 to vector<240x64xbf16>
    %swap3A_57 = arith.constant 10000 : index
    %swap3A_58 = arith.constant 0 : index
    %swap3A_59 = vector.load %arg7[%swap3A_57, %swap3A_58] : memref<10240x64xbf16, #tpu.memory_space<vmem>>, vector<240x64xbf16>
    tpu.vector_store %arg7[%swap3A_57, %swap3A_58], %broadcast_in_dim3A_56 {strides = array<i32>} : memref<10240x64xbf16, #tpu.memory_space<vmem>>, vector<240x64xbf16>,
    return
  }
}

module attributes {stable_mosaic.version = 14 : i64} {
  func.func @_post_body(%arg0: memref<10000x64xf32, #tpu.memory_space<vmem>>, %arg1: memref<2x10240x64xbf16, #tpu.memory_space<vmem>>, %arg2: memref<1x10000xi32, #tpu.memory_space<vmem>>, %arg3: memref<64x64xf32, #tpu.memory_space<vmem>>, %arg4: memref<1x64xf32, #tpu.memory_space<vmem>>, %arg5: memref<64x64xf32, #tpu.memory_space<vmem>>, %arg6: memref<1x64xf32, #tpu.memory_space<vmem>>, %arg7: memref<64x64xf32, #tpu.memory_space<vmem>>, %arg8: memref<1x64xf32, #tpu.memory_space<vmem>>, %arg9: memref<64x32xf32, #tpu.memory_space<vmem>>, %arg10: memref<1x32xf32, #tpu.memory_space<vmem>>, %arg11: memref<32x10xf32, #tpu.memory_space<vmem>>, %arg12: memref<1x10xf32, #tpu.memory_space<vmem>>, %arg13: memref<64x10xf32, #tpu.memory_space<vmem>>) attributes {dimension_semantics = [], scalar_prefetch = 0 : i64, scratch_operands = 0 : i64, tpu.core_type = #tpu.core_type<tc>} {
    %get3A = arith.constant 0 : index
    %get3A_0 = arith.constant 0 : index
    %get3A_1 = vector.load %arg0[%get3A, %get3A_0] : memref<10000x64xf32, #tpu.memory_space<vmem>>, vector<10000x64xf32>
    %get3A_2 = arith.constant 0 : index
    %get3A_3 = arith.constant 0 : index
    %get3A_4 = arith.constant 0 : index
    %get3A_5 = vector.load %arg1[%get3A_2, %get3A_3, %get3A_4] : memref<2x10240x64xbf16, #tpu.memory_space<vmem>>, vector<1x10000x64xbf16>
    %get3A_6 = vector.shape_cast %get3A_5 : vector<1x10000x64xbf16> to vector<10000x64xbf16>
    %convert_element_type3A = arith.extf %get3A_6 : vector<10000x64xbf16> to vector<10000x64xf32>
    %add3A = arith.addf %get3A_1, %convert_element_type3A : vector<10000x64xf32>
    %get3A_7 = arith.constant 1 : index
    %get3A_8 = arith.constant 0 : index
    %get3A_9 = arith.constant 0 : index
    %get3A_10 = vector.load %arg1[%get3A_7, %get3A_8, %get3A_9] : memref<2x10240x64xbf16, #tpu.memory_space<vmem>>, vector<1x10000x64xbf16>
    %get3A_11 = vector.shape_cast %get3A_10 : vector<1x10000x64xbf16> to vector<10000x64xbf16>
    %convert_element_type3A_12 = arith.extf %get3A_11 : vector<10000x64xbf16> to vector<10000x64xf32>
    %add3A_13 = arith.addf %add3A, %convert_element_type3A_12 : vector<10000x64xf32>
    %get3A_14 = arith.constant 0 : index
    %get3A_15 = arith.constant 0 : index
    %get3A_16 = vector.load %arg3[%get3A_14, %get3A_15] : memref<64x64xf32, #tpu.memory_space<vmem>>, vector<64x64xf32>
    %dot_general3A = arith.constant dense<0.000000e+00> : vector<10000x64xf32>
    %dot_general3A_17 = tpu.matmul %add3A_13, %get3A_16, %dot_general3A {dimension_numbers = #tpu.dot_dimension_numbers<[1], [0], [0], [1], [0, 0, 1, 1], [], []>, transpose_lhs_hint = false} : vector<10000x64xf32>, vector<64x64xf32>, vector<10000x64xf32> -> vector<10000x64xf32>
    %get3A_18 = arith.constant 0 : index
    %get3A_19 = arith.constant 0 : index
    %get3A_20 = vector.load %arg4[%get3A_18, %get3A_19] : memref<1x64xf32, #tpu.memory_space<vmem>>, vector<1x64xf32>
    %add3A_21 = vector.broadcast %get3A_20 : vector<1x64xf32> to vector<10000x64xf32>
    %add3A_22 = arith.addf %dot_general3A_17, %add3A_21 : vector<10000x64xf32>
    %gt3A = arith.constant 0.000000e+00 : f32
    %gt3A_23 = vector.broadcast %gt3A : f32 to vector<10000x64xf32>
    %gt3A_24 = arith.cmpf ogt, %add3A_22, %gt3A_23 : vector<10000x64xf32>
    %min3A = arith.constant 0.000000e+00 : f32
    %min3A_25 = vector.broadcast %min3A : f32 to vector<10000x64xf32>
    %min3A_26 = arith.minimumf %add3A_22, %min3A_25 : vector<10000x64xf32>
    %exp3A = math.exp %min3A_26 : vector<10000x64xf32>
    %sub3A = arith.constant 1.000000e+00 : f32
    %sub3A_27 = vector.broadcast %sub3A : f32 to vector<10000x64xf32>
    %sub3A_28 = arith.subf %exp3A, %sub3A_27 : vector<10000x64xf32>
    %select_n3A = arith.select %gt3A_24, %add3A_22, %sub3A_28 : vector<10000x64xi1>, vector<10000x64xf32>
    %get3A_29 = arith.constant 0 : index
    %get3A_30 = arith.constant 0 : index
    %get3A_31 = vector.load %arg5[%get3A_29, %get3A_30] : memref<64x64xf32, #tpu.memory_space<vmem>>, vector<64x64xf32>
    %dot_general3A_32 = arith.constant dense<0.000000e+00> : vector<10000x64xf32>
    %dot_general3A_33 = tpu.matmul %select_n3A, %get3A_31, %dot_general3A_32 {dimension_numbers = #tpu.dot_dimension_numbers<[1], [0], [0], [1], [0, 0, 1, 1], [], []>, transpose_lhs_hint = false} : vector<10000x64xf32>, vector<64x64xf32>, vector<10000x64xf32> -> vector<10000x64xf32>
    %get3A_34 = arith.constant 0 : index
    %get3A_35 = arith.constant 0 : index
    %get3A_36 = vector.load %arg6[%get3A_34, %get3A_35] : memref<1x64xf32, #tpu.memory_space<vmem>>, vector<1x64xf32>
    %add3A_37 = vector.broadcast %get3A_36 : vector<1x64xf32> to vector<10000x64xf32>
    %add3A_38 = arith.addf %dot_general3A_33, %add3A_37 : vector<10000x64xf32>
    %gt3A_39 = arith.constant 0.000000e+00 : f32
    %gt3A_40 = vector.broadcast %gt3A_39 : f32 to vector<10000x64xf32>
    %gt3A_41 = arith.cmpf ogt, %add3A_38, %gt3A_40 : vector<10000x64xf32>
    %min3A_42 = arith.constant 0.000000e+00 : f32
    %min3A_43 = vector.broadcast %min3A_42 : f32 to vector<10000x64xf32>
    %min3A_44 = arith.minimumf %add3A_38, %min3A_43 : vector<10000x64xf32>
    %exp3A_45 = math.exp %min3A_44 : vector<10000x64xf32>
    %sub3A_46 = arith.constant 1.000000e+00 : f32
    %sub3A_47 = vector.broadcast %sub3A_46 : f32 to vector<10000x64xf32>
    %sub3A_48 = arith.subf %exp3A_45, %sub3A_47 : vector<10000x64xf32>
    %select_n3A_49 = arith.select %gt3A_41, %add3A_38, %sub3A_48 : vector<10000x64xi1>, vector<10000x64xf32>
    %iota3A = tpu.iota {dimensions = array<i32: 0>} : vector<64x10000xi32>
    %get3A_50 = arith.constant 0 : index
    %get3A_51 = arith.constant 0 : index
    %get3A_52 = vector.load %arg2[%get3A_50, %get3A_51] : memref<1x10000xi32, #tpu.memory_space<vmem>>, vector<1x10000xi32>
    %eq3A = vector.broadcast %get3A_52 : vector<1x10000xi32> to vector<64x10000xi32>
    %eq3A_53 = arith.cmpi eq, %iota3A, %eq3A : vector<64x10000xi32>
    %convert_element_type3A_54 = arith.extui %eq3A_53 : vector<64x10000xi1> to vector<64x10000xi32>
    %convert_element_type3A_55 = arith.sitofp %convert_element_type3A_54 : vector<64x10000xi32> to vector<64x10000xf32>
    %dot_general3A_56 = arith.constant dense<0.000000e+00> : vector<64x64xf32>
    %dot_general3A_57 = tpu.matmul %convert_element_type3A_55, %select_n3A_49, %dot_general3A_56 {dimension_numbers = #tpu.dot_dimension_numbers<[1], [0], [0], [1], [0, 0, 1, 1], [], []>, transpose_lhs_hint = false} : vector<64x10000xf32>, vector<10000x64xf32>, vector<64x64xf32> -> vector<64x64xf32>
    %reduce_sum3A = arith.constant dense<0.000000e+00> : vector<64xf32>
    %reduce_sum3A_58 = vector.multi_reduction <add>, %convert_element_type3A_55, %reduce_sum3A [1] : vector<64x10000xf32> to vector<64xf32>
    %broadcast_in_dim3A = vector.shape_cast %reduce_sum3A_58 : vector<64xf32> to vector<64x1xf32>
    %max3A = arith.constant 1.000000e+00 : f32
    %max3A_59 = vector.broadcast %max3A : f32 to vector<64x1xf32>
    %max3A_60 = arith.maximumf %broadcast_in_dim3A, %max3A_59 : vector<64x1xf32>
    %div3A = vector.broadcast %max3A_60 : vector<64x1xf32> to vector<64x64xf32>
    %div3A_61 = arith.divf %dot_general3A_57, %div3A : vector<64x64xf32>
    %get3A_62 = arith.constant 0 : index
    %get3A_63 = arith.constant 0 : index
    %get3A_64 = vector.load %arg7[%get3A_62, %get3A_63] : memref<64x64xf32, #tpu.memory_space<vmem>>, vector<64x64xf32>
    %dot_general3A_65 = arith.constant dense<0.000000e+00> : vector<64x64xf32>
    %dot_general3A_66 = tpu.matmul %div3A_61, %get3A_64, %dot_general3A_65 {dimension_numbers = #tpu.dot_dimension_numbers<[1], [0], [0], [1], [0, 0, 1, 1], [], []>, transpose_lhs_hint = false} : vector<64x64xf32>, vector<64x64xf32>, vector<64x64xf32> -> vector<64x64xf32>
    %get3A_67 = arith.constant 0 : index
    %get3A_68 = arith.constant 0 : index
    %get3A_69 = vector.load %arg8[%get3A_67, %get3A_68] : memref<1x64xf32, #tpu.memory_space<vmem>>, vector<1x64xf32>
    %add3A_70 = vector.broadcast %get3A_69 : vector<1x64xf32> to vector<64x64xf32>
    %add3A_71 = arith.addf %dot_general3A_66, %add3A_70 : vector<64x64xf32>
    %gt3A_72 = arith.constant 0.000000e+00 : f32
    %gt3A_73 = vector.broadcast %gt3A_72 : f32 to vector<64x64xf32>
    %gt3A_74 = arith.cmpf ogt, %add3A_71, %gt3A_73 : vector<64x64xf32>
    %min3A_75 = arith.constant 0.000000e+00 : f32
    %min3A_76 = vector.broadcast %min3A_75 : f32 to vector<64x64xf32>
    %min3A_77 = arith.minimumf %add3A_71, %min3A_76 : vector<64x64xf32>
    %exp3A_78 = math.exp %min3A_77 : vector<64x64xf32>
    %sub3A_79 = arith.constant 1.000000e+00 : f32
    %sub3A_80 = vector.broadcast %sub3A_79 : f32 to vector<64x64xf32>
    %sub3A_81 = arith.subf %exp3A_78, %sub3A_80 : vector<64x64xf32>
    %select_n3A_82 = arith.select %gt3A_74, %add3A_71, %sub3A_81 : vector<64x64xi1>, vector<64x64xf32>
    %get3A_83 = arith.constant 0 : index
    %get3A_84 = arith.constant 0 : index
    %get3A_85 = vector.load %arg9[%get3A_83, %get3A_84] : memref<64x32xf32, #tpu.memory_space<vmem>>, vector<64x32xf32>
    %dot_general3A_86 = arith.constant dense<0.000000e+00> : vector<64x32xf32>
    %dot_general3A_87 = tpu.matmul %select_n3A_82, %get3A_85, %dot_general3A_86 {dimension_numbers = #tpu.dot_dimension_numbers<[1], [0], [0], [1], [0, 0, 1, 1], [], []>, transpose_lhs_hint = false} : vector<64x64xf32>, vector<64x32xf32>, vector<64x32xf32> -> vector<64x32xf32>
    %get3A_88 = arith.constant 0 : index
    %get3A_89 = arith.constant 0 : index
    %get3A_90 = vector.load %arg10[%get3A_88, %get3A_89] : memref<1x32xf32, #tpu.memory_space<vmem>>, vector<1x32xf32>
    %add3A_91 = vector.broadcast %get3A_90 : vector<1x32xf32> to vector<64x32xf32>
    %add3A_92 = arith.addf %dot_general3A_87, %add3A_91 : vector<64x32xf32>
    %gt3A_93 = arith.constant 0.000000e+00 : f32
    %gt3A_94 = vector.broadcast %gt3A_93 : f32 to vector<64x32xf32>
    %gt3A_95 = arith.cmpf ogt, %add3A_92, %gt3A_94 : vector<64x32xf32>
    %min3A_96 = arith.constant 0.000000e+00 : f32
    %min3A_97 = vector.broadcast %min3A_96 : f32 to vector<64x32xf32>
    %min3A_98 = arith.minimumf %add3A_92, %min3A_97 : vector<64x32xf32>
    %exp3A_99 = math.exp %min3A_98 : vector<64x32xf32>
    %sub3A_100 = arith.constant 1.000000e+00 : f32
    %sub3A_101 = vector.broadcast %sub3A_100 : f32 to vector<64x32xf32>
    %sub3A_102 = arith.subf %exp3A_99, %sub3A_101 : vector<64x32xf32>
    %select_n3A_103 = arith.select %gt3A_95, %add3A_92, %sub3A_102 : vector<64x32xi1>, vector<64x32xf32>
    %get3A_104 = arith.constant 0 : index
    %get3A_105 = arith.constant 0 : index
    %get3A_106 = vector.load %arg11[%get3A_104, %get3A_105] : memref<32x10xf32, #tpu.memory_space<vmem>>, vector<32x10xf32>
    %dot_general3A_107 = arith.constant dense<0.000000e+00> : vector<64x10xf32>
    %dot_general3A_108 = tpu.matmul %select_n3A_103, %get3A_106, %dot_general3A_107 {dimension_numbers = #tpu.dot_dimension_numbers<[1], [0], [0], [1], [0, 0, 1, 1], [], []>, transpose_lhs_hint = false} : vector<64x32xf32>, vector<32x10xf32>, vector<64x10xf32> -> vector<64x10xf32>
    %get3A_109 = arith.constant 0 : index
    %get3A_110 = arith.constant 0 : index
    %get3A_111 = vector.load %arg12[%get3A_109, %get3A_110] : memref<1x10xf32, #tpu.memory_space<vmem>>, vector<1x10xf32>
    %add3A_112 = vector.broadcast %get3A_111 : vector<1x10xf32> to vector<64x10xf32>
    %add3A_113 = arith.addf %dot_general3A_108, %add3A_112 : vector<64x10xf32>
    %swap3A = arith.constant 0 : index
    %swap3A_114 = arith.constant 0 : index
    %swap3A_115 = vector.load %arg13[%swap3A, %swap3A_114] : memref<64x10xf32, #tpu.memory_space<vmem>>, vector<64x10xf32>
    tpu.vector_store %arg13[%swap3A, %swap3A_114], %add3A_113 {strides = array<i32>} : memref<64x10xf32, #tpu.memory_space<vmem>>, vector<64x10xf32>,
    return
  }
}

</mosaic_0001>

<sc_bundles>
// kernel: kernel.12.cloned.1.call-start
scs
__scs_entry_jumppad:
0x0: {  	(pc) =	sbr.rel $0x88, $3  }
0x1: {  	(tag) =	ssettag $0x0;
	lr =	simm.s32 $0x1  }
0x2: {  	[smem:$0x3F8A] =	sst lr;
	_ =	strace $0xD0000000  }
0x3: {  	_ = 	snop  }
0x4: {  	_ = 	snop  }
0x5: {  	_ = 	snop  }
0x6: {  	_ = 	snop  }
0x7: {  	_ = 	snop  }
__scs_overlays_trampoline_lowered:
0x8: {  	[smem:$0x3F99] =	sst s0  }
0x9: {  	[smem:$0x3F9A] =	sst s1  }
0xa: {  	[smem:$0x3F9B] =	sst s2  }
0xb: {  	[smem:$0x3F9C] =	sst s3  }
0xc: {  	[smem:$0x3F9D] =	sst s4  }
0xd: {  	[smem:$0x3F9E] =	sst s5  }
0xe: {  	[smem:$0x3F9F] =	sst s6  }
0xf: {  	[smem:$0x3FA0] =	sst s7  }
0x10: {  	[smem:$0x3FA1] =	sst s8  }
0x11: {  	[smem:$0x3FA2] =	sst s9;
	s0 =	simm.s32 @!p0 $0x0  }
0x12: {  	s1 =	sld [smem:$0x3F88];
	s0 =	simm.s32 @p0 $0x1  }
0x13: {  	[smem:$0x3FA3] =	sst s0;
	s0 =	simm.s32 @!p1 $0x0  }
0x14: {  	s2 =	sld [smem:$0x3F87];
	s0 =	simm.s32 @p1 $0x1  }
0x15: {  	[smem:$0x3FA4] =	sst s0;
	s0 =	simm.s32 @!p2 $0x0  }
0x16: {  	s3 =	sld [smem:$0x3FDB];
	s0 =	simm.s32 @p2 $0x1  }
0x17: {  	s4 =	simm.s32 $0x1BF5;
	[smem:$0x3FA6] =	sst s0  }
0x18: {  	s0 =	sld [smem:$0x3F89];
	_ =	swait.ge [sflag:s4], $0x0  }
0x19: {  	s7 =	sld [smem:$0x3F8A]  }
0x1a: {  	s8 =	sadd.s32 $0xFFFFE003, lr  }
0x1b: {  	s9 =	sadd.s32 $0xFFFFFEF7, lr;
	s5 =	simm.s32 $0xFFFFFFFF;
	p2 =	slt.u32 s8, $0xFFFFF086  }
0x1c: {  	p1 =	slt.u32 s9, $0xF7A;
	s5 =	simm.s32 @!p2 $0x0  }
0x1d: {  	s5 =	simm.s32 @p1 $0x1;
	p0 =	seq.s32 s7, s2  }
0x1e: {  	s7 =	smul.u32 @!p0 $0xF7A, s2;
	p2 =	seq.s32 @!p0 s5, $0x0  }
0x1f: {  	s9 =	smul.u32 $0xF7A, s1;
	s8 =	simm.s32 @!p0 $0x1BF5;
	p2 =	por !p2, p0  }
0x20: {  	[sflag:s8] =	ssyncset.s32 @!p0 $0xFFFFF086;
	s6 =	sadd.s32 @!p0 s3, s7;
	s7 =	simm.s32 @!p0 $0x108  }
0x21: {  	s3 =	sadd.s32 s3, s9;
	s6 =	sadd.s32 @!p0 $0x88, s6;
	s7 =	simm.s32 @p2 $0x1082  }
0x22: {  	[simem:s7], [sflag:s8] =	dma.local @!p0 [hbm:s6], $0xF7A  }
0x23: {  	s9 =	sor.u32 $0xD0000000, s2;
	s6 =	simm.s32 $0x108;
	_ =	swait.ge @!p0 [sflag:s8], $0x0  }
0x24: {  	s3 =	sadd.s32 $0x88, s3;
	s6 =	simm.s32 @!p1 $0x1082;
	[sflag:s4] =	ssyncset.s32 $0xFFFFF086  }
0x25: {  	[simem:s6], [sflag:s4] =	dma.local [hbm:s3], $0xF7A  }
0x26: {  	[smem:$0x3F8A] =	sst s1;
	(tag) =	ssettag s2;
	_ =	strace s9  }
0x27: {  	s1 =	sld [smem:$0x3F9A]  }
0x28: {  	s2 =	sld [smem:$0x3F9B]  }
0x29: {  	s4 =	sld [smem:$0x3F9D]  }
0x2a: {  	p0 =	seq.s32 s5, $0x0;
	s5 =	sld [smem:$0x3F9E]  }
0x2b: {  	s6 =	sld [smem:$0x3F9F]  }
0x2c: {  	s7 =	sld [smem:$0x3FA0]  }
0x2d: {  	s3 =	simm.s32 $0x108;
	s8 =	sld [smem:$0x3FA1]  }
0x2e: {  	s3 =	simm.s32 @!p0 $0x1082;
	s9 =	sld [smem:$0x3FA2]  }
0x2f: {  	lr =	sadd.s32 s0, s3;
	s0 =	sld [smem:$0x3F99]  }
0x30: {  	s3 =	sld [smem:$0x3F9C]  }
0x31: {  	[smem:$0x3FA5] =	sst s10  }
0x32: {  	s10 =	sld [smem:$0x3FA3];
	_ =	sdelay $0x3  }
0x33: {  	p0 =	seq.s32 s10, $0x1;
	s10 =	sld [smem:$0x3FA5];
	_ =	sdelay $0x3  }
0x34: {  	[smem:$0x3FA5] =	sst s10  }
0x35: {  	s10 =	sld [smem:$0x3FA4];
	_ =	sdelay $0x3  }
0x36: {  	p1 =	seq.s32 s10, $0x1;
	s10 =	sld [smem:$0x3FA5];
	_ =	sdelay $0x3  }
0x37: {  	[smem:$0x3FA5] =	sst s10  }
0x38: {  	s10 =	sld [smem:$0x3FA6]  }
0x39: {  	_ = 	snop;
	(pc) =	sbr.ind lr, $3  }
0x3a: {  	_ = 	snop  }
0x3b: {  	_ = 	snop  }
0x3c: {  	p2 =	seq.s32 s10, $0x1;
	s10 =	sld [smem:$0x3FA5]  }
0x3d: {  	_ =	shalt  }
0x3e: {  	_ =	shalt  }
0x3f: {  	_ =	shalt  }
0x40: {  	_ =	shalt  }
0x41: {  	_ =	shalt  }
0x42: {  	_ =	shalt  }
0x43: {  	_ =	shalt  }
0x44: {  	_ =	shalt  }
0x45: {  	_ =	shalt  }
0x46: {  	_ =	shalt  }
0x47: {  	_ =	shalt  }
0x48: {  	_ =	shalt  }
0x49: {  	_ =	shalt  }
0x4a: {  	_ =	shalt  }
0x4b: {  	_ =	shalt  }
0x4c: {  	_ =	shalt  }
0x4d: {  	_ =	shalt  }
0x4e: {  	_ =	shalt  }
0x4f: {  	_ =	shalt  }
0x50: {  	_ =	shalt  }
0x51: {  	_ =	shalt  }
0x52: {  	_ =	shalt  }
0x53: {  	_ =	shalt  }
0x54: {  	_ =	shalt  }
0x55: {  	_ =	shalt  }
0x56: {  	_ =	shalt  }
0x57: {  	_ =	shalt  }
0x58: {  	_ =	shalt  }
0x59: {  	_ =	shalt  }
0x5a: {  	_ =	shalt  }
0x5b: {  	_ =	shalt  }
0x5c: {  	_ =	shalt  }
0x5d: {  	_ =	shalt  }
0x5e: {  	_ =	shalt  }
0x5f: {  	_ =	shalt  }
0x60: {  	_ =	shalt  }
0x61: {  	_ =	shalt  }
0x62: {  	_ =	shalt  }
0x63: {  	_ =	shalt  }
0x64: {  	_ =	shalt  }
0x65: {  	_ =	shalt  }
0x66: {  	_ =	shalt  }
0x67: {  	_ =	shalt  }
0x68: {  	_ =	shalt  }
0x69: {  	_ =	shalt  }
0x6a: {  	_ =	shalt  }
0x6b: {  	_ =	shalt  }
0x6c: {  	_ =	shalt  }
0x6d: {  	_ =	shalt  }
0x6e: {  	_ =	shalt  }
0x6f: {  	_ =	shalt  }
0x70: {  	_ =	shalt  }
0x71: {  	_ =	shalt  }
0x72: {  	_ =	shalt  }
0x73: {  	_ =	shalt  }
0x74: {  	_ =	shalt  }
0x75: {  	_ =	shalt  }
0x76: {  	_ =	shalt  }
0x77: {  	_ =	shalt  }
0x78: {  	_ =	shalt  }
0x79: {  	_ =	shalt  }
0x7a: {  	_ =	shalt  }
0x7b: {  	_ =	shalt  }
0x7c: {  	_ =	shalt  }
0x7d: {  	_ =	shalt  }
0x7e: {  	_ =	shalt  }
0x7f: {  	_ =	shalt  }
0x80: {  	_ =	shalt  }
0x81: {  	_ =	shalt  }
0x82: {  	_ =	shalt  }
0x83: {  	_ =	shalt  }
0x84: {  	_ =	shalt  }
0x85: {  	_ =	shalt  }
0x86: {  	_ =	shalt  }
0x87: {  	_ =	shalt  }
.Lfunc_end0:
.L_simem_size_0:
called_computation.1_lowered:
.L_overlay_start_0:
0x88: {  	s2 =	sld [smem:$0x3FD9]  }
0x89: {  	s3 =	sld [smem:$0x3FFE];
	_ =	sdelay $0x1  }
0x8a: {  	s1 =	srdreg.scid  }
0x8b: {  	s0 =	sand.u32 $0x1, s1  }
0x8c: {  	s16 =	sshll.u32 s0, $0xA;
	s2 =	sadd.s32 s3, s2  }
0x8d: {  	s2 =	sadd.s32 s2, s16  }
0x8e: {  	[smem:$0x3FB1] =	sst s2  }
0x8f: {  	_ = 	snop  }
0x90: {  	(tm) =	ssettm $0x1  }
0x91: {  	s17 =	sld [smem:$0x3FFB];
	_ =	sdelay $0x3  }
0x92: {  	_ =	strace s17  }
0x93: {  	s2 =	sld [smem:$0x3FFC];
	_ =	sdelay $0x3  }
0x94: {  	_ =	strace s2  }
0x95: {  	s2 =	sld [smem:$0x3FFD];
	_ =	sdelay $0x3  }
0x96: {  	_ =	strace s2  }
0x97: {  	_ =	strace $0x8FFFFFFF  }
0x98: {  	s18 =	sld [smem:$0x3FDB];
	_ =	sdelay $0x1  }
0x99: {  	s19 =	simm.s32 $_scs_section_size  }
0x9a: {  	s4 =	simm.s32 $_size__tile_overlayer_lowered;
	s5 =	simm.s32 $_tile_overlayer_lowered  }
0x9b: {  	s22 =	simm.s32 $0x1BFF;
	s21 =	sshll.u32 s5, $0x1;
	s2 =	sadd.s32 s19, s18  }
0x9c: {  	s6 =	simm.s32 $0x0;
	s20 =	sshll.u32 s4, $0x1;
	s4 =	sadd.s32 s21, s2  }
0x9d: {  	[timem:s6], [sflag:s22] =	dma.local [hbm:s4], s20  }
0x9e: {  	_ =	swait.ge [sflag:s22], s20  }
0x9f: {  	s3 =	ssub.s32 $0x0, s20;
	[sflag:s22] =	ssyncset.done $0x0  }
0xa0: {  	[sflag:s22] =	ssyncadd.s32 s3;
	_ =	sdelay $0x1  }
0xa1: {  	s23 =	simm.s32 $0x1B8B  }
0xa2: {  	_ =	swait.ge [sflag:s23], $0x1  }
0xa3: {  	[sflag:s23] =	ssyncset.done $0x0  }
0xa4: {  	s25 =	simm.s32 $0x1B8E;
	s24 =	sld [smem:$0x3FFE];
	[sflag:s23] =	ssyncadd.s32 $0xFFFFFFFF  }
0xa5: {  	s26 =	simm.s32 $execute0_lowered;
	[smem:$0x3FD2] =	sst s25  }
0xa6: {  	s4 =	sshll.u32 s26, $0x1;
	_ =	strace $0x80000049;
	[dreg:$0x1] =	wrdreg $0xFFFFFFFF  }
0xa7: {  	s28 =	simm.s32 $_size_execute0_lowered;
	s2 =	sadd.s32 s2, s4;
	[dreg:$0x0] =	wrdreg $0x0  }
0xa8: {  	s4 =	sshll.u32 s28, $0x1;
	[dreg:$0x2] =	wrdreg s2  }
0xa9: {  	[dreg:$0x3] =	wrdreg s4  }
0xaa: {  	[dreg:$0x4] =	wrdreg $0xC0  }
0xab: {  	_ =	task [dreg:s6], $0x5FFFF  }
0xac: {  	[dreg:$0x1] =	wrdreg $0xFFFFFFFF  }
0xad: {  	[dreg:$0x0] =	wrdreg $0x60  }
0xae: {  	[dreg:$0x2] =	wrdreg s24  }
0xaf: {  	[dreg:$0x3] =	wrdreg $0x50000  }
0xb0: {  	[dreg:$0x4] =	wrdreg $0xA0000  }
0xb1: {  	[dreg:$0x5] =	wrdreg $0x9  }
0xb2: {  	_ =	task.clear_ibuf [dreg:s6], $0x6FFFF;
	_ =	strace $0x90000049  }
0xb3: {  	s29 =	simm.s32 $0x9;
	_ =	strace $0x8000004B  }
0xb4: {  	_ =	swait.ge [sflag:s29], $0x1  }
0xb5: {  	[sflag:s29] =	ssyncadd.s32 $0xFFFFFFFF  }
0xb6: {  	_ =	strace $0x9000004B  }
0xb7: {  	_ =	sfence  }
0xb8: {  	s30 =	sld [smem:$0x0];
	_ =	sdelay $0x2  }
0xb9: {  	s31 =	sshll.u32 s1, $0xD;
	s1 =	sshrl.u32 s1, $0x2  }
0xba: {  	s3 =	sand.u32 $0x4000, s31;
	s1 =	sadd.s32 s1, s30  }
0xbb: {  	s0 =	sor.u32 s3, s0;
	s1 =	sshll.u32 s1, $0x11  }
0xbc: {  	s0 =	sor.u32 s1, s0  }
0xbd: {  	s0 =	sadd.s32 $0x8F2B, s0  }
0xbe: {  	[sflag:s0] =	ssyncadd.remote.s32 $0x1  }
0xbf: {  	_ =	sfence.sel $0xFFFF  }
0xc0: {  	[dreg:$0x0] =	wrdreg $0xFFFFFFFF;
	(pc) =	sbr.abs _section_cstart, $3  }
0xc1: {  	[dreg:$0x1] =	wrdreg $0xFFFFFFFF  }
0xc2: {  	_ =	task.clear_ibuf [dreg:s6], $0x2FFFF;
	_ =	strace $0x9FFFFFFF  }
0xc3: {  	(tm) =	ssettm $0x7FFFFFFF  }
tec
execute0_lowered:
.L_overlay_start_1:
0x0: {  	(tag) =	ssettag $0x1  }
0x1: {  	s0 =	srdreg.scid;
	s1 =	rddreg [dreg:$0x0]  }
0x2: {  	s8 =	stileid.u32;
	s2 =	rddreg [dreg:$0x1]  }
0x3: {  	s29 =	rddreg [dreg:$0x2];
	s5 =	simm.s32 $0x0;
	s18 =	simm.s32 $0x1  }
0x4: {  	s19 =	simm.s32 $0x2;
	s20 =	simm.s32 $0x3;
	s21 =	simm.s32 $0x4  }
0x5: {  	s22 =	simm.s32 $0x80;
	s10 =	simm.s32 $0x8;
	s12 =	simm.s32 $0xA  }
0x6: {  	s13 =	simm.s32 $0xB;
	s16 =	simm.s32 $0xC;
	s17 =	simm.s32 $0xD  }
0x7: {  	s9 =	simm.s32 $0xE;
	s15 =	simm.s32 $0xF;
	s0 =	sand.u32 $0x1, s0  }
0x8: {  	s3 =	sshll.u32 s8, $0x1;
	s4 =	smul.u32 $0xA000, s8;
	[smem:$0x7FF] =	sst s5  }
0x9: {  	s5 =	sadd.s32 $0x18600, s1;
	s7 =	sadd.s32 $0x17C00, s1;
	s26 =	sshll.u32 s8, $0x6  }
0xa: {  	s3 =	sor.u32 s0, s3;
	s6 =	smul.u32 $0xA0000, s0;
	_ =	strace $0x8000004A  }
0xb: {  	s0 =	ssub.s32 $0x2, s0;
	[dreg:$0x4] =	wrdreg s7;
	s8 =	sor.u32 $0x1C03, s26  }
0xc: {  	[dreg:$0x7] =	wrdreg s26;
	s30 =	sor.u32 $0x1C04, s26;
	s26 =	simm.s32 $0x16000  }
0xd: {  	s7 =	simm.s32 $0x6;
	s3 =	smul.u32 $0x500, s3;
	[dreg:$0x8] =	wrdreg s8  }
0xe: {  	s23 =	sshrl.u32 s0, $0x1;
	s25 =	sshrl.u32 s4, $0x1;
	[dreg:$0xd] =	wrdreg s30  }
0xf: {  	s8 =	simm.s32 $0x7;
	s6 =	sadd.s32 s4, s6;
	s0 =	ssub.s32 s0, s23  }
0x10: {  	s28 =	sadd.s32 s25, s2;
	s4 =	sshrl.u32 s4, $0x4;
	s23 =	simm.s32 $0x11000  }
0x11: {  	s3 =	sadd.s32 s3, s1;
	s6 =	sshrl.u32 s6, $0x4;
	s4 =	sadd.s32 s5, s4  }
0x12: {  	s0 =	smax.u32 s0, $0x1;
	s14 =	sshrl.u32 s28, $0x3;
	[dreg:$0x9] =	wrdreg s4  }
0x13: {  	s1 =	sadd.s32 s6, s1;
	s24 =	sadd.s32 $0xDC00, s3;
	[dreg:$0xb] =	wrdreg s0  }
.Ltmp0:
0x14: {  	s3 =	sadd.s32 $0x3C00, s3;
	[dreg:$0xc] =	wrdreg s14;
	(pc) =	sbr.rel .LBB2_1-.Ltmp0, $4  }
0x15: {  	s4 =	simm.s32 $0x10000;
	s6 =	simm.s32 $0x5;
	[dreg:$0x5] =	wrdreg s24  }
0x16: {  	[dreg:$0x6] =	wrdreg s3;
	s3 =	sadd.s32 s25, s29;
	s1 =	sadd.s32 $0x22600, s1  }
0x17: {  	s24 =	simm.s32 $0x12000;
	[dreg:$0xa] =	wrdreg s1;
	s31 =	sshrl.u32 s3, $0x3  }
0x18: {  	s25 =	simm.s32 $0x10;
	s3 =	simm.s32 $0x0;
	[dreg:$0xe] =	wrdreg s31  }
.LBB2_9:
0x19: {  	s0 =	simm.s32 $0x9  }
0x1a: {  	_ =	swait.ge [sflag:s0], $0x1000  }
0x1b: {  	[sflag:s0] =	ssyncset.done $0x0  }
0x1c: {  	[sflag:s0] =	ssyncadd.s32 $0xFFFFF000  }
0x1d: {  	_ =	swait.ge [sflag:s12], $0x1000  }
0x1e: {  	[sflag:s12] =	ssyncset.done $0x0  }
0x1f: {  	[sflag:s12] =	ssyncadd.s32 $0xFFFFF000  }
0x20: {  	_ =	swait.ge [sflag:s13], $0x1000  }
0x21: {  	[sflag:s13] =	ssyncset.done $0x0  }
0x22: {  	[sflag:s13] =	ssyncadd.s32 $0xFFFFF000  }
0x23: {  	_ =	swait.ge [sflag:s16], $0x1000  }
0x24: {  	[sflag:s16] =	ssyncset.done $0x0  }
0x25: {  	[sflag:s16] =	ssyncadd.s32 $0xFFFFF000  }
0x26: {  	_ =	swait.ge [sflag:s17], $0x1000  }
0x27: {  	[sflag:s17] =	ssyncset.done $0x0  }
0x28: {  	[sflag:s17] =	ssyncadd.s32 $0xFFFFF000  }
0x29: {  	_ =	swait.ge [sflag:s9], $0x1000  }
0x2a: {  	[sflag:s9] =	ssyncset.done $0x0  }
0x2b: {  	[sflag:s9] =	ssyncadd.s32 $0xFFFFF000  }
0x2c: {  	_ =	swait.ge [sflag:s15], $0x1000  }
0x2d: {  	[sflag:s15] =	ssyncset.done $0x0  }
0x2e: {  	[sflag:s15] =	ssyncadd.s32 $0xFFFFF000  }
0x2f: {  	_ =	swait.ge [sflag:s25], $0x1000  }
0x30: {  	[sflag:s25] =	ssyncset.done $0x0  }
0x31: {  	[sflag:s25] =	ssyncadd.s32 $0xFFFFF000  }
0x32: {  	[bflag:$0x0] =	sbarrier.arrive $0xFFFF  }
0x33: {  	s28 =	rddreg [dreg:$0x7]  }
0x34: {  	s1 =	rddreg [dreg:$0xa]  }
0x35: {  	s30 =	simm.s32 $0x11;
	s14 =	rddreg [dreg:$0xc];
	s0 =	sor.u32 $0x1C11, s28  }
0x36: {  	[hbm:s1], [sflag:s0] =	dma.local [spmem:s14], $0xA00  }
0x37: {  	_ =	swait.ge [sflag:s30], $0xA00  }
0x38: {  	s3 =	rddreg [dreg:$0xf]  }
0x39: {  	s31 =	rddreg [dreg:$0xb];
	s3 =	sadd.s32 $0x1, s3  }
0x3a: {  	p0 =	sne.s32 s3, s31  }
.Ltmp1:
0x3b: {  	_ = 	snop;
	(pc) =	sbr.rel @!p0 .LBB2_10-.Ltmp1, $3  }
0x3c: {  	_ =	sdelay $0x1  }
0x3d: {  	[sflag:s30] =	ssyncset.done $0x0  }
0x3e: {  	[sflag:s30] =	ssyncadd.s32 $0xFFFFF600  }
.LBB2_1:
0x3f: {  	[dreg:$0xf] =	wrdreg s3  }
0x40: {  	s1 =	rddreg [dreg:$0x5]  }
0x41: {  	s0 =	simm.s32 $0x0;
	s28 =	rddreg [dreg:$0x6]  }
0x42: {  	[tilespmem:s0], [sflag:$0x1] =	stream.linear.gather [hbm4b:s1+s0], $0x2800, $0x38;
	[tilespmem:$0x17000] =	vst v63  }
0x43: {  	s30 =	simm.s32 $0x2800;
	s11 =	rddreg [dreg:$0x4]  }
0x44: {  	[tilespmem:s30], [sflag:$0x2] =	stream.linear.gather [hbm4b:s28+s0], $0x2800, $0x38;
	[tilespmem:$0x17000] =	vst v63  }
0x45: {  	s28 =	rddreg [dreg:$0x8]  }
0x46: {  	[spmem:s14], [sflag:s28] =	dma.local [hbm:s11], $0xA00  }
0x47: {  	s0 =	rddreg [dreg:$0x9]  }
0x48: {  	s1 =	rddreg [dreg:$0xd]  }
0x49: {  	s30 =	rddreg [dreg:$0xe]  }
0x4a: {  	[spmem:s30], [sflag:s1] =	dma.local [hbm:s0], $0xA00  }
0x4b: {  	_ =	swait.ge [sflag:s18], $0x2800  }
0x4c: {  	[sflag:s18] =	ssyncset.done $0x0  }
0x4d: {  	[sflag:s18] =	ssyncadd.s32 $0xFFFFD800  }
0x4e: {  	_ =	swait.ge [sflag:s19], $0x2800  }
0x4f: {  	[sflag:s19] =	ssyncset.done $0x0  }
0x50: {  	[sflag:s19] =	ssyncadd.s32 $0xFFFFD800  }
0x51: {  	_ =	swait.ge [sflag:s20], $0xA00  }
0x52: {  	[sflag:s20] =	ssyncset.done $0x0  }
0x53: {  	[sflag:s20] =	ssyncadd.s32 $0xFFFFF600  }
.Ltmp2:
0x54: {  	_ =	swait.ge [sflag:s21], $0xA00;
	(pc) =	sbr.rel .LBB2_2-.Ltmp2, $4  }
0x55: {  	[sflag:s21] =	ssyncset.done $0x0  }
0x56: {  	[sflag:s21] =	ssyncadd.s32 $0xFFFFF600  }
0x57: {  	[bflag:$0x0] =	sbarrier.arrive $0xFFFF  }
0x58: {  	s31 =	simm.s32 $0x7;
	s0 =	simm.s32 $0x0  }
.LBB2_7:
0x59: {  	s14 =	sadd.s32 $0x380, s14  }
0x5a: {  	[tilespmem:s26], [sflag:$0x8] =	stream.indirect.gather [spmem:s29], $0x20, s14, s22, $0xb8;
	[tilespmem:$0x17000] =	vst v63  }
0x5b: {  	s11 =	simm.s32 $0x16000;
	s14 =	sadd.s32 $0xE00, s0;
	s26 =	smov.u32 s0  }
.LBB2_8:
0x5c: {  	_ =	swait.ge [sflag:s18], $0x1000  }
0x5d: {  	s26 =	sshra.s32 s26, $0x2;
	[sflag:s18] =	ssyncset.done $0x0  }
0x5e: {  	s4 =	simm.s32 $0xF000;
	s26 =	sadd.s32 $0x2800, s26;
	[sflag:s18] =	ssyncadd.s32 $0xFFFFF000  }
0x5f: {  	[spmem:s2] =	stream.indirect.scatter.add.bf16 [tilespmem:s4], [sflag:$0x9], $0x20, s26, s22, $0xb8;
	[tilespmem:$0x17000] =	vst v63  }
0x60: {  	_ =	swait.ge [sflag:s19], $0x1000  }
0x61: {  	s23 =	sshra.s32 s23, $0x2;
	[sflag:s19] =	ssyncset.done $0x0  }
0x62: {  	s23 =	sadd.s32 $0x2800, s23;
	s4 =	simm.s32 $0x10000;
	[sflag:s19] =	ssyncadd.s32 $0xFFFFF000  }
0x63: {  	[spmem:s2] =	stream.indirect.scatter.add.bf16 [tilespmem:s4], [sflag:$0xA], $0x20, s23, s22, $0xb8;
	[tilespmem:$0x17000] =	vst v63  }
0x64: {  	_ =	swait.ge [sflag:s20], $0x1000  }
0x65: {  	s24 =	sshra.s32 s24, $0x2;
	[sflag:s20] =	ssyncset.done $0x0  }
0x66: {  	s26 =	simm.s32 $0x11000;
	s23 =	sadd.s32 $0x2800, s24;
	[sflag:s20] =	ssyncadd.s32 $0xFFFFF000  }
0x67: {  	[spmem:s2] =	stream.indirect.scatter.add.bf16 [tilespmem:s26], [sflag:$0xB], $0x20, s23, s22, $0xb8;
	[tilespmem:$0x17000] =	vst v63  }
0x68: {  	_ =	swait.ge [sflag:s21], $0x1000  }
0x69: {  	s3 =	sshra.s32 s3, $0x2;
	[sflag:s21] =	ssyncset.done $0x0  }
0x6a: {  	s3 =	sadd.s32 $0x2800, s3;
	s24 =	simm.s32 $0x12000;
	[sflag:s21] =	ssyncadd.s32 $0xFFFFF000  }
0x6b: {  	[spmem:s2] =	stream.indirect.scatter.add.bf16 [tilespmem:s24], [sflag:$0xC], $0x20, s3, s22, $0xb8;
	[tilespmem:$0x17000] =	vst v63  }
0x6c: {  	s26 =	sshll.u32 s28, $0x7;
	_ =	swait.ge [sflag:s6], $0x1000  }
0x6d: {  	s3 =	sand.u32 $0x3FFFFF80, s26;
	[sflag:s6] =	ssyncset.done $0x0  }
0x6e: {  	s28 =	simm.s32 $0x13000;
	s3 =	sadd.s32 $0x2800, s3;
	[sflag:s6] =	ssyncadd.s32 $0xFFFFF000  }
0x6f: {  	[spmem:s2] =	stream.indirect.scatter.add.bf16 [tilespmem:s28], [sflag:$0xD], $0x20, s3, s22, $0xb8;
	[tilespmem:$0x17000] =	vst v63  }
0x70: {  	s28 =	sshll.u32 s30, $0x7;
	_ =	swait.ge [sflag:s7], $0x1000  }
0x71: {  	s3 =	sand.u32 $0x3FFFFF80, s28;
	[sflag:s7] =	ssyncset.done $0x0  }
0x72: {  	s30 =	simm.s32 $0x14000;
	s3 =	sadd.s32 $0x2800, s3;
	[sflag:s7] =	ssyncadd.s32 $0xFFFFF000  }
0x73: {  	[spmem:s2] =	stream.indirect.scatter.add.bf16 [tilespmem:s30], [sflag:$0xE], $0x20, s3, s22, $0xb8;
	[tilespmem:$0x17000] =	vst v63  }
0x74: {  	s1 =	sshll.u32 s1, $0x7;
	s0 =	sadd.s32 $0x1000, s0;
	_ =	swait.ge [sflag:s8], $0x1000  }
0x75: {  	s1 =	sand.u32 $0x3FFFFF80, s1;
	p0 =	sne.s32 s0, $0xA000;
	[sflag:s8] =	ssyncset.done $0x0  }
0x76: {  	s1 =	sadd.s32 $0x2800, s1;
	s28 =	simm.s32 $0x15000;
	[sflag:s8] =	ssyncadd.s32 $0xFFFFF000  }
0x77: {  	[spmem:s2] =	stream.indirect.scatter.add.bf16 [tilespmem:s28], [sflag:$0xF], $0x20, s1, s22, $0xb8;
	[tilespmem:$0x17000] =	vst v63  }
.Ltmp3:
0x78: {  	_ = 	snop;
	(pc) =	sbr.rel @!p0 .LBB2_9-.Ltmp3, $4  }
0x79: {  	s31 =	sadd.s32 $0x8, s31;
	_ =	swait.ge [sflag:s10], $0x1000  }
0x7a: {  	s23 =	simm.s32 $0x11000;
	s30 =	sshra.s32 s14, $0x2;
	[sflag:s10] =	ssyncset.done $0x0  }
0x7b: {  	s26 =	simm.s32 $0x16000;
	s1 =	sadd.s32 $0x2800, s30;
	[sflag:s10] =	ssyncadd.s32 $0xFFFFF000  }
0x7c: {  	[spmem:s2] =	stream.indirect.scatter.add.bf16 [tilespmem:s11], [sflag:$0x10], $0x20, s1, s22, $0xb8;
	[tilespmem:$0x17000] =	vst v63  }
.LBB2_2:
0x7d: {  	p0 =	sne.s32 s0, $0x0  }
.Ltmp4:
0x7e: {  	_ = 	snop;
	(pc) =	sbr.rel @!p0 .LBB2_3-.Ltmp4, $1  }
0x7f: {  	_ =	sdelay $0x3  }
0x80: {  	s1 =	simm.s32 $0x9  }
0x81: {  	_ =	swait.ge [sflag:s1], $0x1000  }
0x82: {  	[sflag:s1] =	ssyncset.done $0x0  }
0x83: {  	s14 =	sshra.s32 s0, $0x2;
	s11 =	simm.s32 $0xF000;
	[sflag:s1] =	ssyncadd.s32 $0xFFFFF000  }
0x84: {  	[tilespmem:s11], [sflag:$0x1] =	stream.indirect.gather [hbm4b:s5+s22], $0x20, s14, s22, $0xb8;
	[tilespmem:$0x17000] =	vst v63  }
0x85: {  	_ =	swait.ge [sflag:s12], $0x1000  }
0x86: {  	[sflag:s12] =	ssyncset.done $0x0  }
0x87: {  	s3 =	sadd.s32 $0x80, s14;
	[sflag:s12] =	ssyncadd.s32 $0xFFFFF000  }
0x88: {  	[tilespmem:s4], [sflag:$0x2] =	stream.indirect.gather [hbm4b:s5+s22], $0x20, s3, s22, $0xb8;
	[tilespmem:$0x17000] =	vst v63  }
0x89: {  	_ =	swait.ge [sflag:s13], $0x1000  }
0x8a: {  	[sflag:s13] =	ssyncset.done $0x0  }
0x8b: {  	s11 =	sadd.s32 $0x100, s14;
	[sflag:s13] =	ssyncadd.s32 $0xFFFFF000  }
0x8c: {  	[tilespmem:s23], [sflag:$0x3] =	stream.indirect.gather [hbm4b:s5+s22], $0x20, s11, s22, $0xb8;
	[tilespmem:$0x17000] =	vst v63  }
0x8d: {  	_ =	swait.ge [sflag:s16], $0x1000  }
0x8e: {  	[sflag:s16] =	ssyncset.done $0x0  }
0x8f: {  	s23 =	sadd.s32 $0x180, s14;
	[sflag:s16] =	ssyncadd.s32 $0xFFFFF000  }
0x90: {  	[tilespmem:s24], [sflag:$0x4] =	stream.indirect.gather [hbm4b:s5+s22], $0x20, s23, s22, $0xb8;
	[tilespmem:$0x17000] =	vst v63  }
0x91: {  	s28 =	sadd.s32 $0xFFFFFFFD, s31;
	_ =	swait.ge [sflag:s17], $0x1000  }
0x92: {  	p0 =	slt.u32 s28, $0x4C;
	s1 =	sadd.s32 $0x200, s14;
	[sflag:s17] =	ssyncset.done $0x0  }
0x93: {  	s3 =	simm.s32 @p0 $0x80;
	s23 =	simm.s32 @p0 $0x13000;
	[sflag:s17] =	ssyncadd.s32 $0xFFFFF000  }
0x94: {  	[tilespmem:s23], [sflag:$0x5] =	stream.indirect.gather @p0 [hbm4b:s5+s3], $0x20, s1, s3, $0xb8;
	[tilespmem:$0x17000] =	vst v63  }
0x95: {  	s3 =	simm.s32 @!p0 $0x80;
	s23 =	simm.s32 @!p0 $0x13000  }
0x96: {  	[tilespmem:s23], [sflag:$0x5] =	stream.indirect.gather @!p0 [spmem:s29], $0x20, s1, s3, $0xb8;
	[tilespmem:$0x17000] =	vst v63  }
0x97: {  	s30 =	sadd.s32 $0xFFFFFFFE, s31;
	_ =	swait.ge [sflag:s9], $0x1000  }
0x98: {  	p0 =	slt.u32 s30, $0x4C;
	s1 =	sadd.s32 $0x280, s14;
	[sflag:s9] =	ssyncset.done $0x0  }
0x99: {  	s3 =	simm.s32 @p0 $0x80;
	s23 =	simm.s32 @p0 $0x14000;
	[sflag:s9] =	ssyncadd.s32 $0xFFFFF000  }
0x9a: {  	[tilespmem:s23], [sflag:$0x6] =	stream.indirect.gather @p0 [hbm4b:s5+s3], $0x20, s1, s3, $0xb8;
	[tilespmem:$0x17000] =	vst v63  }
0x9b: {  	s3 =	simm.s32 @!p0 $0x80;
	s23 =	simm.s32 @!p0 $0x14000  }
0x9c: {  	[tilespmem:s23], [sflag:$0x6] =	stream.indirect.gather @!p0 [spmem:s29], $0x20, s1, s3, $0xb8;
	[tilespmem:$0x17000] =	vst v63  }
0x9d: {  	s1 =	sadd.s32 $0xFFFFFFFF, s31;
	_ =	swait.ge [sflag:s15], $0x1000  }
0x9e: {  	s3 =	sadd.s32 $0x300, s14;
	p0 =	slt.u32 s1, $0x4C;
	[sflag:s15] =	ssyncset.done $0x0  }
0x9f: {  	s23 =	simm.s32 @p0 $0x80;
	s24 =	simm.s32 @p0 $0x15000;
	[sflag:s15] =	ssyncadd.s32 $0xFFFFF000  }
0xa0: {  	[tilespmem:s24], [sflag:$0x7] =	stream.indirect.gather @p0 [hbm4b:s5+s23], $0x20, s3, s23, $0xb8;
	[tilespmem:$0x17000] =	vst v63  }
0xa1: {  	s23 =	simm.s32 @!p0 $0x80;
	s24 =	simm.s32 @!p0 $0x15000  }
0xa2: {  	[tilespmem:s24], [sflag:$0x7] =	stream.indirect.gather @!p0 [spmem:s29], $0x20, s3, s23, $0xb8;
	[tilespmem:$0x17000] =	vst v63  }
0xa3: {  	p0 =	sgt.u32 s31, $0x4B  }
.Ltmp5:
0xa4: {  	_ = 	snop;
	(pc) =	sbr.rel @p0 .LBB2_7-.Ltmp5, $4  }
0xa5: {  	_ = 	snop  }
0xa6: {  	_ =	swait.ge [sflag:s25], $0x1000  }
0xa7: {  	s23 =	sadd.s32 $0x200, s0;
	[sflag:s25] =	ssyncset.done $0x0  }
0xa8: {  	s24 =	sadd.s32 $0x400, s0;
	s3 =	sadd.s32 $0x600, s0;
	[sflag:s25] =	ssyncadd.s32 $0xFFFFF000  }
.Ltmp6:
0xa9: {  	(pc) =	sbr.rel .LBB2_6-.Ltmp6, $2  }
0xaa: {  	_ =	sdelay $0x2  }
0xab: {  	s26 =	smov.u32 s0;
	s14 =	smov.u32 s31  }
.LBB2_3:
0xac: {  	s26 =	simm.s32 $0x0;
	s1 =	simm.s32 $0xF000  }
0xad: {  	[tilespmem:s1], [sflag:$0x1] =	stream.indirect.gather [hbm4b:s5+s22], $0x20, s26, s22, $0xb8;
	[tilespmem:$0x17000] =	vst v63  }
0xae: {  	_ = 	snop  }
0xaf: {  	[tilespmem:s4], [sflag:$0x2] =	stream.indirect.gather [hbm4b:s5+s22], $0x20, s22, s22, $0xb8;
	[tilespmem:$0x17000] =	vst v63  }
0xb0: {  	s3 =	simm.s32 $0x100  }
0xb1: {  	[tilespmem:s23], [sflag:$0x3] =	stream.indirect.gather [hbm4b:s5+s22], $0x20, s3, s22, $0xb8;
	[tilespmem:$0x17000] =	vst v63  }
0xb2: {  	s4 =	simm.s32 $0x180  }
0xb3: {  	[tilespmem:s24], [sflag:$0x4] =	stream.indirect.gather [hbm4b:s5+s22], $0x20, s4, s22, $0xb8;
	[tilespmem:$0x17000] =	vst v63  }
0xb4: {  	s11 =	simm.s32 $0x13000;
	s14 =	simm.s32 $0x280;
	s23 =	simm.s32 $0x200  }
0xb5: {  	[tilespmem:s11], [sflag:$0x5] =	stream.indirect.gather [hbm4b:s5+s22], $0x20, s23, s22, $0xb8;
	[tilespmem:$0x17000] =	vst v63  }
0xb6: {  	s29 =	simm.s32 $0x15000;
	s30 =	simm.s32 $0x5;
	s3 =	simm.s32 $0x14000  }
0xb7: {  	[tilespmem:s3], [sflag:$0x6] =	stream.indirect.gather [hbm4b:s5+s22], $0x20, s14, s22, $0xb8;
	[tilespmem:$0x17000] =	vst v63  }
0xb8: {  	s28 =	simm.s32 $0x4;
	s1 =	simm.s32 $0x6;
	s24 =	simm.s32 $0x300  }
0xb9: {  	[tilespmem:s29], [sflag:$0x7] =	stream.indirect.gather [hbm4b:s5+s22], $0x20, s24, s22, $0xb8;
	[tilespmem:$0x17000] =	vst v63  }
0xba: {  	s14 =	simm.s32 $0x7;
	s3 =	simm.s32 $0x600;
	s24 =	simm.s32 $0x400  }
.LBB2_6:
.Ltmp7:
0xbb: {  	(pc) =	sbr.rel .LBB2_8-.Ltmp7, $4  }
0xbc: {  	s14 =	sshll.u32 s14, $0x9  }
0xbd: {  	s11 =	simm.s32 $0x16000;
	s29 =	sshrl.u32 s14, $0x2  }
0xbe: {  	[tilespmem:s11], [sflag:$0x8] =	stream.indirect.gather [hbm4b:s5+s22], $0x20, s29, s22, $0xb8;
	[tilespmem:$0x17000] =	vst v63  }
0xbf: {  	s29 =	rddreg [dreg:$0x2]  }
.LBB2_10:
0xc0: {  	_ =	sfence.sel $0x180000  }
0xc1: {  	[bflag:$0x0] =	sbarrier.arrive $0xFFFF  }
0xc2: {  	_ =	strace $0x9000004A  }
0xc3: {  	s0 =	stileid.u32;
	[bflag:$0x2] =	sbarrier.arrive $0xFFFF  }
0xc4: {  	p0 =	sne.s32 s0, $0x0;
	s0 =	rddreg [dreg:$0x3]  }
0xc5: {  	s0 =	sadd.s32 @!p0 $0x100000, s0  }
0xc6: {  	[sflag:s0] =	ssyncadd.tile.s32 @!p0 $0x1;
	_ =	shalt  }
.Lfunc_end2:
_tile_overlayer_lowered:
.L_overlay_start_2:
0xc7: {  	(tag) =	ssettag $0x2  }
0xc8: {  	s0 =	rddreg [dreg:$0x0];
	s2 =	stileid.u32  }
0xc9: {  	s1 =	rddreg [dreg:$0x1];
	p0 =	sne.s32 s2, $0x0  }
0xca: {  	s3 =	rddreg [dreg:$0x2];
	[bflag:$0x3] =	sbarrier.arrive $0xFFFF;
	s2 =	simm.s32 @!p0 $0x1C11  }
0xcb: {  	[timem:s3], [sflag:s2] =	dma.local @!p0 [hbm:s0], s1  }
0xcc: {  	s0 =	simm.s32 @!p0 $0x11  }
0xcd: {  	_ =	swait.ge @!p0 [sflag:s0], s1  }
0xce: {  	s1 =	ssub.s32 @!p0 $0x0, s1;
	[sflag:s0] =	ssyncset.done @!p0 $0x0  }
0xcf: {  	[sflag:s0] =	ssyncadd.s32 @!p0 s1  }
0xd0: {  	[bflag:$0x3] =	sbarrier.arrive $0xFFFF  }
0xd1: {  	_ =	shalt  }

// kernel: kernel.15.cloned.1.call-start
scs
__scs_entry_jumppad:
0x0: {  	(pc) =	sbr.rel $0x88, $3  }
0x1: {  	(tag) =	ssettag $0x0;
	lr =	simm.s32 $0x1  }
0x2: {  	[smem:$0x3F8A] =	sst lr;
	_ =	strace $0xD0000000  }
0x3: {  	_ = 	snop  }
0x4: {  	_ = 	snop  }
0x5: {  	_ = 	snop  }
0x6: {  	_ = 	snop  }
0x7: {  	_ = 	snop  }
__scs_overlays_trampoline_lowered:
0x8: {  	[smem:$0x3F99] =	sst s0  }
0x9: {  	[smem:$0x3F9A] =	sst s1  }
0xa: {  	[smem:$0x3F9B] =	sst s2  }
0xb: {  	[smem:$0x3F9C] =	sst s3  }
0xc: {  	[smem:$0x3F9D] =	sst s4  }
0xd: {  	[smem:$0x3F9E] =	sst s5  }
0xe: {  	[smem:$0x3F9F] =	sst s6  }
0xf: {  	[smem:$0x3FA0] =	sst s7  }
0x10: {  	[smem:$0x3FA1] =	sst s8  }
0x11: {  	[smem:$0x3FA2] =	sst s9;
	s0 =	simm.s32 @!p0 $0x0  }
0x12: {  	s1 =	sld [smem:$0x3F88];
	s0 =	simm.s32 @p0 $0x1  }
0x13: {  	[smem:$0x3FA3] =	sst s0;
	s0 =	simm.s32 @!p1 $0x0  }
0x14: {  	s2 =	sld [smem:$0x3F87];
	s0 =	simm.s32 @p1 $0x1  }
0x15: {  	[smem:$0x3FA4] =	sst s0;
	s0 =	simm.s32 @!p2 $0x0  }
0x16: {  	s3 =	sld [smem:$0x3FDB];
	s0 =	simm.s32 @p2 $0x1  }
0x17: {  	s4 =	simm.s32 $0x1BF5;
	[smem:$0x3FA6] =	sst s0  }
0x18: {  	s0 =	sld [smem:$0x3F89];
	_ =	swait.ge [sflag:s4], $0x0  }
0x19: {  	s7 =	sld [smem:$0x3F8A]  }
0x1a: {  	s8 =	sadd.s32 $0xFFFFE003, lr  }
0x1b: {  	s9 =	sadd.s32 $0xFFFFFEF7, lr;
	s5 =	simm.s32 $0xFFFFFFFF;
	p2 =	slt.u32 s8, $0xFFFFF086  }
0x1c: {  	p1 =	slt.u32 s9, $0xF7A;
	s5 =	simm.s32 @!p2 $0x0  }
0x1d: {  	s5 =	simm.s32 @p1 $0x1;
	p0 =	seq.s32 s7, s2  }
0x1e: {  	s7 =	smul.u32 @!p0 $0xF7A, s2;
	p2 =	seq.s32 @!p0 s5, $0x0  }
0x1f: {  	s9 =	smul.u32 $0xF7A, s1;
	s8 =	simm.s32 @!p0 $0x1BF5;
	p2 =	por !p2, p0  }
0x20: {  	[sflag:s8] =	ssyncset.s32 @!p0 $0xFFFFF086;
	s6 =	sadd.s32 @!p0 s3, s7;
	s7 =	simm.s32 @!p0 $0x108  }
0x21: {  	s3 =	sadd.s32 s3, s9;
	s6 =	sadd.s32 @!p0 $0x88, s6;
	s7 =	simm.s32 @p2 $0x1082  }
0x22: {  	[simem:s7], [sflag:s8] =	dma.local @!p0 [hbm:s6], $0xF7A  }
0x23: {  	s9 =	sor.u32 $0xD0000000, s2;
	s6 =	simm.s32 $0x108;
	_ =	swait.ge @!p0 [sflag:s8], $0x0  }
0x24: {  	s3 =	sadd.s32 $0x88, s3;
	s6 =	simm.s32 @!p1 $0x1082;
	[sflag:s4] =	ssyncset.s32 $0xFFFFF086  }
0x25: {  	[simem:s6], [sflag:s4] =	dma.local [hbm:s3], $0xF7A  }
0x26: {  	[smem:$0x3F8A] =	sst s1;
	(tag) =	ssettag s2;
	_ =	strace s9  }
0x27: {  	s1 =	sld [smem:$0x3F9A]  }
0x28: {  	s2 =	sld [smem:$0x3F9B]  }
0x29: {  	s4 =	sld [smem:$0x3F9D]  }
0x2a: {  	p0 =	seq.s32 s5, $0x0;
	s5 =	sld [smem:$0x3F9E]  }
0x2b: {  	s6 =	sld [smem:$0x3F9F]  }
0x2c: {  	s7 =	sld [smem:$0x3FA0]  }
0x2d: {  	s3 =	simm.s32 $0x108;
	s8 =	sld [smem:$0x3FA1]  }
0x2e: {  	s3 =	simm.s32 @!p0 $0x1082;
	s9 =	sld [smem:$0x3FA2]  }
0x2f: {  	lr =	sadd.s32 s0, s3;
	s0 =	sld [smem:$0x3F99]  }
0x30: {  	s3 =	sld [smem:$0x3F9C]  }
0x31: {  	[smem:$0x3FA5] =	sst s10  }
0x32: {  	s10 =	sld [smem:$0x3FA3];
	_ =	sdelay $0x3  }
0x33: {  	p0 =	seq.s32 s10, $0x1;
	s10 =	sld [smem:$0x3FA5];
	_ =	sdelay $0x3  }
0x34: {  	[smem:$0x3FA5] =	sst s10  }
0x35: {  	s10 =	sld [smem:$0x3FA4];
	_ =	sdelay $0x3  }
0x36: {  	p1 =	seq.s32 s10, $0x1;
	s10 =	sld [smem:$0x3FA5];
	_ =	sdelay $0x3  }
0x37: {  	[smem:$0x3FA5] =	sst s10  }
0x38: {  	s10 =	sld [smem:$0x3FA6]  }
0x39: {  	_ = 	snop;
	(pc) =	sbr.ind lr, $3  }
0x3a: {  	_ = 	snop  }
0x3b: {  	_ = 	snop  }
0x3c: {  	p2 =	seq.s32 s10, $0x1;
	s10 =	sld [smem:$0x3FA5]  }
0x3d: {  	_ =	shalt  }
0x3e: {  	_ =	shalt  }
0x3f: {  	_ =	shalt  }
0x40: {  	_ =	shalt  }
0x41: {  	_ =	shalt  }
0x42: {  	_ =	shalt  }
0x43: {  	_ =	shalt  }
0x44: {  	_ =	shalt  }
0x45: {  	_ =	shalt  }
0x46: {  	_ =	shalt  }
0x47: {  	_ =	shalt  }
0x48: {  	_ =	shalt  }
0x49: {  	_ =	shalt  }
0x4a: {  	_ =	shalt  }
0x4b: {  	_ =	shalt  }
0x4c: {  	_ =	shalt  }
0x4d: {  	_ =	shalt  }
0x4e: {  	_ =	shalt  }
0x4f: {  	_ =	shalt  }
0x50: {  	_ =	shalt  }
0x51: {  	_ =	shalt  }
0x52: {  	_ =	shalt  }
0x53: {  	_ =	shalt  }
0x54: {  	_ =	shalt  }
0x55: {  	_ =	shalt  }
0x56: {  	_ =	shalt  }
0x57: {  	_ =	shalt  }
0x58: {  	_ =	shalt  }
0x59: {  	_ =	shalt  }
0x5a: {  	_ =	shalt  }
0x5b: {  	_ =	shalt  }
0x5c: {  	_ =	shalt  }
0x5d: {  	_ =	shalt  }
0x5e: {  	_ =	shalt  }
0x5f: {  	_ =	shalt  }
0x60: {  	_ =	shalt  }
0x61: {  	_ =	shalt  }
0x62: {  	_ =	shalt  }
0x63: {  	_ =	shalt  }
0x64: {  	_ =	shalt  }
0x65: {  	_ =	shalt  }
0x66: {  	_ =	shalt  }
0x67: {  	_ =	shalt  }
0x68: {  	_ =	shalt  }
0x69: {  	_ =	shalt  }
0x6a: {  	_ =	shalt  }
0x6b: {  	_ =	shalt  }
0x6c: {  	_ =	shalt  }
0x6d: {  	_ =	shalt  }
0x6e: {  	_ =	shalt  }
0x6f: {  	_ =	shalt  }
0x70: {  	_ =	shalt  }
0x71: {  	_ =	shalt  }
0x72: {  	_ =	shalt  }
0x73: {  	_ =	shalt  }
0x74: {  	_ =	shalt  }
0x75: {  	_ =	shalt  }
0x76: {  	_ =	shalt  }
0x77: {  	_ =	shalt  }
0x78: {  	_ =	shalt  }
0x79: {  	_ =	shalt  }
0x7a: {  	_ =	shalt  }
0x7b: {  	_ =	shalt  }
0x7c: {  	_ =	shalt  }
0x7d: {  	_ =	shalt  }
0x7e: {  	_ =	shalt  }
0x7f: {  	_ =	shalt  }
0x80: {  	_ =	shalt  }
0x81: {  	_ =	shalt  }
0x82: {  	_ =	shalt  }
0x83: {  	_ =	shalt  }
0x84: {  	_ =	shalt  }
0x85: {  	_ =	shalt  }
0x86: {  	_ =	shalt  }
0x87: {  	_ =	shalt  }
.Lfunc_end0:
.L_simem_size_0:
called_computation.2_lowered:
.L_overlay_start_0:
0x88: {  	s2 =	sld [smem:$0x3FD9]  }
0x89: {  	s3 =	sld [smem:$0x3FFE];
	_ =	sdelay $0x1  }
0x8a: {  	s1 =	srdreg.scid  }
0x8b: {  	s0 =	sand.u32 $0x1, s1  }
0x8c: {  	s16 =	sshll.u32 s0, $0xA;
	s2 =	sadd.s32 s3, s2  }
0x8d: {  	s2 =	sadd.s32 s2, s16  }
0x8e: {  	[smem:$0x3FB1] =	sst s2  }
0x8f: {  	_ = 	snop  }
0x90: {  	(tm) =	ssettm $0x1  }
0x91: {  	s17 =	sld [smem:$0x3FFB];
	_ =	sdelay $0x3  }
0x92: {  	_ =	strace s17  }
0x93: {  	s2 =	sld [smem:$0x3FFC];
	_ =	sdelay $0x3  }
0x94: {  	_ =	strace s2  }
0x95: {  	s2 =	sld [smem:$0x3FFD];
	_ =	sdelay $0x3  }
0x96: {  	_ =	strace s2  }
0x97: {  	_ =	strace $0x8FFFFFFF  }
0x98: {  	s18 =	sld [smem:$0x3FDB];
	_ =	sdelay $0x1  }
0x99: {  	s19 =	simm.s32 $_scs_section_size  }
0x9a: {  	s4 =	simm.s32 $_size__tile_overlayer_lowered;
	s5 =	simm.s32 $_tile_overlayer_lowered  }
0x9b: {  	s22 =	simm.s32 $0x1BFF;
	s21 =	sshll.u32 s5, $0x1;
	s2 =	sadd.s32 s19, s18  }
0x9c: {  	s6 =	simm.s32 $0x0;
	s20 =	sshll.u32 s4, $0x1;
	s4 =	sadd.s32 s21, s2  }
0x9d: {  	[timem:s6], [sflag:s22] =	dma.local [hbm:s4], s20  }
0x9e: {  	_ =	swait.ge [sflag:s22], s20  }
0x9f: {  	s3 =	ssub.s32 $0x0, s20;
	[sflag:s22] =	ssyncset.done $0x0  }
0xa0: {  	[sflag:s22] =	ssyncadd.s32 s3;
	_ =	sdelay $0x1  }
0xa1: {  	s23 =	simm.s32 $0x1B8B  }
0xa2: {  	_ =	swait.ge [sflag:s23], $0x1  }
0xa3: {  	[sflag:s23] =	ssyncset.done $0x0  }
0xa4: {  	s25 =	simm.s32 $0x1B8E;
	s24 =	sld [smem:$0x3FFE];
	[sflag:s23] =	ssyncadd.s32 $0xFFFFFFFF  }
0xa5: {  	s26 =	simm.s32 $execute0_lowered;
	[smem:$0x3FD2] =	sst s25  }
0xa6: {  	s4 =	sshll.u32 s26, $0x1;
	_ =	strace $0x8000004C;
	[dreg:$0x1] =	wrdreg $0xFFFFFFFF  }
0xa7: {  	s28 =	simm.s32 $_size_execute0_lowered;
	s2 =	sadd.s32 s2, s4;
	[dreg:$0x0] =	wrdreg $0x0  }
0xa8: {  	s4 =	sshll.u32 s28, $0x1;
	[dreg:$0x2] =	wrdreg s2  }
0xa9: {  	[dreg:$0x3] =	wrdreg s4  }
0xaa: {  	[dreg:$0x4] =	wrdreg $0xC0  }
0xab: {  	_ =	task [dreg:s6], $0x5FFFF  }
0xac: {  	[dreg:$0x1] =	wrdreg $0xFFFFFFFF  }
0xad: {  	[dreg:$0x0] =	wrdreg $0x60  }
0xae: {  	[dreg:$0x2] =	wrdreg s24  }
0xaf: {  	[dreg:$0x3] =	wrdreg $0x50000  }
0xb0: {  	[dreg:$0x4] =	wrdreg $0xA0000  }
0xb1: {  	[dreg:$0x5] =	wrdreg $0x9  }
0xb2: {  	_ =	task.clear_ibuf [dreg:s6], $0x6FFFF;
	_ =	strace $0x9000004C  }
0xb3: {  	s29 =	simm.s32 $0x9;
	_ =	strace $0x8000004E  }
0xb4: {  	_ =	swait.ge [sflag:s29], $0x1  }
0xb5: {  	[sflag:s29] =	ssyncadd.s32 $0xFFFFFFFF  }
0xb6: {  	_ =	strace $0x9000004E  }
0xb7: {  	_ =	sfence  }
0xb8: {  	s30 =	sld [smem:$0x0];
	_ =	sdelay $0x2  }
0xb9: {  	s31 =	sshll.u32 s1, $0xD;
	s1 =	sshrl.u32 s1, $0x2  }
0xba: {  	s3 =	sand.u32 $0x4000, s31;
	s1 =	sadd.s32 s1, s30  }
0xbb: {  	s0 =	sor.u32 s3, s0;
	s1 =	sshll.u32 s1, $0x11  }
0xbc: {  	s0 =	sor.u32 s1, s0  }
0xbd: {  	s0 =	sadd.s32 $0x8F2B, s0  }
0xbe: {  	[sflag:s0] =	ssyncadd.remote.s32 $0x1  }
0xbf: {  	_ =	sfence.sel $0xFFFF  }
0xc0: {  	[dreg:$0x0] =	wrdreg $0xFFFFFFFF;
	(pc) =	sbr.abs _section_cstart, $3  }
0xc1: {  	[dreg:$0x1] =	wrdreg $0xFFFFFFFF  }
0xc2: {  	_ =	task.clear_ibuf [dreg:s6], $0x2FFFF;
	_ =	strace $0x9FFFFFFF  }
0xc3: {  	(tm) =	ssettm $0x7FFFFFFF  }
tec
execute0_lowered:
.L_overlay_start_1:
0x0: {  	(tag) =	ssettag $0x1  }
0x1: {  	s0 =	srdreg.scid;
	s1 =	rddreg [dreg:$0x0]  }
0x2: {  	s8 =	stileid.u32;
	s2 =	rddreg [dreg:$0x1]  }
0x3: {  	s29 =	rddreg [dreg:$0x2];
	s5 =	simm.s32 $0x0;
	s18 =	simm.s32 $0x1  }
0x4: {  	s19 =	simm.s32 $0x2;
	s20 =	simm.s32 $0x3;
	s21 =	simm.s32 $0x4  }
0x5: {  	s22 =	simm.s32 $0x80;
	s10 =	simm.s32 $0x8;
	s12 =	simm.s32 $0xA  }
0x6: {  	s13 =	simm.s32 $0xB;
	s16 =	simm.s32 $0xC;
	s17 =	simm.s32 $0xD  }
0x7: {  	s9 =	simm.s32 $0xE;
	s15 =	simm.s32 $0xF;
	s0 =	sand.u32 $0x1, s0  }
0x8: {  	s3 =	sshll.u32 s8, $0x1;
	s4 =	smul.u32 $0xA000, s8;
	[smem:$0x7FF] =	sst s5  }
0x9: {  	s5 =	sadd.s32 $0x18600, s1;
	s7 =	sadd.s32 $0x17C00, s1;
	s26 =	sshll.u32 s8, $0x6  }
0xa: {  	s3 =	sor.u32 s0, s3;
	s6 =	smul.u32 $0xA0000, s0;
	_ =	strace $0x8000004D  }
0xb: {  	s0 =	ssub.s32 $0x2, s0;
	[dreg:$0x4] =	wrdreg s7;
	s8 =	sor.u32 $0x1C03, s26  }
0xc: {  	[dreg:$0x7] =	wrdreg s26;
	s30 =	sor.u32 $0x1C04, s26;
	s26 =	simm.s32 $0x16000  }
0xd: {  	s7 =	simm.s32 $0x6;
	s3 =	smul.u32 $0x500, s3;
	[dreg:$0x8] =	wrdreg s8  }
0xe: {  	s23 =	sshrl.u32 s0, $0x1;
	s25 =	sshrl.u32 s4, $0x1;
	[dreg:$0xd] =	wrdreg s30  }
0xf: {  	s8 =	simm.s32 $0x7;
	s6 =	sadd.s32 s4, s6;
	s0 =	ssub.s32 s0, s23  }
0x10: {  	s28 =	sadd.s32 s25, s2;
	s4 =	sshrl.u32 s4, $0x4;
	s23 =	simm.s32 $0x11000  }
0x11: {  	s3 =	sadd.s32 s3, s1;
	s6 =	sshrl.u32 s6, $0x4;
	s4 =	sadd.s32 s5, s4  }
0x12: {  	s0 =	smax.u32 s0, $0x1;
	s14 =	sshrl.u32 s28, $0x3;
	[dreg:$0x9] =	wrdreg s4  }
0x13: {  	s1 =	sadd.s32 s6, s1;
	s24 =	sadd.s32 $0xDC00, s3;
	[dreg:$0xb] =	wrdreg s0  }
.Ltmp0:
0x14: {  	s3 =	sadd.s32 $0x3C00, s3;
	[dreg:$0xc] =	wrdreg s14;
	(pc) =	sbr.rel .LBB2_1-.Ltmp0, $4  }
0x15: {  	s4 =	simm.s32 $0x10000;
	s6 =	simm.s32 $0x5;
	[dreg:$0x5] =	wrdreg s24  }
0x16: {  	[dreg:$0x6] =	wrdreg s3;
	s3 =	sadd.s32 s25, s29;
	s1 =	sadd.s32 $0x22600, s1  }
0x17: {  	s24 =	simm.s32 $0x12000;
	[dreg:$0xa] =	wrdreg s1;
	s31 =	sshrl.u32 s3, $0x3  }
0x18: {  	s25 =	simm.s32 $0x10;
	s3 =	simm.s32 $0x0;
	[dreg:$0xe] =	wrdreg s31  }
.LBB2_9:
0x19: {  	s0 =	simm.s32 $0x9  }
0x1a: {  	_ =	swait.ge [sflag:s0], $0x1000  }
0x1b: {  	[sflag:s0] =	ssyncset.done $0x0  }
0x1c: {  	[sflag:s0] =	ssyncadd.s32 $0xFFFFF000  }
0x1d: {  	_ =	swait.ge [sflag:s12], $0x1000  }
0x1e: {  	[sflag:s12] =	ssyncset.done $0x0  }
0x1f: {  	[sflag:s12] =	ssyncadd.s32 $0xFFFFF000  }
0x20: {  	_ =	swait.ge [sflag:s13], $0x1000  }
0x21: {  	[sflag:s13] =	ssyncset.done $0x0  }
0x22: {  	[sflag:s13] =	ssyncadd.s32 $0xFFFFF000  }
0x23: {  	_ =	swait.ge [sflag:s16], $0x1000  }
0x24: {  	[sflag:s16] =	ssyncset.done $0x0  }
0x25: {  	[sflag:s16] =	ssyncadd.s32 $0xFFFFF000  }
0x26: {  	_ =	swait.ge [sflag:s17], $0x1000  }
0x27: {  	[sflag:s17] =	ssyncset.done $0x0  }
0x28: {  	[sflag:s17] =	ssyncadd.s32 $0xFFFFF000  }
0x29: {  	_ =	swait.ge [sflag:s9], $0x1000  }
0x2a: {  	[sflag:s9] =	ssyncset.done $0x0  }
0x2b: {  	[sflag:s9] =	ssyncadd.s32 $0xFFFFF000  }
0x2c: {  	_ =	swait.ge [sflag:s15], $0x1000  }
0x2d: {  	[sflag:s15] =	ssyncset.done $0x0  }
0x2e: {  	[sflag:s15] =	ssyncadd.s32 $0xFFFFF000  }
0x2f: {  	_ =	swait.ge [sflag:s25], $0x1000  }
0x30: {  	[sflag:s25] =	ssyncset.done $0x0  }
0x31: {  	[sflag:s25] =	ssyncadd.s32 $0xFFFFF000  }
0x32: {  	[bflag:$0x0] =	sbarrier.arrive $0xFFFF  }
0x33: {  	s28 =	rddreg [dreg:$0x7]  }
0x34: {  	s1 =	rddreg [dreg:$0xa]  }
0x35: {  	s30 =	simm.s32 $0x11;
	s14 =	rddreg [dreg:$0xc];
	s0 =	sor.u32 $0x1C11, s28  }
0x36: {  	[hbm:s1], [sflag:s0] =	dma.local [spmem:s14], $0xA00  }
0x37: {  	_ =	swait.ge [sflag:s30], $0xA00  }
0x38: {  	s3 =	rddreg [dreg:$0xf]  }
0x39: {  	s31 =	rddreg [dreg:$0xb];
	s3 =	sadd.s32 $0x1, s3  }
0x3a: {  	p0 =	sne.s32 s3, s31  }
.Ltmp1:
0x3b: {  	_ = 	snop;
	(pc) =	sbr.rel @!p0 .LBB2_10-.Ltmp1, $3  }
0x3c: {  	_ =	sdelay $0x1  }
0x3d: {  	[sflag:s30] =	ssyncset.done $0x0  }
0x3e: {  	[sflag:s30] =	ssyncadd.s32 $0xFFFFF600  }
.LBB2_1:
0x3f: {  	[dreg:$0xf] =	wrdreg s3  }
0x40: {  	s1 =	rddreg [dreg:$0x5]  }
0x41: {  	s0 =	simm.s32 $0x0;
	s28 =	rddreg [dreg:$0x6]  }
0x42: {  	[tilespmem:s0], [sflag:$0x1] =	stream.linear.gather [hbm4b:s1+s0], $0x2800, $0x38;
	[tilespmem:$0x17000] =	vst v63  }
0x43: {  	s30 =	simm.s32 $0x2800;
	s11 =	rddreg [dreg:$0x4]  }
0x44: {  	[tilespmem:s30], [sflag:$0x2] =	stream.linear.gather [hbm4b:s28+s0], $0x2800, $0x38;
	[tilespmem:$0x17000] =	vst v63  }
0x45: {  	s28 =	rddreg [dreg:$0x8]  }
0x46: {  	[spmem:s14], [sflag:s28] =	dma.local [hbm:s11], $0xA00  }
0x47: {  	s0 =	rddreg [dreg:$0x9]  }
0x48: {  	s1 =	rddreg [dreg:$0xd]  }
0x49: {  	s30 =	rddreg [dreg:$0xe]  }
0x4a: {  	[spmem:s30], [sflag:s1] =	dma.local [hbm:s0], $0xA00  }
0x4b: {  	_ =	swait.ge [sflag:s18], $0x2800  }
0x4c: {  	[sflag:s18] =	ssyncset.done $0x0  }
0x4d: {  	[sflag:s18] =	ssyncadd.s32 $0xFFFFD800  }
0x4e: {  	_ =	swait.ge [sflag:s19], $0x2800  }
0x4f: {  	[sflag:s19] =	ssyncset.done $0x0  }
0x50: {  	[sflag:s19] =	ssyncadd.s32 $0xFFFFD800  }
0x51: {  	_ =	swait.ge [sflag:s20], $0xA00  }
0x52: {  	[sflag:s20] =	ssyncset.done $0x0  }
0x53: {  	[sflag:s20] =	ssyncadd.s32 $0xFFFFF600  }
.Ltmp2:
0x54: {  	_ =	swait.ge [sflag:s21], $0xA00;
	(pc) =	sbr.rel .LBB2_2-.Ltmp2, $4  }
0x55: {  	[sflag:s21] =	ssyncset.done $0x0  }
0x56: {  	[sflag:s21] =	ssyncadd.s32 $0xFFFFF600  }
0x57: {  	[bflag:$0x0] =	sbarrier.arrive $0xFFFF  }
0x58: {  	s31 =	simm.s32 $0x7;
	s0 =	simm.s32 $0x0  }
.LBB2_7:
0x59: {  	s14 =	sadd.s32 $0x380, s14  }
0x5a: {  	[tilespmem:s26], [sflag:$0x8] =	stream.indirect.gather [spmem:s29], $0x20, s14, s22, $0xb8;
	[tilespmem:$0x17000] =	vst v63  }
0x5b: {  	s11 =	simm.s32 $0x16000;
	s14 =	sadd.s32 $0xE00, s0;
	s26 =	smov.u32 s0  }
.LBB2_8:
0x5c: {  	_ =	swait.ge [sflag:s18], $0x1000  }
0x5d: {  	s26 =	sshra.s32 s26, $0x2;
	[sflag:s18] =	ssyncset.done $0x0  }
0x5e: {  	s4 =	simm.s32 $0xF000;
	s26 =	sadd.s32 $0x2800, s26;
	[sflag:s18] =	ssyncadd.s32 $0xFFFFF000  }
0x5f: {  	[spmem:s2] =	stream.indirect.scatter.add.bf16 [tilespmem:s4], [sflag:$0x9], $0x20, s26, s22, $0xb8;
	[tilespmem:$0x17000] =	vst v63  }
0x60: {  	_ =	swait.ge [sflag:s19], $0x1000  }
0x61: {  	s23 =	sshra.s32 s23, $0x2;
	[sflag:s19] =	ssyncset.done $0x0  }
0x62: {  	s23 =	sadd.s32 $0x2800, s23;
	s4 =	simm.s32 $0x10000;
	[sflag:s19] =	ssyncadd.s32 $0xFFFFF000  }
0x63: {  	[spmem:s2] =	stream.indirect.scatter.add.bf16 [tilespmem:s4], [sflag:$0xA], $0x20, s23, s22, $0xb8;
	[tilespmem:$0x17000] =	vst v63  }
0x64: {  	_ =	swait.ge [sflag:s20], $0x1000  }
0x65: {  	s24 =	sshra.s32 s24, $0x2;
	[sflag:s20] =	ssyncset.done $0x0  }
0x66: {  	s26 =	simm.s32 $0x11000;
	s23 =	sadd.s32 $0x2800, s24;
	[sflag:s20] =	ssyncadd.s32 $0xFFFFF000  }
0x67: {  	[spmem:s2] =	stream.indirect.scatter.add.bf16 [tilespmem:s26], [sflag:$0xB], $0x20, s23, s22, $0xb8;
	[tilespmem:$0x17000] =	vst v63  }
0x68: {  	_ =	swait.ge [sflag:s21], $0x1000  }
0x69: {  	s3 =	sshra.s32 s3, $0x2;
	[sflag:s21] =	ssyncset.done $0x0  }
0x6a: {  	s3 =	sadd.s32 $0x2800, s3;
	s24 =	simm.s32 $0x12000;
	[sflag:s21] =	ssyncadd.s32 $0xFFFFF000  }
0x6b: {  	[spmem:s2] =	stream.indirect.scatter.add.bf16 [tilespmem:s24], [sflag:$0xC], $0x20, s3, s22, $0xb8;
	[tilespmem:$0x17000] =	vst v63  }
0x6c: {  	s26 =	sshll.u32 s28, $0x7;
	_ =	swait.ge [sflag:s6], $0x1000  }
0x6d: {  	s3 =	sand.u32 $0x3FFFFF80, s26;
	[sflag:s6] =	ssyncset.done $0x0  }
0x6e: {  	s28 =	simm.s32 $0x13000;
	s3 =	sadd.s32 $0x2800, s3;
	[sflag:s6] =	ssyncadd.s32 $0xFFFFF000  }
0x6f: {  	[spmem:s2] =	stream.indirect.scatter.add.bf16 [tilespmem:s28], [sflag:$0xD], $0x20, s3, s22, $0xb8;
	[tilespmem:$0x17000] =	vst v63  }
0x70: {  	s28 =	sshll.u32 s30, $0x7;
	_ =	swait.ge [sflag:s7], $0x1000  }
0x71: {  	s3 =	sand.u32 $0x3FFFFF80, s28;
	[sflag:s7] =	ssyncset.done $0x0  }
0x72: {  	s30 =	simm.s32 $0x14000;
	s3 =	sadd.s32 $0x2800, s3;
	[sflag:s7] =	ssyncadd.s32 $0xFFFFF000  }
0x73: {  	[spmem:s2] =	stream.indirect.scatter.add.bf16 [tilespmem:s30], [sflag:$0xE], $0x20, s3, s22, $0xb8;
	[tilespmem:$0x17000] =	vst v63  }
0x74: {  	s1 =	sshll.u32 s1, $0x7;
	s0 =	sadd.s32 $0x1000, s0;
	_ =	swait.ge [sflag:s8], $0x1000  }
0x75: {  	s1 =	sand.u32 $0x3FFFFF80, s1;
	p0 =	sne.s32 s0, $0xA000;
	[sflag:s8] =	ssyncset.done $0x0  }
0x76: {  	s1 =	sadd.s32 $0x2800, s1;
	s28 =	simm.s32 $0x15000;
	[sflag:s8] =	ssyncadd.s32 $0xFFFFF000  }
0x77: {  	[spmem:s2] =	stream.indirect.scatter.add.bf16 [tilespmem:s28], [sflag:$0xF], $0x20, s1, s22, $0xb8;
	[tilespmem:$0x17000] =	vst v63  }
.Ltmp3:
0x78: {  	_ = 	snop;
	(pc) =	sbr.rel @!p0 .LBB2_9-.Ltmp3, $4  }
0x79: {  	s31 =	sadd.s32 $0x8, s31;
	_ =	swait.ge [sflag:s10], $0x1000  }
0x7a: {  	s23 =	simm.s32 $0x11000;
	s30 =	sshra.s32 s14, $0x2;
	[sflag:s10] =	ssyncset.done $0x0  }
0x7b: {  	s26 =	simm.s32 $0x16000;
	s1 =	sadd.s32 $0x2800, s30;
	[sflag:s10] =	ssyncadd.s32 $0xFFFFF000  }
0x7c: {  	[spmem:s2] =	stream.indirect.scatter.add.bf16 [tilespmem:s11], [sflag:$0x10], $0x20, s1, s22, $0xb8;
	[tilespmem:$0x17000] =	vst v63  }
.LBB2_2:
0x7d: {  	p0 =	sne.s32 s0, $0x0  }
.Ltmp4:
0x7e: {  	_ = 	snop;
	(pc) =	sbr.rel @!p0 .LBB2_3-.Ltmp4, $1  }
0x7f: {  	_ =	sdelay $0x3  }
0x80: {  	s1 =	simm.s32 $0x9  }
0x81: {  	_ =	swait.ge [sflag:s1], $0x1000  }
0x82: {  	[sflag:s1] =	ssyncset.done $0x0  }
0x83: {  	s14 =	sshra.s32 s0, $0x2;
	s11 =	simm.s32 $0xF000;
	[sflag:s1] =	ssyncadd.s32 $0xFFFFF000  }
0x84: {  	[tilespmem:s11], [sflag:$0x1] =	stream.indirect.gather [hbm4b:s5+s22], $0x20, s14, s22, $0xb8;
	[tilespmem:$0x17000] =	vst v63  }
0x85: {  	_ =	swait.ge [sflag:s12], $0x1000  }
0x86: {  	[sflag:s12] =	ssyncset.done $0x0  }
0x87: {  	s3 =	sadd.s32 $0x80, s14;
	[sflag:s12] =	ssyncadd.s32 $0xFFFFF000  }
0x88: {  	[tilespmem:s4], [sflag:$0x2] =	stream.indirect.gather [hbm4b:s5+s22], $0x20, s3, s22, $0xb8;
	[tilespmem:$0x17000] =	vst v63  }
0x89: {  	_ =	swait.ge [sflag:s13], $0x1000  }
0x8a: {  	[sflag:s13] =	ssyncset.done $0x0  }
0x8b: {  	s11 =	sadd.s32 $0x100, s14;
	[sflag:s13] =	ssyncadd.s32 $0xFFFFF000  }
0x8c: {  	[tilespmem:s23], [sflag:$0x3] =	stream.indirect.gather [hbm4b:s5+s22], $0x20, s11, s22, $0xb8;
	[tilespmem:$0x17000] =	vst v63  }
0x8d: {  	_ =	swait.ge [sflag:s16], $0x1000  }
0x8e: {  	[sflag:s16] =	ssyncset.done $0x0  }
0x8f: {  	s23 =	sadd.s32 $0x180, s14;
	[sflag:s16] =	ssyncadd.s32 $0xFFFFF000  }
0x90: {  	[tilespmem:s24], [sflag:$0x4] =	stream.indirect.gather [hbm4b:s5+s22], $0x20, s23, s22, $0xb8;
	[tilespmem:$0x17000] =	vst v63  }
0x91: {  	s28 =	sadd.s32 $0xFFFFFFFD, s31;
	_ =	swait.ge [sflag:s17], $0x1000  }
0x92: {  	p0 =	slt.u32 s28, $0x4C;
	s1 =	sadd.s32 $0x200, s14;
	[sflag:s17] =	ssyncset.done $0x0  }
0x93: {  	s3 =	simm.s32 @p0 $0x80;
	s23 =	simm.s32 @p0 $0x13000;
	[sflag:s17] =	ssyncadd.s32 $0xFFFFF000  }
0x94: {  	[tilespmem:s23], [sflag:$0x5] =	stream.indirect.gather @p0 [hbm4b:s5+s3], $0x20, s1, s3, $0xb8;
	[tilespmem:$0x17000] =	vst v63  }
0x95: {  	s3 =	simm.s32 @!p0 $0x80;
	s23 =	simm.s32 @!p0 $0x13000  }
0x96: {  	[tilespmem:s23], [sflag:$0x5] =	stream.indirect.gather @!p0 [spmem:s29], $0x20, s1, s3, $0xb8;
	[tilespmem:$0x17000] =	vst v63  }
0x97: {  	s30 =	sadd.s32 $0xFFFFFFFE, s31;
	_ =	swait.ge [sflag:s9], $0x1000  }
0x98: {  	p0 =	slt.u32 s30, $0x4C;
	s1 =	sadd.s32 $0x280, s14;
	[sflag:s9] =	ssyncset.done $0x0  }
0x99: {  	s3 =	simm.s32 @p0 $0x80;
	s23 =	simm.s32 @p0 $0x14000;
	[sflag:s9] =	ssyncadd.s32 $0xFFFFF000  }
0x9a: {  	[tilespmem:s23], [sflag:$0x6] =	stream.indirect.gather @p0 [hbm4b:s5+s3], $0x20, s1, s3, $0xb8;
	[tilespmem:$0x17000] =	vst v63  }
0x9b: {  	s3 =	simm.s32 @!p0 $0x80;
	s23 =	simm.s32 @!p0 $0x14000  }
0x9c: {  	[tilespmem:s23], [sflag:$0x6] =	stream.indirect.gather @!p0 [spmem:s29], $0x20, s1, s3, $0xb8;
	[tilespmem:$0x17000] =	vst v63  }
0x9d: {  	s1 =	sadd.s32 $0xFFFFFFFF, s31;
	_ =	swait.ge [sflag:s15], $0x1000  }
0x9e: {  	s3 =	sadd.s32 $0x300, s14;
	p0 =	slt.u32 s1, $0x4C;
	[sflag:s15] =	ssyncset.done $0x0  }
0x9f: {  	s23 =	simm.s32 @p0 $0x80;
	s24 =	simm.s32 @p0 $0x15000;
	[sflag:s15] =	ssyncadd.s32 $0xFFFFF000  }
0xa0: {  	[tilespmem:s24], [sflag:$0x7] =	stream.indirect.gather @p0 [hbm4b:s5+s23], $0x20, s3, s23, $0xb8;
	[tilespmem:$0x17000] =	vst v63  }
0xa1: {  	s23 =	simm.s32 @!p0 $0x80;
	s24 =	simm.s32 @!p0 $0x15000  }
0xa2: {  	[tilespmem:s24], [sflag:$0x7] =	stream.indirect.gather @!p0 [spmem:s29], $0x20, s3, s23, $0xb8;
	[tilespmem:$0x17000] =	vst v63  }
0xa3: {  	p0 =	sgt.u32 s31, $0x4B  }
.Ltmp5:
0xa4: {  	_ = 	snop;
	(pc) =	sbr.rel @p0 .LBB2_7-.Ltmp5, $4  }
0xa5: {  	_ = 	snop  }
0xa6: {  	_ =	swait.ge [sflag:s25], $0x1000  }
0xa7: {  	s23 =	sadd.s32 $0x200, s0;
	[sflag:s25] =	ssyncset.done $0x0  }
0xa8: {  	s24 =	sadd.s32 $0x400, s0;
	s3 =	sadd.s32 $0x600, s0;
	[sflag:s25] =	ssyncadd.s32 $0xFFFFF000  }
.Ltmp6:
0xa9: {  	(pc) =	sbr.rel .LBB2_6-.Ltmp6, $2  }
0xaa: {  	_ =	sdelay $0x2  }
0xab: {  	s26 =	smov.u32 s0;
	s14 =	smov.u32 s31  }
.LBB2_3:
0xac: {  	s26 =	simm.s32 $0x0;
	s1 =	simm.s32 $0xF000  }
0xad: {  	[tilespmem:s1], [sflag:$0x1] =	stream.indirect.gather [hbm4b:s5+s22], $0x20, s26, s22, $0xb8;
	[tilespmem:$0x17000] =	vst v63  }
0xae: {  	_ = 	snop  }
0xaf: {  	[tilespmem:s4], [sflag:$0x2] =	stream.indirect.gather [hbm4b:s5+s22], $0x20, s22, s22, $0xb8;
	[tilespmem:$0x17000] =	vst v63  }
0xb0: {  	s3 =	simm.s32 $0x100  }
0xb1: {  	[tilespmem:s23], [sflag:$0x3] =	stream.indirect.gather [hbm4b:s5+s22], $0x20, s3, s22, $0xb8;
	[tilespmem:$0x17000] =	vst v63  }
0xb2: {  	s4 =	simm.s32 $0x180  }
0xb3: {  	[tilespmem:s24], [sflag:$0x4] =	stream.indirect.gather [hbm4b:s5+s22], $0x20, s4, s22, $0xb8;
	[tilespmem:$0x17000] =	vst v63  }
0xb4: {  	s11 =	simm.s32 $0x13000;
	s14 =	simm.s32 $0x280;
	s23 =	simm.s32 $0x200  }
0xb5: {  	[tilespmem:s11], [sflag:$0x5] =	stream.indirect.gather [hbm4b:s5+s22], $0x20, s23, s22, $0xb8;
	[tilespmem:$0x17000] =	vst v63  }
0xb6: {  	s29 =	simm.s32 $0x15000;
	s30 =	simm.s32 $0x5;
	s3 =	simm.s32 $0x14000  }
0xb7: {  	[tilespmem:s3], [sflag:$0x6] =	stream.indirect.gather [hbm4b:s5+s22], $0x20, s14, s22, $0xb8;
	[tilespmem:$0x17000] =	vst v63  }
0xb8: {  	s28 =	simm.s32 $0x4;
	s1 =	simm.s32 $0x6;
	s24 =	simm.s32 $0x300  }
0xb9: {  	[tilespmem:s29], [sflag:$0x7] =	stream.indirect.gather [hbm4b:s5+s22], $0x20, s24, s22, $0xb8;
	[tilespmem:$0x17000] =	vst v63  }
0xba: {  	s14 =	simm.s32 $0x7;
	s3 =	simm.s32 $0x600;
	s24 =	simm.s32 $0x400  }
.LBB2_6:
.Ltmp7:
0xbb: {  	(pc) =	sbr.rel .LBB2_8-.Ltmp7, $4  }
0xbc: {  	s14 =	sshll.u32 s14, $0x9  }
0xbd: {  	s11 =	simm.s32 $0x16000;
	s29 =	sshrl.u32 s14, $0x2  }
0xbe: {  	[tilespmem:s11], [sflag:$0x8] =	stream.indirect.gather [hbm4b:s5+s22], $0x20, s29, s22, $0xb8;
	[tilespmem:$0x17000] =	vst v63  }
0xbf: {  	s29 =	rddreg [dreg:$0x2]  }
.LBB2_10:
0xc0: {  	_ =	sfence.sel $0x180000  }
0xc1: {  	[bflag:$0x0] =	sbarrier.arrive $0xFFFF  }
0xc2: {  	_ =	strace $0x9000004D  }
0xc3: {  	s0 =	stileid.u32;
	[bflag:$0x2] =	sbarrier.arrive $0xFFFF  }
0xc4: {  	p0 =	sne.s32 s0, $0x0;
	s0 =	rddreg [dreg:$0x3]  }
0xc5: {  	s0 =	sadd.s32 @!p0 $0x100000, s0  }
0xc6: {  	[sflag:s0] =	ssyncadd.tile.s32 @!p0 $0x1;
	_ =	shalt  }
.Lfunc_end2:
_tile_overlayer_lowered:
.L_overlay_start_2:
0xc7: {  	(tag) =	ssettag $0x2  }
0xc8: {  	s0 =	rddreg [dreg:$0x0];
	s2 =	stileid.u32  }
0xc9: {  	s1 =	rddreg [dreg:$0x1];
	p0 =	sne.s32 s2, $0x0  }
0xca: {  	s3 =	rddreg [dreg:$0x2];
	[bflag:$0x3] =	sbarrier.arrive $0xFFFF;
	s2 =	simm.s32 @!p0 $0x1C11  }
0xcb: {  	[timem:s3], [sflag:s2] =	dma.local @!p0 [hbm:s0], s1  }
0xcc: {  	s0 =	simm.s32 @!p0 $0x11  }
0xcd: {  	_ =	swait.ge @!p0 [sflag:s0], s1  }
0xce: {  	s1 =	ssub.s32 @!p0 $0x0, s1;
	[sflag:s0] =	ssyncset.done @!p0 $0x0  }
0xcf: {  	[sflag:s0] =	ssyncadd.s32 @!p0 s1  }
0xd0: {  	[bflag:$0x3] =	sbarrier.arrive $0xFFFF  }
0xd1: {  	_ =	shalt  }

// kernel: kernel.9.cloned.1.call-start
scs
__scs_entry_jumppad:
0x0: {  	(pc) =	sbr.rel $0x88, $3  }
0x1: {  	(tag) =	ssettag $0x0;
	lr =	simm.s32 $0x1  }
0x2: {  	[smem:$0x3F8A] =	sst lr;
	_ =	strace $0xD0000000  }
0x3: {  	_ = 	snop  }
0x4: {  	_ = 	snop  }
0x5: {  	_ = 	snop  }
0x6: {  	_ = 	snop  }
0x7: {  	_ = 	snop  }
__scs_overlays_trampoline_lowered:
0x8: {  	[smem:$0x3F99] =	sst s0  }
0x9: {  	[smem:$0x3F9A] =	sst s1  }
0xa: {  	[smem:$0x3F9B] =	sst s2  }
0xb: {  	[smem:$0x3F9C] =	sst s3  }
0xc: {  	[smem:$0x3F9D] =	sst s4  }
0xd: {  	[smem:$0x3F9E] =	sst s5  }
0xe: {  	[smem:$0x3F9F] =	sst s6  }
0xf: {  	[smem:$0x3FA0] =	sst s7  }
0x10: {  	[smem:$0x3FA1] =	sst s8  }
0x11: {  	[smem:$0x3FA2] =	sst s9;
	s0 =	simm.s32 @!p0 $0x0  }
0x12: {  	s1 =	sld [smem:$0x3F88];
	s0 =	simm.s32 @p0 $0x1  }
0x13: {  	[smem:$0x3FA3] =	sst s0;
	s0 =	simm.s32 @!p1 $0x0  }
0x14: {  	s2 =	sld [smem:$0x3F87];
	s0 =	simm.s32 @p1 $0x1  }
0x15: {  	[smem:$0x3FA4] =	sst s0;
	s0 =	simm.s32 @!p2 $0x0  }
0x16: {  	s3 =	sld [smem:$0x3FDB];
	s0 =	simm.s32 @p2 $0x1  }
0x17: {  	s4 =	simm.s32 $0x1BF5;
	[smem:$0x3FA6] =	sst s0  }
0x18: {  	s0 =	sld [smem:$0x3F89];
	_ =	swait.ge [sflag:s4], $0x0  }
0x19: {  	s7 =	sld [smem:$0x3F8A]  }
0x1a: {  	s8 =	sadd.s32 $0xFFFFE003, lr  }
0x1b: {  	s9 =	sadd.s32 $0xFFFFFEF7, lr;
	s5 =	simm.s32 $0xFFFFFFFF;
	p2 =	slt.u32 s8, $0xFFFFF086  }
0x1c: {  	p1 =	slt.u32 s9, $0xF7A;
	s5 =	simm.s32 @!p2 $0x0  }
0x1d: {  	s5 =	simm.s32 @p1 $0x1;
	p0 =	seq.s32 s7, s2  }
0x1e: {  	s7 =	smul.u32 @!p0 $0xF7A, s2;
	p2 =	seq.s32 @!p0 s5, $0x0  }
0x1f: {  	s9 =	smul.u32 $0xF7A, s1;
	s8 =	simm.s32 @!p0 $0x1BF5;
	p2 =	por !p2, p0  }
0x20: {  	[sflag:s8] =	ssyncset.s32 @!p0 $0xFFFFF086;
	s6 =	sadd.s32 @!p0 s3, s7;
	s7 =	simm.s32 @!p0 $0x108  }
0x21: {  	s3 =	sadd.s32 s3, s9;
	s6 =	sadd.s32 @!p0 $0x88, s6;
	s7 =	simm.s32 @p2 $0x1082  }
0x22: {  	[simem:s7], [sflag:s8] =	dma.local @!p0 [hbm:s6], $0xF7A  }
0x23: {  	s9 =	sor.u32 $0xD0000000, s2;
	s6 =	simm.s32 $0x108;
	_ =	swait.ge @!p0 [sflag:s8], $0x0  }
0x24: {  	s3 =	sadd.s32 $0x88, s3;
	s6 =	simm.s32 @!p1 $0x1082;
	[sflag:s4] =	ssyncset.s32 $0xFFFFF086  }
0x25: {  	[simem:s6], [sflag:s4] =	dma.local [hbm:s3], $0xF7A  }
0x26: {  	[smem:$0x3F8A] =	sst s1;
	(tag) =	ssettag s2;
	_ =	strace s9  }
0x27: {  	s1 =	sld [smem:$0x3F9A]  }
0x28: {  	s2 =	sld [smem:$0x3F9B]  }
0x29: {  	s4 =	sld [smem:$0x3F9D]  }
0x2a: {  	p0 =	seq.s32 s5, $0x0;
	s5 =	sld [smem:$0x3F9E]  }
0x2b: {  	s6 =	sld [smem:$0x3F9F]  }
0x2c: {  	s7 =	sld [smem:$0x3FA0]  }
0x2d: {  	s3 =	simm.s32 $0x108;
	s8 =	sld [smem:$0x3FA1]  }
0x2e: {  	s3 =	simm.s32 @!p0 $0x1082;
	s9 =	sld [smem:$0x3FA2]  }
0x2f: {  	lr =	sadd.s32 s0, s3;
	s0 =	sld [smem:$0x3F99]  }
0x30: {  	s3 =	sld [smem:$0x3F9C]  }
0x31: {  	[smem:$0x3FA5] =	sst s10  }
0x32: {  	s10 =	sld [smem:$0x3FA3];
	_ =	sdelay $0x3  }
0x33: {  	p0 =	seq.s32 s10, $0x1;
	s10 =	sld [smem:$0x3FA5];
	_ =	sdelay $0x3  }
0x34: {  	[smem:$0x3FA5] =	sst s10  }
0x35: {  	s10 =	sld [smem:$0x3FA4];
	_ =	sdelay $0x3  }
0x36: {  	p1 =	seq.s32 s10, $0x1;
	s10 =	sld [smem:$0x3FA5];
	_ =	sdelay $0x3  }
0x37: {  	[smem:$0x3FA5] =	sst s10  }
0x38: {  	s10 =	sld [smem:$0x3FA6]  }
0x39: {  	_ = 	snop;
	(pc) =	sbr.ind lr, $3  }
0x3a: {  	_ = 	snop  }
0x3b: {  	_ = 	snop  }
0x3c: {  	p2 =	seq.s32 s10, $0x1;
	s10 =	sld [smem:$0x3FA5]  }
0x3d: {  	_ =	shalt  }
0x3e: {  	_ =	shalt  }
0x3f: {  	_ =	shalt  }
0x40: {  	_ =	shalt  }
0x41: {  	_ =	shalt  }
0x42: {  	_ =	shalt  }
0x43: {  	_ =	shalt  }
0x44: {  	_ =	shalt  }
0x45: {  	_ =	shalt  }
0x46: {  	_ =	shalt  }
0x47: {  	_ =	shalt  }
0x48: {  	_ =	shalt  }
0x49: {  	_ =	shalt  }
0x4a: {  	_ =	shalt  }
0x4b: {  	_ =	shalt  }
0x4c: {  	_ =	shalt  }
0x4d: {  	_ =	shalt  }
0x4e: {  	_ =	shalt  }
0x4f: {  	_ =	shalt  }
0x50: {  	_ =	shalt  }
0x51: {  	_ =	shalt  }
0x52: {  	_ =	shalt  }
0x53: {  	_ =	shalt  }
0x54: {  	_ =	shalt  }
0x55: {  	_ =	shalt  }
0x56: {  	_ =	shalt  }
0x57: {  	_ =	shalt  }
0x58: {  	_ =	shalt  }
0x59: {  	_ =	shalt  }
0x5a: {  	_ =	shalt  }
0x5b: {  	_ =	shalt  }
0x5c: {  	_ =	shalt  }
0x5d: {  	_ =	shalt  }
0x5e: {  	_ =	shalt  }
0x5f: {  	_ =	shalt  }
0x60: {  	_ =	shalt  }
0x61: {  	_ =	shalt  }
0x62: {  	_ =	shalt  }
0x63: {  	_ =	shalt  }
0x64: {  	_ =	shalt  }
0x65: {  	_ =	shalt  }
0x66: {  	_ =	shalt  }
0x67: {  	_ =	shalt  }
0x68: {  	_ =	shalt  }
0x69: {  	_ =	shalt  }
0x6a: {  	_ =	shalt  }
0x6b: {  	_ =	shalt  }
0x6c: {  	_ =	shalt  }
0x6d: {  	_ =	shalt  }
0x6e: {  	_ =	shalt  }
0x6f: {  	_ =	shalt  }
0x70: {  	_ =	shalt  }
0x71: {  	_ =	shalt  }
0x72: {  	_ =	shalt  }
0x73: {  	_ =	shalt  }
0x74: {  	_ =	shalt  }
0x75: {  	_ =	shalt  }
0x76: {  	_ =	shalt  }
0x77: {  	_ =	shalt  }
0x78: {  	_ =	shalt  }
0x79: {  	_ =	shalt  }
0x7a: {  	_ =	shalt  }
0x7b: {  	_ =	shalt  }
0x7c: {  	_ =	shalt  }
0x7d: {  	_ =	shalt  }
0x7e: {  	_ =	shalt  }
0x7f: {  	_ =	shalt  }
0x80: {  	_ =	shalt  }
0x81: {  	_ =	shalt  }
0x82: {  	_ =	shalt  }
0x83: {  	_ =	shalt  }
0x84: {  	_ =	shalt  }
0x85: {  	_ =	shalt  }
0x86: {  	_ =	shalt  }
0x87: {  	_ =	shalt  }
.Lfunc_end0:
.L_simem_size_0:
called_computation_lowered:
.L_overlay_start_0:
0x88: {  	s2 =	sld [smem:$0x3FD9]  }
0x89: {  	s3 =	sld [smem:$0x3FFE];
	_ =	sdelay $0x1  }
0x8a: {  	s1 =	srdreg.scid  }
0x8b: {  	s0 =	sand.u32 $0x1, s1  }
0x8c: {  	s16 =	sshll.u32 s0, $0xA;
	s2 =	sadd.s32 s3, s2  }
0x8d: {  	s2 =	sadd.s32 s2, s16  }
0x8e: {  	[smem:$0x3FB1] =	sst s2  }
0x8f: {  	_ = 	snop  }
0x90: {  	(tm) =	ssettm $0x1  }
0x91: {  	s17 =	sld [smem:$0x3FFB];
	_ =	sdelay $0x3  }
0x92: {  	_ =	strace s17  }
0x93: {  	s2 =	sld [smem:$0x3FFC];
	_ =	sdelay $0x3  }
0x94: {  	_ =	strace s2  }
0x95: {  	s2 =	sld [smem:$0x3FFD];
	_ =	sdelay $0x3  }
0x96: {  	_ =	strace s2  }
0x97: {  	_ =	strace $0x8FFFFFFF  }
0x98: {  	s18 =	sld [smem:$0x3FDB];
	_ =	sdelay $0x1  }
0x99: {  	s19 =	simm.s32 $_scs_section_size  }
0x9a: {  	s4 =	simm.s32 $_size__tile_overlayer_lowered;
	s5 =	simm.s32 $_tile_overlayer_lowered  }
0x9b: {  	s22 =	simm.s32 $0x1BFF;
	s21 =	sshll.u32 s5, $0x1;
	s2 =	sadd.s32 s19, s18  }
0x9c: {  	s6 =	simm.s32 $0x0;
	s20 =	sshll.u32 s4, $0x1;
	s4 =	sadd.s32 s21, s2  }
0x9d: {  	[timem:s6], [sflag:s22] =	dma.local [hbm:s4], s20  }
0x9e: {  	_ =	swait.ge [sflag:s22], s20  }
0x9f: {  	s3 =	ssub.s32 $0x0, s20;
	[sflag:s22] =	ssyncset.done $0x0  }
0xa0: {  	[sflag:s22] =	ssyncadd.s32 s3;
	_ =	sdelay $0x1  }
0xa1: {  	s23 =	simm.s32 $0x1B8B  }
0xa2: {  	_ =	swait.ge [sflag:s23], $0x1  }
0xa3: {  	[sflag:s23] =	ssyncset.done $0x0  }
0xa4: {  	s25 =	simm.s32 $0x1B8E;
	s24 =	sld [smem:$0x3FFE];
	[sflag:s23] =	ssyncadd.s32 $0xFFFFFFFF  }
0xa5: {  	s26 =	simm.s32 $execute0_lowered;
	[smem:$0x3FD2] =	sst s25  }
0xa6: {  	s4 =	sshll.u32 s26, $0x1;
	_ =	strace $0x80000046;
	[dreg:$0x1] =	wrdreg $0xFFFFFFFF  }
0xa7: {  	s28 =	simm.s32 $_size_execute0_lowered;
	s2 =	sadd.s32 s2, s4;
	[dreg:$0x0] =	wrdreg $0x0  }
0xa8: {  	s4 =	sshll.u32 s28, $0x1;
	[dreg:$0x2] =	wrdreg s2  }
0xa9: {  	[dreg:$0x3] =	wrdreg s4  }
0xaa: {  	[dreg:$0x4] =	wrdreg $0xC0  }
0xab: {  	_ =	task [dreg:s6], $0x5FFFF  }
0xac: {  	[dreg:$0x1] =	wrdreg $0xFFFFFFFF  }
0xad: {  	[dreg:$0x0] =	wrdreg $0x60  }
0xae: {  	[dreg:$0x2] =	wrdreg s24  }
0xaf: {  	[dreg:$0x3] =	wrdreg $0x50000  }
0xb0: {  	[dreg:$0x4] =	wrdreg $0xA0000  }
0xb1: {  	[dreg:$0x5] =	wrdreg $0x9  }
0xb2: {  	_ =	task.clear_ibuf [dreg:s6], $0x6FFFF;
	_ =	strace $0x90000046  }
0xb3: {  	s29 =	simm.s32 $0x9;
	_ =	strace $0x80000048  }
0xb4: {  	_ =	swait.ge [sflag:s29], $0x1  }
0xb5: {  	[sflag:s29] =	ssyncadd.s32 $0xFFFFFFFF  }
0xb6: {  	_ =	strace $0x90000048  }
0xb7: {  	_ =	sfence  }
0xb8: {  	s30 =	sld [smem:$0x0];
	_ =	sdelay $0x2  }
0xb9: {  	s31 =	sshll.u32 s1, $0xD;
	s1 =	sshrl.u32 s1, $0x2  }
0xba: {  	s3 =	sand.u32 $0x4000, s31;
	s1 =	sadd.s32 s1, s30  }
0xbb: {  	s0 =	sor.u32 s3, s0;
	s1 =	sshll.u32 s1, $0x11  }
0xbc: {  	s0 =	sor.u32 s1, s0  }
0xbd: {  	s0 =	sadd.s32 $0x8F2B, s0  }
0xbe: {  	[sflag:s0] =	ssyncadd.remote.s32 $0x1  }
0xbf: {  	_ =	sfence.sel $0xFFFF  }
0xc0: {  	[dreg:$0x0] =	wrdreg $0xFFFFFFFF;
	(pc) =	sbr.abs _section_cstart, $3  }
0xc1: {  	[dreg:$0x1] =	wrdreg $0xFFFFFFFF  }
0xc2: {  	_ =	task.clear_ibuf [dreg:s6], $0x2FFFF;
	_ =	strace $0x9FFFFFFF  }
0xc3: {  	(tm) =	ssettm $0x7FFFFFFF  }
tec
execute0_lowered:
.L_overlay_start_1:
0x0: {  	(tag) =	ssettag $0x1  }
0x1: {  	s0 =	srdreg.scid;
	s1 =	rddreg [dreg:$0x0]  }
0x2: {  	s8 =	stileid.u32;
	s2 =	rddreg [dreg:$0x1]  }
0x3: {  	s29 =	rddreg [dreg:$0x2];
	s5 =	simm.s32 $0x0;
	s18 =	simm.s32 $0x1  }
0x4: {  	s19 =	simm.s32 $0x2;
	s20 =	simm.s32 $0x3;
	s21 =	simm.s32 $0x4  }
0x5: {  	s22 =	simm.s32 $0x80;
	s10 =	simm.s32 $0x8;
	s12 =	simm.s32 $0xA  }
0x6: {  	s13 =	simm.s32 $0xB;
	s16 =	simm.s32 $0xC;
	s17 =	simm.s32 $0xD  }
0x7: {  	s9 =	simm.s32 $0xE;
	s15 =	simm.s32 $0xF;
	s0 =	sand.u32 $0x1, s0  }
0x8: {  	s3 =	sshll.u32 s8, $0x1;
	s4 =	smul.u32 $0xA000, s8;
	[smem:$0x7FF] =	sst s5  }
0x9: {  	s5 =	sadd.s32 $0x18600, s1;
	s7 =	sadd.s32 $0x17C00, s1;
	s26 =	sshll.u32 s8, $0x6  }
0xa: {  	s3 =	sor.u32 s0, s3;
	s6 =	smul.u32 $0xA0000, s0;
	_ =	strace $0x80000047  }
0xb: {  	s0 =	ssub.s32 $0x2, s0;
	[dreg:$0x4] =	wrdreg s7;
	s8 =	sor.u32 $0x1C03, s26  }
0xc: {  	[dreg:$0x7] =	wrdreg s26;
	s30 =	sor.u32 $0x1C04, s26;
	s26 =	simm.s32 $0x16000  }
0xd: {  	s7 =	simm.s32 $0x6;
	s3 =	smul.u32 $0x500, s3;
	[dreg:$0x8] =	wrdreg s8  }
0xe: {  	s23 =	sshrl.u32 s0, $0x1;
	s25 =	sshrl.u32 s4, $0x1;
	[dreg:$0xd] =	wrdreg s30  }
0xf: {  	s8 =	simm.s32 $0x7;
	s6 =	sadd.s32 s4, s6;
	s0 =	ssub.s32 s0, s23  }
0x10: {  	s28 =	sadd.s32 s25, s2;
	s4 =	sshrl.u32 s4, $0x4;
	s23 =	simm.s32 $0x11000  }
0x11: {  	s3 =	sadd.s32 s3, s1;
	s6 =	sshrl.u32 s6, $0x4;
	s4 =	sadd.s32 s5, s4  }
0x12: {  	s0 =	smax.u32 s0, $0x1;
	s14 =	sshrl.u32 s28, $0x3;
	[dreg:$0x9] =	wrdreg s4  }
0x13: {  	s1 =	sadd.s32 s6, s1;
	s24 =	sadd.s32 $0xDC00, s3;
	[dreg:$0xb] =	wrdreg s0  }
.Ltmp0:
0x14: {  	s3 =	sadd.s32 $0x3C00, s3;
	[dreg:$0xc] =	wrdreg s14;
	(pc) =	sbr.rel .LBB2_1-.Ltmp0, $4  }
0x15: {  	s4 =	simm.s32 $0x10000;
	s6 =	simm.s32 $0x5;
	[dreg:$0x5] =	wrdreg s24  }
0x16: {  	[dreg:$0x6] =	wrdreg s3;
	s3 =	sadd.s32 s25, s29;
	s1 =	sadd.s32 $0x22600, s1  }
0x17: {  	s24 =	simm.s32 $0x12000;
	[dreg:$0xa] =	wrdreg s1;
	s31 =	sshrl.u32 s3, $0x3  }
0x18: {  	s25 =	simm.s32 $0x10;
	s3 =	simm.s32 $0x0;
	[dreg:$0xe] =	wrdreg s31  }
.LBB2_9:
0x19: {  	s0 =	simm.s32 $0x9  }
0x1a: {  	_ =	swait.ge [sflag:s0], $0x1000  }
0x1b: {  	[sflag:s0] =	ssyncset.done $0x0  }
0x1c: {  	[sflag:s0] =	ssyncadd.s32 $0xFFFFF000  }
0x1d: {  	_ =	swait.ge [sflag:s12], $0x1000  }
0x1e: {  	[sflag:s12] =	ssyncset.done $0x0  }
0x1f: {  	[sflag:s12] =	ssyncadd.s32 $0xFFFFF000  }
0x20: {  	_ =	swait.ge [sflag:s13], $0x1000  }
0x21: {  	[sflag:s13] =	ssyncset.done $0x0  }
0x22: {  	[sflag:s13] =	ssyncadd.s32 $0xFFFFF000  }
0x23: {  	_ =	swait.ge [sflag:s16], $0x1000  }
0x24: {  	[sflag:s16] =	ssyncset.done $0x0  }
0x25: {  	[sflag:s16] =	ssyncadd.s32 $0xFFFFF000  }
0x26: {  	_ =	swait.ge [sflag:s17], $0x1000  }
0x27: {  	[sflag:s17] =	ssyncset.done $0x0  }
0x28: {  	[sflag:s17] =	ssyncadd.s32 $0xFFFFF000  }
0x29: {  	_ =	swait.ge [sflag:s9], $0x1000  }
0x2a: {  	[sflag:s9] =	ssyncset.done $0x0  }
0x2b: {  	[sflag:s9] =	ssyncadd.s32 $0xFFFFF000  }
0x2c: {  	_ =	swait.ge [sflag:s15], $0x1000  }
0x2d: {  	[sflag:s15] =	ssyncset.done $0x0  }
0x2e: {  	[sflag:s15] =	ssyncadd.s32 $0xFFFFF000  }
0x2f: {  	_ =	swait.ge [sflag:s25], $0x1000  }
0x30: {  	[sflag:s25] =	ssyncset.done $0x0  }
0x31: {  	[sflag:s25] =	ssyncadd.s32 $0xFFFFF000  }
0x32: {  	[bflag:$0x0] =	sbarrier.arrive $0xFFFF  }
0x33: {  	s28 =	rddreg [dreg:$0x7]  }
0x34: {  	s1 =	rddreg [dreg:$0xa]  }
0x35: {  	s30 =	simm.s32 $0x11;
	s14 =	rddreg [dreg:$0xc];
	s0 =	sor.u32 $0x1C11, s28  }
0x36: {  	[hbm:s1], [sflag:s0] =	dma.local [spmem:s14], $0xA00  }
0x37: {  	_ =	swait.ge [sflag:s30], $0xA00  }
0x38: {  	s3 =	rddreg [dreg:$0xf]  }
0x39: {  	s31 =	rddreg [dreg:$0xb];
	s3 =	sadd.s32 $0x1, s3  }
0x3a: {  	p0 =	sne.s32 s3, s31  }
.Ltmp1:
0x3b: {  	_ = 	snop;
	(pc) =	sbr.rel @!p0 .LBB2_10-.Ltmp1, $3  }
0x3c: {  	_ =	sdelay $0x1  }
0x3d: {  	[sflag:s30] =	ssyncset.done $0x0  }
0x3e: {  	[sflag:s30] =	ssyncadd.s32 $0xFFFFF600  }
.LBB2_1:
0x3f: {  	[dreg:$0xf] =	wrdreg s3  }
0x40: {  	s1 =	rddreg [dreg:$0x5]  }
0x41: {  	s0 =	simm.s32 $0x0;
	s28 =	rddreg [dreg:$0x6]  }
0x42: {  	[tilespmem:s0], [sflag:$0x1] =	stream.linear.gather [hbm4b:s1+s0], $0x2800, $0x38;
	[tilespmem:$0x17000] =	vst v63  }
0x43: {  	s30 =	simm.s32 $0x2800;
	s11 =	rddreg [dreg:$0x4]  }
0x44: {  	[tilespmem:s30], [sflag:$0x2] =	stream.linear.gather [hbm4b:s28+s0], $0x2800, $0x38;
	[tilespmem:$0x17000] =	vst v63  }
0x45: {  	s28 =	rddreg [dreg:$0x8]  }
0x46: {  	[spmem:s14], [sflag:s28] =	dma.local [hbm:s11], $0xA00  }
0x47: {  	s0 =	rddreg [dreg:$0x9]  }
0x48: {  	s1 =	rddreg [dreg:$0xd]  }
0x49: {  	s30 =	rddreg [dreg:$0xe]  }
0x4a: {  	[spmem:s30], [sflag:s1] =	dma.local [hbm:s0], $0xA00  }
0x4b: {  	_ =	swait.ge [sflag:s18], $0x2800  }
0x4c: {  	[sflag:s18] =	ssyncset.done $0x0  }
0x4d: {  	[sflag:s18] =	ssyncadd.s32 $0xFFFFD800  }
0x4e: {  	_ =	swait.ge [sflag:s19], $0x2800  }
0x4f: {  	[sflag:s19] =	ssyncset.done $0x0  }
0x50: {  	[sflag:s19] =	ssyncadd.s32 $0xFFFFD800  }
0x51: {  	_ =	swait.ge [sflag:s20], $0xA00  }
0x52: {  	[sflag:s20] =	ssyncset.done $0x0  }
0x53: {  	[sflag:s20] =	ssyncadd.s32 $0xFFFFF600  }
.Ltmp2:
0x54: {  	_ =	swait.ge [sflag:s21], $0xA00;
	(pc) =	sbr.rel .LBB2_2-.Ltmp2, $4  }
0x55: {  	[sflag:s21] =	ssyncset.done $0x0  }
0x56: {  	[sflag:s21] =	ssyncadd.s32 $0xFFFFF600  }
0x57: {  	[bflag:$0x0] =	sbarrier.arrive $0xFFFF  }
0x58: {  	s31 =	simm.s32 $0x7;
	s0 =	simm.s32 $0x0  }
.LBB2_7:
0x59: {  	s14 =	sadd.s32 $0x380, s14  }
0x5a: {  	[tilespmem:s26], [sflag:$0x8] =	stream.indirect.gather [spmem:s29], $0x20, s14, s22, $0xb8;
	[tilespmem:$0x17000] =	vst v63  }
0x5b: {  	s11 =	simm.s32 $0x16000;
	s14 =	sadd.s32 $0xE00, s0;
	s26 =	smov.u32 s0  }
.LBB2_8:
0x5c: {  	_ =	swait.ge [sflag:s18], $0x1000  }
0x5d: {  	s26 =	sshra.s32 s26, $0x2;
	[sflag:s18] =	ssyncset.done $0x0  }
0x5e: {  	s4 =	simm.s32 $0xF000;
	s26 =	sadd.s32 $0x2800, s26;
	[sflag:s18] =	ssyncadd.s32 $0xFFFFF000  }
0x5f: {  	[spmem:s2] =	stream.indirect.scatter.add.bf16 [tilespmem:s4], [sflag:$0x9], $0x20, s26, s22, $0xb8;
	[tilespmem:$0x17000] =	vst v63  }
0x60: {  	_ =	swait.ge [sflag:s19], $0x1000  }
0x61: {  	s23 =	sshra.s32 s23, $0x2;
	[sflag:s19] =	ssyncset.done $0x0  }
0x62: {  	s23 =	sadd.s32 $0x2800, s23;
	s4 =	simm.s32 $0x10000;
	[sflag:s19] =	ssyncadd.s32 $0xFFFFF000  }
0x63: {  	[spmem:s2] =	stream.indirect.scatter.add.bf16 [tilespmem:s4], [sflag:$0xA], $0x20, s23, s22, $0xb8;
	[tilespmem:$0x17000] =	vst v63  }
0x64: {  	_ =	swait.ge [sflag:s20], $0x1000  }
0x65: {  	s24 =	sshra.s32 s24, $0x2;
	[sflag:s20] =	ssyncset.done $0x0  }
0x66: {  	s26 =	simm.s32 $0x11000;
	s23 =	sadd.s32 $0x2800, s24;
	[sflag:s20] =	ssyncadd.s32 $0xFFFFF000  }
0x67: {  	[spmem:s2] =	stream.indirect.scatter.add.bf16 [tilespmem:s26], [sflag:$0xB], $0x20, s23, s22, $0xb8;
	[tilespmem:$0x17000] =	vst v63  }
0x68: {  	_ =	swait.ge [sflag:s21], $0x1000  }
0x69: {  	s3 =	sshra.s32 s3, $0x2;
	[sflag:s21] =	ssyncset.done $0x0  }
0x6a: {  	s3 =	sadd.s32 $0x2800, s3;
	s24 =	simm.s32 $0x12000;
	[sflag:s21] =	ssyncadd.s32 $0xFFFFF000  }
0x6b: {  	[spmem:s2] =	stream.indirect.scatter.add.bf16 [tilespmem:s24], [sflag:$0xC], $0x20, s3, s22, $0xb8;
	[tilespmem:$0x17000] =	vst v63  }
0x6c: {  	s26 =	sshll.u32 s28, $0x7;
	_ =	swait.ge [sflag:s6], $0x1000  }
0x6d: {  	s3 =	sand.u32 $0x3FFFFF80, s26;
	[sflag:s6] =	ssyncset.done $0x0  }
0x6e: {  	s28 =	simm.s32 $0x13000;
	s3 =	sadd.s32 $0x2800, s3;
	[sflag:s6] =	ssyncadd.s32 $0xFFFFF000  }
0x6f: {  	[spmem:s2] =	stream.indirect.scatter.add.bf16 [tilespmem:s28], [sflag:$0xD], $0x20, s3, s22, $0xb8;
	[tilespmem:$0x17000] =	vst v63  }
0x70: {  	s28 =	sshll.u32 s30, $0x7;
	_ =	swait.ge [sflag:s7], $0x1000  }
0x71: {  	s3 =	sand.u32 $0x3FFFFF80, s28;
	[sflag:s7] =	ssyncset.done $0x0  }
0x72: {  	s30 =	simm.s32 $0x14000;
	s3 =	sadd.s32 $0x2800, s3;
	[sflag:s7] =	ssyncadd.s32 $0xFFFFF000  }
0x73: {  	[spmem:s2] =	stream.indirect.scatter.add.bf16 [tilespmem:s30], [sflag:$0xE], $0x20, s3, s22, $0xb8;
	[tilespmem:$0x17000] =	vst v63  }
0x74: {  	s1 =	sshll.u32 s1, $0x7;
	s0 =	sadd.s32 $0x1000, s0;
	_ =	swait.ge [sflag:s8], $0x1000  }
0x75: {  	s1 =	sand.u32 $0x3FFFFF80, s1;
	p0 =	sne.s32 s0, $0xA000;
	[sflag:s8] =	ssyncset.done $0x0  }
0x76: {  	s1 =	sadd.s32 $0x2800, s1;
	s28 =	simm.s32 $0x15000;
	[sflag:s8] =	ssyncadd.s32 $0xFFFFF000  }
0x77: {  	[spmem:s2] =	stream.indirect.scatter.add.bf16 [tilespmem:s28], [sflag:$0xF], $0x20, s1, s22, $0xb8;
	[tilespmem:$0x17000] =	vst v63  }
.Ltmp3:
0x78: {  	_ = 	snop;
	(pc) =	sbr.rel @!p0 .LBB2_9-.Ltmp3, $4  }
0x79: {  	s31 =	sadd.s32 $0x8, s31;
	_ =	swait.ge [sflag:s10], $0x1000  }
0x7a: {  	s23 =	simm.s32 $0x11000;
	s30 =	sshra.s32 s14, $0x2;
	[sflag:s10] =	ssyncset.done $0x0  }
0x7b: {  	s26 =	simm.s32 $0x16000;
	s1 =	sadd.s32 $0x2800, s30;
	[sflag:s10] =	ssyncadd.s32 $0xFFFFF000  }
0x7c: {  	[spmem:s2] =	stream.indirect.scatter.add.bf16 [tilespmem:s11], [sflag:$0x10], $0x20, s1, s22, $0xb8;
	[tilespmem:$0x17000] =	vst v63  }
.LBB2_2:
0x7d: {  	p0 =	sne.s32 s0, $0x0  }
.Ltmp4:
0x7e: {  	_ = 	snop;
	(pc) =	sbr.rel @!p0 .LBB2_3-.Ltmp4, $1  }
0x7f: {  	_ =	sdelay $0x3  }
0x80: {  	s1 =	simm.s32 $0x9  }
0x81: {  	_ =	swait.ge [sflag:s1], $0x1000  }
0x82: {  	[sflag:s1] =	ssyncset.done $0x0  }
0x83: {  	s14 =	sshra.s32 s0, $0x2;
	s11 =	simm.s32 $0xF000;
	[sflag:s1] =	ssyncadd.s32 $0xFFFFF000  }
0x84: {  	[tilespmem:s11], [sflag:$0x1] =	stream.indirect.gather [hbm4b:s5+s22], $0x20, s14, s22, $0xb8;
	[tilespmem:$0x17000] =	vst v63  }
0x85: {  	_ =	swait.ge [sflag:s12], $0x1000  }
0x86: {  	[sflag:s12] =	ssyncset.done $0x0  }
0x87: {  	s3 =	sadd.s32 $0x80, s14;
	[sflag:s12] =	ssyncadd.s32 $0xFFFFF000  }
0x88: {  	[tilespmem:s4], [sflag:$0x2] =	stream.indirect.gather [hbm4b:s5+s22], $0x20, s3, s22, $0xb8;
	[tilespmem:$0x17000] =	vst v63  }
0x89: {  	_ =	swait.ge [sflag:s13], $0x1000  }
0x8a: {  	[sflag:s13] =	ssyncset.done $0x0  }
0x8b: {  	s11 =	sadd.s32 $0x100, s14;
	[sflag:s13] =	ssyncadd.s32 $0xFFFFF000  }
0x8c: {  	[tilespmem:s23], [sflag:$0x3] =	stream.indirect.gather [hbm4b:s5+s22], $0x20, s11, s22, $0xb8;
	[tilespmem:$0x17000] =	vst v63  }
0x8d: {  	_ =	swait.ge [sflag:s16], $0x1000  }
0x8e: {  	[sflag:s16] =	ssyncset.done $0x0  }
0x8f: {  	s23 =	sadd.s32 $0x180, s14;
	[sflag:s16] =	ssyncadd.s32 $0xFFFFF000  }
0x90: {  	[tilespmem:s24], [sflag:$0x4] =	stream.indirect.gather [hbm4b:s5+s22], $0x20, s23, s22, $0xb8;
	[tilespmem:$0x17000] =	vst v63  }
0x91: {  	s28 =	sadd.s32 $0xFFFFFFFD, s31;
	_ =	swait.ge [sflag:s17], $0x1000  }
0x92: {  	p0 =	slt.u32 s28, $0x4C;
	s1 =	sadd.s32 $0x200, s14;
	[sflag:s17] =	ssyncset.done $0x0  }
0x93: {  	s3 =	simm.s32 @p0 $0x80;
	s23 =	simm.s32 @p0 $0x13000;
	[sflag:s17] =	ssyncadd.s32 $0xFFFFF000  }
0x94: {  	[tilespmem:s23], [sflag:$0x5] =	stream.indirect.gather @p0 [hbm4b:s5+s3], $0x20, s1, s3, $0xb8;
	[tilespmem:$0x17000] =	vst v63  }
0x95: {  	s3 =	simm.s32 @!p0 $0x80;
	s23 =	simm.s32 @!p0 $0x13000  }
0x96: {  	[tilespmem:s23], [sflag:$0x5] =	stream.indirect.gather @!p0 [spmem:s29], $0x20, s1, s3, $0xb8;
	[tilespmem:$0x17000] =	vst v63  }
0x97: {  	s30 =	sadd.s32 $0xFFFFFFFE, s31;
	_ =	swait.ge [sflag:s9], $0x1000  }
0x98: {  	p0 =	slt.u32 s30, $0x4C;
	s1 =	sadd.s32 $0x280, s14;
	[sflag:s9] =	ssyncset.done $0x0  }
0x99: {  	s3 =	simm.s32 @p0 $0x80;
	s23 =	simm.s32 @p0 $0x14000;
	[sflag:s9] =	ssyncadd.s32 $0xFFFFF000  }
0x9a: {  	[tilespmem:s23], [sflag:$0x6] =	stream.indirect.gather @p0 [hbm4b:s5+s3], $0x20, s1, s3, $0xb8;
	[tilespmem:$0x17000] =	vst v63  }
0x9b: {  	s3 =	simm.s32 @!p0 $0x80;
	s23 =	simm.s32 @!p0 $0x14000  }
0x9c: {  	[tilespmem:s23], [sflag:$0x6] =	stream.indirect.gather @!p0 [spmem:s29], $0x20, s1, s3, $0xb8;
	[tilespmem:$0x17000] =	vst v63  }
0x9d: {  	s1 =	sadd.s32 $0xFFFFFFFF, s31;
	_ =	swait.ge [sflag:s15], $0x1000  }
0x9e: {  	s3 =	sadd.s32 $0x300, s14;
	p0 =	slt.u32 s1, $0x4C;
	[sflag:s15] =	ssyncset.done $0x0  }
0x9f: {  	s23 =	simm.s32 @p0 $0x80;
	s24 =	simm.s32 @p0 $0x15000;
	[sflag:s15] =	ssyncadd.s32 $0xFFFFF000  }
0xa0: {  	[tilespmem:s24], [sflag:$0x7] =	stream.indirect.gather @p0 [hbm4b:s5+s23], $0x20, s3, s23, $0xb8;
	[tilespmem:$0x17000] =	vst v63  }
0xa1: {  	s23 =	simm.s32 @!p0 $0x80;
	s24 =	simm.s32 @!p0 $0x15000  }
0xa2: {  	[tilespmem:s24], [sflag:$0x7] =	stream.indirect.gather @!p0 [spmem:s29], $0x20, s3, s23, $0xb8;
	[tilespmem:$0x17000] =	vst v63  }
0xa3: {  	p0 =	sgt.u32 s31, $0x4B  }
.Ltmp5:
0xa4: {  	_ = 	snop;
	(pc) =	sbr.rel @p0 .LBB2_7-.Ltmp5, $4  }
0xa5: {  	_ = 	snop  }
0xa6: {  	_ =	swait.ge [sflag:s25], $0x1000  }
0xa7: {  	s23 =	sadd.s32 $0x200, s0;
	[sflag:s25] =	ssyncset.done $0x0  }
0xa8: {  	s24 =	sadd.s32 $0x400, s0;
	s3 =	sadd.s32 $0x600, s0;
	[sflag:s25] =	ssyncadd.s32 $0xFFFFF000  }
.Ltmp6:
0xa9: {  	(pc) =	sbr.rel .LBB2_6-.Ltmp6, $2  }
0xaa: {  	_ =	sdelay $0x2  }
0xab: {  	s26 =	smov.u32 s0;
	s14 =	smov.u32 s31  }
.LBB2_3:
0xac: {  	s26 =	simm.s32 $0x0;
	s1 =	simm.s32 $0xF000  }
0xad: {  	[tilespmem:s1], [sflag:$0x1] =	stream.indirect.gather [hbm4b:s5+s22], $0x20, s26, s22, $0xb8;
	[tilespmem:$0x17000] =	vst v63  }
0xae: {  	_ = 	snop  }
0xaf: {  	[tilespmem:s4], [sflag:$0x2] =	stream.indirect.gather [hbm4b:s5+s22], $0x20, s22, s22, $0xb8;
	[tilespmem:$0x17000] =	vst v63  }
0xb0: {  	s3 =	simm.s32 $0x100  }
0xb1: {  	[tilespmem:s23], [sflag:$0x3] =	stream.indirect.gather [hbm4b:s5+s22], $0x20, s3, s22, $0xb8;
	[tilespmem:$0x17000] =	vst v63  }
0xb2: {  	s4 =	simm.s32 $0x180  }
0xb3: {  	[tilespmem:s24], [sflag:$0x4] =	stream.indirect.gather [hbm4b:s5+s22], $0x20, s4, s22, $0xb8;
	[tilespmem:$0x17000] =	vst v63  }
0xb4: {  	s11 =	simm.s32 $0x13000;
	s14 =	simm.s32 $0x280;
	s23 =	simm.s32 $0x200  }
0xb5: {  	[tilespmem:s11], [sflag:$0x5] =	stream.indirect.gather [hbm4b:s5+s22], $0x20, s23, s22, $0xb8;
	[tilespmem:$0x17000] =	vst v63  }
0xb6: {  	s29 =	simm.s32 $0x15000;
	s30 =	simm.s32 $0x5;
	s3 =	simm.s32 $0x14000  }
0xb7: {  	[tilespmem:s3], [sflag:$0x6] =	stream.indirect.gather [hbm4b:s5+s22], $0x20, s14, s22, $0xb8;
	[tilespmem:$0x17000] =	vst v63  }
0xb8: {  	s28 =	simm.s32 $0x4;
	s1 =	simm.s32 $0x6;
	s24 =	simm.s32 $0x300  }
0xb9: {  	[tilespmem:s29], [sflag:$0x7] =	stream.indirect.gather [hbm4b:s5+s22], $0x20, s24, s22, $0xb8;
	[tilespmem:$0x17000] =	vst v63  }
0xba: {  	s14 =	simm.s32 $0x7;
	s3 =	simm.s32 $0x600;
	s24 =	simm.s32 $0x400  }
.LBB2_6:
.Ltmp7:
0xbb: {  	(pc) =	sbr.rel .LBB2_8-.Ltmp7, $4  }
0xbc: {  	s14 =	sshll.u32 s14, $0x9  }
0xbd: {  	s11 =	simm.s32 $0x16000;
	s29 =	sshrl.u32 s14, $0x2  }
0xbe: {  	[tilespmem:s11], [sflag:$0x8] =	stream.indirect.gather [hbm4b:s5+s22], $0x20, s29, s22, $0xb8;
	[tilespmem:$0x17000] =	vst v63  }
0xbf: {  	s29 =	rddreg [dreg:$0x2]  }
.LBB2_10:
0xc0: {  	_ =	sfence.sel $0x180000  }
0xc1: {  	[bflag:$0x0] =	sbarrier.arrive $0xFFFF  }
0xc2: {  	_ =	strace $0x90000047  }
0xc3: {  	s0 =	stileid.u32;
	[bflag:$0x2] =	sbarrier.arrive $0xFFFF  }
0xc4: {  	p0 =	sne.s32 s0, $0x0;
	s0 =	rddreg [dreg:$0x3]  }
0xc5: {  	s0 =	sadd.s32 @!p0 $0x100000, s0  }
0xc6: {  	[sflag:s0] =	ssyncadd.tile.s32 @!p0 $0x1;
	_ =	shalt  }
.Lfunc_end2:
_tile_overlayer_lowered:
.L_overlay_start_2:
0xc7: {  	(tag) =	ssettag $0x2  }
0xc8: {  	s0 =	rddreg [dreg:$0x0];
	s2 =	stileid.u32  }
0xc9: {  	s1 =	rddreg [dreg:$0x1];
	p0 =	sne.s32 s2, $0x0  }
0xca: {  	s3 =	rddreg [dreg:$0x2];
	[bflag:$0x3] =	sbarrier.arrive $0xFFFF;
	s2 =	simm.s32 @!p0 $0x1C11  }
0xcb: {  	[timem:s3], [sflag:s2] =	dma.local @!p0 [hbm:s0], s1  }
0xcc: {  	s0 =	simm.s32 @!p0 $0x11  }
0xcd: {  	_ =	swait.ge @!p0 [sflag:s0], s1  }
0xce: {  	s1 =	ssub.s32 @!p0 $0x0, s1;
	[sflag:s0] =	ssyncset.done @!p0 $0x0  }
0xcf: {  	[sflag:s0] =	ssyncadd.s32 @!p0 s1  }
0xd0: {  	[bflag:$0x3] =	sbarrier.arrive $0xFFFF  }
0xd1: {  	_ =	shalt  }

</sc_bundles>
